<compile_context>
chip_gen: v7x
topology: tpu7x:2x2x1
jax: 0.10.2.dev20260603
libtpu: 0.0.44.dev20260713+nightly
codegen_flags: <defaults>
</compile_context>

<pallas_src>
import functools

import jax
import jax.numpy as jnp
from jax import lax
from jax.experimental import pallas as pl
from jax.experimental.pallas import tpu as pltpu
from jax.experimental.pallas import tpu_sc as plsc

_B = 4
_S = 8192
_D = 1024
_NW = 32
_S_PER_W = _S // _NW
_CH = 8
_CHW = _CH * _D
_NCHUNK = _S_PER_W // _CH
_NU = _NCHUNK * _B
_L = 16
_UNROLL = 8
_NXB = 8
_NTB = 2
_LOOKAHEAD = 5


def _sc_body(x_hbm, t_hbm, out_hbm, *refs):
    xb = refs[0:_NXB]
    tb = refs[_NXB:_NXB + _NTB]
    xsem = refs[_NXB + _NTB:_NXB + _NTB + _NXB]
    osem = refs[_NXB + _NTB + _NXB:_NXB + _NTB + 2 * _NXB]
    tsem = refs[_NXB + _NTB + 2 * _NXB:]

    wid = lax.axis_index("s") * 2 + lax.axis_index("c")
    word_base = wid * _S_PER_W * _D

    def t_off(ci):
        return word_base + ci * _CHW

    def x_off(u):
        ci, b = divmod(u, _B)
        return b * _S * _D + word_base + ci * _CHW

    def issue_t(ci):
        return pltpu.async_copy(
            t_hbm.at[pl.ds(t_off(ci), _CHW)], tb[ci % _NTB], tsem[ci % _NTB])

    def issue_x(u):
        return pltpu.async_copy(
            x_hbm.at[pl.ds(x_off(u), _CHW)], xb[u % _NXB], xsem[u % _NXB])

    def issue_o(u):
        return pltpu.async_copy(
            xb[u % _NXB], out_hbm.at[pl.ds(x_off(u), _CHW)], osem[u % _NXB])

    pending_t = {0: issue_t(0)}
    pending_x = {u: issue_x(u) for u in range(_LOOKAHEAD)}
    pending_o = {}

    pending_t.pop(0).wait()
    for u in range(_NU):
        pending_x.pop(u).wait()
        pending_o[u] = issue_o(u)
        nxt = u + _LOOKAHEAD
        if nxt < _NU:
            prev = nxt - _NXB
            if prev >= 0:
                pending_o.pop(prev).wait()
            pending_x[nxt] = issue_x(nxt)

    for u in sorted(pending_o):
        pending_o.pop(u).wait()


@functools.partial(jax.jit)
def kernel(x, table):
    xf = x.reshape(_B * _S * _D)
    tf = table.reshape(_S * _D)
    mesh = plsc.VectorSubcoreMesh(core_axis_name="c", subcore_axis_name="s")
    scratch = (
        [pltpu.VMEM((_CHW,), jnp.float32) for _ in range(_NXB)]
        + [pltpu.VMEM((_CHW,), jnp.float32) for _ in range(_NTB)]
        + [pltpu.SemaphoreType.DMA for _ in range(2 * _NXB + _NTB)]
    )
    out = pl.kernel(
        _sc_body,
        mesh=mesh,
        out_type=jax.ShapeDtypeStruct((_B * _S * _D,), jnp.float32),
        scratch_types=scratch,
    )(xf, tf)
    return out.reshape(_B, _S, _D)

# --- scband reference (transcript-rebuilt; emitter-appended) ---
"""Pipeline reference for scband-relative-positional-encoding-11166914970471 (READ-ONLY COPY).

The authoritative reference and input builder live on the scoring server;
editing this copy changes nothing except your own understanding.
"""

import jax, jax.numpy as jnp
import numpy as np

D_MODEL = 1024
SEQ_LEN = 8192
BATCH = 4

def setup_inputs(seed: int = 0) -> dict:
    key = jax.random.key(seed)
    k1, k2 = jax.random.split(key)
    x = jax.random.normal(k1, (BATCH, SEQ_LEN, D_MODEL), dtype=jnp.float32)
    # nn.Embedding default init: N(0, 1)
    table = jax.random.normal(k2, (SEQ_LEN, D_MODEL), dtype=jnp.float32)
    return {"x": x, "table": table}

def reference(x, table):
    seq_len = x.shape[1]
    positions = jnp.arange(0, seq_len, dtype=jnp.int64 if jax.config.jax_enable_x64 else jnp.int32)
    positions = jnp.broadcast_to(positions[None, :], (x.shape[0], seq_len))
    pos_emb = jnp.take(table, positions, axis=0)  # [B, S, d_model]
    return x + pos_emb

if __name__ == "__main__":
    import jax
    _d = setup_inputs()
    print(jax.jit(kernel)(*tuple(_d.values())))

</pallas_src>

<mosaic_0001>
#map = affine_map<(d0, d1) -> (0)>
module attributes {stable_mosaic.version = 14 : i64} {
  func.func @_sc_body(%arg0: i32, %arg1: i32, %arg2: memref<33554432xf32, #tpu.memory_space<hbm>>, %arg3: memref<8388608xf32, #tpu.memory_space<hbm>>, %arg4: memref<33554432xf32, #tpu.memory_space<hbm>>, %arg5: memref<8192xf32, #tpu.memory_space<vmem>>, %arg6: memref<8192xf32, #tpu.memory_space<vmem>>, %arg7: memref<8192xf32, #tpu.memory_space<vmem>>, %arg8: memref<8192xf32, #tpu.memory_space<vmem>>, %arg9: memref<8192xf32, #tpu.memory_space<vmem>>, %arg10: memref<8192xf32, #tpu.memory_space<vmem>>, %arg11: memref<8192xf32, #tpu.memory_space<vmem>>, %arg12: memref<8192xf32, #tpu.memory_space<vmem>>, %arg13: memref<8192xf32, #tpu.memory_space<vmem>>, %arg14: memref<8192xf32, #tpu.memory_space<vmem>>, %arg15: memref<!tpu.dma_semaphore, #tpu.memory_space<semaphore_mem>>, %arg16: memref<!tpu.dma_semaphore, #tpu.memory_space<semaphore_mem>>, %arg17: memref<!tpu.dma_semaphore, #tpu.memory_space<semaphore_mem>>, %arg18: memref<!tpu.dma_semaphore, #tpu.memory_space<semaphore_mem>>, %arg19: memref<!tpu.dma_semaphore, #tpu.memory_space<semaphore_mem>>, %arg20: memref<!tpu.dma_semaphore, #tpu.memory_space<semaphore_mem>>, %arg21: memref<!tpu.dma_semaphore, #tpu.memory_space<semaphore_mem>>, %arg22: memref<!tpu.dma_semaphore, #tpu.memory_space<semaphore_mem>>, %arg23: memref<!tpu.dma_semaphore, #tpu.memory_space<semaphore_mem>>, %arg24: memref<!tpu.dma_semaphore, #tpu.memory_space<semaphore_mem>>, %arg25: memref<!tpu.dma_semaphore, #tpu.memory_space<semaphore_mem>>, %arg26: memref<!tpu.dma_semaphore, #tpu.memory_space<semaphore_mem>>, %arg27: memref<!tpu.dma_semaphore, #tpu.memory_space<semaphore_mem>>, %arg28: memref<!tpu.dma_semaphore, #tpu.memory_space<semaphore_mem>>, %arg29: memref<!tpu.dma_semaphore, #tpu.memory_space<semaphore_mem>>, %arg30: memref<!tpu.dma_semaphore, #tpu.memory_space<semaphore_mem>>, %arg31: memref<!tpu.dma_semaphore, #tpu.memory_space<semaphore_mem>>, %arg32: memref<!tpu.dma_semaphore, #tpu.memory_space<semaphore_mem>>) attributes {dimension_semantics = [#tpu.dimension_semantics<core_parallel>, #tpu.dimension_semantics<subcore_parallel>], iteration_bounds = array<i64: 2, 16>, scalar_prefetch = 0 : i64, scratch_operands = 28 : i64, tpu.core_type = #tpu.core_type<sc_vector_subcore>, window_params = [{transform_indices = #map}, {transform_indices = #map}, {transform_indices = #map}]} {
    %mul3A = arith.constant 2 : i32
    %mul3A_0 = arith.muli %arg1, %mul3A : i32
    %add3A = arith.addi %mul3A_0, %arg0 : i32
    %mul3A_1 = arith.constant 256 : i32
    %mul3A_2 = arith.muli %add3A, %mul3A_1 : i32
    %mul3A_3 = arith.constant 1024 : i32
    %mul3A_4 = arith.muli %mul3A_2, %mul3A_3 : i32
    %add3A_5 = arith.constant 0 : i32
    %add3A_6 = arith.addi %mul3A_4, %add3A_5 : i32
    %dma_start3A = tpu.memref_slice %arg3[%add3A_6] : memref<8388608xf32, #tpu.memory_space<hbm>> -> memref<8192xf32, #tpu.memory_space<hbm>>
    %dma_start3A_7 = tpu.memref_slice %arg3[%add3A_6] : memref<8388608xf32, #tpu.memory_space<hbm>> -> memref<8192xf32, #tpu.memory_space<hbm>>
    tpu.enqueue_dma source(%dma_start3A_7 : memref<8192xf32, #tpu.memory_space<hbm>>) target(%arg13 : memref<8192xf32, #tpu.memory_space<vmem>>) target_semaphore(%arg31 : memref<!tpu.dma_semaphore, #tpu.memory_space<semaphore_mem>>)
    %add3A_8 = arith.constant 0 : i32
    %add3A_9 = arith.addi %add3A_8, %mul3A_4 : i32
    %add3A_10 = arith.constant 0 : i32
    %add3A_11 = arith.addi %add3A_9, %add3A_10 : i32
    %dma_start3A_12 = tpu.memref_slice %arg2[%add3A_11] : memref<33554432xf32, #tpu.memory_space<hbm>> -> memref<8192xf32, #tpu.memory_space<hbm>>
    %dma_start3A_13 = tpu.memref_slice %arg2[%add3A_11] : memref<33554432xf32, #tpu.memory_space<hbm>> -> memref<8192xf32, #tpu.memory_space<hbm>>
    tpu.enqueue_dma source(%dma_start3A_13 : memref<8192xf32, #tpu.memory_space<hbm>>) target(%arg5 : memref<8192xf32, #tpu.memory_space<vmem>>) target_semaphore(%arg15 : memref<!tpu.dma_semaphore, #tpu.memory_space<semaphore_mem>>)
    %add3A_14 = arith.constant 8388608 : i32
    %add3A_15 = arith.addi %add3A_14, %mul3A_4 : i32
    %add3A_16 = arith.constant 0 : i32
    %add3A_17 = arith.addi %add3A_15, %add3A_16 : i32
    %dma_start3A_18 = tpu.memref_slice %arg2[%add3A_17] : memref<33554432xf32, #tpu.memory_space<hbm>> -> memref<8192xf32, #tpu.memory_space<hbm>>
    %dma_start3A_19 = tpu.memref_slice %arg2[%add3A_17] : memref<33554432xf32, #tpu.memory_space<hbm>> -> memref<8192xf32, #tpu.memory_space<hbm>>
    tpu.enqueue_dma source(%dma_start3A_19 : memref<8192xf32, #tpu.memory_space<hbm>>) target(%arg6 : memref<8192xf32, #tpu.memory_space<vmem>>) target_semaphore(%arg16 : memref<!tpu.dma_semaphore, #tpu.memory_space<semaphore_mem>>)
    %add3A_20 = arith.constant 16777216 : i32
    %add3A_21 = arith.addi %add3A_20, %mul3A_4 : i32
    %add3A_22 = arith.constant 0 : i32
    %add3A_23 = arith.addi %add3A_21, %add3A_22 : i32
    %dma_start3A_24 = tpu.memref_slice %arg2[%add3A_23] : memref<33554432xf32, #tpu.memory_space<hbm>> -> memref<8192xf32, #tpu.memory_space<hbm>>
    %dma_start3A_25 = tpu.memref_slice %arg2[%add3A_23] : memref<33554432xf32, #tpu.memory_space<hbm>> -> memref<8192xf32, #tpu.memory_space<hbm>>
    tpu.enqueue_dma source(%dma_start3A_25 : memref<8192xf32, #tpu.memory_space<hbm>>) target(%arg7 : memref<8192xf32, #tpu.memory_space<vmem>>) target_semaphore(%arg17 : memref<!tpu.dma_semaphore, #tpu.memory_space<semaphore_mem>>)
    %add3A_26 = arith.constant 25165824 : i32
    %add3A_27 = arith.addi %add3A_26, %mul3A_4 : i32
    %add3A_28 = arith.constant 0 : i32
    %add3A_29 = arith.addi %add3A_27, %add3A_28 : i32
    %dma_start3A_30 = tpu.memref_slice %arg2[%add3A_29] : memref<33554432xf32, #tpu.memory_space<hbm>> -> memref<8192xf32, #tpu.memory_space<hbm>>
    %dma_start3A_31 = tpu.memref_slice %arg2[%add3A_29] : memref<33554432xf32, #tpu.memory_space<hbm>> -> memref<8192xf32, #tpu.memory_space<hbm>>
    tpu.enqueue_dma source(%dma_start3A_31 : memref<8192xf32, #tpu.memory_space<hbm>>) target(%arg8 : memref<8192xf32, #tpu.memory_space<vmem>>) target_semaphore(%arg18 : memref<!tpu.dma_semaphore, #tpu.memory_space<semaphore_mem>>)
    %add3A_32 = arith.constant 0 : i32
    %add3A_33 = arith.addi %add3A_32, %mul3A_4 : i32
    %add3A_34 = arith.constant 8192 : i32
    %add3A_35 = arith.addi %add3A_33, %add3A_34 : i32
    %dma_start3A_36 = tpu.memref_slice %arg2[%add3A_35] : memref<33554432xf32, #tpu.memory_space<hbm>> -> memref<8192xf32, #tpu.memory_space<hbm>>
    %dma_start3A_37 = tpu.memref_slice %arg2[%add3A_35] : memref<33554432xf32, #tpu.memory_space<hbm>> -> memref<8192xf32, #tpu.memory_space<hbm>>
    tpu.enqueue_dma source(%dma_start3A_37 : memref<8192xf32, #tpu.memory_space<hbm>>) target(%arg9 : memref<8192xf32, #tpu.memory_space<vmem>>) target_semaphore(%arg19 : memref<!tpu.dma_semaphore, #tpu.memory_space<semaphore_mem>>)
    %dma_wait3A = tpu.memref_slice %arg3[%add3A_6] : memref<8388608xf32, #tpu.memory_space<hbm>> -> memref<8192xf32, #tpu.memory_space<hbm>>
    %dma_wait3A_38 = tpu.memref_slice %arg3[%add3A_6] : memref<8388608xf32, #tpu.memory_space<hbm>> -> memref<8192xf32, #tpu.memory_space<hbm>>
    tpu.wait_dma2 semaphore(%arg31 : memref<!tpu.dma_semaphore, #tpu.memory_space<semaphore_mem>>) src(%dma_wait3A_38 : memref<8192xf32, #tpu.memory_space<hbm>>) dst(%arg13 : memref<8192xf32, #tpu.memory_space<vmem>>)
    %dma_wait3A_39 = tpu.memref_slice %arg2[%add3A_11] : memref<33554432xf32, #tpu.memory_space<hbm>> -> memref<8192xf32, #tpu.memory_space<hbm>>
    %dma_wait3A_40 = tpu.memref_slice %arg2[%add3A_11] : memref<33554432xf32, #tpu.memory_space<hbm>> -> memref<8192xf32, #tpu.memory_space<hbm>>
    tpu.wait_dma2 semaphore(%arg15 : memref<!tpu.dma_semaphore, #tpu.memory_space<semaphore_mem>>) src(%dma_wait3A_40 : memref<8192xf32, #tpu.memory_space<hbm>>) dst(%arg5 : memref<8192xf32, #tpu.memory_space<vmem>>)
    %add3A_41 = arith.constant 0 : i32
    %add3A_42 = arith.addi %add3A_41, %mul3A_4 : i32
    %add3A_43 = arith.constant 0 : i32
    %add3A_44 = arith.addi %add3A_42, %add3A_43 : i32
    %dma_start3A_45 = tpu.memref_slice %arg4[%add3A_44] : memref<33554432xf32, #tpu.memory_space<hbm>> -> memref<8192xf32, #tpu.memory_space<hbm>>
    %dma_start3A_46 = tpu.memref_slice %arg4[%add3A_44] : memref<33554432xf32, #tpu.memory_space<hbm>> -> memref<8192xf32, #tpu.memory_space<hbm>>
    tpu.enqueue_dma source(%arg5 : memref<8192xf32, #tpu.memory_space<vmem>>) target(%dma_start3A_46 : memref<8192xf32, #tpu.memory_space<hbm>>) target_semaphore(%arg23 : memref<!tpu.dma_semaphore, #tpu.memory_space<semaphore_mem>>)
    %add3A_47 = arith.constant 8388608 : i32
    %add3A_48 = arith.addi %add3A_47, %mul3A_4 : i32
    %add3A_49 = arith.constant 8192 : i32
    %add3A_50 = arith.addi %add3A_48, %add3A_49 : i32
    %dma_start3A_51 = tpu.memref_slice %arg2[%add3A_50] : memref<33554432xf32, #tpu.memory_space<hbm>> -> memref<8192xf32, #tpu.memory_space<hbm>>
    %dma_start3A_52 = tpu.memref_slice %arg2[%add3A_50] : memref<33554432xf32, #tpu.memory_space<hbm>> -> memref<8192xf32, #tpu.memory_space<hbm>>
    tpu.enqueue_dma source(%dma_start3A_52 : memref<8192xf32, #tpu.memory_space<hbm>>) target(%arg10 : memref<8192xf32, #tpu.memory_space<vmem>>) target_semaphore(%arg20 : memref<!tpu.dma_semaphore, #tpu.memory_space<semaphore_mem>>)
    %dma_wait3A_53 = tpu.memref_slice %arg2[%add3A_17] : memref<33554432xf32, #tpu.memory_space<hbm>> -> memref<8192xf32, #tpu.memory_space<hbm>>
    %dma_wait3A_54 = tpu.memref_slice %arg2[%add3A_17] : memref<33554432xf32, #tpu.memory_space<hbm>> -> memref<8192xf32, #tpu.memory_space<hbm>>
    tpu.wait_dma2 semaphore(%arg16 : memref<!tpu.dma_semaphore, #tpu.memory_space<semaphore_mem>>) src(%dma_wait3A_54 : memref<8192xf32, #tpu.memory_space<hbm>>) dst(%arg6 : memref<8192xf32, #tpu.memory_space<vmem>>)
    %add3A_55 = arith.constant 8388608 : i32
    %add3A_56 = arith.addi %add3A_55, %mul3A_4 : i32
    %add3A_57 = arith.constant 0 : i32
    %add3A_58 = arith.addi %add3A_56, %add3A_57 : i32
    %dma_start3A_59 = tpu.memref_slice %arg4[%add3A_58] : memref<33554432xf32, #tpu.memory_space<hbm>> -> memref<8192xf32, #tpu.memory_space<hbm>>
    %dma_start3A_60 = tpu.memref_slice %arg4[%add3A_58] : memref<33554432xf32, #tpu.memory_space<hbm>> -> memref<8192xf32, #tpu.memory_space<hbm>>
    tpu.enqueue_dma source(%arg6 : memref<8192xf32, #tpu.memory_space<vmem>>) target(%dma_start3A_60 : memref<8192xf32, #tpu.memory_space<hbm>>) target_semaphore(%arg24 : memref<!tpu.dma_semaphore, #tpu.memory_space<semaphore_mem>>)
    %add3A_61 = arith.constant 16777216 : i32
    %add3A_62 = arith.addi %add3A_61, %mul3A_4 : i32
    %add3A_63 = arith.constant 8192 : i32
    %add3A_64 = arith.addi %add3A_62, %add3A_63 : i32
    %dma_start3A_65 = tpu.memref_slice %arg2[%add3A_64] : memref<33554432xf32, #tpu.memory_space<hbm>> -> memref<8192xf32, #tpu.memory_space<hbm>>
    %dma_start3A_66 = tpu.memref_slice %arg2[%add3A_64] : memref<33554432xf32, #tpu.memory_space<hbm>> -> memref<8192xf32, #tpu.memory_space<hbm>>
    tpu.enqueue_dma source(%dma_start3A_66 : memref<8192xf32, #tpu.memory_space<hbm>>) target(%arg11 : memref<8192xf32, #tpu.memory_space<vmem>>) target_semaphore(%arg21 : memref<!tpu.dma_semaphore, #tpu.memory_space<semaphore_mem>>)
    %dma_wait3A_67 = tpu.memref_slice %arg2[%add3A_23] : memref<33554432xf32, #tpu.memory_space<hbm>> -> memref<8192xf32, #tpu.memory_space<hbm>>
    %dma_wait3A_68 = tpu.memref_slice %arg2[%add3A_23] : memref<33554432xf32, #tpu.memory_space<hbm>> -> memref<8192xf32, #tpu.memory_space<hbm>>
    tpu.wait_dma2 semaphore(%arg17 : memref<!tpu.dma_semaphore, #tpu.memory_space<semaphore_mem>>) src(%dma_wait3A_68 : memref<8192xf32, #tpu.memory_space<hbm>>) dst(%arg7 : memref<8192xf32, #tpu.memory_space<vmem>>)
    %add3A_69 = arith.constant 16777216 : i32
    %add3A_70 = arith.addi %add3A_69, %mul3A_4 : i32
    %add3A_71 = arith.constant 0 : i32
    %add3A_72 = arith.addi %add3A_70, %add3A_71 : i32
    %dma_start3A_73 = tpu.memref_slice %arg4[%add3A_72] : memref<33554432xf32, #tpu.memory_space<hbm>> -> memref<8192xf32, #tpu.memory_space<hbm>>
    %dma_start3A_74 = tpu.memref_slice %arg4[%add3A_72] : memref<33554432xf32, #tpu.memory_space<hbm>> -> memref<8192xf32, #tpu.memory_space<hbm>>
    tpu.enqueue_dma source(%arg7 : memref<8192xf32, #tpu.memory_space<vmem>>) target(%dma_start3A_74 : memref<8192xf32, #tpu.memory_space<hbm>>) target_semaphore(%arg25 : memref<!tpu.dma_semaphore, #tpu.memory_space<semaphore_mem>>)
    %add3A_75 = arith.constant 25165824 : i32
    %add3A_76 = arith.addi %add3A_75, %mul3A_4 : i32
    %add3A_77 = arith.constant 8192 : i32
    %add3A_78 = arith.addi %add3A_76, %add3A_77 : i32
    %dma_start3A_79 = tpu.memref_slice %arg2[%add3A_78] : memref<33554432xf32, #tpu.memory_space<hbm>> -> memref<8192xf32, #tpu.memory_space<hbm>>
    %dma_start3A_80 = tpu.memref_slice %arg2[%add3A_78] : memref<33554432xf32, #tpu.memory_space<hbm>> -> memref<8192xf32, #tpu.memory_space<hbm>>
    tpu.enqueue_dma source(%dma_start3A_80 : memref<8192xf32, #tpu.memory_space<hbm>>) target(%arg12 : memref<8192xf32, #tpu.memory_space<vmem>>) target_semaphore(%arg22 : memref<!tpu.dma_semaphore, #tpu.memory_space<semaphore_mem>>)
    %dma_wait3A_81 = tpu.memref_slice %arg2[%add3A_29] : memref<33554432xf32, #tpu.memory_space<hbm>> -> memref<8192xf32, #tpu.memory_space<hbm>>
    %dma_wait3A_82 = tpu.memref_slice %arg2[%add3A_29] : memref<33554432xf32, #tpu.memory_space<hbm>> -> memref<8192xf32, #tpu.memory_space<hbm>>
    tpu.wait_dma2 semaphore(%arg18 : memref<!tpu.dma_semaphore, #tpu.memory_space<semaphore_mem>>) src(%dma_wait3A_82 : memref<8192xf32, #tpu.memory_space<hbm>>) dst(%arg8 : memref<8192xf32, #tpu.memory_space<vmem>>)
    %add3A_83 = arith.constant 25165824 : i32
    %add3A_84 = arith.addi %add3A_83, %mul3A_4 : i32
    %add3A_85 = arith.constant 0 : i32
    %add3A_86 = arith.addi %add3A_84, %add3A_85 : i32
    %dma_start3A_87 = tpu.memref_slice %arg4[%add3A_86] : memref<33554432xf32, #tpu.memory_space<hbm>> -> memref<8192xf32, #tpu.memory_space<hbm>>
    %dma_start3A_88 = tpu.memref_slice %arg4[%add3A_86] : memref<33554432xf32, #tpu.memory_space<hbm>> -> memref<8192xf32, #tpu.memory_space<hbm>>
    tpu.enqueue_dma source(%arg8 : memref<8192xf32, #tpu.memory_space<vmem>>) target(%dma_start3A_88 : memref<8192xf32, #tpu.memory_space<hbm>>) target_semaphore(%arg26 : memref<!tpu.dma_semaphore, #tpu.memory_space<semaphore_mem>>)
    %dma_wait3A_89 = tpu.memref_slice %arg4[%add3A_44] : memref<33554432xf32, #tpu.memory_space<hbm>> -> memref<8192xf32, #tpu.memory_space<hbm>>
    %dma_wait3A_90 = tpu.memref_slice %arg4[%add3A_44] : memref<33554432xf32, #tpu.memory_space<hbm>> -> memref<8192xf32, #tpu.memory_space<hbm>>
    tpu.wait_dma2 semaphore(%arg23 : memref<!tpu.dma_semaphore, #tpu.memory_space<semaphore_mem>>) src(%arg5 : memref<8192xf32, #tpu.memory_space<vmem>>) dst(%dma_wait3A_90 : memref<8192xf32, #tpu.memory_space<hbm>>)
    %add3A_91 = arith.constant 0 : i32
    %add3A_92 = arith.addi %add3A_91, %mul3A_4 : i32
    %add3A_93 = arith.constant 16384 : i32
    %add3A_94 = arith.addi %add3A_92, %add3A_93 : i32
    %dma_start3A_95 = tpu.memref_slice %arg2[%add3A_94] : memref<33554432xf32, #tpu.memory_space<hbm>> -> memref<8192xf32, #tpu.memory_space<hbm>>
    %dma_start3A_96 = tpu.memref_slice %arg2[%add3A_94] : memref<33554432xf32, #tpu.memory_space<hbm>> -> memref<8192xf32, #tpu.memory_space<hbm>>
    tpu.enqueue_dma source(%dma_start3A_96 : memref<8192xf32, #tpu.memory_space<hbm>>) target(%arg5 : memref<8192xf32, #tpu.memory_space<vmem>>) target_semaphore(%arg15 : memref<!tpu.dma_semaphore, #tpu.memory_space<semaphore_mem>>)
    %dma_wait3A_97 = tpu.memref_slice %arg2[%add3A_35] : memref<33554432xf32, #tpu.memory_space<hbm>> -> memref<8192xf32, #tpu.memory_space<hbm>>
    %dma_wait3A_98 = tpu.memref_slice %arg2[%add3A_35] : memref<33554432xf32, #tpu.memory_space<hbm>> -> memref<8192xf32, #tpu.memory_space<hbm>>
    tpu.wait_dma2 semaphore(%arg19 : memref<!tpu.dma_semaphore, #tpu.memory_space<semaphore_mem>>) src(%dma_wait3A_98 : memref<8192xf32, #tpu.memory_space<hbm>>) dst(%arg9 : memref<8192xf32, #tpu.memory_space<vmem>>)
    %add3A_99 = arith.constant 0 : i32
    %add3A_100 = arith.addi %add3A_99, %mul3A_4 : i32
    %add3A_101 = arith.constant 8192 : i32
    %add3A_102 = arith.addi %add3A_100, %add3A_101 : i32
    %dma_start3A_103 = tpu.memref_slice %arg4[%add3A_102] : memref<33554432xf32, #tpu.memory_space<hbm>> -> memref<8192xf32, #tpu.memory_space<hbm>>
    %dma_start3A_104 = tpu.memref_slice %arg4[%add3A_102] : memref<33554432xf32, #tpu.memory_space<hbm>> -> memref<8192xf32, #tpu.memory_space<hbm>>
    tpu.enqueue_dma source(%arg9 : memref<8192xf32, #tpu.memory_space<vmem>>) target(%dma_start3A_104 : memref<8192xf32, #tpu.memory_space<hbm>>) target_semaphore(%arg27 : memref<!tpu.dma_semaphore, #tpu.memory_space<semaphore_mem>>)
    %dma_wait3A_105 = tpu.memref_slice %arg4[%add3A_58] : memref<33554432xf32, #tpu.memory_space<hbm>> -> memref<8192xf32, #tpu.memory_space<hbm>>
    %dma_wait3A_106 = tpu.memref_slice %arg4[%add3A_58] : memref<33554432xf32, #tpu.memory_space<hbm>> -> memref<8192xf32, #tpu.memory_space<hbm>>
    tpu.wait_dma2 semaphore(%arg24 : memref<!tpu.dma_semaphore, #tpu.memory_space<semaphore_mem>>) src(%arg6 : memref<8192xf32, #tpu.memory_space<vmem>>) dst(%dma_wait3A_106 : memref<8192xf32, #tpu.memory_space<hbm>>)
    %add3A_107 = arith.constant 8388608 : i32
    %add3A_108 = arith.addi %add3A_107, %mul3A_4 : i32
    %add3A_109 = arith.constant 16384 : i32
    %add3A_110 = arith.addi %add3A_108, %add3A_109 : i32
    %dma_start3A_111 = tpu.memref_slice %arg2[%add3A_110] : memref<33554432xf32, #tpu.memory_space<hbm>> -> memref<8192xf32, #tpu.memory_space<hbm>>
    %dma_start3A_112 = tpu.memref_slice %arg2[%add3A_110] : memref<33554432xf32, #tpu.memory_space<hbm>> -> memref<8192xf32, #tpu.memory_space<hbm>>
    tpu.enqueue_dma source(%dma_start3A_112 : memref<8192xf32, #tpu.memory_space<hbm>>) target(%arg6 : memref<8192xf32, #tpu.memory_space<vmem>>) target_semaphore(%arg16 : memref<!tpu.dma_semaphore, #tpu.memory_space<semaphore_mem>>)
    %dma_wait3A_113 = tpu.memref_slice %arg2[%add3A_50] : memref<33554432xf32, #tpu.memory_space<hbm>> -> memref<8192xf32, #tpu.memory_space<hbm>>
    %dma_wait3A_114 = tpu.memref_slice %arg2[%add3A_50] : memref<33554432xf32, #tpu.memory_space<hbm>> -> memref<8192xf32, #tpu.memory_space<hbm>>
    tpu.wait_dma2 semaphore(%arg20 : memref<!tpu.dma_semaphore, #tpu.memory_space<semaphore_mem>>) src(%dma_wait3A_114 : memref<8192xf32, #tpu.memory_space<hbm>>) dst(%arg10 : memref<8192xf32, #tpu.memory_space<vmem>>)
    %add3A_115 = arith.constant 8388608 : i32
    %add3A_116 = arith.addi %add3A_115, %mul3A_4 : i32
    %add3A_117 = arith.constant 8192 : i32
    %add3A_118 = arith.addi %add3A_116, %add3A_117 : i32
    %dma_start3A_119 = tpu.memref_slice %arg4[%add3A_118] : memref<33554432xf32, #tpu.memory_space<hbm>> -> memref<8192xf32, #tpu.memory_space<hbm>>
    %dma_start3A_120 = tpu.memref_slice %arg4[%add3A_118] : memref<33554432xf32, #tpu.memory_space<hbm>> -> memref<8192xf32, #tpu.memory_space<hbm>>
    tpu.enqueue_dma source(%arg10 : memref<8192xf32, #tpu.memory_space<vmem>>) target(%dma_start3A_120 : memref<8192xf32, #tpu.memory_space<hbm>>) target_semaphore(%arg28 : memref<!tpu.dma_semaphore, #tpu.memory_space<semaphore_mem>>)
    %dma_wait3A_121 = tpu.memref_slice %arg4[%add3A_72] : memref<33554432xf32, #tpu.memory_space<hbm>> -> memref<8192xf32, #tpu.memory_space<hbm>>
    %dma_wait3A_122 = tpu.memref_slice %arg4[%add3A_72] : memref<33554432xf32, #tpu.memory_space<hbm>> -> memref<8192xf32, #tpu.memory_space<hbm>>
    tpu.wait_dma2 semaphore(%arg25 : memref<!tpu.dma_semaphore, #tpu.memory_space<semaphore_mem>>) src(%arg7 : memref<8192xf32, #tpu.memory_space<vmem>>) dst(%dma_wait3A_122 : memref<8192xf32, #tpu.memory_space<hbm>>)
    %add3A_123 = arith.constant 16777216 : i32
    %add3A_124 = arith.addi %add3A_123, %mul3A_4 : i32
    %add3A_125 = arith.constant 16384 : i32
    %add3A_126 = arith.addi %add3A_124, %add3A_125 : i32
    %dma_start3A_127 = tpu.memref_slice %arg2[%add3A_126] : memref<33554432xf32, #tpu.memory_space<hbm>> -> memref<8192xf32, #tpu.memory_space<hbm>>
    %dma_start3A_128 = tpu.memref_slice %arg2[%add3A_126] : memref<33554432xf32, #tpu.memory_space<hbm>> -> memref<8192xf32, #tpu.memory_space<hbm>>
    tpu.enqueue_dma source(%dma_start3A_128 : memref<8192xf32, #tpu.memory_space<hbm>>) target(%arg7 : memref<8192xf32, #tpu.memory_space<vmem>>) target_semaphore(%arg17 : memref<!tpu.dma_semaphore, #tpu.memory_space<semaphore_mem>>)
    %dma_wait3A_129 = tpu.memref_slice %arg2[%add3A_64] : memref<33554432xf32, #tpu.memory_space<hbm>> -> memref<8192xf32, #tpu.memory_space<hbm>>
    %dma_wait3A_130 = tpu.memref_slice %arg2[%add3A_64] : memref<33554432xf32, #tpu.memory_space<hbm>> -> memref<8192xf32, #tpu.memory_space<hbm>>
    tpu.wait_dma2 semaphore(%arg21 : memref<!tpu.dma_semaphore, #tpu.memory_space<semaphore_mem>>) src(%dma_wait3A_130 : memref<8192xf32, #tpu.memory_space<hbm>>) dst(%arg11 : memref<8192xf32, #tpu.memory_space<vmem>>)
    %add3A_131 = arith.constant 16777216 : i32
    %add3A_132 = arith.addi %add3A_131, %mul3A_4 : i32
    %add3A_133 = arith.constant 8192 : i32
    %add3A_134 = arith.addi %add3A_132, %add3A_133 : i32
    %dma_start3A_135 = tpu.memref_slice %arg4[%add3A_134] : memref<33554432xf32, #tpu.memory_space<hbm>> -> memref<8192xf32, #tpu.memory_space<hbm>>
    %dma_start3A_136 = tpu.memref_slice %arg4[%add3A_134] : memref<33554432xf32, #tpu.memory_space<hbm>> -> memref<8192xf32, #tpu.memory_space<hbm>>
    tpu.enqueue_dma source(%arg11 : memref<8192xf32, #tpu.memory_space<vmem>>) target(%dma_start3A_136 : memref<8192xf32, #tpu.memory_space<hbm>>) target_semaphore(%arg29 : memref<!tpu.dma_semaphore, #tpu.memory_space<semaphore_mem>>)
    %dma_wait3A_137 = tpu.memref_slice %arg4[%add3A_86] : memref<33554432xf32, #tpu.memory_space<hbm>> -> memref<8192xf32, #tpu.memory_space<hbm>>
    %dma_wait3A_138 = tpu.memref_slice %arg4[%add3A_86] : memref<33554432xf32, #tpu.memory_space<hbm>> -> memref<8192xf32, #tpu.memory_space<hbm>>
    tpu.wait_dma2 semaphore(%arg26 : memref<!tpu.dma_semaphore, #tpu.memory_space<semaphore_mem>>) src(%arg8 : memref<8192xf32, #tpu.memory_space<vmem>>) dst(%dma_wait3A_138 : memref<8192xf32, #tpu.memory_space<hbm>>)
    %add3A_139 = arith.constant 25165824 : i32
    %add3A_140 = arith.addi %add3A_139, %mul3A_4 : i32
    %add3A_141 = arith.constant 16384 : i32
    %add3A_142 = arith.addi %add3A_140, %add3A_141 : i32
    %dma_start3A_143 = tpu.memref_slice %arg2[%add3A_142] : memref<33554432xf32, #tpu.memory_space<hbm>> -> memref<8192xf32, #tpu.memory_space<hbm>>
    %dma_start3A_144 = tpu.memref_slice %arg2[%add3A_142] : memref<33554432xf32, #tpu.memory_space<hbm>> -> memref<8192xf32, #tpu.memory_space<hbm>>
    tpu.enqueue_dma source(%dma_start3A_144 : memref<8192xf32, #tpu.memory_space<hbm>>) target(%arg8 : memref<8192xf32, #tpu.memory_space<vmem>>) target_semaphore(%arg18 : memref<!tpu.dma_semaphore, #tpu.memory_space<semaphore_mem>>)
    %dma_wait3A_145 = tpu.memref_slice %arg2[%add3A_78] : memref<33554432xf32, #tpu.memory_space<hbm>> -> memref<8192xf32, #tpu.memory_space<hbm>>
    %dma_wait3A_146 = tpu.memref_slice %arg2[%add3A_78] : memref<33554432xf32, #tpu.memory_space<hbm>> -> memref<8192xf32, #tpu.memory_space<hbm>>
    tpu.wait_dma2 semaphore(%arg22 : memref<!tpu.dma_semaphore, #tpu.memory_space<semaphore_mem>>) src(%dma_wait3A_146 : memref<8192xf32, #tpu.memory_space<hbm>>) dst(%arg12 : memref<8192xf32, #tpu.memory_space<vmem>>)
    %add3A_147 = arith.constant 25165824 : i32
    %add3A_148 = arith.addi %add3A_147, %mul3A_4 : i32
    %add3A_149 = arith.constant 8192 : i32
    %add3A_150 = arith.addi %add3A_148, %add3A_149 : i32
    %dma_start3A_151 = tpu.memref_slice %arg4[%add3A_150] : memref<33554432xf32, #tpu.memory_space<hbm>> -> memref<8192xf32, #tpu.memory_space<hbm>>
    %dma_start3A_152 = tpu.memref_slice %arg4[%add3A_150] : memref<33554432xf32, #tpu.memory_space<hbm>> -> memref<8192xf32, #tpu.memory_space<hbm>>
    tpu.enqueue_dma source(%arg12 : memref<8192xf32, #tpu.memory_space<vmem>>) target(%dma_start3A_152 : memref<8192xf32, #tpu.memory_space<hbm>>) target_semaphore(%arg30 : memref<!tpu.dma_semaphore, #tpu.memory_space<semaphore_mem>>)
    %dma_wait3A_153 = tpu.memref_slice %arg4[%add3A_102] : memref<33554432xf32, #tpu.memory_space<hbm>> -> memref<8192xf32, #tpu.memory_space<hbm>>
    %dma_wait3A_154 = tpu.memref_slice %arg4[%add3A_102] : memref<33554432xf32, #tpu.memory_space<hbm>> -> memref<8192xf32, #tpu.memory_space<hbm>>
    tpu.wait_dma2 semaphore(%arg27 : memref<!tpu.dma_semaphore, #tpu.memory_space<semaphore_mem>>) src(%arg9 : memref<8192xf32, #tpu.memory_space<vmem>>) dst(%dma_wait3A_154 : memref<8192xf32, #tpu.memory_space<hbm>>)
    %add3A_155 = arith.constant 0 : i32
    %add3A_156 = arith.addi %add3A_155, %mul3A_4 : i32
    %add3A_157 = arith.constant 24576 : i32
    %add3A_158 = arith.addi %add3A_156, %add3A_157 : i32
    %dma_start3A_159 = tpu.memref_slice %arg2[%add3A_158] : memref<33554432xf32, #tpu.memory_space<hbm>> -> memref<8192xf32, #tpu.memory_space<hbm>>
    %dma_start3A_160 = tpu.memref_slice %arg2[%add3A_158] : memref<33554432xf32, #tpu.memory_space<hbm>> -> memref<8192xf32, #tpu.memory_space<hbm>>
    tpu.enqueue_dma source(%dma_start3A_160 : memref<8192xf32, #tpu.memory_space<hbm>>) target(%arg9 : memref<8192xf32, #tpu.memory_space<vmem>>) target_semaphore(%arg19 : memref<!tpu.dma_semaphore, #tpu.memory_space<semaphore_mem>>)
    %dma_wait3A_161 = tpu.memref_slice %arg2[%add3A_94] : memref<33554432xf32, #tpu.memory_space<hbm>> -> memref<8192xf32, #tpu.memory_space<hbm>>
    %dma_wait3A_162 = tpu.memref_slice %arg2[%add3A_94] : memref<33554432xf32, #tpu.memory_space<hbm>> -> memref<8192xf32, #tpu.memory_space<hbm>>
    tpu.wait_dma2 semaphore(%arg15 : memref<!tpu.dma_semaphore, #tpu.memory_space<semaphore_mem>>) src(%dma_wait3A_162 : memref<8192xf32, #tpu.memory_space<hbm>>) dst(%arg5 : memref<8192xf32, #tpu.memory_space<vmem>>)
    %add3A_163 = arith.constant 0 : i32
    %add3A_164 = arith.addi %add3A_163, %mul3A_4 : i32
    %add3A_165 = arith.constant 16384 : i32
    %add3A_166 = arith.addi %add3A_164, %add3A_165 : i32
    %dma_start3A_167 = tpu.memref_slice %arg4[%add3A_166] : memref<33554432xf32, #tpu.memory_space<hbm>> -> memref<8192xf32, #tpu.memory_space<hbm>>
    %dma_start3A_168 = tpu.memref_slice %arg4[%add3A_166] : memref<33554432xf32, #tpu.memory_space<hbm>> -> memref<8192xf32, #tpu.memory_space<hbm>>
    tpu.enqueue_dma source(%arg5 : memref<8192xf32, #tpu.memory_space<vmem>>) target(%dma_start3A_168 : memref<8192xf32, #tpu.memory_space<hbm>>) target_semaphore(%arg23 : memref<!tpu.dma_semaphore, #tpu.memory_space<semaphore_mem>>)
    %dma_wait3A_169 = tpu.memref_slice %arg4[%add3A_118] : memref<33554432xf32, #tpu.memory_space<hbm>> -> memref<8192xf32, #tpu.memory_space<hbm>>
    %dma_wait3A_170 = tpu.memref_slice %arg4[%add3A_118] : memref<33554432xf32, #tpu.memory_space<hbm>> -> memref<8192xf32, #tpu.memory_space<hbm>>
    tpu.wait_dma2 semaphore(%arg28 : memref<!tpu.dma_semaphore, #tpu.memory_space<semaphore_mem>>) src(%arg10 : memref<8192xf32, #tpu.memory_space<vmem>>) dst(%dma_wait3A_170 : memref<8192xf32, #tpu.memory_space<hbm>>)
    %add3A_171 = arith.constant 8388608 : i32
    %add3A_172 = arith.addi %add3A_171, %mul3A_4 : i32
    %add3A_173 = arith.constant 24576 : i32
    %add3A_174 = arith.addi %add3A_172, %add3A_173 : i32
    %dma_start3A_175 = tpu.memref_slice %arg2[%add3A_174] : memref<33554432xf32, #tpu.memory_space<hbm>> -> memref<8192xf32, #tpu.memory_space<hbm>>
    %dma_start3A_176 = tpu.memref_slice %arg2[%add3A_174] : memref<33554432xf32, #tpu.memory_space<hbm>> -> memref<8192xf32, #tpu.memory_space<hbm>>
    tpu.enqueue_dma source(%dma_start3A_176 : memref<8192xf32, #tpu.memory_space<hbm>>) target(%arg10 : memref<8192xf32, #tpu.memory_space<vmem>>) target_semaphore(%arg20 : memref<!tpu.dma_semaphore, #tpu.memory_space<semaphore_mem>>)
    %dma_wait3A_177 = tpu.memref_slice %arg2[%add3A_110] : memref<33554432xf32, #tpu.memory_space<hbm>> -> memref<8192xf32, #tpu.memory_space<hbm>>
    %dma_wait3A_178 = tpu.memref_slice %arg2[%add3A_110] : memref<33554432xf32, #tpu.memory_space<hbm>> -> memref<8192xf32, #tpu.memory_space<hbm>>
    tpu.wait_dma2 semaphore(%arg16 : memref<!tpu.dma_semaphore, #tpu.memory_space<semaphore_mem>>) src(%dma_wait3A_178 : memref<8192xf32, #tpu.memory_space<hbm>>) dst(%arg6 : memref<8192xf32, #tpu.memory_space<vmem>>)
    %add3A_179 = arith.constant 8388608 : i32
    %add3A_180 = arith.addi %add3A_179, %mul3A_4 : i32
    %add3A_181 = arith.constant 16384 : i32
    %add3A_182 = arith.addi %add3A_180, %add3A_181 : i32
    %dma_start3A_183 = tpu.memref_slice %arg4[%add3A_182] : memref<33554432xf32, #tpu.memory_space<hbm>> -> memref<8192xf32, #tpu.memory_space<hbm>>
    %dma_start3A_184 = tpu.memref_slice %arg4[%add3A_182] : memref<33554432xf32, #tpu.memory_space<hbm>> -> memref<8192xf32, #tpu.memory_space<hbm>>
    tpu.enqueue_dma source(%arg6 : memref<8192xf32, #tpu.memory_space<vmem>>) target(%dma_start3A_184 : memref<8192xf32, #tpu.memory_space<hbm>>) target_semaphore(%arg24 : memref<!tpu.dma_semaphore, #tpu.memory_space<semaphore_mem>>)
    %dma_wait3A_185 = tpu.memref_slice %arg4[%add3A_134] : memref<33554432xf32, #tpu.memory_space<hbm>> -> memref<8192xf32, #tpu.memory_space<hbm>>
    %dma_wait3A_186 = tpu.memref_slice %arg4[%add3A_134] : memref<33554432xf32, #tpu.memory_space<hbm>> -> memref<8192xf32, #tpu.memory_space<hbm>>
    tpu.wait_dma2 semaphore(%arg29 : memref<!tpu.dma_semaphore, #tpu.memory_space<semaphore_mem>>) src(%arg11 : memref<8192xf32, #tpu.memory_space<vmem>>) dst(%dma_wait3A_186 : memref<8192xf32, #tpu.memory_space<hbm>>)
    %add3A_187 = arith.constant 16777216 : i32
    %add3A_188 = arith.addi %add3A_187, %mul3A_4 : i32
    %add3A_189 = arith.constant 24576 : i32
    %add3A_190 = arith.addi %add3A_188, %add3A_189 : i32
    %dma_start3A_191 = tpu.memref_slice %arg2[%add3A_190] : memref<33554432xf32, #tpu.memory_space<hbm>> -> memref<8192xf32, #tpu.memory_space<hbm>>
    %dma_start3A_192 = tpu.memref_slice %arg2[%add3A_190] : memref<33554432xf32, #tpu.memory_space<hbm>> -> memref<8192xf32, #tpu.memory_space<hbm>>
    tpu.enqueue_dma source(%dma_start3A_192 : memref<8192xf32, #tpu.memory_space<hbm>>) target(%arg11 : memref<8192xf32, #tpu.memory_space<vmem>>) target_semaphore(%arg21 : memref<!tpu.dma_semaphore, #tpu.memory_space<semaphore_mem>>)
    %dma_wait3A_193 = tpu.memref_slice %arg2[%add3A_126] : memref<33554432xf32, #tpu.memory_space<hbm>> -> memref<8192xf32, #tpu.memory_space<hbm>>
    %dma_wait3A_194 = tpu.memref_slice %arg2[%add3A_126] : memref<33554432xf32, #tpu.memory_space<hbm>> -> memref<8192xf32, #tpu.memory_space<hbm>>
    tpu.wait_dma2 semaphore(%arg17 : memref<!tpu.dma_semaphore, #tpu.memory_space<semaphore_mem>>) src(%dma_wait3A_194 : memref<8192xf32, #tpu.memory_space<hbm>>) dst(%arg7 : memref<8192xf32, #tpu.memory_space<vmem>>)
    %add3A_195 = arith.constant 16777216 : i32
    %add3A_196 = arith.addi %add3A_195, %mul3A_4 : i32
    %add3A_197 = arith.constant 16384 : i32
    %add3A_198 = arith.addi %add3A_196, %add3A_197 : i32
    %dma_start3A_199 = tpu.memref_slice %arg4[%add3A_198] : memref<33554432xf32, #tpu.memory_space<hbm>> -> memref<8192xf32, #tpu.memory_space<hbm>>
    %dma_start3A_200 = tpu.memref_slice %arg4[%add3A_198] : memref<33554432xf32, #tpu.memory_space<hbm>> -> memref<8192xf32, #tpu.memory_space<hbm>>
    tpu.enqueue_dma source(%arg7 : memref<8192xf32, #tpu.memory_space<vmem>>) target(%dma_start3A_200 : memref<8192xf32, #tpu.memory_space<hbm>>) target_semaphore(%arg25 : memref<!tpu.dma_semaphore, #tpu.memory_space<semaphore_mem>>)
    %dma_wait3A_201 = tpu.memref_slice %arg4[%add3A_150] : memref<33554432xf32, #tpu.memory_space<hbm>> -> memref<8192xf32, #tpu.memory_space<hbm>>
    %dma_wait3A_202 = tpu.memref_slice %arg4[%add3A_150] : memref<33554432xf32, #tpu.memory_space<hbm>> -> memref<8192xf32, #tpu.memory_space<hbm>>
    tpu.wait_dma2 semaphore(%arg30 : memref<!tpu.dma_semaphore, #tpu.memory_space<semaphore_mem>>) src(%arg12 : memref<8192xf32, #tpu.memory_space<vmem>>) dst(%dma_wait3A_202 : memref<8192xf32, #tpu.memory_space<hbm>>)
    %add3A_203 = arith.constant 25165824 : i32
    %add3A_204 = arith.addi %add3A_203, %mul3A_4 : i32
    %add3A_205 = arith.constant 24576 : i32
    %add3A_206 = arith.addi %add3A_204, %add3A_205 : i32
    %dma_start3A_207 = tpu.memref_slice %arg2[%add3A_206] : memref<33554432xf32, #tpu.memory_space<hbm>> -> memref<8192xf32, #tpu.memory_space<hbm>>
    %dma_start3A_208 = tpu.memref_slice %arg2[%add3A_206] : memref<33554432xf32, #tpu.memory_space<hbm>> -> memref<8192xf32, #tpu.memory_space<hbm>>
    tpu.enqueue_dma source(%dma_start3A_208 : memref<8192xf32, #tpu.memory_space<hbm>>) target(%arg12 : memref<8192xf32, #tpu.memory_space<vmem>>) target_semaphore(%arg22 : memref<!tpu.dma_semaphore, #tpu.memory_space<semaphore_mem>>)
    %dma_wait3A_209 = tpu.memref_slice %arg2[%add3A_142] : memref<33554432xf32, #tpu.memory_space<hbm>> -> memref<8192xf32, #tpu.memory_space<hbm>>
    %dma_wait3A_210 = tpu.memref_slice %arg2[%add3A_142] : memref<33554432xf32, #tpu.memory_space<hbm>> -> memref<8192xf32, #tpu.memory_space<hbm>>
    tpu.wait_dma2 semaphore(%arg18 : memref<!tpu.dma_semaphore, #tpu.memory_space<semaphore_mem>>) src(%dma_wait3A_210 : memref<8192xf32, #tpu.memory_space<hbm>>) dst(%arg8 : memref<8192xf32, #tpu.memory_space<vmem>>)
    %add3A_211 = arith.constant 25165824 : i32
    %add3A_212 = arith.addi %add3A_211, %mul3A_4 : i32
    %add3A_213 = arith.constant 16384 : i32
    %add3A_214 = arith.addi %add3A_212, %add3A_213 : i32
    %dma_start3A_215 = tpu.memref_slice %arg4[%add3A_214] : memref<33554432xf32, #tpu.memory_space<hbm>> -> memref<8192xf32, #tpu.memory_space<hbm>>
    %dma_start3A_216 = tpu.memref_slice %arg4[%add3A_214] : memref<33554432xf32, #tpu.memory_space<hbm>> -> memref<8192xf32, #tpu.memory_space<hbm>>
    tpu.enqueue_dma source(%arg8 : memref<8192xf32, #tpu.memory_space<vmem>>) target(%dma_start3A_216 : memref<8192xf32, #tpu.memory_space<hbm>>) target_semaphore(%arg26 : memref<!tpu.dma_semaphore, #tpu.memory_space<semaphore_mem>>)
    %dma_wait3A_217 = tpu.memref_slice %arg4[%add3A_166] : memref<33554432xf32, #tpu.memory_space<hbm>> -> memref<8192xf32, #tpu.memory_space<hbm>>
    %dma_wait3A_218 = tpu.memref_slice %arg4[%add3A_166] : memref<33554432xf32, #tpu.memory_space<hbm>> -> memref<8192xf32, #tpu.memory_space<hbm>>
    tpu.wait_dma2 semaphore(%arg23 : memref<!tpu.dma_semaphore, #tpu.memory_space<semaphore_mem>>) src(%arg5 : memref<8192xf32, #tpu.memory_space<vmem>>) dst(%dma_wait3A_218 : memref<8192xf32, #tpu.memory_space<hbm>>)
    %add3A_219 = arith.constant 0 : i32
    %add3A_220 = arith.addi %add3A_219, %mul3A_4 : i32
    %add3A_221 = arith.constant 32768 : i32
    %add3A_222 = arith.addi %add3A_220, %add3A_221 : i32
    %dma_start3A_223 = tpu.memref_slice %arg2[%add3A_222] : memref<33554432xf32, #tpu.memory_space<hbm>> -> memref<8192xf32, #tpu.memory_space<hbm>>
    %dma_start3A_224 = tpu.memref_slice %arg2[%add3A_222] : memref<33554432xf32, #tpu.memory_space<hbm>> -> memref<8192xf32, #tpu.memory_space<hbm>>
    tpu.enqueue_dma source(%dma_start3A_224 : memref<8192xf32, #tpu.memory_space<hbm>>) target(%arg5 : memref<8192xf32, #tpu.memory_space<vmem>>) target_semaphore(%arg15 : memref<!tpu.dma_semaphore, #tpu.memory_space<semaphore_mem>>)
    %dma_wait3A_225 = tpu.memref_slice %arg2[%add3A_158] : memref<33554432xf32, #tpu.memory_space<hbm>> -> memref<8192xf32, #tpu.memory_space<hbm>>
    %dma_wait3A_226 = tpu.memref_slice %arg2[%add3A_158] : memref<33554432xf32, #tpu.memory_space<hbm>> -> memref<8192xf32, #tpu.memory_space<hbm>>
    tpu.wait_dma2 semaphore(%arg19 : memref<!tpu.dma_semaphore, #tpu.memory_space<semaphore_mem>>) src(%dma_wait3A_226 : memref<8192xf32, #tpu.memory_space<hbm>>) dst(%arg9 : memref<8192xf32, #tpu.memory_space<vmem>>)
    %add3A_227 = arith.constant 0 : i32
    %add3A_228 = arith.addi %add3A_227, %mul3A_4 : i32
    %add3A_229 = arith.constant 24576 : i32
    %add3A_230 = arith.addi %add3A_228, %add3A_229 : i32
    %dma_start3A_231 = tpu.memref_slice %arg4[%add3A_230] : memref<33554432xf32, #tpu.memory_space<hbm>> -> memref<8192xf32, #tpu.memory_space<hbm>>
    %dma_start3A_232 = tpu.memref_slice %arg4[%add3A_230] : memref<33554432xf32, #tpu.memory_space<hbm>> -> memref<8192xf32, #tpu.memory_space<hbm>>
    tpu.enqueue_dma source(%arg9 : memref<8192xf32, #tpu.memory_space<vmem>>) target(%dma_start3A_232 : memref<8192xf32, #tpu.memory_space<hbm>>) target_semaphore(%arg27 : memref<!tpu.dma_semaphore, #tpu.memory_space<semaphore_mem>>)
    %dma_wait3A_233 = tpu.memref_slice %arg4[%add3A_182] : memref<33554432xf32, #tpu.memory_space<hbm>> -> memref<8192xf32, #tpu.memory_space<hbm>>
    %dma_wait3A_234 = tpu.memref_slice %arg4[%add3A_182] : memref<33554432xf32, #tpu.memory_space<hbm>> -> memref<8192xf32, #tpu.memory_space<hbm>>
    tpu.wait_dma2 semaphore(%arg24 : memref<!tpu.dma_semaphore, #tpu.memory_space<semaphore_mem>>) src(%arg6 : memref<8192xf32, #tpu.memory_space<vmem>>) dst(%dma_wait3A_234 : memref<8192xf32, #tpu.memory_space<hbm>>)
    %add3A_235 = arith.constant 8388608 : i32
    %add3A_236 = arith.addi %add3A_235, %mul3A_4 : i32
    %add3A_237 = arith.constant 32768 : i32
    %add3A_238 = arith.addi %add3A_236, %add3A_237 : i32
    %dma_start3A_239 = tpu.memref_slice %arg2[%add3A_238] : memref<33554432xf32, #tpu.memory_space<hbm>> -> memref<8192xf32, #tpu.memory_space<hbm>>
    %dma_start3A_240 = tpu.memref_slice %arg2[%add3A_238] : memref<33554432xf32, #tpu.memory_space<hbm>> -> memref<8192xf32, #tpu.memory_space<hbm>>
    tpu.enqueue_dma source(%dma_start3A_240 : memref<8192xf32, #tpu.memory_space<hbm>>) target(%arg6 : memref<8192xf32, #tpu.memory_space<vmem>>) target_semaphore(%arg16 : memref<!tpu.dma_semaphore, #tpu.memory_space<semaphore_mem>>)
    %dma_wait3A_241 = tpu.memref_slice %arg2[%add3A_174] : memref<33554432xf32, #tpu.memory_space<hbm>> -> memref<8192xf32, #tpu.memory_space<hbm>>
    %dma_wait3A_242 = tpu.memref_slice %arg2[%add3A_174] : memref<33554432xf32, #tpu.memory_space<hbm>> -> memref<8192xf32, #tpu.memory_space<hbm>>
    tpu.wait_dma2 semaphore(%arg20 : memref<!tpu.dma_semaphore, #tpu.memory_space<semaphore_mem>>) src(%dma_wait3A_242 : memref<8192xf32, #tpu.memory_space<hbm>>) dst(%arg10 : memref<8192xf32, #tpu.memory_space<vmem>>)
    %add3A_243 = arith.constant 8388608 : i32
    %add3A_244 = arith.addi %add3A_243, %mul3A_4 : i32
    %add3A_245 = arith.constant 24576 : i32
    %add3A_246 = arith.addi %add3A_244, %add3A_245 : i32
    %dma_start3A_247 = tpu.memref_slice %arg4[%add3A_246] : memref<33554432xf32, #tpu.memory_space<hbm>> -> memref<8192xf32, #tpu.memory_space<hbm>>
    %dma_start3A_248 = tpu.memref_slice %arg4[%add3A_246] : memref<33554432xf32, #tpu.memory_space<hbm>> -> memref<8192xf32, #tpu.memory_space<hbm>>
    tpu.enqueue_dma source(%arg10 : memref<8192xf32, #tpu.memory_space<vmem>>) target(%dma_start3A_248 : memref<8192xf32, #tpu.memory_space<hbm>>) target_semaphore(%arg28 : memref<!tpu.dma_semaphore, #tpu.memory_space<semaphore_mem>>)
    %dma_wait3A_249 = tpu.memref_slice %arg4[%add3A_198] : memref<33554432xf32, #tpu.memory_space<hbm>> -> memref<8192xf32, #tpu.memory_space<hbm>>
    %dma_wait3A_250 = tpu.memref_slice %arg4[%add3A_198] : memref<33554432xf32, #tpu.memory_space<hbm>> -> memref<8192xf32, #tpu.memory_space<hbm>>
    tpu.wait_dma2 semaphore(%arg25 : memref<!tpu.dma_semaphore, #tpu.memory_space<semaphore_mem>>) src(%arg7 : memref<8192xf32, #tpu.memory_space<vmem>>) dst(%dma_wait3A_250 : memref<8192xf32, #tpu.memory_space<hbm>>)
    %add3A_251 = arith.constant 16777216 : i32
    %add3A_252 = arith.addi %add3A_251, %mul3A_4 : i32
    %add3A_253 = arith.constant 32768 : i32
    %add3A_254 = arith.addi %add3A_252, %add3A_253 : i32
    %dma_start3A_255 = tpu.memref_slice %arg2[%add3A_254] : memref<33554432xf32, #tpu.memory_space<hbm>> -> memref<8192xf32, #tpu.memory_space<hbm>>
    %dma_start3A_256 = tpu.memref_slice %arg2[%add3A_254] : memref<33554432xf32, #tpu.memory_space<hbm>> -> memref<8192xf32, #tpu.memory_space<hbm>>
    tpu.enqueue_dma source(%dma_start3A_256 : memref<8192xf32, #tpu.memory_space<hbm>>) target(%arg7 : memref<8192xf32, #tpu.memory_space<vmem>>) target_semaphore(%arg17 : memref<!tpu.dma_semaphore, #tpu.memory_space<semaphore_mem>>)
    %dma_wait3A_257 = tpu.memref_slice %arg2[%add3A_190] : memref<33554432xf32, #tpu.memory_space<hbm>> -> memref<8192xf32, #tpu.memory_space<hbm>>
    %dma_wait3A_258 = tpu.memref_slice %arg2[%add3A_190] : memref<33554432xf32, #tpu.memory_space<hbm>> -> memref<8192xf32, #tpu.memory_space<hbm>>
    tpu.wait_dma2 semaphore(%arg21 : memref<!tpu.dma_semaphore, #tpu.memory_space<semaphore_mem>>) src(%dma_wait3A_258 : memref<8192xf32, #tpu.memory_space<hbm>>) dst(%arg11 : memref<8192xf32, #tpu.memory_space<vmem>>)
    %add3A_259 = arith.constant 16777216 : i32
    %add3A_260 = arith.addi %add3A_259, %mul3A_4 : i32
    %add3A_261 = arith.constant 24576 : i32
    %add3A_262 = arith.addi %add3A_260, %add3A_261 : i32
    %dma_start3A_263 = tpu.memref_slice %arg4[%add3A_262] : memref<33554432xf32, #tpu.memory_space<hbm>> -> memref<8192xf32, #tpu.memory_space<hbm>>
    %dma_start3A_264 = tpu.memref_slice %arg4[%add3A_262] : memref<33554432xf32, #tpu.memory_space<hbm>> -> memref<8192xf32, #tpu.memory_space<hbm>>
    tpu.enqueue_dma source(%arg11 : memref<8192xf32, #tpu.memory_space<vmem>>) target(%dma_start3A_264 : memref<8192xf32, #tpu.memory_space<hbm>>) target_semaphore(%arg29 : memref<!tpu.dma_semaphore, #tpu.memory_space<semaphore_mem>>)
    %dma_wait3A_265 = tpu.memref_slice %arg4[%add3A_214] : memref<33554432xf32, #tpu.memory_space<hbm>> -> memref<8192xf32, #tpu.memory_space<hbm>>
    %dma_wait3A_266 = tpu.memref_slice %arg4[%add3A_214] : memref<33554432xf32, #tpu.memory_space<hbm>> -> memref<8192xf32, #tpu.memory_space<hbm>>
    tpu.wait_dma2 semaphore(%arg26 : memref<!tpu.dma_semaphore, #tpu.memory_space<semaphore_mem>>) src(%arg8 : memref<8192xf32, #tpu.memory_space<vmem>>) dst(%dma_wait3A_266 : memref<8192xf32, #tpu.memory_space<hbm>>)
    %add3A_267 = arith.constant 25165824 : i32
    %add3A_268 = arith.addi %add3A_267, %mul3A_4 : i32
    %add3A_269 = arith.constant 32768 : i32
    %add3A_270 = arith.addi %add3A_268, %add3A_269 : i32
    %dma_start3A_271 = tpu.memref_slice %arg2[%add3A_270] : memref<33554432xf32, #tpu.memory_space<hbm>> -> memref<8192xf32, #tpu.memory_space<hbm>>
    %dma_start3A_272 = tpu.memref_slice %arg2[%add3A_270] : memref<33554432xf32, #tpu.memory_space<hbm>> -> memref<8192xf32, #tpu.memory_space<hbm>>
    tpu.enqueue_dma source(%dma_start3A_272 : memref<8192xf32, #tpu.memory_space<hbm>>) target(%arg8 : memref<8192xf32, #tpu.memory_space<vmem>>) target_semaphore(%arg18 : memref<!tpu.dma_semaphore, #tpu.memory_space<semaphore_mem>>)
    %dma_wait3A_273 = tpu.memref_slice %arg2[%add3A_206] : memref<33554432xf32, #tpu.memory_space<hbm>> -> memref<8192xf32, #tpu.memory_space<hbm>>
    %dma_wait3A_274 = tpu.memref_slice %arg2[%add3A_206] : memref<33554432xf32, #tpu.memory_space<hbm>> -> memref<8192xf32, #tpu.memory_space<hbm>>
    tpu.wait_dma2 semaphore(%arg22 : memref<!tpu.dma_semaphore, #tpu.memory_space<semaphore_mem>>) src(%dma_wait3A_274 : memref<8192xf32, #tpu.memory_space<hbm>>) dst(%arg12 : memref<8192xf32, #tpu.memory_space<vmem>>)
    %add3A_275 = arith.constant 25165824 : i32
    %add3A_276 = arith.addi %add3A_275, %mul3A_4 : i32
    %add3A_277 = arith.constant 24576 : i32
    %add3A_278 = arith.addi %add3A_276, %add3A_277 : i32
    %dma_start3A_279 = tpu.memref_slice %arg4[%add3A_278] : memref<33554432xf32, #tpu.memory_space<hbm>> -> memref<8192xf32, #tpu.memory_space<hbm>>
    %dma_start3A_280 = tpu.memref_slice %arg4[%add3A_278] : memref<33554432xf32, #tpu.memory_space<hbm>> -> memref<8192xf32, #tpu.memory_space<hbm>>
    tpu.enqueue_dma source(%arg12 : memref<8192xf32, #tpu.memory_space<vmem>>) target(%dma_start3A_280 : memref<8192xf32, #tpu.memory_space<hbm>>) target_semaphore(%arg30 : memref<!tpu.dma_semaphore, #tpu.memory_space<semaphore_mem>>)
    %dma_wait3A_281 = tpu.memref_slice %arg4[%add3A_230] : memref<33554432xf32, #tpu.memory_space<hbm>> -> memref<8192xf32, #tpu.memory_space<hbm>>
    %dma_wait3A_282 = tpu.memref_slice %arg4[%add3A_230] : memref<33554432xf32, #tpu.memory_space<hbm>> -> memref<8192xf32, #tpu.memory_space<hbm>>
    tpu.wait_dma2 semaphore(%arg27 : memref<!tpu.dma_semaphore, #tpu.memory_space<semaphore_mem>>) src(%arg9 : memref<8192xf32, #tpu.memory_space<vmem>>) dst(%dma_wait3A_282 : memref<8192xf32, #tpu.memory_space<hbm>>)
    %add3A_283 = arith.constant 0 : i32
    %add3A_284 = arith.addi %add3A_283, %mul3A_4 : i32
    %add3A_285 = arith.constant 40960 : i32
    %add3A_286 = arith.addi %add3A_284, %add3A_285 : i32
    %dma_start3A_287 = tpu.memref_slice %arg2[%add3A_286] : memref<33554432xf32, #tpu.memory_space<hbm>> -> memref<8192xf32, #tpu.memory_space<hbm>>
    %dma_start3A_288 = tpu.memref_slice %arg2[%add3A_286] : memref<33554432xf32, #tpu.memory_space<hbm>> -> memref<8192xf32, #tpu.memory_space<hbm>>
    tpu.enqueue_dma source(%dma_start3A_288 : memref<8192xf32, #tpu.memory_space<hbm>>) target(%arg9 : memref<8192xf32, #tpu.memory_space<vmem>>) target_semaphore(%arg19 : memref<!tpu.dma_semaphore, #tpu.memory_space<semaphore_mem>>)
    %dma_wait3A_289 = tpu.memref_slice %arg2[%add3A_222] : memref<33554432xf32, #tpu.memory_space<hbm>> -> memref<8192xf32, #tpu.memory_space<hbm>>
    %dma_wait3A_290 = tpu.memref_slice %arg2[%add3A_222] : memref<33554432xf32, #tpu.memory_space<hbm>> -> memref<8192xf32, #tpu.memory_space<hbm>>
    tpu.wait_dma2 semaphore(%arg15 : memref<!tpu.dma_semaphore, #tpu.memory_space<semaphore_mem>>) src(%dma_wait3A_290 : memref<8192xf32, #tpu.memory_space<hbm>>) dst(%arg5 : memref<8192xf32, #tpu.memory_space<vmem>>)
    %add3A_291 = arith.constant 0 : i32
    %add3A_292 = arith.addi %add3A_291, %mul3A_4 : i32
    %add3A_293 = arith.constant 32768 : i32
    %add3A_294 = arith.addi %add3A_292, %add3A_293 : i32
    %dma_start3A_295 = tpu.memref_slice %arg4[%add3A_294] : memref<33554432xf32, #tpu.memory_space<hbm>> -> memref<8192xf32, #tpu.memory_space<hbm>>
    %dma_start3A_296 = tpu.memref_slice %arg4[%add3A_294] : memref<33554432xf32, #tpu.memory_space<hbm>> -> memref<8192xf32, #tpu.memory_space<hbm>>
    tpu.enqueue_dma source(%arg5 : memref<8192xf32, #tpu.memory_space<vmem>>) target(%dma_start3A_296 : memref<8192xf32, #tpu.memory_space<hbm>>) target_semaphore(%arg23 : memref<!tpu.dma_semaphore, #tpu.memory_space<semaphore_mem>>)
    %dma_wait3A_297 = tpu.memref_slice %arg4[%add3A_246] : memref<33554432xf32, #tpu.memory_space<hbm>> -> memref<8192xf32, #tpu.memory_space<hbm>>
    %dma_wait3A_298 = tpu.memref_slice %arg4[%add3A_246] : memref<33554432xf32, #tpu.memory_space<hbm>> -> memref<8192xf32, #tpu.memory_space<hbm>>
    tpu.wait_dma2 semaphore(%arg28 : memref<!tpu.dma_semaphore, #tpu.memory_space<semaphore_mem>>) src(%arg10 : memref<8192xf32, #tpu.memory_space<vmem>>) dst(%dma_wait3A_298 : memref<8192xf32, #tpu.memory_space<hbm>>)
    %add3A_299 = arith.constant 8388608 : i32
    %add3A_300 = arith.addi %add3A_299, %mul3A_4 : i32
    %add3A_301 = arith.constant 40960 : i32
    %add3A_302 = arith.addi %add3A_300, %add3A_301 : i32
    %dma_start3A_303 = tpu.memref_slice %arg2[%add3A_302] : memref<33554432xf32, #tpu.memory_space<hbm>> -> memref<8192xf32, #tpu.memory_space<hbm>>
    %dma_start3A_304 = tpu.memref_slice %arg2[%add3A_302] : memref<33554432xf32, #tpu.memory_space<hbm>> -> memref<8192xf32, #tpu.memory_space<hbm>>
    tpu.enqueue_dma source(%dma_start3A_304 : memref<8192xf32, #tpu.memory_space<hbm>>) target(%arg10 : memref<8192xf32, #tpu.memory_space<vmem>>) target_semaphore(%arg20 : memref<!tpu.dma_semaphore, #tpu.memory_space<semaphore_mem>>)
    %dma_wait3A_305 = tpu.memref_slice %arg2[%add3A_238] : memref<33554432xf32, #tpu.memory_space<hbm>> -> memref<8192xf32, #tpu.memory_space<hbm>>
    %dma_wait3A_306 = tpu.memref_slice %arg2[%add3A_238] : memref<33554432xf32, #tpu.memory_space<hbm>> -> memref<8192xf32, #tpu.memory_space<hbm>>
    tpu.wait_dma2 semaphore(%arg16 : memref<!tpu.dma_semaphore, #tpu.memory_space<semaphore_mem>>) src(%dma_wait3A_306 : memref<8192xf32, #tpu.memory_space<hbm>>) dst(%arg6 : memref<8192xf32, #tpu.memory_space<vmem>>)
    %add3A_307 = arith.constant 8388608 : i32
    %add3A_308 = arith.addi %add3A_307, %mul3A_4 : i32
    %add3A_309 = arith.constant 32768 : i32
    %add3A_310 = arith.addi %add3A_308, %add3A_309 : i32
    %dma_start3A_311 = tpu.memref_slice %arg4[%add3A_310] : memref<33554432xf32, #tpu.memory_space<hbm>> -> memref<8192xf32, #tpu.memory_space<hbm>>
    %dma_start3A_312 = tpu.memref_slice %arg4[%add3A_310] : memref<33554432xf32, #tpu.memory_space<hbm>> -> memref<8192xf32, #tpu.memory_space<hbm>>
    tpu.enqueue_dma source(%arg6 : memref<8192xf32, #tpu.memory_space<vmem>>) target(%dma_start3A_312 : memref<8192xf32, #tpu.memory_space<hbm>>) target_semaphore(%arg24 : memref<!tpu.dma_semaphore, #tpu.memory_space<semaphore_mem>>)
    %dma_wait3A_313 = tpu.memref_slice %arg4[%add3A_262] : memref<33554432xf32, #tpu.memory_space<hbm>> -> memref<8192xf32, #tpu.memory_space<hbm>>
    %dma_wait3A_314 = tpu.memref_slice %arg4[%add3A_262] : memref<33554432xf32, #tpu.memory_space<hbm>> -> memref<8192xf32, #tpu.memory_space<hbm>>
    tpu.wait_dma2 semaphore(%arg29 : memref<!tpu.dma_semaphore, #tpu.memory_space<semaphore_mem>>) src(%arg11 : memref<8192xf32, #tpu.memory_space<vmem>>) dst(%dma_wait3A_314 : memref<8192xf32, #tpu.memory_space<hbm>>)
    %add3A_315 = arith.constant 16777216 : i32
    %add3A_316 = arith.addi %add3A_315, %mul3A_4 : i32
    %add3A_317 = arith.constant 40960 : i32
    %add3A_318 = arith.addi %add3A_316, %add3A_317 : i32
    %dma_start3A_319 = tpu.memref_slice %arg2[%add3A_318] : memref<33554432xf32, #tpu.memory_space<hbm>> -> memref<8192xf32, #tpu.memory_space<hbm>>
    %dma_start3A_320 = tpu.memref_slice %arg2[%add3A_318] : memref<33554432xf32, #tpu.memory_space<hbm>> -> memref<8192xf32, #tpu.memory_space<hbm>>
    tpu.enqueue_dma source(%dma_start3A_320 : memref<8192xf32, #tpu.memory_space<hbm>>) target(%arg11 : memref<8192xf32, #tpu.memory_space<vmem>>) target_semaphore(%arg21 : memref<!tpu.dma_semaphore, #tpu.memory_space<semaphore_mem>>)
    %dma_wait3A_321 = tpu.memref_slice %arg2[%add3A_254] : memref<33554432xf32, #tpu.memory_space<hbm>> -> memref<8192xf32, #tpu.memory_space<hbm>>
    %dma_wait3A_322 = tpu.memref_slice %arg2[%add3A_254] : memref<33554432xf32, #tpu.memory_space<hbm>> -> memref<8192xf32, #tpu.memory_space<hbm>>
    tpu.wait_dma2 semaphore(%arg17 : memref<!tpu.dma_semaphore, #tpu.memory_space<semaphore_mem>>) src(%dma_wait3A_322 : memref<8192xf32, #tpu.memory_space<hbm>>) dst(%arg7 : memref<8192xf32, #tpu.memory_space<vmem>>)
    %add3A_323 = arith.constant 16777216 : i32
    %add3A_324 = arith.addi %add3A_323, %mul3A_4 : i32
    %add3A_325 = arith.constant 32768 : i32
    %add3A_326 = arith.addi %add3A_324, %add3A_325 : i32
    %dma_start3A_327 = tpu.memref_slice %arg4[%add3A_326] : memref<33554432xf32, #tpu.memory_space<hbm>> -> memref<8192xf32, #tpu.memory_space<hbm>>
    %dma_start3A_328 = tpu.memref_slice %arg4[%add3A_326] : memref<33554432xf32, #tpu.memory_space<hbm>> -> memref<8192xf32, #tpu.memory_space<hbm>>
    tpu.enqueue_dma source(%arg7 : memref<8192xf32, #tpu.memory_space<vmem>>) target(%dma_start3A_328 : memref<8192xf32, #tpu.memory_space<hbm>>) target_semaphore(%arg25 : memref<!tpu.dma_semaphore, #tpu.memory_space<semaphore_mem>>)
    %dma_wait3A_329 = tpu.memref_slice %arg4[%add3A_278] : memref<33554432xf32, #tpu.memory_space<hbm>> -> memref<8192xf32, #tpu.memory_space<hbm>>
    %dma_wait3A_330 = tpu.memref_slice %arg4[%add3A_278] : memref<33554432xf32, #tpu.memory_space<hbm>> -> memref<8192xf32, #tpu.memory_space<hbm>>
    tpu.wait_dma2 semaphore(%arg30 : memref<!tpu.dma_semaphore, #tpu.memory_space<semaphore_mem>>) src(%arg12 : memref<8192xf32, #tpu.memory_space<vmem>>) dst(%dma_wait3A_330 : memref<8192xf32, #tpu.memory_space<hbm>>)
    %add3A_331 = arith.constant 25165824 : i32
    %add3A_332 = arith.addi %add3A_331, %mul3A_4 : i32
    %add3A_333 = arith.constant 40960 : i32
    %add3A_334 = arith.addi %add3A_332, %add3A_333 : i32
    %dma_start3A_335 = tpu.memref_slice %arg2[%add3A_334] : memref<33554432xf32, #tpu.memory_space<hbm>> -> memref<8192xf32, #tpu.memory_space<hbm>>
    %dma_start3A_336 = tpu.memref_slice %arg2[%add3A_334] : memref<33554432xf32, #tpu.memory_space<hbm>> -> memref<8192xf32, #tpu.memory_space<hbm>>
    tpu.enqueue_dma source(%dma_start3A_336 : memref<8192xf32, #tpu.memory_space<hbm>>) target(%arg12 : memref<8192xf32, #tpu.memory_space<vmem>>) target_semaphore(%arg22 : memref<!tpu.dma_semaphore, #tpu.memory_space<semaphore_mem>>)
    %dma_wait3A_337 = tpu.memref_slice %arg2[%add3A_270] : memref<33554432xf32, #tpu.memory_space<hbm>> -> memref<8192xf32, #tpu.memory_space<hbm>>
    %dma_wait3A_338 = tpu.memref_slice %arg2[%add3A_270] : memref<33554432xf32, #tpu.memory_space<hbm>> -> memref<8192xf32, #tpu.memory_space<hbm>>
    tpu.wait_dma2 semaphore(%arg18 : memref<!tpu.dma_semaphore, #tpu.memory_space<semaphore_mem>>) src(%dma_wait3A_338 : memref<8192xf32, #tpu.memory_space<hbm>>) dst(%arg8 : memref<8192xf32, #tpu.memory_space<vmem>>)
    %add3A_339 = arith.constant 25165824 : i32
    %add3A_340 = arith.addi %add3A_339, %mul3A_4 : i32
    %add3A_341 = arith.constant 32768 : i32
    %add3A_342 = arith.addi %add3A_340, %add3A_341 : i32
    %dma_start3A_343 = tpu.memref_slice %arg4[%add3A_342] : memref<33554432xf32, #tpu.memory_space<hbm>> -> memref<8192xf32, #tpu.memory_space<hbm>>
    %dma_start3A_344 = tpu.memref_slice %arg4[%add3A_342] : memref<33554432xf32, #tpu.memory_space<hbm>> -> memref<8192xf32, #tpu.memory_space<hbm>>
    tpu.enqueue_dma source(%arg8 : memref<8192xf32, #tpu.memory_space<vmem>>) target(%dma_start3A_344 : memref<8192xf32, #tpu.memory_space<hbm>>) target_semaphore(%arg26 : memref<!tpu.dma_semaphore, #tpu.memory_space<semaphore_mem>>)
    %dma_wait3A_345 = tpu.memref_slice %arg4[%add3A_294] : memref<33554432xf32, #tpu.memory_space<hbm>> -> memref<8192xf32, #tpu.memory_space<hbm>>
    %dma_wait3A_346 = tpu.memref_slice %arg4[%add3A_294] : memref<33554432xf32, #tpu.memory_space<hbm>> -> memref<8192xf32, #tpu.memory_space<hbm>>
    tpu.wait_dma2 semaphore(%arg23 : memref<!tpu.dma_semaphore, #tpu.memory_space<semaphore_mem>>) src(%arg5 : memref<8192xf32, #tpu.memory_space<vmem>>) dst(%dma_wait3A_346 : memref<8192xf32, #tpu.memory_space<hbm>>)
    %add3A_347 = arith.constant 0 : i32
    %add3A_348 = arith.addi %add3A_347, %mul3A_4 : i32
    %add3A_349 = arith.constant 49152 : i32
    %add3A_350 = arith.addi %add3A_348, %add3A_349 : i32
    %dma_start3A_351 = tpu.memref_slice %arg2[%add3A_350] : memref<33554432xf32, #tpu.memory_space<hbm>> -> memref<8192xf32, #tpu.memory_space<hbm>>
    %dma_start3A_352 = tpu.memref_slice %arg2[%add3A_350] : memref<33554432xf32, #tpu.memory_space<hbm>> -> memref<8192xf32, #tpu.memory_space<hbm>>
    tpu.enqueue_dma source(%dma_start3A_352 : memref<8192xf32, #tpu.memory_space<hbm>>) target(%arg5 : memref<8192xf32, #tpu.memory_space<vmem>>) target_semaphore(%arg15 : memref<!tpu.dma_semaphore, #tpu.memory_space<semaphore_mem>>)
    %dma_wait3A_353 = tpu.memref_slice %arg2[%add3A_286] : memref<33554432xf32, #tpu.memory_space<hbm>> -> memref<8192xf32, #tpu.memory_space<hbm>>
    %dma_wait3A_354 = tpu.memref_slice %arg2[%add3A_286] : memref<33554432xf32, #tpu.memory_space<hbm>> -> memref<8192xf32, #tpu.memory_space<hbm>>
    tpu.wait_dma2 semaphore(%arg19 : memref<!tpu.dma_semaphore, #tpu.memory_space<semaphore_mem>>) src(%dma_wait3A_354 : memref<8192xf32, #tpu.memory_space<hbm>>) dst(%arg9 : memref<8192xf32, #tpu.memory_space<vmem>>)
    %add3A_355 = arith.constant 0 : i32
    %add3A_356 = arith.addi %add3A_355, %mul3A_4 : i32
    %add3A_357 = arith.constant 40960 : i32
    %add3A_358 = arith.addi %add3A_356, %add3A_357 : i32
    %dma_start3A_359 = tpu.memref_slice %arg4[%add3A_358] : memref<33554432xf32, #tpu.memory_space<hbm>> -> memref<8192xf32, #tpu.memory_space<hbm>>
    %dma_start3A_360 = tpu.memref_slice %arg4[%add3A_358] : memref<33554432xf32, #tpu.memory_space<hbm>> -> memref<8192xf32, #tpu.memory_space<hbm>>
    tpu.enqueue_dma source(%arg9 : memref<8192xf32, #tpu.memory_space<vmem>>) target(%dma_start3A_360 : memref<8192xf32, #tpu.memory_space<hbm>>) target_semaphore(%arg27 : memref<!tpu.dma_semaphore, #tpu.memory_space<semaphore_mem>>)
    %dma_wait3A_361 = tpu.memref_slice %arg4[%add3A_310] : memref<33554432xf32, #tpu.memory_space<hbm>> -> memref<8192xf32, #tpu.memory_space<hbm>>
    %dma_wait3A_362 = tpu.memref_slice %arg4[%add3A_310] : memref<33554432xf32, #tpu.memory_space<hbm>> -> memref<8192xf32, #tpu.memory_space<hbm>>
    tpu.wait_dma2 semaphore(%arg24 : memref<!tpu.dma_semaphore, #tpu.memory_space<semaphore_mem>>) src(%arg6 : memref<8192xf32, #tpu.memory_space<vmem>>) dst(%dma_wait3A_362 : memref<8192xf32, #tpu.memory_space<hbm>>)
    %add3A_363 = arith.constant 8388608 : i32
    %add3A_364 = arith.addi %add3A_363, %mul3A_4 : i32
    %add3A_365 = arith.constant 49152 : i32
    %add3A_366 = arith.addi %add3A_364, %add3A_365 : i32
    %dma_start3A_367 = tpu.memref_slice %arg2[%add3A_366] : memref<33554432xf32, #tpu.memory_space<hbm>> -> memref<8192xf32, #tpu.memory_space<hbm>>
    %dma_start3A_368 = tpu.memref_slice %arg2[%add3A_366] : memref<33554432xf32, #tpu.memory_space<hbm>> -> memref<8192xf32, #tpu.memory_space<hbm>>
    tpu.enqueue_dma source(%dma_start3A_368 : memref<8192xf32, #tpu.memory_space<hbm>>) target(%arg6 : memref<8192xf32, #tpu.memory_space<vmem>>) target_semaphore(%arg16 : memref<!tpu.dma_semaphore, #tpu.memory_space<semaphore_mem>>)
    %dma_wait3A_369 = tpu.memref_slice %arg2[%add3A_302] : memref<33554432xf32, #tpu.memory_space<hbm>> -> memref<8192xf32, #tpu.memory_space<hbm>>
    %dma_wait3A_370 = tpu.memref_slice %arg2[%add3A_302] : memref<33554432xf32, #tpu.memory_space<hbm>> -> memref<8192xf32, #tpu.memory_space<hbm>>
    tpu.wait_dma2 semaphore(%arg20 : memref<!tpu.dma_semaphore, #tpu.memory_space<semaphore_mem>>) src(%dma_wait3A_370 : memref<8192xf32, #tpu.memory_space<hbm>>) dst(%arg10 : memref<8192xf32, #tpu.memory_space<vmem>>)
    %add3A_371 = arith.constant 8388608 : i32
    %add3A_372 = arith.addi %add3A_371, %mul3A_4 : i32
    %add3A_373 = arith.constant 40960 : i32
    %add3A_374 = arith.addi %add3A_372, %add3A_373 : i32
    %dma_start3A_375 = tpu.memref_slice %arg4[%add3A_374] : memref<33554432xf32, #tpu.memory_space<hbm>> -> memref<8192xf32, #tpu.memory_space<hbm>>
    %dma_start3A_376 = tpu.memref_slice %arg4[%add3A_374] : memref<33554432xf32, #tpu.memory_space<hbm>> -> memref<8192xf32, #tpu.memory_space<hbm>>
    tpu.enqueue_dma source(%arg10 : memref<8192xf32, #tpu.memory_space<vmem>>) target(%dma_start3A_376 : memref<8192xf32, #tpu.memory_space<hbm>>) target_semaphore(%arg28 : memref<!tpu.dma_semaphore, #tpu.memory_space<semaphore_mem>>)
    %dma_wait3A_377 = tpu.memref_slice %arg4[%add3A_326] : memref<33554432xf32, #tpu.memory_space<hbm>> -> memref<8192xf32, #tpu.memory_space<hbm>>
    %dma_wait3A_378 = tpu.memref_slice %arg4[%add3A_326] : memref<33554432xf32, #tpu.memory_space<hbm>> -> memref<8192xf32, #tpu.memory_space<hbm>>
    tpu.wait_dma2 semaphore(%arg25 : memref<!tpu.dma_semaphore, #tpu.memory_space<semaphore_mem>>) src(%arg7 : memref<8192xf32, #tpu.memory_space<vmem>>) dst(%dma_wait3A_378 : memref<8192xf32, #tpu.memory_space<hbm>>)
    %add3A_379 = arith.constant 16777216 : i32
    %add3A_380 = arith.addi %add3A_379, %mul3A_4 : i32
    %add3A_381 = arith.constant 49152 : i32
    %add3A_382 = arith.addi %add3A_380, %add3A_381 : i32
    %dma_start3A_383 = tpu.memref_slice %arg2[%add3A_382] : memref<33554432xf32, #tpu.memory_space<hbm>> -> memref<8192xf32, #tpu.memory_space<hbm>>
    %dma_start3A_384 = tpu.memref_slice %arg2[%add3A_382] : memref<33554432xf32, #tpu.memory_space<hbm>> -> memref<8192xf32, #tpu.memory_space<hbm>>
    tpu.enqueue_dma source(%dma_start3A_384 : memref<8192xf32, #tpu.memory_space<hbm>>) target(%arg7 : memref<8192xf32, #tpu.memory_space<vmem>>) target_semaphore(%arg17 : memref<!tpu.dma_semaphore, #tpu.memory_space<semaphore_mem>>)
    %dma_wait3A_385 = tpu.memref_slice %arg2[%add3A_318] : memref<33554432xf32, #tpu.memory_space<hbm>> -> memref<8192xf32, #tpu.memory_space<hbm>>
    %dma_wait3A_386 = tpu.memref_slice %arg2[%add3A_318] : memref<33554432xf32, #tpu.memory_space<hbm>> -> memref<8192xf32, #tpu.memory_space<hbm>>
    tpu.wait_dma2 semaphore(%arg21 : memref<!tpu.dma_semaphore, #tpu.memory_space<semaphore_mem>>) src(%dma_wait3A_386 : memref<8192xf32, #tpu.memory_space<hbm>>) dst(%arg11 : memref<8192xf32, #tpu.memory_space<vmem>>)
    %add3A_387 = arith.constant 16777216 : i32
    %add3A_388 = arith.addi %add3A_387, %mul3A_4 : i32
    %add3A_389 = arith.constant 40960 : i32
    %add3A_390 = arith.addi %add3A_388, %add3A_389 : i32
    %dma_start3A_391 = tpu.memref_slice %arg4[%add3A_390] : memref<33554432xf32, #tpu.memory_space<hbm>> -> memref<8192xf32, #tpu.memory_space<hbm>>
    %dma_start3A_392 = tpu.memref_slice %arg4[%add3A_390] : memref<33554432xf32, #tpu.memory_space<hbm>> -> memref<8192xf32, #tpu.memory_space<hbm>>
    tpu.enqueue_dma source(%arg11 : memref<8192xf32, #tpu.memory_space<vmem>>) target(%dma_start3A_392 : memref<8192xf32, #tpu.memory_space<hbm>>) target_semaphore(%arg29 : memref<!tpu.dma_semaphore, #tpu.memory_space<semaphore_mem>>)
    %dma_wait3A_393 = tpu.memref_slice %arg4[%add3A_342] : memref<33554432xf32, #tpu.memory_space<hbm>> -> memref<8192xf32, #tpu.memory_space<hbm>>
    %dma_wait3A_394 = tpu.memref_slice %arg4[%add3A_342] : memref<33554432xf32, #tpu.memory_space<hbm>> -> memref<8192xf32, #tpu.memory_space<hbm>>
    tpu.wait_dma2 semaphore(%arg26 : memref<!tpu.dma_semaphore, #tpu.memory_space<semaphore_mem>>) src(%arg8 : memref<8192xf32, #tpu.memory_space<vmem>>) dst(%dma_wait3A_394 : memref<8192xf32, #tpu.memory_space<hbm>>)
    %add3A_395 = arith.constant 25165824 : i32
    %add3A_396 = arith.addi %add3A_395, %mul3A_4 : i32
    %add3A_397 = arith.constant 49152 : i32
    %add3A_398 = arith.addi %add3A_396, %add3A_397 : i32
    %dma_start3A_399 = tpu.memref_slice %arg2[%add3A_398] : memref<33554432xf32, #tpu.memory_space<hbm>> -> memref<8192xf32, #tpu.memory_space<hbm>>
    %dma_start3A_400 = tpu.memref_slice %arg2[%add3A_398] : memref<33554432xf32, #tpu.memory_space<hbm>> -> memref<8192xf32, #tpu.memory_space<hbm>>
    tpu.enqueue_dma source(%dma_start3A_400 : memref<8192xf32, #tpu.memory_space<hbm>>) target(%arg8 : memref<8192xf32, #tpu.memory_space<vmem>>) target_semaphore(%arg18 : memref<!tpu.dma_semaphore, #tpu.memory_space<semaphore_mem>>)
    %dma_wait3A_401 = tpu.memref_slice %arg2[%add3A_334] : memref<33554432xf32, #tpu.memory_space<hbm>> -> memref<8192xf32, #tpu.memory_space<hbm>>
    %dma_wait3A_402 = tpu.memref_slice %arg2[%add3A_334] : memref<33554432xf32, #tpu.memory_space<hbm>> -> memref<8192xf32, #tpu.memory_space<hbm>>
    tpu.wait_dma2 semaphore(%arg22 : memref<!tpu.dma_semaphore, #tpu.memory_space<semaphore_mem>>) src(%dma_wait3A_402 : memref<8192xf32, #tpu.memory_space<hbm>>) dst(%arg12 : memref<8192xf32, #tpu.memory_space<vmem>>)
    %add3A_403 = arith.constant 25165824 : i32
    %add3A_404 = arith.addi %add3A_403, %mul3A_4 : i32
    %add3A_405 = arith.constant 40960 : i32
    %add3A_406 = arith.addi %add3A_404, %add3A_405 : i32
    %dma_start3A_407 = tpu.memref_slice %arg4[%add3A_406] : memref<33554432xf32, #tpu.memory_space<hbm>> -> memref<8192xf32, #tpu.memory_space<hbm>>
    %dma_start3A_408 = tpu.memref_slice %arg4[%add3A_406] : memref<33554432xf32, #tpu.memory_space<hbm>> -> memref<8192xf32, #tpu.memory_space<hbm>>
    tpu.enqueue_dma source(%arg12 : memref<8192xf32, #tpu.memory_space<vmem>>) target(%dma_start3A_408 : memref<8192xf32, #tpu.memory_space<hbm>>) target_semaphore(%arg30 : memref<!tpu.dma_semaphore, #tpu.memory_space<semaphore_mem>>)
    %dma_wait3A_409 = tpu.memref_slice %arg4[%add3A_358] : memref<33554432xf32, #tpu.memory_space<hbm>> -> memref<8192xf32, #tpu.memory_space<hbm>>
    %dma_wait3A_410 = tpu.memref_slice %arg4[%add3A_358] : memref<33554432xf32, #tpu.memory_space<hbm>> -> memref<8192xf32, #tpu.memory_space<hbm>>
    tpu.wait_dma2 semaphore(%arg27 : memref<!tpu.dma_semaphore, #tpu.memory_space<semaphore_mem>>) src(%arg9 : memref<8192xf32, #tpu.memory_space<vmem>>) dst(%dma_wait3A_410 : memref<8192xf32, #tpu.memory_space<hbm>>)
    %add3A_411 = arith.constant 0 : i32
    %add3A_412 = arith.addi %add3A_411, %mul3A_4 : i32
    %add3A_413 = arith.constant 57344 : i32
    %add3A_414 = arith.addi %add3A_412, %add3A_413 : i32
    %dma_start3A_415 = tpu.memref_slice %arg2[%add3A_414] : memref<33554432xf32, #tpu.memory_space<hbm>> -> memref<8192xf32, #tpu.memory_space<hbm>>
    %dma_start3A_416 = tpu.memref_slice %arg2[%add3A_414] : memref<33554432xf32, #tpu.memory_space<hbm>> -> memref<8192xf32, #tpu.memory_space<hbm>>
    tpu.enqueue_dma source(%dma_start3A_416 : memref<8192xf32, #tpu.memory_space<hbm>>) target(%arg9 : memref<8192xf32, #tpu.memory_space<vmem>>) target_semaphore(%arg19 : memref<!tpu.dma_semaphore, #tpu.memory_space<semaphore_mem>>)
    %dma_wait3A_417 = tpu.memref_slice %arg2[%add3A_350] : memref<33554432xf32, #tpu.memory_space<hbm>> -> memref<8192xf32, #tpu.memory_space<hbm>>
    %dma_wait3A_418 = tpu.memref_slice %arg2[%add3A_350] : memref<33554432xf32, #tpu.memory_space<hbm>> -> memref<8192xf32, #tpu.memory_space<hbm>>
    tpu.wait_dma2 semaphore(%arg15 : memref<!tpu.dma_semaphore, #tpu.memory_space<semaphore_mem>>) src(%dma_wait3A_418 : memref<8192xf32, #tpu.memory_space<hbm>>) dst(%arg5 : memref<8192xf32, #tpu.memory_space<vmem>>)
    %add3A_419 = arith.constant 0 : i32
    %add3A_420 = arith.addi %add3A_419, %mul3A_4 : i32
    %add3A_421 = arith.constant 49152 : i32
    %add3A_422 = arith.addi %add3A_420, %add3A_421 : i32
    %dma_start3A_423 = tpu.memref_slice %arg4[%add3A_422] : memref<33554432xf32, #tpu.memory_space<hbm>> -> memref<8192xf32, #tpu.memory_space<hbm>>
    %dma_start3A_424 = tpu.memref_slice %arg4[%add3A_422] : memref<33554432xf32, #tpu.memory_space<hbm>> -> memref<8192xf32, #tpu.memory_space<hbm>>
    tpu.enqueue_dma source(%arg5 : memref<8192xf32, #tpu.memory_space<vmem>>) target(%dma_start3A_424 : memref<8192xf32, #tpu.memory_space<hbm>>) target_semaphore(%arg23 : memref<!tpu.dma_semaphore, #tpu.memory_space<semaphore_mem>>)
    %dma_wait3A_425 = tpu.memref_slice %arg4[%add3A_374] : memref<33554432xf32, #tpu.memory_space<hbm>> -> memref<8192xf32, #tpu.memory_space<hbm>>
    %dma_wait3A_426 = tpu.memref_slice %arg4[%add3A_374] : memref<33554432xf32, #tpu.memory_space<hbm>> -> memref<8192xf32, #tpu.memory_space<hbm>>
    tpu.wait_dma2 semaphore(%arg28 : memref<!tpu.dma_semaphore, #tpu.memory_space<semaphore_mem>>) src(%arg10 : memref<8192xf32, #tpu.memory_space<vmem>>) dst(%dma_wait3A_426 : memref<8192xf32, #tpu.memory_space<hbm>>)
    %add3A_427 = arith.constant 8388608 : i32
    %add3A_428 = arith.addi %add3A_427, %mul3A_4 : i32
    %add3A_429 = arith.constant 57344 : i32
    %add3A_430 = arith.addi %add3A_428, %add3A_429 : i32
    %dma_start3A_431 = tpu.memref_slice %arg2[%add3A_430] : memref<33554432xf32, #tpu.memory_space<hbm>> -> memref<8192xf32, #tpu.memory_space<hbm>>
    %dma_start3A_432 = tpu.memref_slice %arg2[%add3A_430] : memref<33554432xf32, #tpu.memory_space<hbm>> -> memref<8192xf32, #tpu.memory_space<hbm>>
    tpu.enqueue_dma source(%dma_start3A_432 : memref<8192xf32, #tpu.memory_space<hbm>>) target(%arg10 : memref<8192xf32, #tpu.memory_space<vmem>>) target_semaphore(%arg20 : memref<!tpu.dma_semaphore, #tpu.memory_space<semaphore_mem>>)
    %dma_wait3A_433 = tpu.memref_slice %arg2[%add3A_366] : memref<33554432xf32, #tpu.memory_space<hbm>> -> memref<8192xf32, #tpu.memory_space<hbm>>
    %dma_wait3A_434 = tpu.memref_slice %arg2[%add3A_366] : memref<33554432xf32, #tpu.memory_space<hbm>> -> memref<8192xf32, #tpu.memory_space<hbm>>
    tpu.wait_dma2 semaphore(%arg16 : memref<!tpu.dma_semaphore, #tpu.memory_space<semaphore_mem>>) src(%dma_wait3A_434 : memref<8192xf32, #tpu.memory_space<hbm>>) dst(%arg6 : memref<8192xf32, #tpu.memory_space<vmem>>)
    %add3A_435 = arith.constant 8388608 : i32
    %add3A_436 = arith.addi %add3A_435, %mul3A_4 : i32
    %add3A_437 = arith.constant 49152 : i32
    %add3A_438 = arith.addi %add3A_436, %add3A_437 : i32
    %dma_start3A_439 = tpu.memref_slice %arg4[%add3A_438] : memref<33554432xf32, #tpu.memory_space<hbm>> -> memref<8192xf32, #tpu.memory_space<hbm>>
    %dma_start3A_440 = tpu.memref_slice %arg4[%add3A_438] : memref<33554432xf32, #tpu.memory_space<hbm>> -> memref<8192xf32, #tpu.memory_space<hbm>>
    tpu.enqueue_dma source(%arg6 : memref<8192xf32, #tpu.memory_space<vmem>>) target(%dma_start3A_440 : memref<8192xf32, #tpu.memory_space<hbm>>) target_semaphore(%arg24 : memref<!tpu.dma_semaphore, #tpu.memory_space<semaphore_mem>>)
    %dma_wait3A_441 = tpu.memref_slice %arg4[%add3A_390] : memref<33554432xf32, #tpu.memory_space<hbm>> -> memref<8192xf32, #tpu.memory_space<hbm>>
    %dma_wait3A_442 = tpu.memref_slice %arg4[%add3A_390] : memref<33554432xf32, #tpu.memory_space<hbm>> -> memref<8192xf32, #tpu.memory_space<hbm>>
    tpu.wait_dma2 semaphore(%arg29 : memref<!tpu.dma_semaphore, #tpu.memory_space<semaphore_mem>>) src(%arg11 : memref<8192xf32, #tpu.memory_space<vmem>>) dst(%dma_wait3A_442 : memref<8192xf32, #tpu.memory_space<hbm>>)
    %add3A_443 = arith.constant 16777216 : i32
    %add3A_444 = arith.addi %add3A_443, %mul3A_4 : i32
    %add3A_445 = arith.constant 57344 : i32
    %add3A_446 = arith.addi %add3A_444, %add3A_445 : i32
    %dma_start3A_447 = tpu.memref_slice %arg2[%add3A_446] : memref<33554432xf32, #tpu.memory_space<hbm>> -> memref<8192xf32, #tpu.memory_space<hbm>>
    %dma_start3A_448 = tpu.memref_slice %arg2[%add3A_446] : memref<33554432xf32, #tpu.memory_space<hbm>> -> memref<8192xf32, #tpu.memory_space<hbm>>
    tpu.enqueue_dma source(%dma_start3A_448 : memref<8192xf32, #tpu.memory_space<hbm>>) target(%arg11 : memref<8192xf32, #tpu.memory_space<vmem>>) target_semaphore(%arg21 : memref<!tpu.dma_semaphore, #tpu.memory_space<semaphore_mem>>)
    %dma_wait3A_449 = tpu.memref_slice %arg2[%add3A_382] : memref<33554432xf32, #tpu.memory_space<hbm>> -> memref<8192xf32, #tpu.memory_space<hbm>>
    %dma_wait3A_450 = tpu.memref_slice %arg2[%add3A_382] : memref<33554432xf32, #tpu.memory_space<hbm>> -> memref<8192xf32, #tpu.memory_space<hbm>>
    tpu.wait_dma2 semaphore(%arg17 : memref<!tpu.dma_semaphore, #tpu.memory_space<semaphore_mem>>) src(%dma_wait3A_450 : memref<8192xf32, #tpu.memory_space<hbm>>) dst(%arg7 : memref<8192xf32, #tpu.memory_space<vmem>>)
    %add3A_451 = arith.constant 16777216 : i32
    %add3A_452 = arith.addi %add3A_451, %mul3A_4 : i32
    %add3A_453 = arith.constant 49152 : i32
    %add3A_454 = arith.addi %add3A_452, %add3A_453 : i32
    %dma_start3A_455 = tpu.memref_slice %arg4[%add3A_454] : memref<33554432xf32, #tpu.memory_space<hbm>> -> memref<8192xf32, #tpu.memory_space<hbm>>
    %dma_start3A_456 = tpu.memref_slice %arg4[%add3A_454] : memref<33554432xf32, #tpu.memory_space<hbm>> -> memref<8192xf32, #tpu.memory_space<hbm>>
    tpu.enqueue_dma source(%arg7 : memref<8192xf32, #tpu.memory_space<vmem>>) target(%dma_start3A_456 : memref<8192xf32, #tpu.memory_space<hbm>>) target_semaphore(%arg25 : memref<!tpu.dma_semaphore, #tpu.memory_space<semaphore_mem>>)
    %dma_wait3A_457 = tpu.memref_slice %arg4[%add3A_406] : memref<33554432xf32, #tpu.memory_space<hbm>> -> memref<8192xf32, #tpu.memory_space<hbm>>
    %dma_wait3A_458 = tpu.memref_slice %arg4[%add3A_406] : memref<33554432xf32, #tpu.memory_space<hbm>> -> memref<8192xf32, #tpu.memory_space<hbm>>
    tpu.wait_dma2 semaphore(%arg30 : memref<!tpu.dma_semaphore, #tpu.memory_space<semaphore_mem>>) src(%arg12 : memref<8192xf32, #tpu.memory_space<vmem>>) dst(%dma_wait3A_458 : memref<8192xf32, #tpu.memory_space<hbm>>)
    %add3A_459 = arith.constant 25165824 : i32
    %add3A_460 = arith.addi %add3A_459, %mul3A_4 : i32
    %add3A_461 = arith.constant 57344 : i32
    %add3A_462 = arith.addi %add3A_460, %add3A_461 : i32
    %dma_start3A_463 = tpu.memref_slice %arg2[%add3A_462] : memref<33554432xf32, #tpu.memory_space<hbm>> -> memref<8192xf32, #tpu.memory_space<hbm>>
    %dma_start3A_464 = tpu.memref_slice %arg2[%add3A_462] : memref<33554432xf32, #tpu.memory_space<hbm>> -> memref<8192xf32, #tpu.memory_space<hbm>>
    tpu.enqueue_dma source(%dma_start3A_464 : memref<8192xf32, #tpu.memory_space<hbm>>) target(%arg12 : memref<8192xf32, #tpu.memory_space<vmem>>) target_semaphore(%arg22 : memref<!tpu.dma_semaphore, #tpu.memory_space<semaphore_mem>>)
    %dma_wait3A_465 = tpu.memref_slice %arg2[%add3A_398] : memref<33554432xf32, #tpu.memory_space<hbm>> -> memref<8192xf32, #tpu.memory_space<hbm>>
    %dma_wait3A_466 = tpu.memref_slice %arg2[%add3A_398] : memref<33554432xf32, #tpu.memory_space<hbm>> -> memref<8192xf32, #tpu.memory_space<hbm>>
    tpu.wait_dma2 semaphore(%arg18 : memref<!tpu.dma_semaphore, #tpu.memory_space<semaphore_mem>>) src(%dma_wait3A_466 : memref<8192xf32, #tpu.memory_space<hbm>>) dst(%arg8 : memref<8192xf32, #tpu.memory_space<vmem>>)
    %add3A_467 = arith.constant 25165824 : i32
    %add3A_468 = arith.addi %add3A_467, %mul3A_4 : i32
    %add3A_469 = arith.constant 49152 : i32
    %add3A_470 = arith.addi %add3A_468, %add3A_469 : i32
    %dma_start3A_471 = tpu.memref_slice %arg4[%add3A_470] : memref<33554432xf32, #tpu.memory_space<hbm>> -> memref<8192xf32, #tpu.memory_space<hbm>>
    %dma_start3A_472 = tpu.memref_slice %arg4[%add3A_470] : memref<33554432xf32, #tpu.memory_space<hbm>> -> memref<8192xf32, #tpu.memory_space<hbm>>
    tpu.enqueue_dma source(%arg8 : memref<8192xf32, #tpu.memory_space<vmem>>) target(%dma_start3A_472 : memref<8192xf32, #tpu.memory_space<hbm>>) target_semaphore(%arg26 : memref<!tpu.dma_semaphore, #tpu.memory_space<semaphore_mem>>)
    %dma_wait3A_473 = tpu.memref_slice %arg4[%add3A_422] : memref<33554432xf32, #tpu.memory_space<hbm>> -> memref<8192xf32, #tpu.memory_space<hbm>>
    %dma_wait3A_474 = tpu.memref_slice %arg4[%add3A_422] : memref<33554432xf32, #tpu.memory_space<hbm>> -> memref<8192xf32, #tpu.memory_space<hbm>>
    tpu.wait_dma2 semaphore(%arg23 : memref<!tpu.dma_semaphore, #tpu.memory_space<semaphore_mem>>) src(%arg5 : memref<8192xf32, #tpu.memory_space<vmem>>) dst(%dma_wait3A_474 : memref<8192xf32, #tpu.memory_space<hbm>>)
    %add3A_475 = arith.constant 0 : i32
    %add3A_476 = arith.addi %add3A_475, %mul3A_4 : i32
    %add3A_477 = arith.constant 65536 : i32
    %add3A_478 = arith.addi %add3A_476, %add3A_477 : i32
    %dma_start3A_479 = tpu.memref_slice %arg2[%add3A_478] : memref<33554432xf32, #tpu.memory_space<hbm>> -> memref<8192xf32, #tpu.memory_space<hbm>>
    %dma_start3A_480 = tpu.memref_slice %arg2[%add3A_478] : memref<33554432xf32, #tpu.memory_space<hbm>> -> memref<8192xf32, #tpu.memory_space<hbm>>
    tpu.enqueue_dma source(%dma_start3A_480 : memref<8192xf32, #tpu.memory_space<hbm>>) target(%arg5 : memref<8192xf32, #tpu.memory_space<vmem>>) target_semaphore(%arg15 : memref<!tpu.dma_semaphore, #tpu.memory_space<semaphore_mem>>)
    %dma_wait3A_481 = tpu.memref_slice %arg2[%add3A_414] : memref<33554432xf32, #tpu.memory_space<hbm>> -> memref<8192xf32, #tpu.memory_space<hbm>>
    %dma_wait3A_482 = tpu.memref_slice %arg2[%add3A_414] : memref<33554432xf32, #tpu.memory_space<hbm>> -> memref<8192xf32, #tpu.memory_space<hbm>>
    tpu.wait_dma2 semaphore(%arg19 : memref<!tpu.dma_semaphore, #tpu.memory_space<semaphore_mem>>) src(%dma_wait3A_482 : memref<8192xf32, #tpu.memory_space<hbm>>) dst(%arg9 : memref<8192xf32, #tpu.memory_space<vmem>>)
    %add3A_483 = arith.constant 0 : i32
    %add3A_484 = arith.addi %add3A_483, %mul3A_4 : i32
    %add3A_485 = arith.constant 57344 : i32
    %add3A_486 = arith.addi %add3A_484, %add3A_485 : i32
    %dma_start3A_487 = tpu.memref_slice %arg4[%add3A_486] : memref<33554432xf32, #tpu.memory_space<hbm>> -> memref<8192xf32, #tpu.memory_space<hbm>>
    %dma_start3A_488 = tpu.memref_slice %arg4[%add3A_486] : memref<33554432xf32, #tpu.memory_space<hbm>> -> memref<8192xf32, #tpu.memory_space<hbm>>
    tpu.enqueue_dma source(%arg9 : memref<8192xf32, #tpu.memory_space<vmem>>) target(%dma_start3A_488 : memref<8192xf32, #tpu.memory_space<hbm>>) target_semaphore(%arg27 : memref<!tpu.dma_semaphore, #tpu.memory_space<semaphore_mem>>)
    %dma_wait3A_489 = tpu.memref_slice %arg4[%add3A_438] : memref<33554432xf32, #tpu.memory_space<hbm>> -> memref<8192xf32, #tpu.memory_space<hbm>>
    %dma_wait3A_490 = tpu.memref_slice %arg4[%add3A_438] : memref<33554432xf32, #tpu.memory_space<hbm>> -> memref<8192xf32, #tpu.memory_space<hbm>>
    tpu.wait_dma2 semaphore(%arg24 : memref<!tpu.dma_semaphore, #tpu.memory_space<semaphore_mem>>) src(%arg6 : memref<8192xf32, #tpu.memory_space<vmem>>) dst(%dma_wait3A_490 : memref<8192xf32, #tpu.memory_space<hbm>>)
    %add3A_491 = arith.constant 8388608 : i32
    %add3A_492 = arith.addi %add3A_491, %mul3A_4 : i32
    %add3A_493 = arith.constant 65536 : i32
    %add3A_494 = arith.addi %add3A_492, %add3A_493 : i32
    %dma_start3A_495 = tpu.memref_slice %arg2[%add3A_494] : memref<33554432xf32, #tpu.memory_space<hbm>> -> memref<8192xf32, #tpu.memory_space<hbm>>
    %dma_start3A_496 = tpu.memref_slice %arg2[%add3A_494] : memref<33554432xf32, #tpu.memory_space<hbm>> -> memref<8192xf32, #tpu.memory_space<hbm>>
    tpu.enqueue_dma source(%dma_start3A_496 : memref<8192xf32, #tpu.memory_space<hbm>>) target(%arg6 : memref<8192xf32, #tpu.memory_space<vmem>>) target_semaphore(%arg16 : memref<!tpu.dma_semaphore, #tpu.memory_space<semaphore_mem>>)
    %dma_wait3A_497 = tpu.memref_slice %arg2[%add3A_430] : memref<33554432xf32, #tpu.memory_space<hbm>> -> memref<8192xf32, #tpu.memory_space<hbm>>
    %dma_wait3A_498 = tpu.memref_slice %arg2[%add3A_430] : memref<33554432xf32, #tpu.memory_space<hbm>> -> memref<8192xf32, #tpu.memory_space<hbm>>
    tpu.wait_dma2 semaphore(%arg20 : memref<!tpu.dma_semaphore, #tpu.memory_space<semaphore_mem>>) src(%dma_wait3A_498 : memref<8192xf32, #tpu.memory_space<hbm>>) dst(%arg10 : memref<8192xf32, #tpu.memory_space<vmem>>)
    %add3A_499 = arith.constant 8388608 : i32
    %add3A_500 = arith.addi %add3A_499, %mul3A_4 : i32
    %add3A_501 = arith.constant 57344 : i32
    %add3A_502 = arith.addi %add3A_500, %add3A_501 : i32
    %dma_start3A_503 = tpu.memref_slice %arg4[%add3A_502] : memref<33554432xf32, #tpu.memory_space<hbm>> -> memref<8192xf32, #tpu.memory_space<hbm>>
    %dma_start3A_504 = tpu.memref_slice %arg4[%add3A_502] : memref<33554432xf32, #tpu.memory_space<hbm>> -> memref<8192xf32, #tpu.memory_space<hbm>>
    tpu.enqueue_dma source(%arg10 : memref<8192xf32, #tpu.memory_space<vmem>>) target(%dma_start3A_504 : memref<8192xf32, #tpu.memory_space<hbm>>) target_semaphore(%arg28 : memref<!tpu.dma_semaphore, #tpu.memory_space<semaphore_mem>>)
    %dma_wait3A_505 = tpu.memref_slice %arg4[%add3A_454] : memref<33554432xf32, #tpu.memory_space<hbm>> -> memref<8192xf32, #tpu.memory_space<hbm>>
    %dma_wait3A_506 = tpu.memref_slice %arg4[%add3A_454] : memref<33554432xf32, #tpu.memory_space<hbm>> -> memref<8192xf32, #tpu.memory_space<hbm>>
    tpu.wait_dma2 semaphore(%arg25 : memref<!tpu.dma_semaphore, #tpu.memory_space<semaphore_mem>>) src(%arg7 : memref<8192xf32, #tpu.memory_space<vmem>>) dst(%dma_wait3A_506 : memref<8192xf32, #tpu.memory_space<hbm>>)
    %add3A_507 = arith.constant 16777216 : i32
    %add3A_508 = arith.addi %add3A_507, %mul3A_4 : i32
    %add3A_509 = arith.constant 65536 : i32
    %add3A_510 = arith.addi %add3A_508, %add3A_509 : i32
    %dma_start3A_511 = tpu.memref_slice %arg2[%add3A_510] : memref<33554432xf32, #tpu.memory_space<hbm>> -> memref<8192xf32, #tpu.memory_space<hbm>>
    %dma_start3A_512 = tpu.memref_slice %arg2[%add3A_510] : memref<33554432xf32, #tpu.memory_space<hbm>> -> memref<8192xf32, #tpu.memory_space<hbm>>
    tpu.enqueue_dma source(%dma_start3A_512 : memref<8192xf32, #tpu.memory_space<hbm>>) target(%arg7 : memref<8192xf32, #tpu.memory_space<vmem>>) target_semaphore(%arg17 : memref<!tpu.dma_semaphore, #tpu.memory_space<semaphore_mem>>)
    %dma_wait3A_513 = tpu.memref_slice %arg2[%add3A_446] : memref<33554432xf32, #tpu.memory_space<hbm>> -> memref<8192xf32, #tpu.memory_space<hbm>>
    %dma_wait3A_514 = tpu.memref_slice %arg2[%add3A_446] : memref<33554432xf32, #tpu.memory_space<hbm>> -> memref<8192xf32, #tpu.memory_space<hbm>>
    tpu.wait_dma2 semaphore(%arg21 : memref<!tpu.dma_semaphore, #tpu.memory_space<semaphore_mem>>) src(%dma_wait3A_514 : memref<8192xf32, #tpu.memory_space<hbm>>) dst(%arg11 : memref<8192xf32, #tpu.memory_space<vmem>>)
    %add3A_515 = arith.constant 16777216 : i32
    %add3A_516 = arith.addi %add3A_515, %mul3A_4 : i32
    %add3A_517 = arith.constant 57344 : i32
    %add3A_518 = arith.addi %add3A_516, %add3A_517 : i32
    %dma_start3A_519 = tpu.memref_slice %arg4[%add3A_518] : memref<33554432xf32, #tpu.memory_space<hbm>> -> memref<8192xf32, #tpu.memory_space<hbm>>
    %dma_start3A_520 = tpu.memref_slice %arg4[%add3A_518] : memref<33554432xf32, #tpu.memory_space<hbm>> -> memref<8192xf32, #tpu.memory_space<hbm>>
    tpu.enqueue_dma source(%arg11 : memref<8192xf32, #tpu.memory_space<vmem>>) target(%dma_start3A_520 : memref<8192xf32, #tpu.memory_space<hbm>>) target_semaphore(%arg29 : memref<!tpu.dma_semaphore, #tpu.memory_space<semaphore_mem>>)
    %dma_wait3A_521 = tpu.memref_slice %arg4[%add3A_470] : memref<33554432xf32, #tpu.memory_space<hbm>> -> memref<8192xf32, #tpu.memory_space<hbm>>
    %dma_wait3A_522 = tpu.memref_slice %arg4[%add3A_470] : memref<33554432xf32, #tpu.memory_space<hbm>> -> memref<8192xf32, #tpu.memory_space<hbm>>
    tpu.wait_dma2 semaphore(%arg26 : memref<!tpu.dma_semaphore, #tpu.memory_space<semaphore_mem>>) src(%arg8 : memref<8192xf32, #tpu.memory_space<vmem>>) dst(%dma_wait3A_522 : memref<8192xf32, #tpu.memory_space<hbm>>)
    %add3A_523 = arith.constant 25165824 : i32
    %add3A_524 = arith.addi %add3A_523, %mul3A_4 : i32
    %add3A_525 = arith.constant 65536 : i32
    %add3A_526 = arith.addi %add3A_524, %add3A_525 : i32
    %dma_start3A_527 = tpu.memref_slice %arg2[%add3A_526] : memref<33554432xf32, #tpu.memory_space<hbm>> -> memref<8192xf32, #tpu.memory_space<hbm>>
    %dma_start3A_528 = tpu.memref_slice %arg2[%add3A_526] : memref<33554432xf32, #tpu.memory_space<hbm>> -> memref<8192xf32, #tpu.memory_space<hbm>>
    tpu.enqueue_dma source(%dma_start3A_528 : memref<8192xf32, #tpu.memory_space<hbm>>) target(%arg8 : memref<8192xf32, #tpu.memory_space<vmem>>) target_semaphore(%arg18 : memref<!tpu.dma_semaphore, #tpu.memory_space<semaphore_mem>>)
    %dma_wait3A_529 = tpu.memref_slice %arg2[%add3A_462] : memref<33554432xf32, #tpu.memory_space<hbm>> -> memref<8192xf32, #tpu.memory_space<hbm>>
    %dma_wait3A_530 = tpu.memref_slice %arg2[%add3A_462] : memref<33554432xf32, #tpu.memory_space<hbm>> -> memref<8192xf32, #tpu.memory_space<hbm>>
    tpu.wait_dma2 semaphore(%arg22 : memref<!tpu.dma_semaphore, #tpu.memory_space<semaphore_mem>>) src(%dma_wait3A_530 : memref<8192xf32, #tpu.memory_space<hbm>>) dst(%arg12 : memref<8192xf32, #tpu.memory_space<vmem>>)
    %add3A_531 = arith.constant 25165824 : i32
    %add3A_532 = arith.addi %add3A_531, %mul3A_4 : i32
    %add3A_533 = arith.constant 57344 : i32
    %add3A_534 = arith.addi %add3A_532, %add3A_533 : i32
    %dma_start3A_535 = tpu.memref_slice %arg4[%add3A_534] : memref<33554432xf32, #tpu.memory_space<hbm>> -> memref<8192xf32, #tpu.memory_space<hbm>>
    %dma_start3A_536 = tpu.memref_slice %arg4[%add3A_534] : memref<33554432xf32, #tpu.memory_space<hbm>> -> memref<8192xf32, #tpu.memory_space<hbm>>
    tpu.enqueue_dma source(%arg12 : memref<8192xf32, #tpu.memory_space<vmem>>) target(%dma_start3A_536 : memref<8192xf32, #tpu.memory_space<hbm>>) target_semaphore(%arg30 : memref<!tpu.dma_semaphore, #tpu.memory_space<semaphore_mem>>)
    %dma_wait3A_537 = tpu.memref_slice %arg4[%add3A_486] : memref<33554432xf32, #tpu.memory_space<hbm>> -> memref<8192xf32, #tpu.memory_space<hbm>>
    %dma_wait3A_538 = tpu.memref_slice %arg4[%add3A_486] : memref<33554432xf32, #tpu.memory_space<hbm>> -> memref<8192xf32, #tpu.memory_space<hbm>>
    tpu.wait_dma2 semaphore(%arg27 : memref<!tpu.dma_semaphore, #tpu.memory_space<semaphore_mem>>) src(%arg9 : memref<8192xf32, #tpu.memory_space<vmem>>) dst(%dma_wait3A_538 : memref<8192xf32, #tpu.memory_space<hbm>>)
    %add3A_539 = arith.constant 0 : i32
    %add3A_540 = arith.addi %add3A_539, %mul3A_4 : i32
    %add3A_541 = arith.constant 73728 : i32
    %add3A_542 = arith.addi %add3A_540, %add3A_541 : i32
    %dma_start3A_543 = tpu.memref_slice %arg2[%add3A_542] : memref<33554432xf32, #tpu.memory_space<hbm>> -> memref<8192xf32, #tpu.memory_space<hbm>>
    %dma_start3A_544 = tpu.memref_slice %arg2[%add3A_542] : memref<33554432xf32, #tpu.memory_space<hbm>> -> memref<8192xf32, #tpu.memory_space<hbm>>
    tpu.enqueue_dma source(%dma_start3A_544 : memref<8192xf32, #tpu.memory_space<hbm>>) target(%arg9 : memref<8192xf32, #tpu.memory_space<vmem>>) target_semaphore(%arg19 : memref<!tpu.dma_semaphore, #tpu.memory_space<semaphore_mem>>)
    %dma_wait3A_545 = tpu.memref_slice %arg2[%add3A_478] : memref<33554432xf32, #tpu.memory_space<hbm>> -> memref<8192xf32, #tpu.memory_space<hbm>>
    %dma_wait3A_546 = tpu.memref_slice %arg2[%add3A_478] : memref<33554432xf32, #tpu.memory_space<hbm>> -> memref<8192xf32, #tpu.memory_space<hbm>>
    tpu.wait_dma2 semaphore(%arg15 : memref<!tpu.dma_semaphore, #tpu.memory_space<semaphore_mem>>) src(%dma_wait3A_546 : memref<8192xf32, #tpu.memory_space<hbm>>) dst(%arg5 : memref<8192xf32, #tpu.memory_space<vmem>>)
    %add3A_547 = arith.constant 0 : i32
    %add3A_548 = arith.addi %add3A_547, %mul3A_4 : i32
    %add3A_549 = arith.constant 65536 : i32
    %add3A_550 = arith.addi %add3A_548, %add3A_549 : i32
    %dma_start3A_551 = tpu.memref_slice %arg4[%add3A_550] : memref<33554432xf32, #tpu.memory_space<hbm>> -> memref<8192xf32, #tpu.memory_space<hbm>>
    %dma_start3A_552 = tpu.memref_slice %arg4[%add3A_550] : memref<33554432xf32, #tpu.memory_space<hbm>> -> memref<8192xf32, #tpu.memory_space<hbm>>
    tpu.enqueue_dma source(%arg5 : memref<8192xf32, #tpu.memory_space<vmem>>) target(%dma_start3A_552 : memref<8192xf32, #tpu.memory_space<hbm>>) target_semaphore(%arg23 : memref<!tpu.dma_semaphore, #tpu.memory_space<semaphore_mem>>)
    %dma_wait3A_553 = tpu.memref_slice %arg4[%add3A_502] : memref<33554432xf32, #tpu.memory_space<hbm>> -> memref<8192xf32, #tpu.memory_space<hbm>>
    %dma_wait3A_554 = tpu.memref_slice %arg4[%add3A_502] : memref<33554432xf32, #tpu.memory_space<hbm>> -> memref<8192xf32, #tpu.memory_space<hbm>>
    tpu.wait_dma2 semaphore(%arg28 : memref<!tpu.dma_semaphore, #tpu.memory_space<semaphore_mem>>) src(%arg10 : memref<8192xf32, #tpu.memory_space<vmem>>) dst(%dma_wait3A_554 : memref<8192xf32, #tpu.memory_space<hbm>>)
    %add3A_555 = arith.constant 8388608 : i32
    %add3A_556 = arith.addi %add3A_555, %mul3A_4 : i32
    %add3A_557 = arith.constant 73728 : i32
    %add3A_558 = arith.addi %add3A_556, %add3A_557 : i32
    %dma_start3A_559 = tpu.memref_slice %arg2[%add3A_558] : memref<33554432xf32, #tpu.memory_space<hbm>> -> memref<8192xf32, #tpu.memory_space<hbm>>
    %dma_start3A_560 = tpu.memref_slice %arg2[%add3A_558] : memref<33554432xf32, #tpu.memory_space<hbm>> -> memref<8192xf32, #tpu.memory_space<hbm>>
    tpu.enqueue_dma source(%dma_start3A_560 : memref<8192xf32, #tpu.memory_space<hbm>>) target(%arg10 : memref<8192xf32, #tpu.memory_space<vmem>>) target_semaphore(%arg20 : memref<!tpu.dma_semaphore, #tpu.memory_space<semaphore_mem>>)
    %dma_wait3A_561 = tpu.memref_slice %arg2[%add3A_494] : memref<33554432xf32, #tpu.memory_space<hbm>> -> memref<8192xf32, #tpu.memory_space<hbm>>
    %dma_wait3A_562 = tpu.memref_slice %arg2[%add3A_494] : memref<33554432xf32, #tpu.memory_space<hbm>> -> memref<8192xf32, #tpu.memory_space<hbm>>
    tpu.wait_dma2 semaphore(%arg16 : memref<!tpu.dma_semaphore, #tpu.memory_space<semaphore_mem>>) src(%dma_wait3A_562 : memref<8192xf32, #tpu.memory_space<hbm>>) dst(%arg6 : memref<8192xf32, #tpu.memory_space<vmem>>)
    %add3A_563 = arith.constant 8388608 : i32
    %add3A_564 = arith.addi %add3A_563, %mul3A_4 : i32
    %add3A_565 = arith.constant 65536 : i32
    %add3A_566 = arith.addi %add3A_564, %add3A_565 : i32
    %dma_start3A_567 = tpu.memref_slice %arg4[%add3A_566] : memref<33554432xf32, #tpu.memory_space<hbm>> -> memref<8192xf32, #tpu.memory_space<hbm>>
    %dma_start3A_568 = tpu.memref_slice %arg4[%add3A_566] : memref<33554432xf32, #tpu.memory_space<hbm>> -> memref<8192xf32, #tpu.memory_space<hbm>>
    tpu.enqueue_dma source(%arg6 : memref<8192xf32, #tpu.memory_space<vmem>>) target(%dma_start3A_568 : memref<8192xf32, #tpu.memory_space<hbm>>) target_semaphore(%arg24 : memref<!tpu.dma_semaphore, #tpu.memory_space<semaphore_mem>>)
    %dma_wait3A_569 = tpu.memref_slice %arg4[%add3A_518] : memref<33554432xf32, #tpu.memory_space<hbm>> -> memref<8192xf32, #tpu.memory_space<hbm>>
    %dma_wait3A_570 = tpu.memref_slice %arg4[%add3A_518] : memref<33554432xf32, #tpu.memory_space<hbm>> -> memref<8192xf32, #tpu.memory_space<hbm>>
    tpu.wait_dma2 semaphore(%arg29 : memref<!tpu.dma_semaphore, #tpu.memory_space<semaphore_mem>>) src(%arg11 : memref<8192xf32, #tpu.memory_space<vmem>>) dst(%dma_wait3A_570 : memref<8192xf32, #tpu.memory_space<hbm>>)
    %add3A_571 = arith.constant 16777216 : i32
    %add3A_572 = arith.addi %add3A_571, %mul3A_4 : i32
    %add3A_573 = arith.constant 73728 : i32
    %add3A_574 = arith.addi %add3A_572, %add3A_573 : i32
    %dma_start3A_575 = tpu.memref_slice %arg2[%add3A_574] : memref<33554432xf32, #tpu.memory_space<hbm>> -> memref<8192xf32, #tpu.memory_space<hbm>>
    %dma_start3A_576 = tpu.memref_slice %arg2[%add3A_574] : memref<33554432xf32, #tpu.memory_space<hbm>> -> memref<8192xf32, #tpu.memory_space<hbm>>
    tpu.enqueue_dma source(%dma_start3A_576 : memref<8192xf32, #tpu.memory_space<hbm>>) target(%arg11 : memref<8192xf32, #tpu.memory_space<vmem>>) target_semaphore(%arg21 : memref<!tpu.dma_semaphore, #tpu.memory_space<semaphore_mem>>)
    %dma_wait3A_577 = tpu.memref_slice %arg2[%add3A_510] : memref<33554432xf32, #tpu.memory_space<hbm>> -> memref<8192xf32, #tpu.memory_space<hbm>>
    %dma_wait3A_578 = tpu.memref_slice %arg2[%add3A_510] : memref<33554432xf32, #tpu.memory_space<hbm>> -> memref<8192xf32, #tpu.memory_space<hbm>>
    tpu.wait_dma2 semaphore(%arg17 : memref<!tpu.dma_semaphore, #tpu.memory_space<semaphore_mem>>) src(%dma_wait3A_578 : memref<8192xf32, #tpu.memory_space<hbm>>) dst(%arg7 : memref<8192xf32, #tpu.memory_space<vmem>>)
    %add3A_579 = arith.constant 16777216 : i32
    %add3A_580 = arith.addi %add3A_579, %mul3A_4 : i32
    %add3A_581 = arith.constant 65536 : i32
    %add3A_582 = arith.addi %add3A_580, %add3A_581 : i32
    %dma_start3A_583 = tpu.memref_slice %arg4[%add3A_582] : memref<33554432xf32, #tpu.memory_space<hbm>> -> memref<8192xf32, #tpu.memory_space<hbm>>
    %dma_start3A_584 = tpu.memref_slice %arg4[%add3A_582] : memref<33554432xf32, #tpu.memory_space<hbm>> -> memref<8192xf32, #tpu.memory_space<hbm>>
    tpu.enqueue_dma source(%arg7 : memref<8192xf32, #tpu.memory_space<vmem>>) target(%dma_start3A_584 : memref<8192xf32, #tpu.memory_space<hbm>>) target_semaphore(%arg25 : memref<!tpu.dma_semaphore, #tpu.memory_space<semaphore_mem>>)
    %dma_wait3A_585 = tpu.memref_slice %arg4[%add3A_534] : memref<33554432xf32, #tpu.memory_space<hbm>> -> memref<8192xf32, #tpu.memory_space<hbm>>
    %dma_wait3A_586 = tpu.memref_slice %arg4[%add3A_534] : memref<33554432xf32, #tpu.memory_space<hbm>> -> memref<8192xf32, #tpu.memory_space<hbm>>
    tpu.wait_dma2 semaphore(%arg30 : memref<!tpu.dma_semaphore, #tpu.memory_space<semaphore_mem>>) src(%arg12 : memref<8192xf32, #tpu.memory_space<vmem>>) dst(%dma_wait3A_586 : memref<8192xf32, #tpu.memory_space<hbm>>)
    %add3A_587 = arith.constant 25165824 : i32
    %add3A_588 = arith.addi %add3A_587, %mul3A_4 : i32
    %add3A_589 = arith.constant 73728 : i32
    %add3A_590 = arith.addi %add3A_588, %add3A_589 : i32
    %dma_start3A_591 = tpu.memref_slice %arg2[%add3A_590] : memref<33554432xf32, #tpu.memory_space<hbm>> -> memref<8192xf32, #tpu.memory_space<hbm>>
    %dma_start3A_592 = tpu.memref_slice %arg2[%add3A_590] : memref<33554432xf32, #tpu.memory_space<hbm>> -> memref<8192xf32, #tpu.memory_space<hbm>>
    tpu.enqueue_dma source(%dma_start3A_592 : memref<8192xf32, #tpu.memory_space<hbm>>) target(%arg12 : memref<8192xf32, #tpu.memory_space<vmem>>) target_semaphore(%arg22 : memref<!tpu.dma_semaphore, #tpu.memory_space<semaphore_mem>>)
    %dma_wait3A_593 = tpu.memref_slice %arg2[%add3A_526] : memref<33554432xf32, #tpu.memory_space<hbm>> -> memref<8192xf32, #tpu.memory_space<hbm>>
    %dma_wait3A_594 = tpu.memref_slice %arg2[%add3A_526] : memref<33554432xf32, #tpu.memory_space<hbm>> -> memref<8192xf32, #tpu.memory_space<hbm>>
    tpu.wait_dma2 semaphore(%arg18 : memref<!tpu.dma_semaphore, #tpu.memory_space<semaphore_mem>>) src(%dma_wait3A_594 : memref<8192xf32, #tpu.memory_space<hbm>>) dst(%arg8 : memref<8192xf32, #tpu.memory_space<vmem>>)
    %add3A_595 = arith.constant 25165824 : i32
    %add3A_596 = arith.addi %add3A_595, %mul3A_4 : i32
    %add3A_597 = arith.constant 65536 : i32
    %add3A_598 = arith.addi %add3A_596, %add3A_597 : i32
    %dma_start3A_599 = tpu.memref_slice %arg4[%add3A_598] : memref<33554432xf32, #tpu.memory_space<hbm>> -> memref<8192xf32, #tpu.memory_space<hbm>>
    %dma_start3A_600 = tpu.memref_slice %arg4[%add3A_598] : memref<33554432xf32, #tpu.memory_space<hbm>> -> memref<8192xf32, #tpu.memory_space<hbm>>
    tpu.enqueue_dma source(%arg8 : memref<8192xf32, #tpu.memory_space<vmem>>) target(%dma_start3A_600 : memref<8192xf32, #tpu.memory_space<hbm>>) target_semaphore(%arg26 : memref<!tpu.dma_semaphore, #tpu.memory_space<semaphore_mem>>)
    %dma_wait3A_601 = tpu.memref_slice %arg4[%add3A_550] : memref<33554432xf32, #tpu.memory_space<hbm>> -> memref<8192xf32, #tpu.memory_space<hbm>>
    %dma_wait3A_602 = tpu.memref_slice %arg4[%add3A_550] : memref<33554432xf32, #tpu.memory_space<hbm>> -> memref<8192xf32, #tpu.memory_space<hbm>>
    tpu.wait_dma2 semaphore(%arg23 : memref<!tpu.dma_semaphore, #tpu.memory_space<semaphore_mem>>) src(%arg5 : memref<8192xf32, #tpu.memory_space<vmem>>) dst(%dma_wait3A_602 : memref<8192xf32, #tpu.memory_space<hbm>>)
    %add3A_603 = arith.constant 0 : i32
    %add3A_604 = arith.addi %add3A_603, %mul3A_4 : i32
    %add3A_605 = arith.constant 81920 : i32
    %add3A_606 = arith.addi %add3A_604, %add3A_605 : i32
    %dma_start3A_607 = tpu.memref_slice %arg2[%add3A_606] : memref<33554432xf32, #tpu.memory_space<hbm>> -> memref<8192xf32, #tpu.memory_space<hbm>>
    %dma_start3A_608 = tpu.memref_slice %arg2[%add3A_606] : memref<33554432xf32, #tpu.memory_space<hbm>> -> memref<8192xf32, #tpu.memory_space<hbm>>
    tpu.enqueue_dma source(%dma_start3A_608 : memref<8192xf32, #tpu.memory_space<hbm>>) target(%arg5 : memref<8192xf32, #tpu.memory_space<vmem>>) target_semaphore(%arg15 : memref<!tpu.dma_semaphore, #tpu.memory_space<semaphore_mem>>)
    %dma_wait3A_609 = tpu.memref_slice %arg2[%add3A_542] : memref<33554432xf32, #tpu.memory_space<hbm>> -> memref<8192xf32, #tpu.memory_space<hbm>>
    %dma_wait3A_610 = tpu.memref_slice %arg2[%add3A_542] : memref<33554432xf32, #tpu.memory_space<hbm>> -> memref<8192xf32, #tpu.memory_space<hbm>>
    tpu.wait_dma2 semaphore(%arg19 : memref<!tpu.dma_semaphore, #tpu.memory_space<semaphore_mem>>) src(%dma_wait3A_610 : memref<8192xf32, #tpu.memory_space<hbm>>) dst(%arg9 : memref<8192xf32, #tpu.memory_space<vmem>>)
    %add3A_611 = arith.constant 0 : i32
    %add3A_612 = arith.addi %add3A_611, %mul3A_4 : i32
    %add3A_613 = arith.constant 73728 : i32
    %add3A_614 = arith.addi %add3A_612, %add3A_613 : i32
    %dma_start3A_615 = tpu.memref_slice %arg4[%add3A_614] : memref<33554432xf32, #tpu.memory_space<hbm>> -> memref<8192xf32, #tpu.memory_space<hbm>>
    %dma_start3A_616 = tpu.memref_slice %arg4[%add3A_614] : memref<33554432xf32, #tpu.memory_space<hbm>> -> memref<8192xf32, #tpu.memory_space<hbm>>
    tpu.enqueue_dma source(%arg9 : memref<8192xf32, #tpu.memory_space<vmem>>) target(%dma_start3A_616 : memref<8192xf32, #tpu.memory_space<hbm>>) target_semaphore(%arg27 : memref<!tpu.dma_semaphore, #tpu.memory_space<semaphore_mem>>)
    %dma_wait3A_617 = tpu.memref_slice %arg4[%add3A_566] : memref<33554432xf32, #tpu.memory_space<hbm>> -> memref<8192xf32, #tpu.memory_space<hbm>>
    %dma_wait3A_618 = tpu.memref_slice %arg4[%add3A_566] : memref<33554432xf32, #tpu.memory_space<hbm>> -> memref<8192xf32, #tpu.memory_space<hbm>>
    tpu.wait_dma2 semaphore(%arg24 : memref<!tpu.dma_semaphore, #tpu.memory_space<semaphore_mem>>) src(%arg6 : memref<8192xf32, #tpu.memory_space<vmem>>) dst(%dma_wait3A_618 : memref<8192xf32, #tpu.memory_space<hbm>>)
    %add3A_619 = arith.constant 8388608 : i32
    %add3A_620 = arith.addi %add3A_619, %mul3A_4 : i32
    %add3A_621 = arith.constant 81920 : i32
    %add3A_622 = arith.addi %add3A_620, %add3A_621 : i32
    %dma_start3A_623 = tpu.memref_slice %arg2[%add3A_622] : memref<33554432xf32, #tpu.memory_space<hbm>> -> memref<8192xf32, #tpu.memory_space<hbm>>
    %dma_start3A_624 = tpu.memref_slice %arg2[%add3A_622] : memref<33554432xf32, #tpu.memory_space<hbm>> -> memref<8192xf32, #tpu.memory_space<hbm>>
    tpu.enqueue_dma source(%dma_start3A_624 : memref<8192xf32, #tpu.memory_space<hbm>>) target(%arg6 : memref<8192xf32, #tpu.memory_space<vmem>>) target_semaphore(%arg16 : memref<!tpu.dma_semaphore, #tpu.memory_space<semaphore_mem>>)
    %dma_wait3A_625 = tpu.memref_slice %arg2[%add3A_558] : memref<33554432xf32, #tpu.memory_space<hbm>> -> memref<8192xf32, #tpu.memory_space<hbm>>
    %dma_wait3A_626 = tpu.memref_slice %arg2[%add3A_558] : memref<33554432xf32, #tpu.memory_space<hbm>> -> memref<8192xf32, #tpu.memory_space<hbm>>
    tpu.wait_dma2 semaphore(%arg20 : memref<!tpu.dma_semaphore, #tpu.memory_space<semaphore_mem>>) src(%dma_wait3A_626 : memref<8192xf32, #tpu.memory_space<hbm>>) dst(%arg10 : memref<8192xf32, #tpu.memory_space<vmem>>)
    %add3A_627 = arith.constant 8388608 : i32
    %add3A_628 = arith.addi %add3A_627, %mul3A_4 : i32
    %add3A_629 = arith.constant 73728 : i32
    %add3A_630 = arith.addi %add3A_628, %add3A_629 : i32
    %dma_start3A_631 = tpu.memref_slice %arg4[%add3A_630] : memref<33554432xf32, #tpu.memory_space<hbm>> -> memref<8192xf32, #tpu.memory_space<hbm>>
    %dma_start3A_632 = tpu.memref_slice %arg4[%add3A_630] : memref<33554432xf32, #tpu.memory_space<hbm>> -> memref<8192xf32, #tpu.memory_space<hbm>>
    tpu.enqueue_dma source(%arg10 : memref<8192xf32, #tpu.memory_space<vmem>>) target(%dma_start3A_632 : memref<8192xf32, #tpu.memory_space<hbm>>) target_semaphore(%arg28 : memref<!tpu.dma_semaphore, #tpu.memory_space<semaphore_mem>>)
    %dma_wait3A_633 = tpu.memref_slice %arg4[%add3A_582] : memref<33554432xf32, #tpu.memory_space<hbm>> -> memref<8192xf32, #tpu.memory_space<hbm>>
    %dma_wait3A_634 = tpu.memref_slice %arg4[%add3A_582] : memref<33554432xf32, #tpu.memory_space<hbm>> -> memref<8192xf32, #tpu.memory_space<hbm>>
    tpu.wait_dma2 semaphore(%arg25 : memref<!tpu.dma_semaphore, #tpu.memory_space<semaphore_mem>>) src(%arg7 : memref<8192xf32, #tpu.memory_space<vmem>>) dst(%dma_wait3A_634 : memref<8192xf32, #tpu.memory_space<hbm>>)
    %add3A_635 = arith.constant 16777216 : i32
    %add3A_636 = arith.addi %add3A_635, %mul3A_4 : i32
    %add3A_637 = arith.constant 81920 : i32
    %add3A_638 = arith.addi %add3A_636, %add3A_637 : i32
    %dma_start3A_639 = tpu.memref_slice %arg2[%add3A_638] : memref<33554432xf32, #tpu.memory_space<hbm>> -> memref<8192xf32, #tpu.memory_space<hbm>>
    %dma_start3A_640 = tpu.memref_slice %arg2[%add3A_638] : memref<33554432xf32, #tpu.memory_space<hbm>> -> memref<8192xf32, #tpu.memory_space<hbm>>
    tpu.enqueue_dma source(%dma_start3A_640 : memref<8192xf32, #tpu.memory_space<hbm>>) target(%arg7 : memref<8192xf32, #tpu.memory_space<vmem>>) target_semaphore(%arg17 : memref<!tpu.dma_semaphore, #tpu.memory_space<semaphore_mem>>)
    %dma_wait3A_641 = tpu.memref_slice %arg2[%add3A_574] : memref<33554432xf32, #tpu.memory_space<hbm>> -> memref<8192xf32, #tpu.memory_space<hbm>>
    %dma_wait3A_642 = tpu.memref_slice %arg2[%add3A_574] : memref<33554432xf32, #tpu.memory_space<hbm>> -> memref<8192xf32, #tpu.memory_space<hbm>>
    tpu.wait_dma2 semaphore(%arg21 : memref<!tpu.dma_semaphore, #tpu.memory_space<semaphore_mem>>) src(%dma_wait3A_642 : memref<8192xf32, #tpu.memory_space<hbm>>) dst(%arg11 : memref<8192xf32, #tpu.memory_space<vmem>>)
    %add3A_643 = arith.constant 16777216 : i32
    %add3A_644 = arith.addi %add3A_643, %mul3A_4 : i32
    %add3A_645 = arith.constant 73728 : i32
    %add3A_646 = arith.addi %add3A_644, %add3A_645 : i32
    %dma_start3A_647 = tpu.memref_slice %arg4[%add3A_646] : memref<33554432xf32, #tpu.memory_space<hbm>> -> memref<8192xf32, #tpu.memory_space<hbm>>
    %dma_start3A_648 = tpu.memref_slice %arg4[%add3A_646] : memref<33554432xf32, #tpu.memory_space<hbm>> -> memref<8192xf32, #tpu.memory_space<hbm>>
    tpu.enqueue_dma source(%arg11 : memref<8192xf32, #tpu.memory_space<vmem>>) target(%dma_start3A_648 : memref<8192xf32, #tpu.memory_space<hbm>>) target_semaphore(%arg29 : memref<!tpu.dma_semaphore, #tpu.memory_space<semaphore_mem>>)
    %dma_wait3A_649 = tpu.memref_slice %arg4[%add3A_598] : memref<33554432xf32, #tpu.memory_space<hbm>> -> memref<8192xf32, #tpu.memory_space<hbm>>
    %dma_wait3A_650 = tpu.memref_slice %arg4[%add3A_598] : memref<33554432xf32, #tpu.memory_space<hbm>> -> memref<8192xf32, #tpu.memory_space<hbm>>
    tpu.wait_dma2 semaphore(%arg26 : memref<!tpu.dma_semaphore, #tpu.memory_space<semaphore_mem>>) src(%arg8 : memref<8192xf32, #tpu.memory_space<vmem>>) dst(%dma_wait3A_650 : memref<8192xf32, #tpu.memory_space<hbm>>)
    %add3A_651 = arith.constant 25165824 : i32
    %add3A_652 = arith.addi %add3A_651, %mul3A_4 : i32
    %add3A_653 = arith.constant 81920 : i32
    %add3A_654 = arith.addi %add3A_652, %add3A_653 : i32
    %dma_start3A_655 = tpu.memref_slice %arg2[%add3A_654] : memref<33554432xf32, #tpu.memory_space<hbm>> -> memref<8192xf32, #tpu.memory_space<hbm>>
    %dma_start3A_656 = tpu.memref_slice %arg2[%add3A_654] : memref<33554432xf32, #tpu.memory_space<hbm>> -> memref<8192xf32, #tpu.memory_space<hbm>>
    tpu.enqueue_dma source(%dma_start3A_656 : memref<8192xf32, #tpu.memory_space<hbm>>) target(%arg8 : memref<8192xf32, #tpu.memory_space<vmem>>) target_semaphore(%arg18 : memref<!tpu.dma_semaphore, #tpu.memory_space<semaphore_mem>>)
    %dma_wait3A_657 = tpu.memref_slice %arg2[%add3A_590] : memref<33554432xf32, #tpu.memory_space<hbm>> -> memref<8192xf32, #tpu.memory_space<hbm>>
    %dma_wait3A_658 = tpu.memref_slice %arg2[%add3A_590] : memref<33554432xf32, #tpu.memory_space<hbm>> -> memref<8192xf32, #tpu.memory_space<hbm>>
    tpu.wait_dma2 semaphore(%arg22 : memref<!tpu.dma_semaphore, #tpu.memory_space<semaphore_mem>>) src(%dma_wait3A_658 : memref<8192xf32, #tpu.memory_space<hbm>>) dst(%arg12 : memref<8192xf32, #tpu.memory_space<vmem>>)
    %add3A_659 = arith.constant 25165824 : i32
    %add3A_660 = arith.addi %add3A_659, %mul3A_4 : i32
    %add3A_661 = arith.constant 73728 : i32
    %add3A_662 = arith.addi %add3A_660, %add3A_661 : i32
    %dma_start3A_663 = tpu.memref_slice %arg4[%add3A_662] : memref<33554432xf32, #tpu.memory_space<hbm>> -> memref<8192xf32, #tpu.memory_space<hbm>>
    %dma_start3A_664 = tpu.memref_slice %arg4[%add3A_662] : memref<33554432xf32, #tpu.memory_space<hbm>> -> memref<8192xf32, #tpu.memory_space<hbm>>
    tpu.enqueue_dma source(%arg12 : memref<8192xf32, #tpu.memory_space<vmem>>) target(%dma_start3A_664 : memref<8192xf32, #tpu.memory_space<hbm>>) target_semaphore(%arg30 : memref<!tpu.dma_semaphore, #tpu.memory_space<semaphore_mem>>)
    %dma_wait3A_665 = tpu.memref_slice %arg4[%add3A_614] : memref<33554432xf32, #tpu.memory_space<hbm>> -> memref<8192xf32, #tpu.memory_space<hbm>>
    %dma_wait3A_666 = tpu.memref_slice %arg4[%add3A_614] : memref<33554432xf32, #tpu.memory_space<hbm>> -> memref<8192xf32, #tpu.memory_space<hbm>>
    tpu.wait_dma2 semaphore(%arg27 : memref<!tpu.dma_semaphore, #tpu.memory_space<semaphore_mem>>) src(%arg9 : memref<8192xf32, #tpu.memory_space<vmem>>) dst(%dma_wait3A_666 : memref<8192xf32, #tpu.memory_space<hbm>>)
    %add3A_667 = arith.constant 0 : i32
    %add3A_668 = arith.addi %add3A_667, %mul3A_4 : i32
    %add3A_669 = arith.constant 90112 : i32
    %add3A_670 = arith.addi %add3A_668, %add3A_669 : i32
    %dma_start3A_671 = tpu.memref_slice %arg2[%add3A_670] : memref<33554432xf32, #tpu.memory_space<hbm>> -> memref<8192xf32, #tpu.memory_space<hbm>>
    %dma_start3A_672 = tpu.memref_slice %arg2[%add3A_670] : memref<33554432xf32, #tpu.memory_space<hbm>> -> memref<8192xf32, #tpu.memory_space<hbm>>
    tpu.enqueue_dma source(%dma_start3A_672 : memref<8192xf32, #tpu.memory_space<hbm>>) target(%arg9 : memref<8192xf32, #tpu.memory_space<vmem>>) target_semaphore(%arg19 : memref<!tpu.dma_semaphore, #tpu.memory_space<semaphore_mem>>)
    %dma_wait3A_673 = tpu.memref_slice %arg2[%add3A_606] : memref<33554432xf32, #tpu.memory_space<hbm>> -> memref<8192xf32, #tpu.memory_space<hbm>>
    %dma_wait3A_674 = tpu.memref_slice %arg2[%add3A_606] : memref<33554432xf32, #tpu.memory_space<hbm>> -> memref<8192xf32, #tpu.memory_space<hbm>>
    tpu.wait_dma2 semaphore(%arg15 : memref<!tpu.dma_semaphore, #tpu.memory_space<semaphore_mem>>) src(%dma_wait3A_674 : memref<8192xf32, #tpu.memory_space<hbm>>) dst(%arg5 : memref<8192xf32, #tpu.memory_space<vmem>>)
    %add3A_675 = arith.constant 0 : i32
    %add3A_676 = arith.addi %add3A_675, %mul3A_4 : i32
    %add3A_677 = arith.constant 81920 : i32
    %add3A_678 = arith.addi %add3A_676, %add3A_677 : i32
    %dma_start3A_679 = tpu.memref_slice %arg4[%add3A_678] : memref<33554432xf32, #tpu.memory_space<hbm>> -> memref<8192xf32, #tpu.memory_space<hbm>>
    %dma_start3A_680 = tpu.memref_slice %arg4[%add3A_678] : memref<33554432xf32, #tpu.memory_space<hbm>> -> memref<8192xf32, #tpu.memory_space<hbm>>
    tpu.enqueue_dma source(%arg5 : memref<8192xf32, #tpu.memory_space<vmem>>) target(%dma_start3A_680 : memref<8192xf32, #tpu.memory_space<hbm>>) target_semaphore(%arg23 : memref<!tpu.dma_semaphore, #tpu.memory_space<semaphore_mem>>)
    %dma_wait3A_681 = tpu.memref_slice %arg4[%add3A_630] : memref<33554432xf32, #tpu.memory_space<hbm>> -> memref<8192xf32, #tpu.memory_space<hbm>>
    %dma_wait3A_682 = tpu.memref_slice %arg4[%add3A_630] : memref<33554432xf32, #tpu.memory_space<hbm>> -> memref<8192xf32, #tpu.memory_space<hbm>>
    tpu.wait_dma2 semaphore(%arg28 : memref<!tpu.dma_semaphore, #tpu.memory_space<semaphore_mem>>) src(%arg10 : memref<8192xf32, #tpu.memory_space<vmem>>) dst(%dma_wait3A_682 : memref<8192xf32, #tpu.memory_space<hbm>>)
    %add3A_683 = arith.constant 8388608 : i32
    %add3A_684 = arith.addi %add3A_683, %mul3A_4 : i32
    %add3A_685 = arith.constant 90112 : i32
    %add3A_686 = arith.addi %add3A_684, %add3A_685 : i32
    %dma_start3A_687 = tpu.memref_slice %arg2[%add3A_686] : memref<33554432xf32, #tpu.memory_space<hbm>> -> memref<8192xf32, #tpu.memory_space<hbm>>
    %dma_start3A_688 = tpu.memref_slice %arg2[%add3A_686] : memref<33554432xf32, #tpu.memory_space<hbm>> -> memref<8192xf32, #tpu.memory_space<hbm>>
    tpu.enqueue_dma source(%dma_start3A_688 : memref<8192xf32, #tpu.memory_space<hbm>>) target(%arg10 : memref<8192xf32, #tpu.memory_space<vmem>>) target_semaphore(%arg20 : memref<!tpu.dma_semaphore, #tpu.memory_space<semaphore_mem>>)
    %dma_wait3A_689 = tpu.memref_slice %arg2[%add3A_622] : memref<33554432xf32, #tpu.memory_space<hbm>> -> memref<8192xf32, #tpu.memory_space<hbm>>
    %dma_wait3A_690 = tpu.memref_slice %arg2[%add3A_622] : memref<33554432xf32, #tpu.memory_space<hbm>> -> memref<8192xf32, #tpu.memory_space<hbm>>
    tpu.wait_dma2 semaphore(%arg16 : memref<!tpu.dma_semaphore, #tpu.memory_space<semaphore_mem>>) src(%dma_wait3A_690 : memref<8192xf32, #tpu.memory_space<hbm>>) dst(%arg6 : memref<8192xf32, #tpu.memory_space<vmem>>)
    %add3A_691 = arith.constant 8388608 : i32
    %add3A_692 = arith.addi %add3A_691, %mul3A_4 : i32
    %add3A_693 = arith.constant 81920 : i32
    %add3A_694 = arith.addi %add3A_692, %add3A_693 : i32
    %dma_start3A_695 = tpu.memref_slice %arg4[%add3A_694] : memref<33554432xf32, #tpu.memory_space<hbm>> -> memref<8192xf32, #tpu.memory_space<hbm>>
    %dma_start3A_696 = tpu.memref_slice %arg4[%add3A_694] : memref<33554432xf32, #tpu.memory_space<hbm>> -> memref<8192xf32, #tpu.memory_space<hbm>>
    tpu.enqueue_dma source(%arg6 : memref<8192xf32, #tpu.memory_space<vmem>>) target(%dma_start3A_696 : memref<8192xf32, #tpu.memory_space<hbm>>) target_semaphore(%arg24 : memref<!tpu.dma_semaphore, #tpu.memory_space<semaphore_mem>>)
    %dma_wait3A_697 = tpu.memref_slice %arg4[%add3A_646] : memref<33554432xf32, #tpu.memory_space<hbm>> -> memref<8192xf32, #tpu.memory_space<hbm>>
    %dma_wait3A_698 = tpu.memref_slice %arg4[%add3A_646] : memref<33554432xf32, #tpu.memory_space<hbm>> -> memref<8192xf32, #tpu.memory_space<hbm>>
    tpu.wait_dma2 semaphore(%arg29 : memref<!tpu.dma_semaphore, #tpu.memory_space<semaphore_mem>>) src(%arg11 : memref<8192xf32, #tpu.memory_space<vmem>>) dst(%dma_wait3A_698 : memref<8192xf32, #tpu.memory_space<hbm>>)
    %add3A_699 = arith.constant 16777216 : i32
    %add3A_700 = arith.addi %add3A_699, %mul3A_4 : i32
    %add3A_701 = arith.constant 90112 : i32
    %add3A_702 = arith.addi %add3A_700, %add3A_701 : i32
    %dma_start3A_703 = tpu.memref_slice %arg2[%add3A_702] : memref<33554432xf32, #tpu.memory_space<hbm>> -> memref<8192xf32, #tpu.memory_space<hbm>>
    %dma_start3A_704 = tpu.memref_slice %arg2[%add3A_702] : memref<33554432xf32, #tpu.memory_space<hbm>> -> memref<8192xf32, #tpu.memory_space<hbm>>
    tpu.enqueue_dma source(%dma_start3A_704 : memref<8192xf32, #tpu.memory_space<hbm>>) target(%arg11 : memref<8192xf32, #tpu.memory_space<vmem>>) target_semaphore(%arg21 : memref<!tpu.dma_semaphore, #tpu.memory_space<semaphore_mem>>)
    %dma_wait3A_705 = tpu.memref_slice %arg2[%add3A_638] : memref<33554432xf32, #tpu.memory_space<hbm>> -> memref<8192xf32, #tpu.memory_space<hbm>>
    %dma_wait3A_706 = tpu.memref_slice %arg2[%add3A_638] : memref<33554432xf32, #tpu.memory_space<hbm>> -> memref<8192xf32, #tpu.memory_space<hbm>>
    tpu.wait_dma2 semaphore(%arg17 : memref<!tpu.dma_semaphore, #tpu.memory_space<semaphore_mem>>) src(%dma_wait3A_706 : memref<8192xf32, #tpu.memory_space<hbm>>) dst(%arg7 : memref<8192xf32, #tpu.memory_space<vmem>>)
    %add3A_707 = arith.constant 16777216 : i32
    %add3A_708 = arith.addi %add3A_707, %mul3A_4 : i32
    %add3A_709 = arith.constant 81920 : i32
    %add3A_710 = arith.addi %add3A_708, %add3A_709 : i32
    %dma_start3A_711 = tpu.memref_slice %arg4[%add3A_710] : memref<33554432xf32, #tpu.memory_space<hbm>> -> memref<8192xf32, #tpu.memory_space<hbm>>
    %dma_start3A_712 = tpu.memref_slice %arg4[%add3A_710] : memref<33554432xf32, #tpu.memory_space<hbm>> -> memref<8192xf32, #tpu.memory_space<hbm>>
    tpu.enqueue_dma source(%arg7 : memref<8192xf32, #tpu.memory_space<vmem>>) target(%dma_start3A_712 : memref<8192xf32, #tpu.memory_space<hbm>>) target_semaphore(%arg25 : memref<!tpu.dma_semaphore, #tpu.memory_space<semaphore_mem>>)
    %dma_wait3A_713 = tpu.memref_slice %arg4[%add3A_662] : memref<33554432xf32, #tpu.memory_space<hbm>> -> memref<8192xf32, #tpu.memory_space<hbm>>
    %dma_wait3A_714 = tpu.memref_slice %arg4[%add3A_662] : memref<33554432xf32, #tpu.memory_space<hbm>> -> memref<8192xf32, #tpu.memory_space<hbm>>
    tpu.wait_dma2 semaphore(%arg30 : memref<!tpu.dma_semaphore, #tpu.memory_space<semaphore_mem>>) src(%arg12 : memref<8192xf32, #tpu.memory_space<vmem>>) dst(%dma_wait3A_714 : memref<8192xf32, #tpu.memory_space<hbm>>)
    %add3A_715 = arith.constant 25165824 : i32
    %add3A_716 = arith.addi %add3A_715, %mul3A_4 : i32
    %add3A_717 = arith.constant 90112 : i32
    %add3A_718 = arith.addi %add3A_716, %add3A_717 : i32
    %dma_start3A_719 = tpu.memref_slice %arg2[%add3A_718] : memref<33554432xf32, #tpu.memory_space<hbm>> -> memref<8192xf32, #tpu.memory_space<hbm>>
    %dma_start3A_720 = tpu.memref_slice %arg2[%add3A_718] : memref<33554432xf32, #tpu.memory_space<hbm>> -> memref<8192xf32, #tpu.memory_space<hbm>>
    tpu.enqueue_dma source(%dma_start3A_720 : memref<8192xf32, #tpu.memory_space<hbm>>) target(%arg12 : memref<8192xf32, #tpu.memory_space<vmem>>) target_semaphore(%arg22 : memref<!tpu.dma_semaphore, #tpu.memory_space<semaphore_mem>>)
    %dma_wait3A_721 = tpu.memref_slice %arg2[%add3A_654] : memref<33554432xf32, #tpu.memory_space<hbm>> -> memref<8192xf32, #tpu.memory_space<hbm>>
    %dma_wait3A_722 = tpu.memref_slice %arg2[%add3A_654] : memref<33554432xf32, #tpu.memory_space<hbm>> -> memref<8192xf32, #tpu.memory_space<hbm>>
    tpu.wait_dma2 semaphore(%arg18 : memref<!tpu.dma_semaphore, #tpu.memory_space<semaphore_mem>>) src(%dma_wait3A_722 : memref<8192xf32, #tpu.memory_space<hbm>>) dst(%arg8 : memref<8192xf32, #tpu.memory_space<vmem>>)
    %add3A_723 = arith.constant 25165824 : i32
    %add3A_724 = arith.addi %add3A_723, %mul3A_4 : i32
    %add3A_725 = arith.constant 81920 : i32
    %add3A_726 = arith.addi %add3A_724, %add3A_725 : i32
    %dma_start3A_727 = tpu.memref_slice %arg4[%add3A_726] : memref<33554432xf32, #tpu.memory_space<hbm>> -> memref<8192xf32, #tpu.memory_space<hbm>>
    %dma_start3A_728 = tpu.memref_slice %arg4[%add3A_726] : memref<33554432xf32, #tpu.memory_space<hbm>> -> memref<8192xf32, #tpu.memory_space<hbm>>
    tpu.enqueue_dma source(%arg8 : memref<8192xf32, #tpu.memory_space<vmem>>) target(%dma_start3A_728 : memref<8192xf32, #tpu.memory_space<hbm>>) target_semaphore(%arg26 : memref<!tpu.dma_semaphore, #tpu.memory_space<semaphore_mem>>)
    %dma_wait3A_729 = tpu.memref_slice %arg4[%add3A_678] : memref<33554432xf32, #tpu.memory_space<hbm>> -> memref<8192xf32, #tpu.memory_space<hbm>>
    %dma_wait3A_730 = tpu.memref_slice %arg4[%add3A_678] : memref<33554432xf32, #tpu.memory_space<hbm>> -> memref<8192xf32, #tpu.memory_space<hbm>>
    tpu.wait_dma2 semaphore(%arg23 : memref<!tpu.dma_semaphore, #tpu.memory_space<semaphore_mem>>) src(%arg5 : memref<8192xf32, #tpu.memory_space<vmem>>) dst(%dma_wait3A_730 : memref<8192xf32, #tpu.memory_space<hbm>>)
    %add3A_731 = arith.constant 0 : i32
    %add3A_732 = arith.addi %add3A_731, %mul3A_4 : i32
    %add3A_733 = arith.constant 98304 : i32
    %add3A_734 = arith.addi %add3A_732, %add3A_733 : i32
    %dma_start3A_735 = tpu.memref_slice %arg2[%add3A_734] : memref<33554432xf32, #tpu.memory_space<hbm>> -> memref<8192xf32, #tpu.memory_space<hbm>>
    %dma_start3A_736 = tpu.memref_slice %arg2[%add3A_734] : memref<33554432xf32, #tpu.memory_space<hbm>> -> memref<8192xf32, #tpu.memory_space<hbm>>
    tpu.enqueue_dma source(%dma_start3A_736 : memref<8192xf32, #tpu.memory_space<hbm>>) target(%arg5 : memref<8192xf32, #tpu.memory_space<vmem>>) target_semaphore(%arg15 : memref<!tpu.dma_semaphore, #tpu.memory_space<semaphore_mem>>)
    %dma_wait3A_737 = tpu.memref_slice %arg2[%add3A_670] : memref<33554432xf32, #tpu.memory_space<hbm>> -> memref<8192xf32, #tpu.memory_space<hbm>>
    %dma_wait3A_738 = tpu.memref_slice %arg2[%add3A_670] : memref<33554432xf32, #tpu.memory_space<hbm>> -> memref<8192xf32, #tpu.memory_space<hbm>>
    tpu.wait_dma2 semaphore(%arg19 : memref<!tpu.dma_semaphore, #tpu.memory_space<semaphore_mem>>) src(%dma_wait3A_738 : memref<8192xf32, #tpu.memory_space<hbm>>) dst(%arg9 : memref<8192xf32, #tpu.memory_space<vmem>>)
    %add3A_739 = arith.constant 0 : i32
    %add3A_740 = arith.addi %add3A_739, %mul3A_4 : i32
    %add3A_741 = arith.constant 90112 : i32
    %add3A_742 = arith.addi %add3A_740, %add3A_741 : i32
    %dma_start3A_743 = tpu.memref_slice %arg4[%add3A_742] : memref<33554432xf32, #tpu.memory_space<hbm>> -> memref<8192xf32, #tpu.memory_space<hbm>>
    %dma_start3A_744 = tpu.memref_slice %arg4[%add3A_742] : memref<33554432xf32, #tpu.memory_space<hbm>> -> memref<8192xf32, #tpu.memory_space<hbm>>
    tpu.enqueue_dma source(%arg9 : memref<8192xf32, #tpu.memory_space<vmem>>) target(%dma_start3A_744 : memref<8192xf32, #tpu.memory_space<hbm>>) target_semaphore(%arg27 : memref<!tpu.dma_semaphore, #tpu.memory_space<semaphore_mem>>)
    %dma_wait3A_745 = tpu.memref_slice %arg4[%add3A_694] : memref<33554432xf32, #tpu.memory_space<hbm>> -> memref<8192xf32, #tpu.memory_space<hbm>>
    %dma_wait3A_746 = tpu.memref_slice %arg4[%add3A_694] : memref<33554432xf32, #tpu.memory_space<hbm>> -> memref<8192xf32, #tpu.memory_space<hbm>>
    tpu.wait_dma2 semaphore(%arg24 : memref<!tpu.dma_semaphore, #tpu.memory_space<semaphore_mem>>) src(%arg6 : memref<8192xf32, #tpu.memory_space<vmem>>) dst(%dma_wait3A_746 : memref<8192xf32, #tpu.memory_space<hbm>>)
    %add3A_747 = arith.constant 8388608 : i32
    %add3A_748 = arith.addi %add3A_747, %mul3A_4 : i32
    %add3A_749 = arith.constant 98304 : i32
    %add3A_750 = arith.addi %add3A_748, %add3A_749 : i32
    %dma_start3A_751 = tpu.memref_slice %arg2[%add3A_750] : memref<33554432xf32, #tpu.memory_space<hbm>> -> memref<8192xf32, #tpu.memory_space<hbm>>
    %dma_start3A_752 = tpu.memref_slice %arg2[%add3A_750] : memref<33554432xf32, #tpu.memory_space<hbm>> -> memref<8192xf32, #tpu.memory_space<hbm>>
    tpu.enqueue_dma source(%dma_start3A_752 : memref<8192xf32, #tpu.memory_space<hbm>>) target(%arg6 : memref<8192xf32, #tpu.memory_space<vmem>>) target_semaphore(%arg16 : memref<!tpu.dma_semaphore, #tpu.memory_space<semaphore_mem>>)
    %dma_wait3A_753 = tpu.memref_slice %arg2[%add3A_686] : memref<33554432xf32, #tpu.memory_space<hbm>> -> memref<8192xf32, #tpu.memory_space<hbm>>
    %dma_wait3A_754 = tpu.memref_slice %arg2[%add3A_686] : memref<33554432xf32, #tpu.memory_space<hbm>> -> memref<8192xf32, #tpu.memory_space<hbm>>
    tpu.wait_dma2 semaphore(%arg20 : memref<!tpu.dma_semaphore, #tpu.memory_space<semaphore_mem>>) src(%dma_wait3A_754 : memref<8192xf32, #tpu.memory_space<hbm>>) dst(%arg10 : memref<8192xf32, #tpu.memory_space<vmem>>)
    %add3A_755 = arith.constant 8388608 : i32
    %add3A_756 = arith.addi %add3A_755, %mul3A_4 : i32
    %add3A_757 = arith.constant 90112 : i32
    %add3A_758 = arith.addi %add3A_756, %add3A_757 : i32
    %dma_start3A_759 = tpu.memref_slice %arg4[%add3A_758] : memref<33554432xf32, #tpu.memory_space<hbm>> -> memref<8192xf32, #tpu.memory_space<hbm>>
    %dma_start3A_760 = tpu.memref_slice %arg4[%add3A_758] : memref<33554432xf32, #tpu.memory_space<hbm>> -> memref<8192xf32, #tpu.memory_space<hbm>>
    tpu.enqueue_dma source(%arg10 : memref<8192xf32, #tpu.memory_space<vmem>>) target(%dma_start3A_760 : memref<8192xf32, #tpu.memory_space<hbm>>) target_semaphore(%arg28 : memref<!tpu.dma_semaphore, #tpu.memory_space<semaphore_mem>>)
    %dma_wait3A_761 = tpu.memref_slice %arg4[%add3A_710] : memref<33554432xf32, #tpu.memory_space<hbm>> -> memref<8192xf32, #tpu.memory_space<hbm>>
    %dma_wait3A_762 = tpu.memref_slice %arg4[%add3A_710] : memref<33554432xf32, #tpu.memory_space<hbm>> -> memref<8192xf32, #tpu.memory_space<hbm>>
    tpu.wait_dma2 semaphore(%arg25 : memref<!tpu.dma_semaphore, #tpu.memory_space<semaphore_mem>>) src(%arg7 : memref<8192xf32, #tpu.memory_space<vmem>>) dst(%dma_wait3A_762 : memref<8192xf32, #tpu.memory_space<hbm>>)
    %add3A_763 = arith.constant 16777216 : i32
    %add3A_764 = arith.addi %add3A_763, %mul3A_4 : i32
    %add3A_765 = arith.constant 98304 : i32
    %add3A_766 = arith.addi %add3A_764, %add3A_765 : i32
    %dma_start3A_767 = tpu.memref_slice %arg2[%add3A_766] : memref<33554432xf32, #tpu.memory_space<hbm>> -> memref<8192xf32, #tpu.memory_space<hbm>>
    %dma_start3A_768 = tpu.memref_slice %arg2[%add3A_766] : memref<33554432xf32, #tpu.memory_space<hbm>> -> memref<8192xf32, #tpu.memory_space<hbm>>
    tpu.enqueue_dma source(%dma_start3A_768 : memref<8192xf32, #tpu.memory_space<hbm>>) target(%arg7 : memref<8192xf32, #tpu.memory_space<vmem>>) target_semaphore(%arg17 : memref<!tpu.dma_semaphore, #tpu.memory_space<semaphore_mem>>)
    %dma_wait3A_769 = tpu.memref_slice %arg2[%add3A_702] : memref<33554432xf32, #tpu.memory_space<hbm>> -> memref<8192xf32, #tpu.memory_space<hbm>>
    %dma_wait3A_770 = tpu.memref_slice %arg2[%add3A_702] : memref<33554432xf32, #tpu.memory_space<hbm>> -> memref<8192xf32, #tpu.memory_space<hbm>>
    tpu.wait_dma2 semaphore(%arg21 : memref<!tpu.dma_semaphore, #tpu.memory_space<semaphore_mem>>) src(%dma_wait3A_770 : memref<8192xf32, #tpu.memory_space<hbm>>) dst(%arg11 : memref<8192xf32, #tpu.memory_space<vmem>>)
    %add3A_771 = arith.constant 16777216 : i32
    %add3A_772 = arith.addi %add3A_771, %mul3A_4 : i32
    %add3A_773 = arith.constant 90112 : i32
    %add3A_774 = arith.addi %add3A_772, %add3A_773 : i32
    %dma_start3A_775 = tpu.memref_slice %arg4[%add3A_774] : memref<33554432xf32, #tpu.memory_space<hbm>> -> memref<8192xf32, #tpu.memory_space<hbm>>
    %dma_start3A_776 = tpu.memref_slice %arg4[%add3A_774] : memref<33554432xf32, #tpu.memory_space<hbm>> -> memref<8192xf32, #tpu.memory_space<hbm>>
    tpu.enqueue_dma source(%arg11 : memref<8192xf32, #tpu.memory_space<vmem>>) target(%dma_start3A_776 : memref<8192xf32, #tpu.memory_space<hbm>>) target_semaphore(%arg29 : memref<!tpu.dma_semaphore, #tpu.memory_space<semaphore_mem>>)
    %dma_wait3A_777 = tpu.memref_slice %arg4[%add3A_726] : memref<33554432xf32, #tpu.memory_space<hbm>> -> memref<8192xf32, #tpu.memory_space<hbm>>
    %dma_wait3A_778 = tpu.memref_slice %arg4[%add3A_726] : memref<33554432xf32, #tpu.memory_space<hbm>> -> memref<8192xf32, #tpu.memory_space<hbm>>
    tpu.wait_dma2 semaphore(%arg26 : memref<!tpu.dma_semaphore, #tpu.memory_space<semaphore_mem>>) src(%arg8 : memref<8192xf32, #tpu.memory_space<vmem>>) dst(%dma_wait3A_778 : memref<8192xf32, #tpu.memory_space<hbm>>)
    %add3A_779 = arith.constant 25165824 : i32
    %add3A_780 = arith.addi %add3A_779, %mul3A_4 : i32
    %add3A_781 = arith.constant 98304 : i32
    %add3A_782 = arith.addi %add3A_780, %add3A_781 : i32
    %dma_start3A_783 = tpu.memref_slice %arg2[%add3A_782] : memref<33554432xf32, #tpu.memory_space<hbm>> -> memref<8192xf32, #tpu.memory_space<hbm>>
    %dma_start3A_784 = tpu.memref_slice %arg2[%add3A_782] : memref<33554432xf32, #tpu.memory_space<hbm>> -> memref<8192xf32, #tpu.memory_space<hbm>>
    tpu.enqueue_dma source(%dma_start3A_784 : memref<8192xf32, #tpu.memory_space<hbm>>) target(%arg8 : memref<8192xf32, #tpu.memory_space<vmem>>) target_semaphore(%arg18 : memref<!tpu.dma_semaphore, #tpu.memory_space<semaphore_mem>>)
    %dma_wait3A_785 = tpu.memref_slice %arg2[%add3A_718] : memref<33554432xf32, #tpu.memory_space<hbm>> -> memref<8192xf32, #tpu.memory_space<hbm>>
    %dma_wait3A_786 = tpu.memref_slice %arg2[%add3A_718] : memref<33554432xf32, #tpu.memory_space<hbm>> -> memref<8192xf32, #tpu.memory_space<hbm>>
    tpu.wait_dma2 semaphore(%arg22 : memref<!tpu.dma_semaphore, #tpu.memory_space<semaphore_mem>>) src(%dma_wait3A_786 : memref<8192xf32, #tpu.memory_space<hbm>>) dst(%arg12 : memref<8192xf32, #tpu.memory_space<vmem>>)
    %add3A_787 = arith.constant 25165824 : i32
    %add3A_788 = arith.addi %add3A_787, %mul3A_4 : i32
    %add3A_789 = arith.constant 90112 : i32
    %add3A_790 = arith.addi %add3A_788, %add3A_789 : i32
    %dma_start3A_791 = tpu.memref_slice %arg4[%add3A_790] : memref<33554432xf32, #tpu.memory_space<hbm>> -> memref<8192xf32, #tpu.memory_space<hbm>>
    %dma_start3A_792 = tpu.memref_slice %arg4[%add3A_790] : memref<33554432xf32, #tpu.memory_space<hbm>> -> memref<8192xf32, #tpu.memory_space<hbm>>
    tpu.enqueue_dma source(%arg12 : memref<8192xf32, #tpu.memory_space<vmem>>) target(%dma_start3A_792 : memref<8192xf32, #tpu.memory_space<hbm>>) target_semaphore(%arg30 : memref<!tpu.dma_semaphore, #tpu.memory_space<semaphore_mem>>)
    %dma_wait3A_793 = tpu.memref_slice %arg4[%add3A_742] : memref<33554432xf32, #tpu.memory_space<hbm>> -> memref<8192xf32, #tpu.memory_space<hbm>>
    %dma_wait3A_794 = tpu.memref_slice %arg4[%add3A_742] : memref<33554432xf32, #tpu.memory_space<hbm>> -> memref<8192xf32, #tpu.memory_space<hbm>>
    tpu.wait_dma2 semaphore(%arg27 : memref<!tpu.dma_semaphore, #tpu.memory_space<semaphore_mem>>) src(%arg9 : memref<8192xf32, #tpu.memory_space<vmem>>) dst(%dma_wait3A_794 : memref<8192xf32, #tpu.memory_space<hbm>>)
    %add3A_795 = arith.constant 0 : i32
    %add3A_796 = arith.addi %add3A_795, %mul3A_4 : i32
    %add3A_797 = arith.constant 106496 : i32
    %add3A_798 = arith.addi %add3A_796, %add3A_797 : i32
    %dma_start3A_799 = tpu.memref_slice %arg2[%add3A_798] : memref<33554432xf32, #tpu.memory_space<hbm>> -> memref<8192xf32, #tpu.memory_space<hbm>>
    %dma_start3A_800 = tpu.memref_slice %arg2[%add3A_798] : memref<33554432xf32, #tpu.memory_space<hbm>> -> memref<8192xf32, #tpu.memory_space<hbm>>
    tpu.enqueue_dma source(%dma_start3A_800 : memref<8192xf32, #tpu.memory_space<hbm>>) target(%arg9 : memref<8192xf32, #tpu.memory_space<vmem>>) target_semaphore(%arg19 : memref<!tpu.dma_semaphore, #tpu.memory_space<semaphore_mem>>)
    %dma_wait3A_801 = tpu.memref_slice %arg2[%add3A_734] : memref<33554432xf32, #tpu.memory_space<hbm>> -> memref<8192xf32, #tpu.memory_space<hbm>>
    %dma_wait3A_802 = tpu.memref_slice %arg2[%add3A_734] : memref<33554432xf32, #tpu.memory_space<hbm>> -> memref<8192xf32, #tpu.memory_space<hbm>>
    tpu.wait_dma2 semaphore(%arg15 : memref<!tpu.dma_semaphore, #tpu.memory_space<semaphore_mem>>) src(%dma_wait3A_802 : memref<8192xf32, #tpu.memory_space<hbm>>) dst(%arg5 : memref<8192xf32, #tpu.memory_space<vmem>>)
    %add3A_803 = arith.constant 0 : i32
    %add3A_804 = arith.addi %add3A_803, %mul3A_4 : i32
    %add3A_805 = arith.constant 98304 : i32
    %add3A_806 = arith.addi %add3A_804, %add3A_805 : i32
    %dma_start3A_807 = tpu.memref_slice %arg4[%add3A_806] : memref<33554432xf32, #tpu.memory_space<hbm>> -> memref<8192xf32, #tpu.memory_space<hbm>>
    %dma_start3A_808 = tpu.memref_slice %arg4[%add3A_806] : memref<33554432xf32, #tpu.memory_space<hbm>> -> memref<8192xf32, #tpu.memory_space<hbm>>
    tpu.enqueue_dma source(%arg5 : memref<8192xf32, #tpu.memory_space<vmem>>) target(%dma_start3A_808 : memref<8192xf32, #tpu.memory_space<hbm>>) target_semaphore(%arg23 : memref<!tpu.dma_semaphore, #tpu.memory_space<semaphore_mem>>)
    %dma_wait3A_809 = tpu.memref_slice %arg4[%add3A_758] : memref<33554432xf32, #tpu.memory_space<hbm>> -> memref<8192xf32, #tpu.memory_space<hbm>>
    %dma_wait3A_810 = tpu.memref_slice %arg4[%add3A_758] : memref<33554432xf32, #tpu.memory_space<hbm>> -> memref<8192xf32, #tpu.memory_space<hbm>>
    tpu.wait_dma2 semaphore(%arg28 : memref<!tpu.dma_semaphore, #tpu.memory_space<semaphore_mem>>) src(%arg10 : memref<8192xf32, #tpu.memory_space<vmem>>) dst(%dma_wait3A_810 : memref<8192xf32, #tpu.memory_space<hbm>>)
    %add3A_811 = arith.constant 8388608 : i32
    %add3A_812 = arith.addi %add3A_811, %mul3A_4 : i32
    %add3A_813 = arith.constant 106496 : i32
    %add3A_814 = arith.addi %add3A_812, %add3A_813 : i32
    %dma_start3A_815 = tpu.memref_slice %arg2[%add3A_814] : memref<33554432xf32, #tpu.memory_space<hbm>> -> memref<8192xf32, #tpu.memory_space<hbm>>
    %dma_start3A_816 = tpu.memref_slice %arg2[%add3A_814] : memref<33554432xf32, #tpu.memory_space<hbm>> -> memref<8192xf32, #tpu.memory_space<hbm>>
    tpu.enqueue_dma source(%dma_start3A_816 : memref<8192xf32, #tpu.memory_space<hbm>>) target(%arg10 : memref<8192xf32, #tpu.memory_space<vmem>>) target_semaphore(%arg20 : memref<!tpu.dma_semaphore, #tpu.memory_space<semaphore_mem>>)
    %dma_wait3A_817 = tpu.memref_slice %arg2[%add3A_750] : memref<33554432xf32, #tpu.memory_space<hbm>> -> memref<8192xf32, #tpu.memory_space<hbm>>
    %dma_wait3A_818 = tpu.memref_slice %arg2[%add3A_750] : memref<33554432xf32, #tpu.memory_space<hbm>> -> memref<8192xf32, #tpu.memory_space<hbm>>
    tpu.wait_dma2 semaphore(%arg16 : memref<!tpu.dma_semaphore, #tpu.memory_space<semaphore_mem>>) src(%dma_wait3A_818 : memref<8192xf32, #tpu.memory_space<hbm>>) dst(%arg6 : memref<8192xf32, #tpu.memory_space<vmem>>)
    %add3A_819 = arith.constant 8388608 : i32
    %add3A_820 = arith.addi %add3A_819, %mul3A_4 : i32
    %add3A_821 = arith.constant 98304 : i32
    %add3A_822 = arith.addi %add3A_820, %add3A_821 : i32
    %dma_start3A_823 = tpu.memref_slice %arg4[%add3A_822] : memref<33554432xf32, #tpu.memory_space<hbm>> -> memref<8192xf32, #tpu.memory_space<hbm>>
    %dma_start3A_824 = tpu.memref_slice %arg4[%add3A_822] : memref<33554432xf32, #tpu.memory_space<hbm>> -> memref<8192xf32, #tpu.memory_space<hbm>>
    tpu.enqueue_dma source(%arg6 : memref<8192xf32, #tpu.memory_space<vmem>>) target(%dma_start3A_824 : memref<8192xf32, #tpu.memory_space<hbm>>) target_semaphore(%arg24 : memref<!tpu.dma_semaphore, #tpu.memory_space<semaphore_mem>>)
    %dma_wait3A_825 = tpu.memref_slice %arg4[%add3A_774] : memref<33554432xf32, #tpu.memory_space<hbm>> -> memref<8192xf32, #tpu.memory_space<hbm>>
    %dma_wait3A_826 = tpu.memref_slice %arg4[%add3A_774] : memref<33554432xf32, #tpu.memory_space<hbm>> -> memref<8192xf32, #tpu.memory_space<hbm>>
    tpu.wait_dma2 semaphore(%arg29 : memref<!tpu.dma_semaphore, #tpu.memory_space<semaphore_mem>>) src(%arg11 : memref<8192xf32, #tpu.memory_space<vmem>>) dst(%dma_wait3A_826 : memref<8192xf32, #tpu.memory_space<hbm>>)
    %add3A_827 = arith.constant 16777216 : i32
    %add3A_828 = arith.addi %add3A_827, %mul3A_4 : i32
    %add3A_829 = arith.constant 106496 : i32
    %add3A_830 = arith.addi %add3A_828, %add3A_829 : i32
    %dma_start3A_831 = tpu.memref_slice %arg2[%add3A_830] : memref<33554432xf32, #tpu.memory_space<hbm>> -> memref<8192xf32, #tpu.memory_space<hbm>>
    %dma_start3A_832 = tpu.memref_slice %arg2[%add3A_830] : memref<33554432xf32, #tpu.memory_space<hbm>> -> memref<8192xf32, #tpu.memory_space<hbm>>
    tpu.enqueue_dma source(%dma_start3A_832 : memref<8192xf32, #tpu.memory_space<hbm>>) target(%arg11 : memref<8192xf32, #tpu.memory_space<vmem>>) target_semaphore(%arg21 : memref<!tpu.dma_semaphore, #tpu.memory_space<semaphore_mem>>)
    %dma_wait3A_833 = tpu.memref_slice %arg2[%add3A_766] : memref<33554432xf32, #tpu.memory_space<hbm>> -> memref<8192xf32, #tpu.memory_space<hbm>>
    %dma_wait3A_834 = tpu.memref_slice %arg2[%add3A_766] : memref<33554432xf32, #tpu.memory_space<hbm>> -> memref<8192xf32, #tpu.memory_space<hbm>>
    tpu.wait_dma2 semaphore(%arg17 : memref<!tpu.dma_semaphore, #tpu.memory_space<semaphore_mem>>) src(%dma_wait3A_834 : memref<8192xf32, #tpu.memory_space<hbm>>) dst(%arg7 : memref<8192xf32, #tpu.memory_space<vmem>>)
    %add3A_835 = arith.constant 16777216 : i32
    %add3A_836 = arith.addi %add3A_835, %mul3A_4 : i32
    %add3A_837 = arith.constant 98304 : i32
    %add3A_838 = arith.addi %add3A_836, %add3A_837 : i32
    %dma_start3A_839 = tpu.memref_slice %arg4[%add3A_838] : memref<33554432xf32, #tpu.memory_space<hbm>> -> memref<8192xf32, #tpu.memory_space<hbm>>
    %dma_start3A_840 = tpu.memref_slice %arg4[%add3A_838] : memref<33554432xf32, #tpu.memory_space<hbm>> -> memref<8192xf32, #tpu.memory_space<hbm>>
    tpu.enqueue_dma source(%arg7 : memref<8192xf32, #tpu.memory_space<vmem>>) target(%dma_start3A_840 : memref<8192xf32, #tpu.memory_space<hbm>>) target_semaphore(%arg25 : memref<!tpu.dma_semaphore, #tpu.memory_space<semaphore_mem>>)
    %dma_wait3A_841 = tpu.memref_slice %arg4[%add3A_790] : memref<33554432xf32, #tpu.memory_space<hbm>> -> memref<8192xf32, #tpu.memory_space<hbm>>
    %dma_wait3A_842 = tpu.memref_slice %arg4[%add3A_790] : memref<33554432xf32, #tpu.memory_space<hbm>> -> memref<8192xf32, #tpu.memory_space<hbm>>
    tpu.wait_dma2 semaphore(%arg30 : memref<!tpu.dma_semaphore, #tpu.memory_space<semaphore_mem>>) src(%arg12 : memref<8192xf32, #tpu.memory_space<vmem>>) dst(%dma_wait3A_842 : memref<8192xf32, #tpu.memory_space<hbm>>)
    %add3A_843 = arith.constant 25165824 : i32
    %add3A_844 = arith.addi %add3A_843, %mul3A_4 : i32
    %add3A_845 = arith.constant 106496 : i32
    %add3A_846 = arith.addi %add3A_844, %add3A_845 : i32
    %dma_start3A_847 = tpu.memref_slice %arg2[%add3A_846] : memref<33554432xf32, #tpu.memory_space<hbm>> -> memref<8192xf32, #tpu.memory_space<hbm>>
    %dma_start3A_848 = tpu.memref_slice %arg2[%add3A_846] : memref<33554432xf32, #tpu.memory_space<hbm>> -> memref<8192xf32, #tpu.memory_space<hbm>>
    tpu.enqueue_dma source(%dma_start3A_848 : memref<8192xf32, #tpu.memory_space<hbm>>) target(%arg12 : memref<8192xf32, #tpu.memory_space<vmem>>) target_semaphore(%arg22 : memref<!tpu.dma_semaphore, #tpu.memory_space<semaphore_mem>>)
    %dma_wait3A_849 = tpu.memref_slice %arg2[%add3A_782] : memref<33554432xf32, #tpu.memory_space<hbm>> -> memref<8192xf32, #tpu.memory_space<hbm>>
    %dma_wait3A_850 = tpu.memref_slice %arg2[%add3A_782] : memref<33554432xf32, #tpu.memory_space<hbm>> -> memref<8192xf32, #tpu.memory_space<hbm>>
    tpu.wait_dma2 semaphore(%arg18 : memref<!tpu.dma_semaphore, #tpu.memory_space<semaphore_mem>>) src(%dma_wait3A_850 : memref<8192xf32, #tpu.memory_space<hbm>>) dst(%arg8 : memref<8192xf32, #tpu.memory_space<vmem>>)
    %add3A_851 = arith.constant 25165824 : i32
    %add3A_852 = arith.addi %add3A_851, %mul3A_4 : i32
    %add3A_853 = arith.constant 98304 : i32
    %add3A_854 = arith.addi %add3A_852, %add3A_853 : i32
    %dma_start3A_855 = tpu.memref_slice %arg4[%add3A_854] : memref<33554432xf32, #tpu.memory_space<hbm>> -> memref<8192xf32, #tpu.memory_space<hbm>>
    %dma_start3A_856 = tpu.memref_slice %arg4[%add3A_854] : memref<33554432xf32, #tpu.memory_space<hbm>> -> memref<8192xf32, #tpu.memory_space<hbm>>
    tpu.enqueue_dma source(%arg8 : memref<8192xf32, #tpu.memory_space<vmem>>) target(%dma_start3A_856 : memref<8192xf32, #tpu.memory_space<hbm>>) target_semaphore(%arg26 : memref<!tpu.dma_semaphore, #tpu.memory_space<semaphore_mem>>)
    %dma_wait3A_857 = tpu.memref_slice %arg4[%add3A_806] : memref<33554432xf32, #tpu.memory_space<hbm>> -> memref<8192xf32, #tpu.memory_space<hbm>>
    %dma_wait3A_858 = tpu.memref_slice %arg4[%add3A_806] : memref<33554432xf32, #tpu.memory_space<hbm>> -> memref<8192xf32, #tpu.memory_space<hbm>>
    tpu.wait_dma2 semaphore(%arg23 : memref<!tpu.dma_semaphore, #tpu.memory_space<semaphore_mem>>) src(%arg5 : memref<8192xf32, #tpu.memory_space<vmem>>) dst(%dma_wait3A_858 : memref<8192xf32, #tpu.memory_space<hbm>>)
    %add3A_859 = arith.constant 0 : i32
    %add3A_860 = arith.addi %add3A_859, %mul3A_4 : i32
    %add3A_861 = arith.constant 114688 : i32
    %add3A_862 = arith.addi %add3A_860, %add3A_861 : i32
    %dma_start3A_863 = tpu.memref_slice %arg2[%add3A_862] : memref<33554432xf32, #tpu.memory_space<hbm>> -> memref<8192xf32, #tpu.memory_space<hbm>>
    %dma_start3A_864 = tpu.memref_slice %arg2[%add3A_862] : memref<33554432xf32, #tpu.memory_space<hbm>> -> memref<8192xf32, #tpu.memory_space<hbm>>
    tpu.enqueue_dma source(%dma_start3A_864 : memref<8192xf32, #tpu.memory_space<hbm>>) target(%arg5 : memref<8192xf32, #tpu.memory_space<vmem>>) target_semaphore(%arg15 : memref<!tpu.dma_semaphore, #tpu.memory_space<semaphore_mem>>)
    %dma_wait3A_865 = tpu.memref_slice %arg2[%add3A_798] : memref<33554432xf32, #tpu.memory_space<hbm>> -> memref<8192xf32, #tpu.memory_space<hbm>>
    %dma_wait3A_866 = tpu.memref_slice %arg2[%add3A_798] : memref<33554432xf32, #tpu.memory_space<hbm>> -> memref<8192xf32, #tpu.memory_space<hbm>>
    tpu.wait_dma2 semaphore(%arg19 : memref<!tpu.dma_semaphore, #tpu.memory_space<semaphore_mem>>) src(%dma_wait3A_866 : memref<8192xf32, #tpu.memory_space<hbm>>) dst(%arg9 : memref<8192xf32, #tpu.memory_space<vmem>>)
    %add3A_867 = arith.constant 0 : i32
    %add3A_868 = arith.addi %add3A_867, %mul3A_4 : i32
    %add3A_869 = arith.constant 106496 : i32
    %add3A_870 = arith.addi %add3A_868, %add3A_869 : i32
    %dma_start3A_871 = tpu.memref_slice %arg4[%add3A_870] : memref<33554432xf32, #tpu.memory_space<hbm>> -> memref<8192xf32, #tpu.memory_space<hbm>>
    %dma_start3A_872 = tpu.memref_slice %arg4[%add3A_870] : memref<33554432xf32, #tpu.memory_space<hbm>> -> memref<8192xf32, #tpu.memory_space<hbm>>
    tpu.enqueue_dma source(%arg9 : memref<8192xf32, #tpu.memory_space<vmem>>) target(%dma_start3A_872 : memref<8192xf32, #tpu.memory_space<hbm>>) target_semaphore(%arg27 : memref<!tpu.dma_semaphore, #tpu.memory_space<semaphore_mem>>)
    %dma_wait3A_873 = tpu.memref_slice %arg4[%add3A_822] : memref<33554432xf32, #tpu.memory_space<hbm>> -> memref<8192xf32, #tpu.memory_space<hbm>>
    %dma_wait3A_874 = tpu.memref_slice %arg4[%add3A_822] : memref<33554432xf32, #tpu.memory_space<hbm>> -> memref<8192xf32, #tpu.memory_space<hbm>>
    tpu.wait_dma2 semaphore(%arg24 : memref<!tpu.dma_semaphore, #tpu.memory_space<semaphore_mem>>) src(%arg6 : memref<8192xf32, #tpu.memory_space<vmem>>) dst(%dma_wait3A_874 : memref<8192xf32, #tpu.memory_space<hbm>>)
    %add3A_875 = arith.constant 8388608 : i32
    %add3A_876 = arith.addi %add3A_875, %mul3A_4 : i32
    %add3A_877 = arith.constant 114688 : i32
    %add3A_878 = arith.addi %add3A_876, %add3A_877 : i32
    %dma_start3A_879 = tpu.memref_slice %arg2[%add3A_878] : memref<33554432xf32, #tpu.memory_space<hbm>> -> memref<8192xf32, #tpu.memory_space<hbm>>
    %dma_start3A_880 = tpu.memref_slice %arg2[%add3A_878] : memref<33554432xf32, #tpu.memory_space<hbm>> -> memref<8192xf32, #tpu.memory_space<hbm>>
    tpu.enqueue_dma source(%dma_start3A_880 : memref<8192xf32, #tpu.memory_space<hbm>>) target(%arg6 : memref<8192xf32, #tpu.memory_space<vmem>>) target_semaphore(%arg16 : memref<!tpu.dma_semaphore, #tpu.memory_space<semaphore_mem>>)
    %dma_wait3A_881 = tpu.memref_slice %arg2[%add3A_814] : memref<33554432xf32, #tpu.memory_space<hbm>> -> memref<8192xf32, #tpu.memory_space<hbm>>
    %dma_wait3A_882 = tpu.memref_slice %arg2[%add3A_814] : memref<33554432xf32, #tpu.memory_space<hbm>> -> memref<8192xf32, #tpu.memory_space<hbm>>
    tpu.wait_dma2 semaphore(%arg20 : memref<!tpu.dma_semaphore, #tpu.memory_space<semaphore_mem>>) src(%dma_wait3A_882 : memref<8192xf32, #tpu.memory_space<hbm>>) dst(%arg10 : memref<8192xf32, #tpu.memory_space<vmem>>)
    %add3A_883 = arith.constant 8388608 : i32
    %add3A_884 = arith.addi %add3A_883, %mul3A_4 : i32
    %add3A_885 = arith.constant 106496 : i32
    %add3A_886 = arith.addi %add3A_884, %add3A_885 : i32
    %dma_start3A_887 = tpu.memref_slice %arg4[%add3A_886] : memref<33554432xf32, #tpu.memory_space<hbm>> -> memref<8192xf32, #tpu.memory_space<hbm>>
    %dma_start3A_888 = tpu.memref_slice %arg4[%add3A_886] : memref<33554432xf32, #tpu.memory_space<hbm>> -> memref<8192xf32, #tpu.memory_space<hbm>>
    tpu.enqueue_dma source(%arg10 : memref<8192xf32, #tpu.memory_space<vmem>>) target(%dma_start3A_888 : memref<8192xf32, #tpu.memory_space<hbm>>) target_semaphore(%arg28 : memref<!tpu.dma_semaphore, #tpu.memory_space<semaphore_mem>>)
    %dma_wait3A_889 = tpu.memref_slice %arg4[%add3A_838] : memref<33554432xf32, #tpu.memory_space<hbm>> -> memref<8192xf32, #tpu.memory_space<hbm>>
    %dma_wait3A_890 = tpu.memref_slice %arg4[%add3A_838] : memref<33554432xf32, #tpu.memory_space<hbm>> -> memref<8192xf32, #tpu.memory_space<hbm>>
    tpu.wait_dma2 semaphore(%arg25 : memref<!tpu.dma_semaphore, #tpu.memory_space<semaphore_mem>>) src(%arg7 : memref<8192xf32, #tpu.memory_space<vmem>>) dst(%dma_wait3A_890 : memref<8192xf32, #tpu.memory_space<hbm>>)
    %add3A_891 = arith.constant 16777216 : i32
    %add3A_892 = arith.addi %add3A_891, %mul3A_4 : i32
    %add3A_893 = arith.constant 114688 : i32
    %add3A_894 = arith.addi %add3A_892, %add3A_893 : i32
    %dma_start3A_895 = tpu.memref_slice %arg2[%add3A_894] : memref<33554432xf32, #tpu.memory_space<hbm>> -> memref<8192xf32, #tpu.memory_space<hbm>>
    %dma_start3A_896 = tpu.memref_slice %arg2[%add3A_894] : memref<33554432xf32, #tpu.memory_space<hbm>> -> memref<8192xf32, #tpu.memory_space<hbm>>
    tpu.enqueue_dma source(%dma_start3A_896 : memref<8192xf32, #tpu.memory_space<hbm>>) target(%arg7 : memref<8192xf32, #tpu.memory_space<vmem>>) target_semaphore(%arg17 : memref<!tpu.dma_semaphore, #tpu.memory_space<semaphore_mem>>)
    %dma_wait3A_897 = tpu.memref_slice %arg2[%add3A_830] : memref<33554432xf32, #tpu.memory_space<hbm>> -> memref<8192xf32, #tpu.memory_space<hbm>>
    %dma_wait3A_898 = tpu.memref_slice %arg2[%add3A_830] : memref<33554432xf32, #tpu.memory_space<hbm>> -> memref<8192xf32, #tpu.memory_space<hbm>>
    tpu.wait_dma2 semaphore(%arg21 : memref<!tpu.dma_semaphore, #tpu.memory_space<semaphore_mem>>) src(%dma_wait3A_898 : memref<8192xf32, #tpu.memory_space<hbm>>) dst(%arg11 : memref<8192xf32, #tpu.memory_space<vmem>>)
    %add3A_899 = arith.constant 16777216 : i32
    %add3A_900 = arith.addi %add3A_899, %mul3A_4 : i32
    %add3A_901 = arith.constant 106496 : i32
    %add3A_902 = arith.addi %add3A_900, %add3A_901 : i32
    %dma_start3A_903 = tpu.memref_slice %arg4[%add3A_902] : memref<33554432xf32, #tpu.memory_space<hbm>> -> memref<8192xf32, #tpu.memory_space<hbm>>
    %dma_start3A_904 = tpu.memref_slice %arg4[%add3A_902] : memref<33554432xf32, #tpu.memory_space<hbm>> -> memref<8192xf32, #tpu.memory_space<hbm>>
    tpu.enqueue_dma source(%arg11 : memref<8192xf32, #tpu.memory_space<vmem>>) target(%dma_start3A_904 : memref<8192xf32, #tpu.memory_space<hbm>>) target_semaphore(%arg29 : memref<!tpu.dma_semaphore, #tpu.memory_space<semaphore_mem>>)
    %dma_wait3A_905 = tpu.memref_slice %arg4[%add3A_854] : memref<33554432xf32, #tpu.memory_space<hbm>> -> memref<8192xf32, #tpu.memory_space<hbm>>
    %dma_wait3A_906 = tpu.memref_slice %arg4[%add3A_854] : memref<33554432xf32, #tpu.memory_space<hbm>> -> memref<8192xf32, #tpu.memory_space<hbm>>
    tpu.wait_dma2 semaphore(%arg26 : memref<!tpu.dma_semaphore, #tpu.memory_space<semaphore_mem>>) src(%arg8 : memref<8192xf32, #tpu.memory_space<vmem>>) dst(%dma_wait3A_906 : memref<8192xf32, #tpu.memory_space<hbm>>)
    %add3A_907 = arith.constant 25165824 : i32
    %add3A_908 = arith.addi %add3A_907, %mul3A_4 : i32
    %add3A_909 = arith.constant 114688 : i32
    %add3A_910 = arith.addi %add3A_908, %add3A_909 : i32
    %dma_start3A_911 = tpu.memref_slice %arg2[%add3A_910] : memref<33554432xf32, #tpu.memory_space<hbm>> -> memref<8192xf32, #tpu.memory_space<hbm>>
    %dma_start3A_912 = tpu.memref_slice %arg2[%add3A_910] : memref<33554432xf32, #tpu.memory_space<hbm>> -> memref<8192xf32, #tpu.memory_space<hbm>>
    tpu.enqueue_dma source(%dma_start3A_912 : memref<8192xf32, #tpu.memory_space<hbm>>) target(%arg8 : memref<8192xf32, #tpu.memory_space<vmem>>) target_semaphore(%arg18 : memref<!tpu.dma_semaphore, #tpu.memory_space<semaphore_mem>>)
    %dma_wait3A_913 = tpu.memref_slice %arg2[%add3A_846] : memref<33554432xf32, #tpu.memory_space<hbm>> -> memref<8192xf32, #tpu.memory_space<hbm>>
    %dma_wait3A_914 = tpu.memref_slice %arg2[%add3A_846] : memref<33554432xf32, #tpu.memory_space<hbm>> -> memref<8192xf32, #tpu.memory_space<hbm>>
    tpu.wait_dma2 semaphore(%arg22 : memref<!tpu.dma_semaphore, #tpu.memory_space<semaphore_mem>>) src(%dma_wait3A_914 : memref<8192xf32, #tpu.memory_space<hbm>>) dst(%arg12 : memref<8192xf32, #tpu.memory_space<vmem>>)
    %add3A_915 = arith.constant 25165824 : i32
    %add3A_916 = arith.addi %add3A_915, %mul3A_4 : i32
    %add3A_917 = arith.constant 106496 : i32
    %add3A_918 = arith.addi %add3A_916, %add3A_917 : i32
    %dma_start3A_919 = tpu.memref_slice %arg4[%add3A_918] : memref<33554432xf32, #tpu.memory_space<hbm>> -> memref<8192xf32, #tpu.memory_space<hbm>>
    %dma_start3A_920 = tpu.memref_slice %arg4[%add3A_918] : memref<33554432xf32, #tpu.memory_space<hbm>> -> memref<8192xf32, #tpu.memory_space<hbm>>
    tpu.enqueue_dma source(%arg12 : memref<8192xf32, #tpu.memory_space<vmem>>) target(%dma_start3A_920 : memref<8192xf32, #tpu.memory_space<hbm>>) target_semaphore(%arg30 : memref<!tpu.dma_semaphore, #tpu.memory_space<semaphore_mem>>)
    %dma_wait3A_921 = tpu.memref_slice %arg4[%add3A_870] : memref<33554432xf32, #tpu.memory_space<hbm>> -> memref<8192xf32, #tpu.memory_space<hbm>>
    %dma_wait3A_922 = tpu.memref_slice %arg4[%add3A_870] : memref<33554432xf32, #tpu.memory_space<hbm>> -> memref<8192xf32, #tpu.memory_space<hbm>>
    tpu.wait_dma2 semaphore(%arg27 : memref<!tpu.dma_semaphore, #tpu.memory_space<semaphore_mem>>) src(%arg9 : memref<8192xf32, #tpu.memory_space<vmem>>) dst(%dma_wait3A_922 : memref<8192xf32, #tpu.memory_space<hbm>>)
    %add3A_923 = arith.constant 0 : i32
    %add3A_924 = arith.addi %add3A_923, %mul3A_4 : i32
    %add3A_925 = arith.constant 122880 : i32
    %add3A_926 = arith.addi %add3A_924, %add3A_925 : i32
    %dma_start3A_927 = tpu.memref_slice %arg2[%add3A_926] : memref<33554432xf32, #tpu.memory_space<hbm>> -> memref<8192xf32, #tpu.memory_space<hbm>>
    %dma_start3A_928 = tpu.memref_slice %arg2[%add3A_926] : memref<33554432xf32, #tpu.memory_space<hbm>> -> memref<8192xf32, #tpu.memory_space<hbm>>
    tpu.enqueue_dma source(%dma_start3A_928 : memref<8192xf32, #tpu.memory_space<hbm>>) target(%arg9 : memref<8192xf32, #tpu.memory_space<vmem>>) target_semaphore(%arg19 : memref<!tpu.dma_semaphore, #tpu.memory_space<semaphore_mem>>)
    %dma_wait3A_929 = tpu.memref_slice %arg2[%add3A_862] : memref<33554432xf32, #tpu.memory_space<hbm>> -> memref<8192xf32, #tpu.memory_space<hbm>>
    %dma_wait3A_930 = tpu.memref_slice %arg2[%add3A_862] : memref<33554432xf32, #tpu.memory_space<hbm>> -> memref<8192xf32, #tpu.memory_space<hbm>>
    tpu.wait_dma2 semaphore(%arg15 : memref<!tpu.dma_semaphore, #tpu.memory_space<semaphore_mem>>) src(%dma_wait3A_930 : memref<8192xf32, #tpu.memory_space<hbm>>) dst(%arg5 : memref<8192xf32, #tpu.memory_space<vmem>>)
    %add3A_931 = arith.constant 0 : i32
    %add3A_932 = arith.addi %add3A_931, %mul3A_4 : i32
    %add3A_933 = arith.constant 114688 : i32
    %add3A_934 = arith.addi %add3A_932, %add3A_933 : i32
    %dma_start3A_935 = tpu.memref_slice %arg4[%add3A_934] : memref<33554432xf32, #tpu.memory_space<hbm>> -> memref<8192xf32, #tpu.memory_space<hbm>>
    %dma_start3A_936 = tpu.memref_slice %arg4[%add3A_934] : memref<33554432xf32, #tpu.memory_space<hbm>> -> memref<8192xf32, #tpu.memory_space<hbm>>
    tpu.enqueue_dma source(%arg5 : memref<8192xf32, #tpu.memory_space<vmem>>) target(%dma_start3A_936 : memref<8192xf32, #tpu.memory_space<hbm>>) target_semaphore(%arg23 : memref<!tpu.dma_semaphore, #tpu.memory_space<semaphore_mem>>)
    %dma_wait3A_937 = tpu.memref_slice %arg4[%add3A_886] : memref<33554432xf32, #tpu.memory_space<hbm>> -> memref<8192xf32, #tpu.memory_space<hbm>>
    %dma_wait3A_938 = tpu.memref_slice %arg4[%add3A_886] : memref<33554432xf32, #tpu.memory_space<hbm>> -> memref<8192xf32, #tpu.memory_space<hbm>>
    tpu.wait_dma2 semaphore(%arg28 : memref<!tpu.dma_semaphore, #tpu.memory_space<semaphore_mem>>) src(%arg10 : memref<8192xf32, #tpu.memory_space<vmem>>) dst(%dma_wait3A_938 : memref<8192xf32, #tpu.memory_space<hbm>>)
    %add3A_939 = arith.constant 8388608 : i32
    %add3A_940 = arith.addi %add3A_939, %mul3A_4 : i32
    %add3A_941 = arith.constant 122880 : i32
    %add3A_942 = arith.addi %add3A_940, %add3A_941 : i32
    %dma_start3A_943 = tpu.memref_slice %arg2[%add3A_942] : memref<33554432xf32, #tpu.memory_space<hbm>> -> memref<8192xf32, #tpu.memory_space<hbm>>
    %dma_start3A_944 = tpu.memref_slice %arg2[%add3A_942] : memref<33554432xf32, #tpu.memory_space<hbm>> -> memref<8192xf32, #tpu.memory_space<hbm>>
    tpu.enqueue_dma source(%dma_start3A_944 : memref<8192xf32, #tpu.memory_space<hbm>>) target(%arg10 : memref<8192xf32, #tpu.memory_space<vmem>>) target_semaphore(%arg20 : memref<!tpu.dma_semaphore, #tpu.memory_space<semaphore_mem>>)
    %dma_wait3A_945 = tpu.memref_slice %arg2[%add3A_878] : memref<33554432xf32, #tpu.memory_space<hbm>> -> memref<8192xf32, #tpu.memory_space<hbm>>
    %dma_wait3A_946 = tpu.memref_slice %arg2[%add3A_878] : memref<33554432xf32, #tpu.memory_space<hbm>> -> memref<8192xf32, #tpu.memory_space<hbm>>
    tpu.wait_dma2 semaphore(%arg16 : memref<!tpu.dma_semaphore, #tpu.memory_space<semaphore_mem>>) src(%dma_wait3A_946 : memref<8192xf32, #tpu.memory_space<hbm>>) dst(%arg6 : memref<8192xf32, #tpu.memory_space<vmem>>)
    %add3A_947 = arith.constant 8388608 : i32
    %add3A_948 = arith.addi %add3A_947, %mul3A_4 : i32
    %add3A_949 = arith.constant 114688 : i32
    %add3A_950 = arith.addi %add3A_948, %add3A_949 : i32
    %dma_start3A_951 = tpu.memref_slice %arg4[%add3A_950] : memref<33554432xf32, #tpu.memory_space<hbm>> -> memref<8192xf32, #tpu.memory_space<hbm>>
    %dma_start3A_952 = tpu.memref_slice %arg4[%add3A_950] : memref<33554432xf32, #tpu.memory_space<hbm>> -> memref<8192xf32, #tpu.memory_space<hbm>>
    tpu.enqueue_dma source(%arg6 : memref<8192xf32, #tpu.memory_space<vmem>>) target(%dma_start3A_952 : memref<8192xf32, #tpu.memory_space<hbm>>) target_semaphore(%arg24 : memref<!tpu.dma_semaphore, #tpu.memory_space<semaphore_mem>>)
    %dma_wait3A_953 = tpu.memref_slice %arg4[%add3A_902] : memref<33554432xf32, #tpu.memory_space<hbm>> -> memref<8192xf32, #tpu.memory_space<hbm>>
    %dma_wait3A_954 = tpu.memref_slice %arg4[%add3A_902] : memref<33554432xf32, #tpu.memory_space<hbm>> -> memref<8192xf32, #tpu.memory_space<hbm>>
    tpu.wait_dma2 semaphore(%arg29 : memref<!tpu.dma_semaphore, #tpu.memory_space<semaphore_mem>>) src(%arg11 : memref<8192xf32, #tpu.memory_space<vmem>>) dst(%dma_wait3A_954 : memref<8192xf32, #tpu.memory_space<hbm>>)
    %add3A_955 = arith.constant 16777216 : i32
    %add3A_956 = arith.addi %add3A_955, %mul3A_4 : i32
    %add3A_957 = arith.constant 122880 : i32
    %add3A_958 = arith.addi %add3A_956, %add3A_957 : i32
    %dma_start3A_959 = tpu.memref_slice %arg2[%add3A_958] : memref<33554432xf32, #tpu.memory_space<hbm>> -> memref<8192xf32, #tpu.memory_space<hbm>>
    %dma_start3A_960 = tpu.memref_slice %arg2[%add3A_958] : memref<33554432xf32, #tpu.memory_space<hbm>> -> memref<8192xf32, #tpu.memory_space<hbm>>
    tpu.enqueue_dma source(%dma_start3A_960 : memref<8192xf32, #tpu.memory_space<hbm>>) target(%arg11 : memref<8192xf32, #tpu.memory_space<vmem>>) target_semaphore(%arg21 : memref<!tpu.dma_semaphore, #tpu.memory_space<semaphore_mem>>)
    %dma_wait3A_961 = tpu.memref_slice %arg2[%add3A_894] : memref<33554432xf32, #tpu.memory_space<hbm>> -> memref<8192xf32, #tpu.memory_space<hbm>>
    %dma_wait3A_962 = tpu.memref_slice %arg2[%add3A_894] : memref<33554432xf32, #tpu.memory_space<hbm>> -> memref<8192xf32, #tpu.memory_space<hbm>>
    tpu.wait_dma2 semaphore(%arg17 : memref<!tpu.dma_semaphore, #tpu.memory_space<semaphore_mem>>) src(%dma_wait3A_962 : memref<8192xf32, #tpu.memory_space<hbm>>) dst(%arg7 : memref<8192xf32, #tpu.memory_space<vmem>>)
    %add3A_963 = arith.constant 16777216 : i32
    %add3A_964 = arith.addi %add3A_963, %mul3A_4 : i32
    %add3A_965 = arith.constant 114688 : i32
    %add3A_966 = arith.addi %add3A_964, %add3A_965 : i32
    %dma_start3A_967 = tpu.memref_slice %arg4[%add3A_966] : memref<33554432xf32, #tpu.memory_space<hbm>> -> memref<8192xf32, #tpu.memory_space<hbm>>
    %dma_start3A_968 = tpu.memref_slice %arg4[%add3A_966] : memref<33554432xf32, #tpu.memory_space<hbm>> -> memref<8192xf32, #tpu.memory_space<hbm>>
    tpu.enqueue_dma source(%arg7 : memref<8192xf32, #tpu.memory_space<vmem>>) target(%dma_start3A_968 : memref<8192xf32, #tpu.memory_space<hbm>>) target_semaphore(%arg25 : memref<!tpu.dma_semaphore, #tpu.memory_space<semaphore_mem>>)
    %dma_wait3A_969 = tpu.memref_slice %arg4[%add3A_918] : memref<33554432xf32, #tpu.memory_space<hbm>> -> memref<8192xf32, #tpu.memory_space<hbm>>
    %dma_wait3A_970 = tpu.memref_slice %arg4[%add3A_918] : memref<33554432xf32, #tpu.memory_space<hbm>> -> memref<8192xf32, #tpu.memory_space<hbm>>
    tpu.wait_dma2 semaphore(%arg30 : memref<!tpu.dma_semaphore, #tpu.memory_space<semaphore_mem>>) src(%arg12 : memref<8192xf32, #tpu.memory_space<vmem>>) dst(%dma_wait3A_970 : memref<8192xf32, #tpu.memory_space<hbm>>)
    %add3A_971 = arith.constant 25165824 : i32
    %add3A_972 = arith.addi %add3A_971, %mul3A_4 : i32
    %add3A_973 = arith.constant 122880 : i32
    %add3A_974 = arith.addi %add3A_972, %add3A_973 : i32
    %dma_start3A_975 = tpu.memref_slice %arg2[%add3A_974] : memref<33554432xf32, #tpu.memory_space<hbm>> -> memref<8192xf32, #tpu.memory_space<hbm>>
    %dma_start3A_976 = tpu.memref_slice %arg2[%add3A_974] : memref<33554432xf32, #tpu.memory_space<hbm>> -> memref<8192xf32, #tpu.memory_space<hbm>>
    tpu.enqueue_dma source(%dma_start3A_976 : memref<8192xf32, #tpu.memory_space<hbm>>) target(%arg12 : memref<8192xf32, #tpu.memory_space<vmem>>) target_semaphore(%arg22 : memref<!tpu.dma_semaphore, #tpu.memory_space<semaphore_mem>>)
    %dma_wait3A_977 = tpu.memref_slice %arg2[%add3A_910] : memref<33554432xf32, #tpu.memory_space<hbm>> -> memref<8192xf32, #tpu.memory_space<hbm>>
    %dma_wait3A_978 = tpu.memref_slice %arg2[%add3A_910] : memref<33554432xf32, #tpu.memory_space<hbm>> -> memref<8192xf32, #tpu.memory_space<hbm>>
    tpu.wait_dma2 semaphore(%arg18 : memref<!tpu.dma_semaphore, #tpu.memory_space<semaphore_mem>>) src(%dma_wait3A_978 : memref<8192xf32, #tpu.memory_space<hbm>>) dst(%arg8 : memref<8192xf32, #tpu.memory_space<vmem>>)
    %add3A_979 = arith.constant 25165824 : i32
    %add3A_980 = arith.addi %add3A_979, %mul3A_4 : i32
    %add3A_981 = arith.constant 114688 : i32
    %add3A_982 = arith.addi %add3A_980, %add3A_981 : i32
    %dma_start3A_983 = tpu.memref_slice %arg4[%add3A_982] : memref<33554432xf32, #tpu.memory_space<hbm>> -> memref<8192xf32, #tpu.memory_space<hbm>>
    %dma_start3A_984 = tpu.memref_slice %arg4[%add3A_982] : memref<33554432xf32, #tpu.memory_space<hbm>> -> memref<8192xf32, #tpu.memory_space<hbm>>
    tpu.enqueue_dma source(%arg8 : memref<8192xf32, #tpu.memory_space<vmem>>) target(%dma_start3A_984 : memref<8192xf32, #tpu.memory_space<hbm>>) target_semaphore(%arg26 : memref<!tpu.dma_semaphore, #tpu.memory_space<semaphore_mem>>)
    %dma_wait3A_985 = tpu.memref_slice %arg4[%add3A_934] : memref<33554432xf32, #tpu.memory_space<hbm>> -> memref<8192xf32, #tpu.memory_space<hbm>>
    %dma_wait3A_986 = tpu.memref_slice %arg4[%add3A_934] : memref<33554432xf32, #tpu.memory_space<hbm>> -> memref<8192xf32, #tpu.memory_space<hbm>>
    tpu.wait_dma2 semaphore(%arg23 : memref<!tpu.dma_semaphore, #tpu.memory_space<semaphore_mem>>) src(%arg5 : memref<8192xf32, #tpu.memory_space<vmem>>) dst(%dma_wait3A_986 : memref<8192xf32, #tpu.memory_space<hbm>>)
    %add3A_987 = arith.constant 0 : i32
    %add3A_988 = arith.addi %add3A_987, %mul3A_4 : i32
    %add3A_989 = arith.constant 131072 : i32
    %add3A_990 = arith.addi %add3A_988, %add3A_989 : i32
    %dma_start3A_991 = tpu.memref_slice %arg2[%add3A_990] : memref<33554432xf32, #tpu.memory_space<hbm>> -> memref<8192xf32, #tpu.memory_space<hbm>>
    %dma_start3A_992 = tpu.memref_slice %arg2[%add3A_990] : memref<33554432xf32, #tpu.memory_space<hbm>> -> memref<8192xf32, #tpu.memory_space<hbm>>
    tpu.enqueue_dma source(%dma_start3A_992 : memref<8192xf32, #tpu.memory_space<hbm>>) target(%arg5 : memref<8192xf32, #tpu.memory_space<vmem>>) target_semaphore(%arg15 : memref<!tpu.dma_semaphore, #tpu.memory_space<semaphore_mem>>)
    %dma_wait3A_993 = tpu.memref_slice %arg2[%add3A_926] : memref<33554432xf32, #tpu.memory_space<hbm>> -> memref<8192xf32, #tpu.memory_space<hbm>>
    %dma_wait3A_994 = tpu.memref_slice %arg2[%add3A_926] : memref<33554432xf32, #tpu.memory_space<hbm>> -> memref<8192xf32, #tpu.memory_space<hbm>>
    tpu.wait_dma2 semaphore(%arg19 : memref<!tpu.dma_semaphore, #tpu.memory_space<semaphore_mem>>) src(%dma_wait3A_994 : memref<8192xf32, #tpu.memory_space<hbm>>) dst(%arg9 : memref<8192xf32, #tpu.memory_space<vmem>>)
    %add3A_995 = arith.constant 0 : i32
    %add3A_996 = arith.addi %add3A_995, %mul3A_4 : i32
    %add3A_997 = arith.constant 122880 : i32
    %add3A_998 = arith.addi %add3A_996, %add3A_997 : i32
    %dma_start3A_999 = tpu.memref_slice %arg4[%add3A_998] : memref<33554432xf32, #tpu.memory_space<hbm>> -> memref<8192xf32, #tpu.memory_space<hbm>>
    %dma_start3A_1000 = tpu.memref_slice %arg4[%add3A_998] : memref<33554432xf32, #tpu.memory_space<hbm>> -> memref<8192xf32, #tpu.memory_space<hbm>>
    tpu.enqueue_dma source(%arg9 : memref<8192xf32, #tpu.memory_space<vmem>>) target(%dma_start3A_1000 : memref<8192xf32, #tpu.memory_space<hbm>>) target_semaphore(%arg27 : memref<!tpu.dma_semaphore, #tpu.memory_space<semaphore_mem>>)
    %dma_wait3A_1001 = tpu.memref_slice %arg4[%add3A_950] : memref<33554432xf32, #tpu.memory_space<hbm>> -> memref<8192xf32, #tpu.memory_space<hbm>>
    %dma_wait3A_1002 = tpu.memref_slice %arg4[%add3A_950] : memref<33554432xf32, #tpu.memory_space<hbm>> -> memref<8192xf32, #tpu.memory_space<hbm>>
    tpu.wait_dma2 semaphore(%arg24 : memref<!tpu.dma_semaphore, #tpu.memory_space<semaphore_mem>>) src(%arg6 : memref<8192xf32, #tpu.memory_space<vmem>>) dst(%dma_wait3A_1002 : memref<8192xf32, #tpu.memory_space<hbm>>)
    %add3A_1003 = arith.constant 8388608 : i32
    %add3A_1004 = arith.addi %add3A_1003, %mul3A_4 : i32
    %add3A_1005 = arith.constant 131072 : i32
    %add3A_1006 = arith.addi %add3A_1004, %add3A_1005 : i32
    %dma_start3A_1007 = tpu.memref_slice %arg2[%add3A_1006] : memref<33554432xf32, #tpu.memory_space<hbm>> -> memref<8192xf32, #tpu.memory_space<hbm>>
    %dma_start3A_1008 = tpu.memref_slice %arg2[%add3A_1006] : memref<33554432xf32, #tpu.memory_space<hbm>> -> memref<8192xf32, #tpu.memory_space<hbm>>
    tpu.enqueue_dma source(%dma_start3A_1008 : memref<8192xf32, #tpu.memory_space<hbm>>) target(%arg6 : memref<8192xf32, #tpu.memory_space<vmem>>) target_semaphore(%arg16 : memref<!tpu.dma_semaphore, #tpu.memory_space<semaphore_mem>>)
    %dma_wait3A_1009 = tpu.memref_slice %arg2[%add3A_942] : memref<33554432xf32, #tpu.memory_space<hbm>> -> memref<8192xf32, #tpu.memory_space<hbm>>
    %dma_wait3A_1010 = tpu.memref_slice %arg2[%add3A_942] : memref<33554432xf32, #tpu.memory_space<hbm>> -> memref<8192xf32, #tpu.memory_space<hbm>>
    tpu.wait_dma2 semaphore(%arg20 : memref<!tpu.dma_semaphore, #tpu.memory_space<semaphore_mem>>) src(%dma_wait3A_1010 : memref<8192xf32, #tpu.memory_space<hbm>>) dst(%arg10 : memref<8192xf32, #tpu.memory_space<vmem>>)
    %add3A_1011 = arith.constant 8388608 : i32
    %add3A_1012 = arith.addi %add3A_1011, %mul3A_4 : i32
    %add3A_1013 = arith.constant 122880 : i32
    %add3A_1014 = arith.addi %add3A_1012, %add3A_1013 : i32
    %dma_start3A_1015 = tpu.memref_slice %arg4[%add3A_1014] : memref<33554432xf32, #tpu.memory_space<hbm>> -> memref<8192xf32, #tpu.memory_space<hbm>>
    %dma_start3A_1016 = tpu.memref_slice %arg4[%add3A_1014] : memref<33554432xf32, #tpu.memory_space<hbm>> -> memref<8192xf32, #tpu.memory_space<hbm>>
    tpu.enqueue_dma source(%arg10 : memref<8192xf32, #tpu.memory_space<vmem>>) target(%dma_start3A_1016 : memref<8192xf32, #tpu.memory_space<hbm>>) target_semaphore(%arg28 : memref<!tpu.dma_semaphore, #tpu.memory_space<semaphore_mem>>)
    %dma_wait3A_1017 = tpu.memref_slice %arg4[%add3A_966] : memref<33554432xf32, #tpu.memory_space<hbm>> -> memref<8192xf32, #tpu.memory_space<hbm>>
    %dma_wait3A_1018 = tpu.memref_slice %arg4[%add3A_966] : memref<33554432xf32, #tpu.memory_space<hbm>> -> memref<8192xf32, #tpu.memory_space<hbm>>
    tpu.wait_dma2 semaphore(%arg25 : memref<!tpu.dma_semaphore, #tpu.memory_space<semaphore_mem>>) src(%arg7 : memref<8192xf32, #tpu.memory_space<vmem>>) dst(%dma_wait3A_1018 : memref<8192xf32, #tpu.memory_space<hbm>>)
    %add3A_1019 = arith.constant 16777216 : i32
    %add3A_1020 = arith.addi %add3A_1019, %mul3A_4 : i32
    %add3A_1021 = arith.constant 131072 : i32
    %add3A_1022 = arith.addi %add3A_1020, %add3A_1021 : i32
    %dma_start3A_1023 = tpu.memref_slice %arg2[%add3A_1022] : memref<33554432xf32, #tpu.memory_space<hbm>> -> memref<8192xf32, #tpu.memory_space<hbm>>
    %dma_start3A_1024 = tpu.memref_slice %arg2[%add3A_1022] : memref<33554432xf32, #tpu.memory_space<hbm>> -> memref<8192xf32, #tpu.memory_space<hbm>>
    tpu.enqueue_dma source(%dma_start3A_1024 : memref<8192xf32, #tpu.memory_space<hbm>>) target(%arg7 : memref<8192xf32, #tpu.memory_space<vmem>>) target_semaphore(%arg17 : memref<!tpu.dma_semaphore, #tpu.memory_space<semaphore_mem>>)
    %dma_wait3A_1025 = tpu.memref_slice %arg2[%add3A_958] : memref<33554432xf32, #tpu.memory_space<hbm>> -> memref<8192xf32, #tpu.memory_space<hbm>>
    %dma_wait3A_1026 = tpu.memref_slice %arg2[%add3A_958] : memref<33554432xf32, #tpu.memory_space<hbm>> -> memref<8192xf32, #tpu.memory_space<hbm>>
    tpu.wait_dma2 semaphore(%arg21 : memref<!tpu.dma_semaphore, #tpu.memory_space<semaphore_mem>>) src(%dma_wait3A_1026 : memref<8192xf32, #tpu.memory_space<hbm>>) dst(%arg11 : memref<8192xf32, #tpu.memory_space<vmem>>)
    %add3A_1027 = arith.constant 16777216 : i32
    %add3A_1028 = arith.addi %add3A_1027, %mul3A_4 : i32
    %add3A_1029 = arith.constant 122880 : i32
    %add3A_1030 = arith.addi %add3A_1028, %add3A_1029 : i32
    %dma_start3A_1031 = tpu.memref_slice %arg4[%add3A_1030] : memref<33554432xf32, #tpu.memory_space<hbm>> -> memref<8192xf32, #tpu.memory_space<hbm>>
    %dma_start3A_1032 = tpu.memref_slice %arg4[%add3A_1030] : memref<33554432xf32, #tpu.memory_space<hbm>> -> memref<8192xf32, #tpu.memory_space<hbm>>
    tpu.enqueue_dma source(%arg11 : memref<8192xf32, #tpu.memory_space<vmem>>) target(%dma_start3A_1032 : memref<8192xf32, #tpu.memory_space<hbm>>) target_semaphore(%arg29 : memref<!tpu.dma_semaphore, #tpu.memory_space<semaphore_mem>>)
    %dma_wait3A_1033 = tpu.memref_slice %arg4[%add3A_982] : memref<33554432xf32, #tpu.memory_space<hbm>> -> memref<8192xf32, #tpu.memory_space<hbm>>
    %dma_wait3A_1034 = tpu.memref_slice %arg4[%add3A_982] : memref<33554432xf32, #tpu.memory_space<hbm>> -> memref<8192xf32, #tpu.memory_space<hbm>>
    tpu.wait_dma2 semaphore(%arg26 : memref<!tpu.dma_semaphore, #tpu.memory_space<semaphore_mem>>) src(%arg8 : memref<8192xf32, #tpu.memory_space<vmem>>) dst(%dma_wait3A_1034 : memref<8192xf32, #tpu.memory_space<hbm>>)
    %add3A_1035 = arith.constant 25165824 : i32
    %add3A_1036 = arith.addi %add3A_1035, %mul3A_4 : i32
    %add3A_1037 = arith.constant 131072 : i32
    %add3A_1038 = arith.addi %add3A_1036, %add3A_1037 : i32
    %dma_start3A_1039 = tpu.memref_slice %arg2[%add3A_1038] : memref<33554432xf32, #tpu.memory_space<hbm>> -> memref<8192xf32, #tpu.memory_space<hbm>>
    %dma_start3A_1040 = tpu.memref_slice %arg2[%add3A_1038] : memref<33554432xf32, #tpu.memory_space<hbm>> -> memref<8192xf32, #tpu.memory_space<hbm>>
    tpu.enqueue_dma source(%dma_start3A_1040 : memref<8192xf32, #tpu.memory_space<hbm>>) target(%arg8 : memref<8192xf32, #tpu.memory_space<vmem>>) target_semaphore(%arg18 : memref<!tpu.dma_semaphore, #tpu.memory_space<semaphore_mem>>)
    %dma_wait3A_1041 = tpu.memref_slice %arg2[%add3A_974] : memref<33554432xf32, #tpu.memory_space<hbm>> -> memref<8192xf32, #tpu.memory_space<hbm>>
    %dma_wait3A_1042 = tpu.memref_slice %arg2[%add3A_974] : memref<33554432xf32, #tpu.memory_space<hbm>> -> memref<8192xf32, #tpu.memory_space<hbm>>
    tpu.wait_dma2 semaphore(%arg22 : memref<!tpu.dma_semaphore, #tpu.memory_space<semaphore_mem>>) src(%dma_wait3A_1042 : memref<8192xf32, #tpu.memory_space<hbm>>) dst(%arg12 : memref<8192xf32, #tpu.memory_space<vmem>>)
    %add3A_1043 = arith.constant 25165824 : i32
    %add3A_1044 = arith.addi %add3A_1043, %mul3A_4 : i32
    %add3A_1045 = arith.constant 122880 : i32
    %add3A_1046 = arith.addi %add3A_1044, %add3A_1045 : i32
    %dma_start3A_1047 = tpu.memref_slice %arg4[%add3A_1046] : memref<33554432xf32, #tpu.memory_space<hbm>> -> memref<8192xf32, #tpu.memory_space<hbm>>
    %dma_start3A_1048 = tpu.memref_slice %arg4[%add3A_1046] : memref<33554432xf32, #tpu.memory_space<hbm>> -> memref<8192xf32, #tpu.memory_space<hbm>>
    tpu.enqueue_dma source(%arg12 : memref<8192xf32, #tpu.memory_space<vmem>>) target(%dma_start3A_1048 : memref<8192xf32, #tpu.memory_space<hbm>>) target_semaphore(%arg30 : memref<!tpu.dma_semaphore, #tpu.memory_space<semaphore_mem>>)
    %dma_wait3A_1049 = tpu.memref_slice %arg4[%add3A_998] : memref<33554432xf32, #tpu.memory_space<hbm>> -> memref<8192xf32, #tpu.memory_space<hbm>>
    %dma_wait3A_1050 = tpu.memref_slice %arg4[%add3A_998] : memref<33554432xf32, #tpu.memory_space<hbm>> -> memref<8192xf32, #tpu.memory_space<hbm>>
    tpu.wait_dma2 semaphore(%arg27 : memref<!tpu.dma_semaphore, #tpu.memory_space<semaphore_mem>>) src(%arg9 : memref<8192xf32, #tpu.memory_space<vmem>>) dst(%dma_wait3A_1050 : memref<8192xf32, #tpu.memory_space<hbm>>)
    %add3A_1051 = arith.constant 0 : i32
    %add3A_1052 = arith.addi %add3A_1051, %mul3A_4 : i32
    %add3A_1053 = arith.constant 139264 : i32
    %add3A_1054 = arith.addi %add3A_1052, %add3A_1053 : i32
    %dma_start3A_1055 = tpu.memref_slice %arg2[%add3A_1054] : memref<33554432xf32, #tpu.memory_space<hbm>> -> memref<8192xf32, #tpu.memory_space<hbm>>
    %dma_start3A_1056 = tpu.memref_slice %arg2[%add3A_1054] : memref<33554432xf32, #tpu.memory_space<hbm>> -> memref<8192xf32, #tpu.memory_space<hbm>>
    tpu.enqueue_dma source(%dma_start3A_1056 : memref<8192xf32, #tpu.memory_space<hbm>>) target(%arg9 : memref<8192xf32, #tpu.memory_space<vmem>>) target_semaphore(%arg19 : memref<!tpu.dma_semaphore, #tpu.memory_space<semaphore_mem>>)
    %dma_wait3A_1057 = tpu.memref_slice %arg2[%add3A_990] : memref<33554432xf32, #tpu.memory_space<hbm>> -> memref<8192xf32, #tpu.memory_space<hbm>>
    %dma_wait3A_1058 = tpu.memref_slice %arg2[%add3A_990] : memref<33554432xf32, #tpu.memory_space<hbm>> -> memref<8192xf32, #tpu.memory_space<hbm>>
    tpu.wait_dma2 semaphore(%arg15 : memref<!tpu.dma_semaphore, #tpu.memory_space<semaphore_mem>>) src(%dma_wait3A_1058 : memref<8192xf32, #tpu.memory_space<hbm>>) dst(%arg5 : memref<8192xf32, #tpu.memory_space<vmem>>)
    %add3A_1059 = arith.constant 0 : i32
    %add3A_1060 = arith.addi %add3A_1059, %mul3A_4 : i32
    %add3A_1061 = arith.constant 131072 : i32
    %add3A_1062 = arith.addi %add3A_1060, %add3A_1061 : i32
    %dma_start3A_1063 = tpu.memref_slice %arg4[%add3A_1062] : memref<33554432xf32, #tpu.memory_space<hbm>> -> memref<8192xf32, #tpu.memory_space<hbm>>
    %dma_start3A_1064 = tpu.memref_slice %arg4[%add3A_1062] : memref<33554432xf32, #tpu.memory_space<hbm>> -> memref<8192xf32, #tpu.memory_space<hbm>>
    tpu.enqueue_dma source(%arg5 : memref<8192xf32, #tpu.memory_space<vmem>>) target(%dma_start3A_1064 : memref<8192xf32, #tpu.memory_space<hbm>>) target_semaphore(%arg23 : memref<!tpu.dma_semaphore, #tpu.memory_space<semaphore_mem>>)
    %dma_wait3A_1065 = tpu.memref_slice %arg4[%add3A_1014] : memref<33554432xf32, #tpu.memory_space<hbm>> -> memref<8192xf32, #tpu.memory_space<hbm>>
    %dma_wait3A_1066 = tpu.memref_slice %arg4[%add3A_1014] : memref<33554432xf32, #tpu.memory_space<hbm>> -> memref<8192xf32, #tpu.memory_space<hbm>>
    tpu.wait_dma2 semaphore(%arg28 : memref<!tpu.dma_semaphore, #tpu.memory_space<semaphore_mem>>) src(%arg10 : memref<8192xf32, #tpu.memory_space<vmem>>) dst(%dma_wait3A_1066 : memref<8192xf32, #tpu.memory_space<hbm>>)
    %add3A_1067 = arith.constant 8388608 : i32
    %add3A_1068 = arith.addi %add3A_1067, %mul3A_4 : i32
    %add3A_1069 = arith.constant 139264 : i32
    %add3A_1070 = arith.addi %add3A_1068, %add3A_1069 : i32
    %dma_start3A_1071 = tpu.memref_slice %arg2[%add3A_1070] : memref<33554432xf32, #tpu.memory_space<hbm>> -> memref<8192xf32, #tpu.memory_space<hbm>>
    %dma_start3A_1072 = tpu.memref_slice %arg2[%add3A_1070] : memref<33554432xf32, #tpu.memory_space<hbm>> -> memref<8192xf32, #tpu.memory_space<hbm>>
    tpu.enqueue_dma source(%dma_start3A_1072 : memref<8192xf32, #tpu.memory_space<hbm>>) target(%arg10 : memref<8192xf32, #tpu.memory_space<vmem>>) target_semaphore(%arg20 : memref<!tpu.dma_semaphore, #tpu.memory_space<semaphore_mem>>)
    %dma_wait3A_1073 = tpu.memref_slice %arg2[%add3A_1006] : memref<33554432xf32, #tpu.memory_space<hbm>> -> memref<8192xf32, #tpu.memory_space<hbm>>
    %dma_wait3A_1074 = tpu.memref_slice %arg2[%add3A_1006] : memref<33554432xf32, #tpu.memory_space<hbm>> -> memref<8192xf32, #tpu.memory_space<hbm>>
    tpu.wait_dma2 semaphore(%arg16 : memref<!tpu.dma_semaphore, #tpu.memory_space<semaphore_mem>>) src(%dma_wait3A_1074 : memref<8192xf32, #tpu.memory_space<hbm>>) dst(%arg6 : memref<8192xf32, #tpu.memory_space<vmem>>)
    %add3A_1075 = arith.constant 8388608 : i32
    %add3A_1076 = arith.addi %add3A_1075, %mul3A_4 : i32
    %add3A_1077 = arith.constant 131072 : i32
    %add3A_1078 = arith.addi %add3A_1076, %add3A_1077 : i32
    %dma_start3A_1079 = tpu.memref_slice %arg4[%add3A_1078] : memref<33554432xf32, #tpu.memory_space<hbm>> -> memref<8192xf32, #tpu.memory_space<hbm>>
    %dma_start3A_1080 = tpu.memref_slice %arg4[%add3A_1078] : memref<33554432xf32, #tpu.memory_space<hbm>> -> memref<8192xf32, #tpu.memory_space<hbm>>
    tpu.enqueue_dma source(%arg6 : memref<8192xf32, #tpu.memory_space<vmem>>) target(%dma_start3A_1080 : memref<8192xf32, #tpu.memory_space<hbm>>) target_semaphore(%arg24 : memref<!tpu.dma_semaphore, #tpu.memory_space<semaphore_mem>>)
    %dma_wait3A_1081 = tpu.memref_slice %arg4[%add3A_1030] : memref<33554432xf32, #tpu.memory_space<hbm>> -> memref<8192xf32, #tpu.memory_space<hbm>>
    %dma_wait3A_1082 = tpu.memref_slice %arg4[%add3A_1030] : memref<33554432xf32, #tpu.memory_space<hbm>> -> memref<8192xf32, #tpu.memory_space<hbm>>
    tpu.wait_dma2 semaphore(%arg29 : memref<!tpu.dma_semaphore, #tpu.memory_space<semaphore_mem>>) src(%arg11 : memref<8192xf32, #tpu.memory_space<vmem>>) dst(%dma_wait3A_1082 : memref<8192xf32, #tpu.memory_space<hbm>>)
    %add3A_1083 = arith.constant 16777216 : i32
    %add3A_1084 = arith.addi %add3A_1083, %mul3A_4 : i32
    %add3A_1085 = arith.constant 139264 : i32
    %add3A_1086 = arith.addi %add3A_1084, %add3A_1085 : i32
    %dma_start3A_1087 = tpu.memref_slice %arg2[%add3A_1086] : memref<33554432xf32, #tpu.memory_space<hbm>> -> memref<8192xf32, #tpu.memory_space<hbm>>
    %dma_start3A_1088 = tpu.memref_slice %arg2[%add3A_1086] : memref<33554432xf32, #tpu.memory_space<hbm>> -> memref<8192xf32, #tpu.memory_space<hbm>>
    tpu.enqueue_dma source(%dma_start3A_1088 : memref<8192xf32, #tpu.memory_space<hbm>>) target(%arg11 : memref<8192xf32, #tpu.memory_space<vmem>>) target_semaphore(%arg21 : memref<!tpu.dma_semaphore, #tpu.memory_space<semaphore_mem>>)
    %dma_wait3A_1089 = tpu.memref_slice %arg2[%add3A_1022] : memref<33554432xf32, #tpu.memory_space<hbm>> -> memref<8192xf32, #tpu.memory_space<hbm>>
    %dma_wait3A_1090 = tpu.memref_slice %arg2[%add3A_1022] : memref<33554432xf32, #tpu.memory_space<hbm>> -> memref<8192xf32, #tpu.memory_space<hbm>>
    tpu.wait_dma2 semaphore(%arg17 : memref<!tpu.dma_semaphore, #tpu.memory_space<semaphore_mem>>) src(%dma_wait3A_1090 : memref<8192xf32, #tpu.memory_space<hbm>>) dst(%arg7 : memref<8192xf32, #tpu.memory_space<vmem>>)
    %add3A_1091 = arith.constant 16777216 : i32
    %add3A_1092 = arith.addi %add3A_1091, %mul3A_4 : i32
    %add3A_1093 = arith.constant 131072 : i32
    %add3A_1094 = arith.addi %add3A_1092, %add3A_1093 : i32
    %dma_start3A_1095 = tpu.memref_slice %arg4[%add3A_1094] : memref<33554432xf32, #tpu.memory_space<hbm>> -> memref<8192xf32, #tpu.memory_space<hbm>>
    %dma_start3A_1096 = tpu.memref_slice %arg4[%add3A_1094] : memref<33554432xf32, #tpu.memory_space<hbm>> -> memref<8192xf32, #tpu.memory_space<hbm>>
    tpu.enqueue_dma source(%arg7 : memref<8192xf32, #tpu.memory_space<vmem>>) target(%dma_start3A_1096 : memref<8192xf32, #tpu.memory_space<hbm>>) target_semaphore(%arg25 : memref<!tpu.dma_semaphore, #tpu.memory_space<semaphore_mem>>)
    %dma_wait3A_1097 = tpu.memref_slice %arg4[%add3A_1046] : memref<33554432xf32, #tpu.memory_space<hbm>> -> memref<8192xf32, #tpu.memory_space<hbm>>
    %dma_wait3A_1098 = tpu.memref_slice %arg4[%add3A_1046] : memref<33554432xf32, #tpu.memory_space<hbm>> -> memref<8192xf32, #tpu.memory_space<hbm>>
    tpu.wait_dma2 semaphore(%arg30 : memref<!tpu.dma_semaphore, #tpu.memory_space<semaphore_mem>>) src(%arg12 : memref<8192xf32, #tpu.memory_space<vmem>>) dst(%dma_wait3A_1098 : memref<8192xf32, #tpu.memory_space<hbm>>)
    %add3A_1099 = arith.constant 25165824 : i32
    %add3A_1100 = arith.addi %add3A_1099, %mul3A_4 : i32
    %add3A_1101 = arith.constant 139264 : i32
    %add3A_1102 = arith.addi %add3A_1100, %add3A_1101 : i32
    %dma_start3A_1103 = tpu.memref_slice %arg2[%add3A_1102] : memref<33554432xf32, #tpu.memory_space<hbm>> -> memref<8192xf32, #tpu.memory_space<hbm>>
    %dma_start3A_1104 = tpu.memref_slice %arg2[%add3A_1102] : memref<33554432xf32, #tpu.memory_space<hbm>> -> memref<8192xf32, #tpu.memory_space<hbm>>
    tpu.enqueue_dma source(%dma_start3A_1104 : memref<8192xf32, #tpu.memory_space<hbm>>) target(%arg12 : memref<8192xf32, #tpu.memory_space<vmem>>) target_semaphore(%arg22 : memref<!tpu.dma_semaphore, #tpu.memory_space<semaphore_mem>>)
    %dma_wait3A_1105 = tpu.memref_slice %arg2[%add3A_1038] : memref<33554432xf32, #tpu.memory_space<hbm>> -> memref<8192xf32, #tpu.memory_space<hbm>>
    %dma_wait3A_1106 = tpu.memref_slice %arg2[%add3A_1038] : memref<33554432xf32, #tpu.memory_space<hbm>> -> memref<8192xf32, #tpu.memory_space<hbm>>
    tpu.wait_dma2 semaphore(%arg18 : memref<!tpu.dma_semaphore, #tpu.memory_space<semaphore_mem>>) src(%dma_wait3A_1106 : memref<8192xf32, #tpu.memory_space<hbm>>) dst(%arg8 : memref<8192xf32, #tpu.memory_space<vmem>>)
    %add3A_1107 = arith.constant 25165824 : i32
    %add3A_1108 = arith.addi %add3A_1107, %mul3A_4 : i32
    %add3A_1109 = arith.constant 131072 : i32
    %add3A_1110 = arith.addi %add3A_1108, %add3A_1109 : i32
    %dma_start3A_1111 = tpu.memref_slice %arg4[%add3A_1110] : memref<33554432xf32, #tpu.memory_space<hbm>> -> memref<8192xf32, #tpu.memory_space<hbm>>
    %dma_start3A_1112 = tpu.memref_slice %arg4[%add3A_1110] : memref<33554432xf32, #tpu.memory_space<hbm>> -> memref<8192xf32, #tpu.memory_space<hbm>>
    tpu.enqueue_dma source(%arg8 : memref<8192xf32, #tpu.memory_space<vmem>>) target(%dma_start3A_1112 : memref<8192xf32, #tpu.memory_space<hbm>>) target_semaphore(%arg26 : memref<!tpu.dma_semaphore, #tpu.memory_space<semaphore_mem>>)
    %dma_wait3A_1113 = tpu.memref_slice %arg4[%add3A_1062] : memref<33554432xf32, #tpu.memory_space<hbm>> -> memref<8192xf32, #tpu.memory_space<hbm>>
    %dma_wait3A_1114 = tpu.memref_slice %arg4[%add3A_1062] : memref<33554432xf32, #tpu.memory_space<hbm>> -> memref<8192xf32, #tpu.memory_space<hbm>>
    tpu.wait_dma2 semaphore(%arg23 : memref<!tpu.dma_semaphore, #tpu.memory_space<semaphore_mem>>) src(%arg5 : memref<8192xf32, #tpu.memory_space<vmem>>) dst(%dma_wait3A_1114 : memref<8192xf32, #tpu.memory_space<hbm>>)
    %add3A_1115 = arith.constant 0 : i32
    %add3A_1116 = arith.addi %add3A_1115, %mul3A_4 : i32
    %add3A_1117 = arith.constant 147456 : i32
    %add3A_1118 = arith.addi %add3A_1116, %add3A_1117 : i32
    %dma_start3A_1119 = tpu.memref_slice %arg2[%add3A_1118] : memref<33554432xf32, #tpu.memory_space<hbm>> -> memref<8192xf32, #tpu.memory_space<hbm>>
    %dma_start3A_1120 = tpu.memref_slice %arg2[%add3A_1118] : memref<33554432xf32, #tpu.memory_space<hbm>> -> memref<8192xf32, #tpu.memory_space<hbm>>
    tpu.enqueue_dma source(%dma_start3A_1120 : memref<8192xf32, #tpu.memory_space<hbm>>) target(%arg5 : memref<8192xf32, #tpu.memory_space<vmem>>) target_semaphore(%arg15 : memref<!tpu.dma_semaphore, #tpu.memory_space<semaphore_mem>>)
    %dma_wait3A_1121 = tpu.memref_slice %arg2[%add3A_1054] : memref<33554432xf32, #tpu.memory_space<hbm>> -> memref<8192xf32, #tpu.memory_space<hbm>>
    %dma_wait3A_1122 = tpu.memref_slice %arg2[%add3A_1054] : memref<33554432xf32, #tpu.memory_space<hbm>> -> memref<8192xf32, #tpu.memory_space<hbm>>
    tpu.wait_dma2 semaphore(%arg19 : memref<!tpu.dma_semaphore, #tpu.memory_space<semaphore_mem>>) src(%dma_wait3A_1122 : memref<8192xf32, #tpu.memory_space<hbm>>) dst(%arg9 : memref<8192xf32, #tpu.memory_space<vmem>>)
    %add3A_1123 = arith.constant 0 : i32
    %add3A_1124 = arith.addi %add3A_1123, %mul3A_4 : i32
    %add3A_1125 = arith.constant 139264 : i32
    %add3A_1126 = arith.addi %add3A_1124, %add3A_1125 : i32
    %dma_start3A_1127 = tpu.memref_slice %arg4[%add3A_1126] : memref<33554432xf32, #tpu.memory_space<hbm>> -> memref<8192xf32, #tpu.memory_space<hbm>>
    %dma_start3A_1128 = tpu.memref_slice %arg4[%add3A_1126] : memref<33554432xf32, #tpu.memory_space<hbm>> -> memref<8192xf32, #tpu.memory_space<hbm>>
    tpu.enqueue_dma source(%arg9 : memref<8192xf32, #tpu.memory_space<vmem>>) target(%dma_start3A_1128 : memref<8192xf32, #tpu.memory_space<hbm>>) target_semaphore(%arg27 : memref<!tpu.dma_semaphore, #tpu.memory_space<semaphore_mem>>)
    %dma_wait3A_1129 = tpu.memref_slice %arg4[%add3A_1078] : memref<33554432xf32, #tpu.memory_space<hbm>> -> memref<8192xf32, #tpu.memory_space<hbm>>
    %dma_wait3A_1130 = tpu.memref_slice %arg4[%add3A_1078] : memref<33554432xf32, #tpu.memory_space<hbm>> -> memref<8192xf32, #tpu.memory_space<hbm>>
    tpu.wait_dma2 semaphore(%arg24 : memref<!tpu.dma_semaphore, #tpu.memory_space<semaphore_mem>>) src(%arg6 : memref<8192xf32, #tpu.memory_space<vmem>>) dst(%dma_wait3A_1130 : memref<8192xf32, #tpu.memory_space<hbm>>)
    %add3A_1131 = arith.constant 8388608 : i32
    %add3A_1132 = arith.addi %add3A_1131, %mul3A_4 : i32
    %add3A_1133 = arith.constant 147456 : i32
    %add3A_1134 = arith.addi %add3A_1132, %add3A_1133 : i32
    %dma_start3A_1135 = tpu.memref_slice %arg2[%add3A_1134] : memref<33554432xf32, #tpu.memory_space<hbm>> -> memref<8192xf32, #tpu.memory_space<hbm>>
    %dma_start3A_1136 = tpu.memref_slice %arg2[%add3A_1134] : memref<33554432xf32, #tpu.memory_space<hbm>> -> memref<8192xf32, #tpu.memory_space<hbm>>
    tpu.enqueue_dma source(%dma_start3A_1136 : memref<8192xf32, #tpu.memory_space<hbm>>) target(%arg6 : memref<8192xf32, #tpu.memory_space<vmem>>) target_semaphore(%arg16 : memref<!tpu.dma_semaphore, #tpu.memory_space<semaphore_mem>>)
    %dma_wait3A_1137 = tpu.memref_slice %arg2[%add3A_1070] : memref<33554432xf32, #tpu.memory_space<hbm>> -> memref<8192xf32, #tpu.memory_space<hbm>>
    %dma_wait3A_1138 = tpu.memref_slice %arg2[%add3A_1070] : memref<33554432xf32, #tpu.memory_space<hbm>> -> memref<8192xf32, #tpu.memory_space<hbm>>
    tpu.wait_dma2 semaphore(%arg20 : memref<!tpu.dma_semaphore, #tpu.memory_space<semaphore_mem>>) src(%dma_wait3A_1138 : memref<8192xf32, #tpu.memory_space<hbm>>) dst(%arg10 : memref<8192xf32, #tpu.memory_space<vmem>>)
    %add3A_1139 = arith.constant 8388608 : i32
    %add3A_1140 = arith.addi %add3A_1139, %mul3A_4 : i32
    %add3A_1141 = arith.constant 139264 : i32
    %add3A_1142 = arith.addi %add3A_1140, %add3A_1141 : i32
    %dma_start3A_1143 = tpu.memref_slice %arg4[%add3A_1142] : memref<33554432xf32, #tpu.memory_space<hbm>> -> memref<8192xf32, #tpu.memory_space<hbm>>
    %dma_start3A_1144 = tpu.memref_slice %arg4[%add3A_1142] : memref<33554432xf32, #tpu.memory_space<hbm>> -> memref<8192xf32, #tpu.memory_space<hbm>>
    tpu.enqueue_dma source(%arg10 : memref<8192xf32, #tpu.memory_space<vmem>>) target(%dma_start3A_1144 : memref<8192xf32, #tpu.memory_space<hbm>>) target_semaphore(%arg28 : memref<!tpu.dma_semaphore, #tpu.memory_space<semaphore_mem>>)
    %dma_wait3A_1145 = tpu.memref_slice %arg4[%add3A_1094] : memref<33554432xf32, #tpu.memory_space<hbm>> -> memref<8192xf32, #tpu.memory_space<hbm>>
    %dma_wait3A_1146 = tpu.memref_slice %arg4[%add3A_1094] : memref<33554432xf32, #tpu.memory_space<hbm>> -> memref<8192xf32, #tpu.memory_space<hbm>>
    tpu.wait_dma2 semaphore(%arg25 : memref<!tpu.dma_semaphore, #tpu.memory_space<semaphore_mem>>) src(%arg7 : memref<8192xf32, #tpu.memory_space<vmem>>) dst(%dma_wait3A_1146 : memref<8192xf32, #tpu.memory_space<hbm>>)
    %add3A_1147 = arith.constant 16777216 : i32
    %add3A_1148 = arith.addi %add3A_1147, %mul3A_4 : i32
    %add3A_1149 = arith.constant 147456 : i32
    %add3A_1150 = arith.addi %add3A_1148, %add3A_1149 : i32
    %dma_start3A_1151 = tpu.memref_slice %arg2[%add3A_1150] : memref<33554432xf32, #tpu.memory_space<hbm>> -> memref<8192xf32, #tpu.memory_space<hbm>>
    %dma_start3A_1152 = tpu.memref_slice %arg2[%add3A_1150] : memref<33554432xf32, #tpu.memory_space<hbm>> -> memref<8192xf32, #tpu.memory_space<hbm>>
    tpu.enqueue_dma source(%dma_start3A_1152 : memref<8192xf32, #tpu.memory_space<hbm>>) target(%arg7 : memref<8192xf32, #tpu.memory_space<vmem>>) target_semaphore(%arg17 : memref<!tpu.dma_semaphore, #tpu.memory_space<semaphore_mem>>)
    %dma_wait3A_1153 = tpu.memref_slice %arg2[%add3A_1086] : memref<33554432xf32, #tpu.memory_space<hbm>> -> memref<8192xf32, #tpu.memory_space<hbm>>
    %dma_wait3A_1154 = tpu.memref_slice %arg2[%add3A_1086] : memref<33554432xf32, #tpu.memory_space<hbm>> -> memref<8192xf32, #tpu.memory_space<hbm>>
    tpu.wait_dma2 semaphore(%arg21 : memref<!tpu.dma_semaphore, #tpu.memory_space<semaphore_mem>>) src(%dma_wait3A_1154 : memref<8192xf32, #tpu.memory_space<hbm>>) dst(%arg11 : memref<8192xf32, #tpu.memory_space<vmem>>)
    %add3A_1155 = arith.constant 16777216 : i32
    %add3A_1156 = arith.addi %add3A_1155, %mul3A_4 : i32
    %add3A_1157 = arith.constant 139264 : i32
    %add3A_1158 = arith.addi %add3A_1156, %add3A_1157 : i32
    %dma_start3A_1159 = tpu.memref_slice %arg4[%add3A_1158] : memref<33554432xf32, #tpu.memory_space<hbm>> -> memref<8192xf32, #tpu.memory_space<hbm>>
    %dma_start3A_1160 = tpu.memref_slice %arg4[%add3A_1158] : memref<33554432xf32, #tpu.memory_space<hbm>> -> memref<8192xf32, #tpu.memory_space<hbm>>
    tpu.enqueue_dma source(%arg11 : memref<8192xf32, #tpu.memory_space<vmem>>) target(%dma_start3A_1160 : memref<8192xf32, #tpu.memory_space<hbm>>) target_semaphore(%arg29 : memref<!tpu.dma_semaphore, #tpu.memory_space<semaphore_mem>>)
    %dma_wait3A_1161 = tpu.memref_slice %arg4[%add3A_1110] : memref<33554432xf32, #tpu.memory_space<hbm>> -> memref<8192xf32, #tpu.memory_space<hbm>>
    %dma_wait3A_1162 = tpu.memref_slice %arg4[%add3A_1110] : memref<33554432xf32, #tpu.memory_space<hbm>> -> memref<8192xf32, #tpu.memory_space<hbm>>
    tpu.wait_dma2 semaphore(%arg26 : memref<!tpu.dma_semaphore, #tpu.memory_space<semaphore_mem>>) src(%arg8 : memref<8192xf32, #tpu.memory_space<vmem>>) dst(%dma_wait3A_1162 : memref<8192xf32, #tpu.memory_space<hbm>>)
    %add3A_1163 = arith.constant 25165824 : i32
    %add3A_1164 = arith.addi %add3A_1163, %mul3A_4 : i32
    %add3A_1165 = arith.constant 147456 : i32
    %add3A_1166 = arith.addi %add3A_1164, %add3A_1165 : i32
    %dma_start3A_1167 = tpu.memref_slice %arg2[%add3A_1166] : memref<33554432xf32, #tpu.memory_space<hbm>> -> memref<8192xf32, #tpu.memory_space<hbm>>
    %dma_start3A_1168 = tpu.memref_slice %arg2[%add3A_1166] : memref<33554432xf32, #tpu.memory_space<hbm>> -> memref<8192xf32, #tpu.memory_space<hbm>>
    tpu.enqueue_dma source(%dma_start3A_1168 : memref<8192xf32, #tpu.memory_space<hbm>>) target(%arg8 : memref<8192xf32, #tpu.memory_space<vmem>>) target_semaphore(%arg18 : memref<!tpu.dma_semaphore, #tpu.memory_space<semaphore_mem>>)
    %dma_wait3A_1169 = tpu.memref_slice %arg2[%add3A_1102] : memref<33554432xf32, #tpu.memory_space<hbm>> -> memref<8192xf32, #tpu.memory_space<hbm>>
    %dma_wait3A_1170 = tpu.memref_slice %arg2[%add3A_1102] : memref<33554432xf32, #tpu.memory_space<hbm>> -> memref<8192xf32, #tpu.memory_space<hbm>>
    tpu.wait_dma2 semaphore(%arg22 : memref<!tpu.dma_semaphore, #tpu.memory_space<semaphore_mem>>) src(%dma_wait3A_1170 : memref<8192xf32, #tpu.memory_space<hbm>>) dst(%arg12 : memref<8192xf32, #tpu.memory_space<vmem>>)
    %add3A_1171 = arith.constant 25165824 : i32
    %add3A_1172 = arith.addi %add3A_1171, %mul3A_4 : i32
    %add3A_1173 = arith.constant 139264 : i32
    %add3A_1174 = arith.addi %add3A_1172, %add3A_1173 : i32
    %dma_start3A_1175 = tpu.memref_slice %arg4[%add3A_1174] : memref<33554432xf32, #tpu.memory_space<hbm>> -> memref<8192xf32, #tpu.memory_space<hbm>>
    %dma_start3A_1176 = tpu.memref_slice %arg4[%add3A_1174] : memref<33554432xf32, #tpu.memory_space<hbm>> -> memref<8192xf32, #tpu.memory_space<hbm>>
    tpu.enqueue_dma source(%arg12 : memref<8192xf32, #tpu.memory_space<vmem>>) target(%dma_start3A_1176 : memref<8192xf32, #tpu.memory_space<hbm>>) target_semaphore(%arg30 : memref<!tpu.dma_semaphore, #tpu.memory_space<semaphore_mem>>)
    %dma_wait3A_1177 = tpu.memref_slice %arg4[%add3A_1126] : memref<33554432xf32, #tpu.memory_space<hbm>> -> memref<8192xf32, #tpu.memory_space<hbm>>
    %dma_wait3A_1178 = tpu.memref_slice %arg4[%add3A_1126] : memref<33554432xf32, #tpu.memory_space<hbm>> -> memref<8192xf32, #tpu.memory_space<hbm>>
    tpu.wait_dma2 semaphore(%arg27 : memref<!tpu.dma_semaphore, #tpu.memory_space<semaphore_mem>>) src(%arg9 : memref<8192xf32, #tpu.memory_space<vmem>>) dst(%dma_wait3A_1178 : memref<8192xf32, #tpu.memory_space<hbm>>)
    %add3A_1179 = arith.constant 0 : i32
    %add3A_1180 = arith.addi %add3A_1179, %mul3A_4 : i32
    %add3A_1181 = arith.constant 155648 : i32
    %add3A_1182 = arith.addi %add3A_1180, %add3A_1181 : i32
    %dma_start3A_1183 = tpu.memref_slice %arg2[%add3A_1182] : memref<33554432xf32, #tpu.memory_space<hbm>> -> memref<8192xf32, #tpu.memory_space<hbm>>
    %dma_start3A_1184 = tpu.memref_slice %arg2[%add3A_1182] : memref<33554432xf32, #tpu.memory_space<hbm>> -> memref<8192xf32, #tpu.memory_space<hbm>>
    tpu.enqueue_dma source(%dma_start3A_1184 : memref<8192xf32, #tpu.memory_space<hbm>>) target(%arg9 : memref<8192xf32, #tpu.memory_space<vmem>>) target_semaphore(%arg19 : memref<!tpu.dma_semaphore, #tpu.memory_space<semaphore_mem>>)
    %dma_wait3A_1185 = tpu.memref_slice %arg2[%add3A_1118] : memref<33554432xf32, #tpu.memory_space<hbm>> -> memref<8192xf32, #tpu.memory_space<hbm>>
    %dma_wait3A_1186 = tpu.memref_slice %arg2[%add3A_1118] : memref<33554432xf32, #tpu.memory_space<hbm>> -> memref<8192xf32, #tpu.memory_space<hbm>>
    tpu.wait_dma2 semaphore(%arg15 : memref<!tpu.dma_semaphore, #tpu.memory_space<semaphore_mem>>) src(%dma_wait3A_1186 : memref<8192xf32, #tpu.memory_space<hbm>>) dst(%arg5 : memref<8192xf32, #tpu.memory_space<vmem>>)
    %add3A_1187 = arith.constant 0 : i32
    %add3A_1188 = arith.addi %add3A_1187, %mul3A_4 : i32
    %add3A_1189 = arith.constant 147456 : i32
    %add3A_1190 = arith.addi %add3A_1188, %add3A_1189 : i32
    %dma_start3A_1191 = tpu.memref_slice %arg4[%add3A_1190] : memref<33554432xf32, #tpu.memory_space<hbm>> -> memref<8192xf32, #tpu.memory_space<hbm>>
    %dma_start3A_1192 = tpu.memref_slice %arg4[%add3A_1190] : memref<33554432xf32, #tpu.memory_space<hbm>> -> memref<8192xf32, #tpu.memory_space<hbm>>
    tpu.enqueue_dma source(%arg5 : memref<8192xf32, #tpu.memory_space<vmem>>) target(%dma_start3A_1192 : memref<8192xf32, #tpu.memory_space<hbm>>) target_semaphore(%arg23 : memref<!tpu.dma_semaphore, #tpu.memory_space<semaphore_mem>>)
    %dma_wait3A_1193 = tpu.memref_slice %arg4[%add3A_1142] : memref<33554432xf32, #tpu.memory_space<hbm>> -> memref<8192xf32, #tpu.memory_space<hbm>>
    %dma_wait3A_1194 = tpu.memref_slice %arg4[%add3A_1142] : memref<33554432xf32, #tpu.memory_space<hbm>> -> memref<8192xf32, #tpu.memory_space<hbm>>
    tpu.wait_dma2 semaphore(%arg28 : memref<!tpu.dma_semaphore, #tpu.memory_space<semaphore_mem>>) src(%arg10 : memref<8192xf32, #tpu.memory_space<vmem>>) dst(%dma_wait3A_1194 : memref<8192xf32, #tpu.memory_space<hbm>>)
    %add3A_1195 = arith.constant 8388608 : i32
    %add3A_1196 = arith.addi %add3A_1195, %mul3A_4 : i32
    %add3A_1197 = arith.constant 155648 : i32
    %add3A_1198 = arith.addi %add3A_1196, %add3A_1197 : i32
    %dma_start3A_1199 = tpu.memref_slice %arg2[%add3A_1198] : memref<33554432xf32, #tpu.memory_space<hbm>> -> memref<8192xf32, #tpu.memory_space<hbm>>
    %dma_start3A_1200 = tpu.memref_slice %arg2[%add3A_1198] : memref<33554432xf32, #tpu.memory_space<hbm>> -> memref<8192xf32, #tpu.memory_space<hbm>>
    tpu.enqueue_dma source(%dma_start3A_1200 : memref<8192xf32, #tpu.memory_space<hbm>>) target(%arg10 : memref<8192xf32, #tpu.memory_space<vmem>>) target_semaphore(%arg20 : memref<!tpu.dma_semaphore, #tpu.memory_space<semaphore_mem>>)
    %dma_wait3A_1201 = tpu.memref_slice %arg2[%add3A_1134] : memref<33554432xf32, #tpu.memory_space<hbm>> -> memref<8192xf32, #tpu.memory_space<hbm>>
    %dma_wait3A_1202 = tpu.memref_slice %arg2[%add3A_1134] : memref<33554432xf32, #tpu.memory_space<hbm>> -> memref<8192xf32, #tpu.memory_space<hbm>>
    tpu.wait_dma2 semaphore(%arg16 : memref<!tpu.dma_semaphore, #tpu.memory_space<semaphore_mem>>) src(%dma_wait3A_1202 : memref<8192xf32, #tpu.memory_space<hbm>>) dst(%arg6 : memref<8192xf32, #tpu.memory_space<vmem>>)
    %add3A_1203 = arith.constant 8388608 : i32
    %add3A_1204 = arith.addi %add3A_1203, %mul3A_4 : i32
    %add3A_1205 = arith.constant 147456 : i32
    %add3A_1206 = arith.addi %add3A_1204, %add3A_1205 : i32
    %dma_start3A_1207 = tpu.memref_slice %arg4[%add3A_1206] : memref<33554432xf32, #tpu.memory_space<hbm>> -> memref<8192xf32, #tpu.memory_space<hbm>>
    %dma_start3A_1208 = tpu.memref_slice %arg4[%add3A_1206] : memref<33554432xf32, #tpu.memory_space<hbm>> -> memref<8192xf32, #tpu.memory_space<hbm>>
    tpu.enqueue_dma source(%arg6 : memref<8192xf32, #tpu.memory_space<vmem>>) target(%dma_start3A_1208 : memref<8192xf32, #tpu.memory_space<hbm>>) target_semaphore(%arg24 : memref<!tpu.dma_semaphore, #tpu.memory_space<semaphore_mem>>)
    %dma_wait3A_1209 = tpu.memref_slice %arg4[%add3A_1158] : memref<33554432xf32, #tpu.memory_space<hbm>> -> memref<8192xf32, #tpu.memory_space<hbm>>
    %dma_wait3A_1210 = tpu.memref_slice %arg4[%add3A_1158] : memref<33554432xf32, #tpu.memory_space<hbm>> -> memref<8192xf32, #tpu.memory_space<hbm>>
    tpu.wait_dma2 semaphore(%arg29 : memref<!tpu.dma_semaphore, #tpu.memory_space<semaphore_mem>>) src(%arg11 : memref<8192xf32, #tpu.memory_space<vmem>>) dst(%dma_wait3A_1210 : memref<8192xf32, #tpu.memory_space<hbm>>)
    %add3A_1211 = arith.constant 16777216 : i32
    %add3A_1212 = arith.addi %add3A_1211, %mul3A_4 : i32
    %add3A_1213 = arith.constant 155648 : i32
    %add3A_1214 = arith.addi %add3A_1212, %add3A_1213 : i32
    %dma_start3A_1215 = tpu.memref_slice %arg2[%add3A_1214] : memref<33554432xf32, #tpu.memory_space<hbm>> -> memref<8192xf32, #tpu.memory_space<hbm>>
    %dma_start3A_1216 = tpu.memref_slice %arg2[%add3A_1214] : memref<33554432xf32, #tpu.memory_space<hbm>> -> memref<8192xf32, #tpu.memory_space<hbm>>
    tpu.enqueue_dma source(%dma_start3A_1216 : memref<8192xf32, #tpu.memory_space<hbm>>) target(%arg11 : memref<8192xf32, #tpu.memory_space<vmem>>) target_semaphore(%arg21 : memref<!tpu.dma_semaphore, #tpu.memory_space<semaphore_mem>>)
    %dma_wait3A_1217 = tpu.memref_slice %arg2[%add3A_1150] : memref<33554432xf32, #tpu.memory_space<hbm>> -> memref<8192xf32, #tpu.memory_space<hbm>>
    %dma_wait3A_1218 = tpu.memref_slice %arg2[%add3A_1150] : memref<33554432xf32, #tpu.memory_space<hbm>> -> memref<8192xf32, #tpu.memory_space<hbm>>
    tpu.wait_dma2 semaphore(%arg17 : memref<!tpu.dma_semaphore, #tpu.memory_space<semaphore_mem>>) src(%dma_wait3A_1218 : memref<8192xf32, #tpu.memory_space<hbm>>) dst(%arg7 : memref<8192xf32, #tpu.memory_space<vmem>>)
    %add3A_1219 = arith.constant 16777216 : i32
    %add3A_1220 = arith.addi %add3A_1219, %mul3A_4 : i32
    %add3A_1221 = arith.constant 147456 : i32
    %add3A_1222 = arith.addi %add3A_1220, %add3A_1221 : i32
    %dma_start3A_1223 = tpu.memref_slice %arg4[%add3A_1222] : memref<33554432xf32, #tpu.memory_space<hbm>> -> memref<8192xf32, #tpu.memory_space<hbm>>
    %dma_start3A_1224 = tpu.memref_slice %arg4[%add3A_1222] : memref<33554432xf32, #tpu.memory_space<hbm>> -> memref<8192xf32, #tpu.memory_space<hbm>>
    tpu.enqueue_dma source(%arg7 : memref<8192xf32, #tpu.memory_space<vmem>>) target(%dma_start3A_1224 : memref<8192xf32, #tpu.memory_space<hbm>>) target_semaphore(%arg25 : memref<!tpu.dma_semaphore, #tpu.memory_space<semaphore_mem>>)
    %dma_wait3A_1225 = tpu.memref_slice %arg4[%add3A_1174] : memref<33554432xf32, #tpu.memory_space<hbm>> -> memref<8192xf32, #tpu.memory_space<hbm>>
    %dma_wait3A_1226 = tpu.memref_slice %arg4[%add3A_1174] : memref<33554432xf32, #tpu.memory_space<hbm>> -> memref<8192xf32, #tpu.memory_space<hbm>>
    tpu.wait_dma2 semaphore(%arg30 : memref<!tpu.dma_semaphore, #tpu.memory_space<semaphore_mem>>) src(%arg12 : memref<8192xf32, #tpu.memory_space<vmem>>) dst(%dma_wait3A_1226 : memref<8192xf32, #tpu.memory_space<hbm>>)
    %add3A_1227 = arith.constant 25165824 : i32
    %add3A_1228 = arith.addi %add3A_1227, %mul3A_4 : i32
    %add3A_1229 = arith.constant 155648 : i32
    %add3A_1230 = arith.addi %add3A_1228, %add3A_1229 : i32
    %dma_start3A_1231 = tpu.memref_slice %arg2[%add3A_1230] : memref<33554432xf32, #tpu.memory_space<hbm>> -> memref<8192xf32, #tpu.memory_space<hbm>>
    %dma_start3A_1232 = tpu.memref_slice %arg2[%add3A_1230] : memref<33554432xf32, #tpu.memory_space<hbm>> -> memref<8192xf32, #tpu.memory_space<hbm>>
    tpu.enqueue_dma source(%dma_start3A_1232 : memref<8192xf32, #tpu.memory_space<hbm>>) target(%arg12 : memref<8192xf32, #tpu.memory_space<vmem>>) target_semaphore(%arg22 : memref<!tpu.dma_semaphore, #tpu.memory_space<semaphore_mem>>)
    %dma_wait3A_1233 = tpu.memref_slice %arg2[%add3A_1166] : memref<33554432xf32, #tpu.memory_space<hbm>> -> memref<8192xf32, #tpu.memory_space<hbm>>
    %dma_wait3A_1234 = tpu.memref_slice %arg2[%add3A_1166] : memref<33554432xf32, #tpu.memory_space<hbm>> -> memref<8192xf32, #tpu.memory_space<hbm>>
    tpu.wait_dma2 semaphore(%arg18 : memref<!tpu.dma_semaphore, #tpu.memory_space<semaphore_mem>>) src(%dma_wait3A_1234 : memref<8192xf32, #tpu.memory_space<hbm>>) dst(%arg8 : memref<8192xf32, #tpu.memory_space<vmem>>)
    %add3A_1235 = arith.constant 25165824 : i32
    %add3A_1236 = arith.addi %add3A_1235, %mul3A_4 : i32
    %add3A_1237 = arith.constant 147456 : i32
    %add3A_1238 = arith.addi %add3A_1236, %add3A_1237 : i32
    %dma_start3A_1239 = tpu.memref_slice %arg4[%add3A_1238] : memref<33554432xf32, #tpu.memory_space<hbm>> -> memref<8192xf32, #tpu.memory_space<hbm>>
    %dma_start3A_1240 = tpu.memref_slice %arg4[%add3A_1238] : memref<33554432xf32, #tpu.memory_space<hbm>> -> memref<8192xf32, #tpu.memory_space<hbm>>
    tpu.enqueue_dma source(%arg8 : memref<8192xf32, #tpu.memory_space<vmem>>) target(%dma_start3A_1240 : memref<8192xf32, #tpu.memory_space<hbm>>) target_semaphore(%arg26 : memref<!tpu.dma_semaphore, #tpu.memory_space<semaphore_mem>>)
    %dma_wait3A_1241 = tpu.memref_slice %arg4[%add3A_1190] : memref<33554432xf32, #tpu.memory_space<hbm>> -> memref<8192xf32, #tpu.memory_space<hbm>>
    %dma_wait3A_1242 = tpu.memref_slice %arg4[%add3A_1190] : memref<33554432xf32, #tpu.memory_space<hbm>> -> memref<8192xf32, #tpu.memory_space<hbm>>
    tpu.wait_dma2 semaphore(%arg23 : memref<!tpu.dma_semaphore, #tpu.memory_space<semaphore_mem>>) src(%arg5 : memref<8192xf32, #tpu.memory_space<vmem>>) dst(%dma_wait3A_1242 : memref<8192xf32, #tpu.memory_space<hbm>>)
    %add3A_1243 = arith.constant 0 : i32
    %add3A_1244 = arith.addi %add3A_1243, %mul3A_4 : i32
    %add3A_1245 = arith.constant 163840 : i32
    %add3A_1246 = arith.addi %add3A_1244, %add3A_1245 : i32
    %dma_start3A_1247 = tpu.memref_slice %arg2[%add3A_1246] : memref<33554432xf32, #tpu.memory_space<hbm>> -> memref<8192xf32, #tpu.memory_space<hbm>>
    %dma_start3A_1248 = tpu.memref_slice %arg2[%add3A_1246] : memref<33554432xf32, #tpu.memory_space<hbm>> -> memref<8192xf32, #tpu.memory_space<hbm>>
    tpu.enqueue_dma source(%dma_start3A_1248 : memref<8192xf32, #tpu.memory_space<hbm>>) target(%arg5 : memref<8192xf32, #tpu.memory_space<vmem>>) target_semaphore(%arg15 : memref<!tpu.dma_semaphore, #tpu.memory_space<semaphore_mem>>)
    %dma_wait3A_1249 = tpu.memref_slice %arg2[%add3A_1182] : memref<33554432xf32, #tpu.memory_space<hbm>> -> memref<8192xf32, #tpu.memory_space<hbm>>
    %dma_wait3A_1250 = tpu.memref_slice %arg2[%add3A_1182] : memref<33554432xf32, #tpu.memory_space<hbm>> -> memref<8192xf32, #tpu.memory_space<hbm>>
    tpu.wait_dma2 semaphore(%arg19 : memref<!tpu.dma_semaphore, #tpu.memory_space<semaphore_mem>>) src(%dma_wait3A_1250 : memref<8192xf32, #tpu.memory_space<hbm>>) dst(%arg9 : memref<8192xf32, #tpu.memory_space<vmem>>)
    %add3A_1251 = arith.constant 0 : i32
    %add3A_1252 = arith.addi %add3A_1251, %mul3A_4 : i32
    %add3A_1253 = arith.constant 155648 : i32
    %add3A_1254 = arith.addi %add3A_1252, %add3A_1253 : i32
    %dma_start3A_1255 = tpu.memref_slice %arg4[%add3A_1254] : memref<33554432xf32, #tpu.memory_space<hbm>> -> memref<8192xf32, #tpu.memory_space<hbm>>
    %dma_start3A_1256 = tpu.memref_slice %arg4[%add3A_1254] : memref<33554432xf32, #tpu.memory_space<hbm>> -> memref<8192xf32, #tpu.memory_space<hbm>>
    tpu.enqueue_dma source(%arg9 : memref<8192xf32, #tpu.memory_space<vmem>>) target(%dma_start3A_1256 : memref<8192xf32, #tpu.memory_space<hbm>>) target_semaphore(%arg27 : memref<!tpu.dma_semaphore, #tpu.memory_space<semaphore_mem>>)
    %dma_wait3A_1257 = tpu.memref_slice %arg4[%add3A_1206] : memref<33554432xf32, #tpu.memory_space<hbm>> -> memref<8192xf32, #tpu.memory_space<hbm>>
    %dma_wait3A_1258 = tpu.memref_slice %arg4[%add3A_1206] : memref<33554432xf32, #tpu.memory_space<hbm>> -> memref<8192xf32, #tpu.memory_space<hbm>>
    tpu.wait_dma2 semaphore(%arg24 : memref<!tpu.dma_semaphore, #tpu.memory_space<semaphore_mem>>) src(%arg6 : memref<8192xf32, #tpu.memory_space<vmem>>) dst(%dma_wait3A_1258 : memref<8192xf32, #tpu.memory_space<hbm>>)
    %add3A_1259 = arith.constant 8388608 : i32
    %add3A_1260 = arith.addi %add3A_1259, %mul3A_4 : i32
    %add3A_1261 = arith.constant 163840 : i32
    %add3A_1262 = arith.addi %add3A_1260, %add3A_1261 : i32
    %dma_start3A_1263 = tpu.memref_slice %arg2[%add3A_1262] : memref<33554432xf32, #tpu.memory_space<hbm>> -> memref<8192xf32, #tpu.memory_space<hbm>>
    %dma_start3A_1264 = tpu.memref_slice %arg2[%add3A_1262] : memref<33554432xf32, #tpu.memory_space<hbm>> -> memref<8192xf32, #tpu.memory_space<hbm>>
    tpu.enqueue_dma source(%dma_start3A_1264 : memref<8192xf32, #tpu.memory_space<hbm>>) target(%arg6 : memref<8192xf32, #tpu.memory_space<vmem>>) target_semaphore(%arg16 : memref<!tpu.dma_semaphore, #tpu.memory_space<semaphore_mem>>)
    %dma_wait3A_1265 = tpu.memref_slice %arg2[%add3A_1198] : memref<33554432xf32, #tpu.memory_space<hbm>> -> memref<8192xf32, #tpu.memory_space<hbm>>
    %dma_wait3A_1266 = tpu.memref_slice %arg2[%add3A_1198] : memref<33554432xf32, #tpu.memory_space<hbm>> -> memref<8192xf32, #tpu.memory_space<hbm>>
    tpu.wait_dma2 semaphore(%arg20 : memref<!tpu.dma_semaphore, #tpu.memory_space<semaphore_mem>>) src(%dma_wait3A_1266 : memref<8192xf32, #tpu.memory_space<hbm>>) dst(%arg10 : memref<8192xf32, #tpu.memory_space<vmem>>)
    %add3A_1267 = arith.constant 8388608 : i32
    %add3A_1268 = arith.addi %add3A_1267, %mul3A_4 : i32
    %add3A_1269 = arith.constant 155648 : i32
    %add3A_1270 = arith.addi %add3A_1268, %add3A_1269 : i32
    %dma_start3A_1271 = tpu.memref_slice %arg4[%add3A_1270] : memref<33554432xf32, #tpu.memory_space<hbm>> -> memref<8192xf32, #tpu.memory_space<hbm>>
    %dma_start3A_1272 = tpu.memref_slice %arg4[%add3A_1270] : memref<33554432xf32, #tpu.memory_space<hbm>> -> memref<8192xf32, #tpu.memory_space<hbm>>
    tpu.enqueue_dma source(%arg10 : memref<8192xf32, #tpu.memory_space<vmem>>) target(%dma_start3A_1272 : memref<8192xf32, #tpu.memory_space<hbm>>) target_semaphore(%arg28 : memref<!tpu.dma_semaphore, #tpu.memory_space<semaphore_mem>>)
    %dma_wait3A_1273 = tpu.memref_slice %arg4[%add3A_1222] : memref<33554432xf32, #tpu.memory_space<hbm>> -> memref<8192xf32, #tpu.memory_space<hbm>>
    %dma_wait3A_1274 = tpu.memref_slice %arg4[%add3A_1222] : memref<33554432xf32, #tpu.memory_space<hbm>> -> memref<8192xf32, #tpu.memory_space<hbm>>
    tpu.wait_dma2 semaphore(%arg25 : memref<!tpu.dma_semaphore, #tpu.memory_space<semaphore_mem>>) src(%arg7 : memref<8192xf32, #tpu.memory_space<vmem>>) dst(%dma_wait3A_1274 : memref<8192xf32, #tpu.memory_space<hbm>>)
    %add3A_1275 = arith.constant 16777216 : i32
    %add3A_1276 = arith.addi %add3A_1275, %mul3A_4 : i32
    %add3A_1277 = arith.constant 163840 : i32
    %add3A_1278 = arith.addi %add3A_1276, %add3A_1277 : i32
    %dma_start3A_1279 = tpu.memref_slice %arg2[%add3A_1278] : memref<33554432xf32, #tpu.memory_space<hbm>> -> memref<8192xf32, #tpu.memory_space<hbm>>
    %dma_start3A_1280 = tpu.memref_slice %arg2[%add3A_1278] : memref<33554432xf32, #tpu.memory_space<hbm>> -> memref<8192xf32, #tpu.memory_space<hbm>>
    tpu.enqueue_dma source(%dma_start3A_1280 : memref<8192xf32, #tpu.memory_space<hbm>>) target(%arg7 : memref<8192xf32, #tpu.memory_space<vmem>>) target_semaphore(%arg17 : memref<!tpu.dma_semaphore, #tpu.memory_space<semaphore_mem>>)
    %dma_wait3A_1281 = tpu.memref_slice %arg2[%add3A_1214] : memref<33554432xf32, #tpu.memory_space<hbm>> -> memref<8192xf32, #tpu.memory_space<hbm>>
    %dma_wait3A_1282 = tpu.memref_slice %arg2[%add3A_1214] : memref<33554432xf32, #tpu.memory_space<hbm>> -> memref<8192xf32, #tpu.memory_space<hbm>>
    tpu.wait_dma2 semaphore(%arg21 : memref<!tpu.dma_semaphore, #tpu.memory_space<semaphore_mem>>) src(%dma_wait3A_1282 : memref<8192xf32, #tpu.memory_space<hbm>>) dst(%arg11 : memref<8192xf32, #tpu.memory_space<vmem>>)
    %add3A_1283 = arith.constant 16777216 : i32
    %add3A_1284 = arith.addi %add3A_1283, %mul3A_4 : i32
    %add3A_1285 = arith.constant 155648 : i32
    %add3A_1286 = arith.addi %add3A_1284, %add3A_1285 : i32
    %dma_start3A_1287 = tpu.memref_slice %arg4[%add3A_1286] : memref<33554432xf32, #tpu.memory_space<hbm>> -> memref<8192xf32, #tpu.memory_space<hbm>>
    %dma_start3A_1288 = tpu.memref_slice %arg4[%add3A_1286] : memref<33554432xf32, #tpu.memory_space<hbm>> -> memref<8192xf32, #tpu.memory_space<hbm>>
    tpu.enqueue_dma source(%arg11 : memref<8192xf32, #tpu.memory_space<vmem>>) target(%dma_start3A_1288 : memref<8192xf32, #tpu.memory_space<hbm>>) target_semaphore(%arg29 : memref<!tpu.dma_semaphore, #tpu.memory_space<semaphore_mem>>)
    %dma_wait3A_1289 = tpu.memref_slice %arg4[%add3A_1238] : memref<33554432xf32, #tpu.memory_space<hbm>> -> memref<8192xf32, #tpu.memory_space<hbm>>
    %dma_wait3A_1290 = tpu.memref_slice %arg4[%add3A_1238] : memref<33554432xf32, #tpu.memory_space<hbm>> -> memref<8192xf32, #tpu.memory_space<hbm>>
    tpu.wait_dma2 semaphore(%arg26 : memref<!tpu.dma_semaphore, #tpu.memory_space<semaphore_mem>>) src(%arg8 : memref<8192xf32, #tpu.memory_space<vmem>>) dst(%dma_wait3A_1290 : memref<8192xf32, #tpu.memory_space<hbm>>)
    %add3A_1291 = arith.constant 25165824 : i32
    %add3A_1292 = arith.addi %add3A_1291, %mul3A_4 : i32
    %add3A_1293 = arith.constant 163840 : i32
    %add3A_1294 = arith.addi %add3A_1292, %add3A_1293 : i32
    %dma_start3A_1295 = tpu.memref_slice %arg2[%add3A_1294] : memref<33554432xf32, #tpu.memory_space<hbm>> -> memref<8192xf32, #tpu.memory_space<hbm>>
    %dma_start3A_1296 = tpu.memref_slice %arg2[%add3A_1294] : memref<33554432xf32, #tpu.memory_space<hbm>> -> memref<8192xf32, #tpu.memory_space<hbm>>
    tpu.enqueue_dma source(%dma_start3A_1296 : memref<8192xf32, #tpu.memory_space<hbm>>) target(%arg8 : memref<8192xf32, #tpu.memory_space<vmem>>) target_semaphore(%arg18 : memref<!tpu.dma_semaphore, #tpu.memory_space<semaphore_mem>>)
    %dma_wait3A_1297 = tpu.memref_slice %arg2[%add3A_1230] : memref<33554432xf32, #tpu.memory_space<hbm>> -> memref<8192xf32, #tpu.memory_space<hbm>>
    %dma_wait3A_1298 = tpu.memref_slice %arg2[%add3A_1230] : memref<33554432xf32, #tpu.memory_space<hbm>> -> memref<8192xf32, #tpu.memory_space<hbm>>
    tpu.wait_dma2 semaphore(%arg22 : memref<!tpu.dma_semaphore, #tpu.memory_space<semaphore_mem>>) src(%dma_wait3A_1298 : memref<8192xf32, #tpu.memory_space<hbm>>) dst(%arg12 : memref<8192xf32, #tpu.memory_space<vmem>>)
    %add3A_1299 = arith.constant 25165824 : i32
    %add3A_1300 = arith.addi %add3A_1299, %mul3A_4 : i32
    %add3A_1301 = arith.constant 155648 : i32
    %add3A_1302 = arith.addi %add3A_1300, %add3A_1301 : i32
    %dma_start3A_1303 = tpu.memref_slice %arg4[%add3A_1302] : memref<33554432xf32, #tpu.memory_space<hbm>> -> memref<8192xf32, #tpu.memory_space<hbm>>
    %dma_start3A_1304 = tpu.memref_slice %arg4[%add3A_1302] : memref<33554432xf32, #tpu.memory_space<hbm>> -> memref<8192xf32, #tpu.memory_space<hbm>>
    tpu.enqueue_dma source(%arg12 : memref<8192xf32, #tpu.memory_space<vmem>>) target(%dma_start3A_1304 : memref<8192xf32, #tpu.memory_space<hbm>>) target_semaphore(%arg30 : memref<!tpu.dma_semaphore, #tpu.memory_space<semaphore_mem>>)
    %dma_wait3A_1305 = tpu.memref_slice %arg4[%add3A_1254] : memref<33554432xf32, #tpu.memory_space<hbm>> -> memref<8192xf32, #tpu.memory_space<hbm>>
    %dma_wait3A_1306 = tpu.memref_slice %arg4[%add3A_1254] : memref<33554432xf32, #tpu.memory_space<hbm>> -> memref<8192xf32, #tpu.memory_space<hbm>>
    tpu.wait_dma2 semaphore(%arg27 : memref<!tpu.dma_semaphore, #tpu.memory_space<semaphore_mem>>) src(%arg9 : memref<8192xf32, #tpu.memory_space<vmem>>) dst(%dma_wait3A_1306 : memref<8192xf32, #tpu.memory_space<hbm>>)
    %add3A_1307 = arith.constant 0 : i32
    %add3A_1308 = arith.addi %add3A_1307, %mul3A_4 : i32
    %add3A_1309 = arith.constant 172032 : i32
    %add3A_1310 = arith.addi %add3A_1308, %add3A_1309 : i32
    %dma_start3A_1311 = tpu.memref_slice %arg2[%add3A_1310] : memref<33554432xf32, #tpu.memory_space<hbm>> -> memref<8192xf32, #tpu.memory_space<hbm>>
    %dma_start3A_1312 = tpu.memref_slice %arg2[%add3A_1310] : memref<33554432xf32, #tpu.memory_space<hbm>> -> memref<8192xf32, #tpu.memory_space<hbm>>
    tpu.enqueue_dma source(%dma_start3A_1312 : memref<8192xf32, #tpu.memory_space<hbm>>) target(%arg9 : memref<8192xf32, #tpu.memory_space<vmem>>) target_semaphore(%arg19 : memref<!tpu.dma_semaphore, #tpu.memory_space<semaphore_mem>>)
    %dma_wait3A_1313 = tpu.memref_slice %arg2[%add3A_1246] : memref<33554432xf32, #tpu.memory_space<hbm>> -> memref<8192xf32, #tpu.memory_space<hbm>>
    %dma_wait3A_1314 = tpu.memref_slice %arg2[%add3A_1246] : memref<33554432xf32, #tpu.memory_space<hbm>> -> memref<8192xf32, #tpu.memory_space<hbm>>
    tpu.wait_dma2 semaphore(%arg15 : memref<!tpu.dma_semaphore, #tpu.memory_space<semaphore_mem>>) src(%dma_wait3A_1314 : memref<8192xf32, #tpu.memory_space<hbm>>) dst(%arg5 : memref<8192xf32, #tpu.memory_space<vmem>>)
    %add3A_1315 = arith.constant 0 : i32
    %add3A_1316 = arith.addi %add3A_1315, %mul3A_4 : i32
    %add3A_1317 = arith.constant 163840 : i32
    %add3A_1318 = arith.addi %add3A_1316, %add3A_1317 : i32
    %dma_start3A_1319 = tpu.memref_slice %arg4[%add3A_1318] : memref<33554432xf32, #tpu.memory_space<hbm>> -> memref<8192xf32, #tpu.memory_space<hbm>>
    %dma_start3A_1320 = tpu.memref_slice %arg4[%add3A_1318] : memref<33554432xf32, #tpu.memory_space<hbm>> -> memref<8192xf32, #tpu.memory_space<hbm>>
    tpu.enqueue_dma source(%arg5 : memref<8192xf32, #tpu.memory_space<vmem>>) target(%dma_start3A_1320 : memref<8192xf32, #tpu.memory_space<hbm>>) target_semaphore(%arg23 : memref<!tpu.dma_semaphore, #tpu.memory_space<semaphore_mem>>)
    %dma_wait3A_1321 = tpu.memref_slice %arg4[%add3A_1270] : memref<33554432xf32, #tpu.memory_space<hbm>> -> memref<8192xf32, #tpu.memory_space<hbm>>
    %dma_wait3A_1322 = tpu.memref_slice %arg4[%add3A_1270] : memref<33554432xf32, #tpu.memory_space<hbm>> -> memref<8192xf32, #tpu.memory_space<hbm>>
    tpu.wait_dma2 semaphore(%arg28 : memref<!tpu.dma_semaphore, #tpu.memory_space<semaphore_mem>>) src(%arg10 : memref<8192xf32, #tpu.memory_space<vmem>>) dst(%dma_wait3A_1322 : memref<8192xf32, #tpu.memory_space<hbm>>)
    %add3A_1323 = arith.constant 8388608 : i32
    %add3A_1324 = arith.addi %add3A_1323, %mul3A_4 : i32
    %add3A_1325 = arith.constant 172032 : i32
    %add3A_1326 = arith.addi %add3A_1324, %add3A_1325 : i32
    %dma_start3A_1327 = tpu.memref_slice %arg2[%add3A_1326] : memref<33554432xf32, #tpu.memory_space<hbm>> -> memref<8192xf32, #tpu.memory_space<hbm>>
    %dma_start3A_1328 = tpu.memref_slice %arg2[%add3A_1326] : memref<33554432xf32, #tpu.memory_space<hbm>> -> memref<8192xf32, #tpu.memory_space<hbm>>
    tpu.enqueue_dma source(%dma_start3A_1328 : memref<8192xf32, #tpu.memory_space<hbm>>) target(%arg10 : memref<8192xf32, #tpu.memory_space<vmem>>) target_semaphore(%arg20 : memref<!tpu.dma_semaphore, #tpu.memory_space<semaphore_mem>>)
    %dma_wait3A_1329 = tpu.memref_slice %arg2[%add3A_1262] : memref<33554432xf32, #tpu.memory_space<hbm>> -> memref<8192xf32, #tpu.memory_space<hbm>>
    %dma_wait3A_1330 = tpu.memref_slice %arg2[%add3A_1262] : memref<33554432xf32, #tpu.memory_space<hbm>> -> memref<8192xf32, #tpu.memory_space<hbm>>
    tpu.wait_dma2 semaphore(%arg16 : memref<!tpu.dma_semaphore, #tpu.memory_space<semaphore_mem>>) src(%dma_wait3A_1330 : memref<8192xf32, #tpu.memory_space<hbm>>) dst(%arg6 : memref<8192xf32, #tpu.memory_space<vmem>>)
    %add3A_1331 = arith.constant 8388608 : i32
    %add3A_1332 = arith.addi %add3A_1331, %mul3A_4 : i32
    %add3A_1333 = arith.constant 163840 : i32
    %add3A_1334 = arith.addi %add3A_1332, %add3A_1333 : i32
    %dma_start3A_1335 = tpu.memref_slice %arg4[%add3A_1334] : memref<33554432xf32, #tpu.memory_space<hbm>> -> memref<8192xf32, #tpu.memory_space<hbm>>
    %dma_start3A_1336 = tpu.memref_slice %arg4[%add3A_1334] : memref<33554432xf32, #tpu.memory_space<hbm>> -> memref<8192xf32, #tpu.memory_space<hbm>>
    tpu.enqueue_dma source(%arg6 : memref<8192xf32, #tpu.memory_space<vmem>>) target(%dma_start3A_1336 : memref<8192xf32, #tpu.memory_space<hbm>>) target_semaphore(%arg24 : memref<!tpu.dma_semaphore, #tpu.memory_space<semaphore_mem>>)
    %dma_wait3A_1337 = tpu.memref_slice %arg4[%add3A_1286] : memref<33554432xf32, #tpu.memory_space<hbm>> -> memref<8192xf32, #tpu.memory_space<hbm>>
    %dma_wait3A_1338 = tpu.memref_slice %arg4[%add3A_1286] : memref<33554432xf32, #tpu.memory_space<hbm>> -> memref<8192xf32, #tpu.memory_space<hbm>>
    tpu.wait_dma2 semaphore(%arg29 : memref<!tpu.dma_semaphore, #tpu.memory_space<semaphore_mem>>) src(%arg11 : memref<8192xf32, #tpu.memory_space<vmem>>) dst(%dma_wait3A_1338 : memref<8192xf32, #tpu.memory_space<hbm>>)
    %add3A_1339 = arith.constant 16777216 : i32
    %add3A_1340 = arith.addi %add3A_1339, %mul3A_4 : i32
    %add3A_1341 = arith.constant 172032 : i32
    %add3A_1342 = arith.addi %add3A_1340, %add3A_1341 : i32
    %dma_start3A_1343 = tpu.memref_slice %arg2[%add3A_1342] : memref<33554432xf32, #tpu.memory_space<hbm>> -> memref<8192xf32, #tpu.memory_space<hbm>>
    %dma_start3A_1344 = tpu.memref_slice %arg2[%add3A_1342] : memref<33554432xf32, #tpu.memory_space<hbm>> -> memref<8192xf32, #tpu.memory_space<hbm>>
    tpu.enqueue_dma source(%dma_start3A_1344 : memref<8192xf32, #tpu.memory_space<hbm>>) target(%arg11 : memref<8192xf32, #tpu.memory_space<vmem>>) target_semaphore(%arg21 : memref<!tpu.dma_semaphore, #tpu.memory_space<semaphore_mem>>)
    %dma_wait3A_1345 = tpu.memref_slice %arg2[%add3A_1278] : memref<33554432xf32, #tpu.memory_space<hbm>> -> memref<8192xf32, #tpu.memory_space<hbm>>
    %dma_wait3A_1346 = tpu.memref_slice %arg2[%add3A_1278] : memref<33554432xf32, #tpu.memory_space<hbm>> -> memref<8192xf32, #tpu.memory_space<hbm>>
    tpu.wait_dma2 semaphore(%arg17 : memref<!tpu.dma_semaphore, #tpu.memory_space<semaphore_mem>>) src(%dma_wait3A_1346 : memref<8192xf32, #tpu.memory_space<hbm>>) dst(%arg7 : memref<8192xf32, #tpu.memory_space<vmem>>)
    %add3A_1347 = arith.constant 16777216 : i32
    %add3A_1348 = arith.addi %add3A_1347, %mul3A_4 : i32
    %add3A_1349 = arith.constant 163840 : i32
    %add3A_1350 = arith.addi %add3A_1348, %add3A_1349 : i32
    %dma_start3A_1351 = tpu.memref_slice %arg4[%add3A_1350] : memref<33554432xf32, #tpu.memory_space<hbm>> -> memref<8192xf32, #tpu.memory_space<hbm>>
    %dma_start3A_1352 = tpu.memref_slice %arg4[%add3A_1350] : memref<33554432xf32, #tpu.memory_space<hbm>> -> memref<8192xf32, #tpu.memory_space<hbm>>
    tpu.enqueue_dma source(%arg7 : memref<8192xf32, #tpu.memory_space<vmem>>) target(%dma_start3A_1352 : memref<8192xf32, #tpu.memory_space<hbm>>) target_semaphore(%arg25 : memref<!tpu.dma_semaphore, #tpu.memory_space<semaphore_mem>>)
    %dma_wait3A_1353 = tpu.memref_slice %arg4[%add3A_1302] : memref<33554432xf32, #tpu.memory_space<hbm>> -> memref<8192xf32, #tpu.memory_space<hbm>>
    %dma_wait3A_1354 = tpu.memref_slice %arg4[%add3A_1302] : memref<33554432xf32, #tpu.memory_space<hbm>> -> memref<8192xf32, #tpu.memory_space<hbm>>
    tpu.wait_dma2 semaphore(%arg30 : memref<!tpu.dma_semaphore, #tpu.memory_space<semaphore_mem>>) src(%arg12 : memref<8192xf32, #tpu.memory_space<vmem>>) dst(%dma_wait3A_1354 : memref<8192xf32, #tpu.memory_space<hbm>>)
    %add3A_1355 = arith.constant 25165824 : i32
    %add3A_1356 = arith.addi %add3A_1355, %mul3A_4 : i32
    %add3A_1357 = arith.constant 172032 : i32
    %add3A_1358 = arith.addi %add3A_1356, %add3A_1357 : i32
    %dma_start3A_1359 = tpu.memref_slice %arg2[%add3A_1358] : memref<33554432xf32, #tpu.memory_space<hbm>> -> memref<8192xf32, #tpu.memory_space<hbm>>
    %dma_start3A_1360 = tpu.memref_slice %arg2[%add3A_1358] : memref<33554432xf32, #tpu.memory_space<hbm>> -> memref<8192xf32, #tpu.memory_space<hbm>>
    tpu.enqueue_dma source(%dma_start3A_1360 : memref<8192xf32, #tpu.memory_space<hbm>>) target(%arg12 : memref<8192xf32, #tpu.memory_space<vmem>>) target_semaphore(%arg22 : memref<!tpu.dma_semaphore, #tpu.memory_space<semaphore_mem>>)
    %dma_wait3A_1361 = tpu.memref_slice %arg2[%add3A_1294] : memref<33554432xf32, #tpu.memory_space<hbm>> -> memref<8192xf32, #tpu.memory_space<hbm>>
    %dma_wait3A_1362 = tpu.memref_slice %arg2[%add3A_1294] : memref<33554432xf32, #tpu.memory_space<hbm>> -> memref<8192xf32, #tpu.memory_space<hbm>>
    tpu.wait_dma2 semaphore(%arg18 : memref<!tpu.dma_semaphore, #tpu.memory_space<semaphore_mem>>) src(%dma_wait3A_1362 : memref<8192xf32, #tpu.memory_space<hbm>>) dst(%arg8 : memref<8192xf32, #tpu.memory_space<vmem>>)
    %add3A_1363 = arith.constant 25165824 : i32
    %add3A_1364 = arith.addi %add3A_1363, %mul3A_4 : i32
    %add3A_1365 = arith.constant 163840 : i32
    %add3A_1366 = arith.addi %add3A_1364, %add3A_1365 : i32
    %dma_start3A_1367 = tpu.memref_slice %arg4[%add3A_1366] : memref<33554432xf32, #tpu.memory_space<hbm>> -> memref<8192xf32, #tpu.memory_space<hbm>>
    %dma_start3A_1368 = tpu.memref_slice %arg4[%add3A_1366] : memref<33554432xf32, #tpu.memory_space<hbm>> -> memref<8192xf32, #tpu.memory_space<hbm>>
    tpu.enqueue_dma source(%arg8 : memref<8192xf32, #tpu.memory_space<vmem>>) target(%dma_start3A_1368 : memref<8192xf32, #tpu.memory_space<hbm>>) target_semaphore(%arg26 : memref<!tpu.dma_semaphore, #tpu.memory_space<semaphore_mem>>)
    %dma_wait3A_1369 = tpu.memref_slice %arg4[%add3A_1318] : memref<33554432xf32, #tpu.memory_space<hbm>> -> memref<8192xf32, #tpu.memory_space<hbm>>
    %dma_wait3A_1370 = tpu.memref_slice %arg4[%add3A_1318] : memref<33554432xf32, #tpu.memory_space<hbm>> -> memref<8192xf32, #tpu.memory_space<hbm>>
    tpu.wait_dma2 semaphore(%arg23 : memref<!tpu.dma_semaphore, #tpu.memory_space<semaphore_mem>>) src(%arg5 : memref<8192xf32, #tpu.memory_space<vmem>>) dst(%dma_wait3A_1370 : memref<8192xf32, #tpu.memory_space<hbm>>)
    %add3A_1371 = arith.constant 0 : i32
    %add3A_1372 = arith.addi %add3A_1371, %mul3A_4 : i32
    %add3A_1373 = arith.constant 180224 : i32
    %add3A_1374 = arith.addi %add3A_1372, %add3A_1373 : i32
    %dma_start3A_1375 = tpu.memref_slice %arg2[%add3A_1374] : memref<33554432xf32, #tpu.memory_space<hbm>> -> memref<8192xf32, #tpu.memory_space<hbm>>
    %dma_start3A_1376 = tpu.memref_slice %arg2[%add3A_1374] : memref<33554432xf32, #tpu.memory_space<hbm>> -> memref<8192xf32, #tpu.memory_space<hbm>>
    tpu.enqueue_dma source(%dma_start3A_1376 : memref<8192xf32, #tpu.memory_space<hbm>>) target(%arg5 : memref<8192xf32, #tpu.memory_space<vmem>>) target_semaphore(%arg15 : memref<!tpu.dma_semaphore, #tpu.memory_space<semaphore_mem>>)
    %dma_wait3A_1377 = tpu.memref_slice %arg2[%add3A_1310] : memref<33554432xf32, #tpu.memory_space<hbm>> -> memref<8192xf32, #tpu.memory_space<hbm>>
    %dma_wait3A_1378 = tpu.memref_slice %arg2[%add3A_1310] : memref<33554432xf32, #tpu.memory_space<hbm>> -> memref<8192xf32, #tpu.memory_space<hbm>>
    tpu.wait_dma2 semaphore(%arg19 : memref<!tpu.dma_semaphore, #tpu.memory_space<semaphore_mem>>) src(%dma_wait3A_1378 : memref<8192xf32, #tpu.memory_space<hbm>>) dst(%arg9 : memref<8192xf32, #tpu.memory_space<vmem>>)
    %add3A_1379 = arith.constant 0 : i32
    %add3A_1380 = arith.addi %add3A_1379, %mul3A_4 : i32
    %add3A_1381 = arith.constant 172032 : i32
    %add3A_1382 = arith.addi %add3A_1380, %add3A_1381 : i32
    %dma_start3A_1383 = tpu.memref_slice %arg4[%add3A_1382] : memref<33554432xf32, #tpu.memory_space<hbm>> -> memref<8192xf32, #tpu.memory_space<hbm>>
    %dma_start3A_1384 = tpu.memref_slice %arg4[%add3A_1382] : memref<33554432xf32, #tpu.memory_space<hbm>> -> memref<8192xf32, #tpu.memory_space<hbm>>
    tpu.enqueue_dma source(%arg9 : memref<8192xf32, #tpu.memory_space<vmem>>) target(%dma_start3A_1384 : memref<8192xf32, #tpu.memory_space<hbm>>) target_semaphore(%arg27 : memref<!tpu.dma_semaphore, #tpu.memory_space<semaphore_mem>>)
    %dma_wait3A_1385 = tpu.memref_slice %arg4[%add3A_1334] : memref<33554432xf32, #tpu.memory_space<hbm>> -> memref<8192xf32, #tpu.memory_space<hbm>>
    %dma_wait3A_1386 = tpu.memref_slice %arg4[%add3A_1334] : memref<33554432xf32, #tpu.memory_space<hbm>> -> memref<8192xf32, #tpu.memory_space<hbm>>
    tpu.wait_dma2 semaphore(%arg24 : memref<!tpu.dma_semaphore, #tpu.memory_space<semaphore_mem>>) src(%arg6 : memref<8192xf32, #tpu.memory_space<vmem>>) dst(%dma_wait3A_1386 : memref<8192xf32, #tpu.memory_space<hbm>>)
    %add3A_1387 = arith.constant 8388608 : i32
    %add3A_1388 = arith.addi %add3A_1387, %mul3A_4 : i32
    %add3A_1389 = arith.constant 180224 : i32
    %add3A_1390 = arith.addi %add3A_1388, %add3A_1389 : i32
    %dma_start3A_1391 = tpu.memref_slice %arg2[%add3A_1390] : memref<33554432xf32, #tpu.memory_space<hbm>> -> memref<8192xf32, #tpu.memory_space<hbm>>
    %dma_start3A_1392 = tpu.memref_slice %arg2[%add3A_1390] : memref<33554432xf32, #tpu.memory_space<hbm>> -> memref<8192xf32, #tpu.memory_space<hbm>>
    tpu.enqueue_dma source(%dma_start3A_1392 : memref<8192xf32, #tpu.memory_space<hbm>>) target(%arg6 : memref<8192xf32, #tpu.memory_space<vmem>>) target_semaphore(%arg16 : memref<!tpu.dma_semaphore, #tpu.memory_space<semaphore_mem>>)
    %dma_wait3A_1393 = tpu.memref_slice %arg2[%add3A_1326] : memref<33554432xf32, #tpu.memory_space<hbm>> -> memref<8192xf32, #tpu.memory_space<hbm>>
    %dma_wait3A_1394 = tpu.memref_slice %arg2[%add3A_1326] : memref<33554432xf32, #tpu.memory_space<hbm>> -> memref<8192xf32, #tpu.memory_space<hbm>>
    tpu.wait_dma2 semaphore(%arg20 : memref<!tpu.dma_semaphore, #tpu.memory_space<semaphore_mem>>) src(%dma_wait3A_1394 : memref<8192xf32, #tpu.memory_space<hbm>>) dst(%arg10 : memref<8192xf32, #tpu.memory_space<vmem>>)
    %add3A_1395 = arith.constant 8388608 : i32
    %add3A_1396 = arith.addi %add3A_1395, %mul3A_4 : i32
    %add3A_1397 = arith.constant 172032 : i32
    %add3A_1398 = arith.addi %add3A_1396, %add3A_1397 : i32
    %dma_start3A_1399 = tpu.memref_slice %arg4[%add3A_1398] : memref<33554432xf32, #tpu.memory_space<hbm>> -> memref<8192xf32, #tpu.memory_space<hbm>>
    %dma_start3A_1400 = tpu.memref_slice %arg4[%add3A_1398] : memref<33554432xf32, #tpu.memory_space<hbm>> -> memref<8192xf32, #tpu.memory_space<hbm>>
    tpu.enqueue_dma source(%arg10 : memref<8192xf32, #tpu.memory_space<vmem>>) target(%dma_start3A_1400 : memref<8192xf32, #tpu.memory_space<hbm>>) target_semaphore(%arg28 : memref<!tpu.dma_semaphore, #tpu.memory_space<semaphore_mem>>)
    %dma_wait3A_1401 = tpu.memref_slice %arg4[%add3A_1350] : memref<33554432xf32, #tpu.memory_space<hbm>> -> memref<8192xf32, #tpu.memory_space<hbm>>
    %dma_wait3A_1402 = tpu.memref_slice %arg4[%add3A_1350] : memref<33554432xf32, #tpu.memory_space<hbm>> -> memref<8192xf32, #tpu.memory_space<hbm>>
    tpu.wait_dma2 semaphore(%arg25 : memref<!tpu.dma_semaphore, #tpu.memory_space<semaphore_mem>>) src(%arg7 : memref<8192xf32, #tpu.memory_space<vmem>>) dst(%dma_wait3A_1402 : memref<8192xf32, #tpu.memory_space<hbm>>)
    %add3A_1403 = arith.constant 16777216 : i32
    %add3A_1404 = arith.addi %add3A_1403, %mul3A_4 : i32
    %add3A_1405 = arith.constant 180224 : i32
    %add3A_1406 = arith.addi %add3A_1404, %add3A_1405 : i32
    %dma_start3A_1407 = tpu.memref_slice %arg2[%add3A_1406] : memref<33554432xf32, #tpu.memory_space<hbm>> -> memref<8192xf32, #tpu.memory_space<hbm>>
    %dma_start3A_1408 = tpu.memref_slice %arg2[%add3A_1406] : memref<33554432xf32, #tpu.memory_space<hbm>> -> memref<8192xf32, #tpu.memory_space<hbm>>
    tpu.enqueue_dma source(%dma_start3A_1408 : memref<8192xf32, #tpu.memory_space<hbm>>) target(%arg7 : memref<8192xf32, #tpu.memory_space<vmem>>) target_semaphore(%arg17 : memref<!tpu.dma_semaphore, #tpu.memory_space<semaphore_mem>>)
    %dma_wait3A_1409 = tpu.memref_slice %arg2[%add3A_1342] : memref<33554432xf32, #tpu.memory_space<hbm>> -> memref<8192xf32, #tpu.memory_space<hbm>>
    %dma_wait3A_1410 = tpu.memref_slice %arg2[%add3A_1342] : memref<33554432xf32, #tpu.memory_space<hbm>> -> memref<8192xf32, #tpu.memory_space<hbm>>
    tpu.wait_dma2 semaphore(%arg21 : memref<!tpu.dma_semaphore, #tpu.memory_space<semaphore_mem>>) src(%dma_wait3A_1410 : memref<8192xf32, #tpu.memory_space<hbm>>) dst(%arg11 : memref<8192xf32, #tpu.memory_space<vmem>>)
    %add3A_1411 = arith.constant 16777216 : i32
    %add3A_1412 = arith.addi %add3A_1411, %mul3A_4 : i32
    %add3A_1413 = arith.constant 172032 : i32
    %add3A_1414 = arith.addi %add3A_1412, %add3A_1413 : i32
    %dma_start3A_1415 = tpu.memref_slice %arg4[%add3A_1414] : memref<33554432xf32, #tpu.memory_space<hbm>> -> memref<8192xf32, #tpu.memory_space<hbm>>
    %dma_start3A_1416 = tpu.memref_slice %arg4[%add3A_1414] : memref<33554432xf32, #tpu.memory_space<hbm>> -> memref<8192xf32, #tpu.memory_space<hbm>>
    tpu.enqueue_dma source(%arg11 : memref<8192xf32, #tpu.memory_space<vmem>>) target(%dma_start3A_1416 : memref<8192xf32, #tpu.memory_space<hbm>>) target_semaphore(%arg29 : memref<!tpu.dma_semaphore, #tpu.memory_space<semaphore_mem>>)
    %dma_wait3A_1417 = tpu.memref_slice %arg4[%add3A_1366] : memref<33554432xf32, #tpu.memory_space<hbm>> -> memref<8192xf32, #tpu.memory_space<hbm>>
    %dma_wait3A_1418 = tpu.memref_slice %arg4[%add3A_1366] : memref<33554432xf32, #tpu.memory_space<hbm>> -> memref<8192xf32, #tpu.memory_space<hbm>>
    tpu.wait_dma2 semaphore(%arg26 : memref<!tpu.dma_semaphore, #tpu.memory_space<semaphore_mem>>) src(%arg8 : memref<8192xf32, #tpu.memory_space<vmem>>) dst(%dma_wait3A_1418 : memref<8192xf32, #tpu.memory_space<hbm>>)
    %add3A_1419 = arith.constant 25165824 : i32
    %add3A_1420 = arith.addi %add3A_1419, %mul3A_4 : i32
    %add3A_1421 = arith.constant 180224 : i32
    %add3A_1422 = arith.addi %add3A_1420, %add3A_1421 : i32
    %dma_start3A_1423 = tpu.memref_slice %arg2[%add3A_1422] : memref<33554432xf32, #tpu.memory_space<hbm>> -> memref<8192xf32, #tpu.memory_space<hbm>>
    %dma_start3A_1424 = tpu.memref_slice %arg2[%add3A_1422] : memref<33554432xf32, #tpu.memory_space<hbm>> -> memref<8192xf32, #tpu.memory_space<hbm>>
    tpu.enqueue_dma source(%dma_start3A_1424 : memref<8192xf32, #tpu.memory_space<hbm>>) target(%arg8 : memref<8192xf32, #tpu.memory_space<vmem>>) target_semaphore(%arg18 : memref<!tpu.dma_semaphore, #tpu.memory_space<semaphore_mem>>)
    %dma_wait3A_1425 = tpu.memref_slice %arg2[%add3A_1358] : memref<33554432xf32, #tpu.memory_space<hbm>> -> memref<8192xf32, #tpu.memory_space<hbm>>
    %dma_wait3A_1426 = tpu.memref_slice %arg2[%add3A_1358] : memref<33554432xf32, #tpu.memory_space<hbm>> -> memref<8192xf32, #tpu.memory_space<hbm>>
    tpu.wait_dma2 semaphore(%arg22 : memref<!tpu.dma_semaphore, #tpu.memory_space<semaphore_mem>>) src(%dma_wait3A_1426 : memref<8192xf32, #tpu.memory_space<hbm>>) dst(%arg12 : memref<8192xf32, #tpu.memory_space<vmem>>)
    %add3A_1427 = arith.constant 25165824 : i32
    %add3A_1428 = arith.addi %add3A_1427, %mul3A_4 : i32
    %add3A_1429 = arith.constant 172032 : i32
    %add3A_1430 = arith.addi %add3A_1428, %add3A_1429 : i32
    %dma_start3A_1431 = tpu.memref_slice %arg4[%add3A_1430] : memref<33554432xf32, #tpu.memory_space<hbm>> -> memref<8192xf32, #tpu.memory_space<hbm>>
    %dma_start3A_1432 = tpu.memref_slice %arg4[%add3A_1430] : memref<33554432xf32, #tpu.memory_space<hbm>> -> memref<8192xf32, #tpu.memory_space<hbm>>
    tpu.enqueue_dma source(%arg12 : memref<8192xf32, #tpu.memory_space<vmem>>) target(%dma_start3A_1432 : memref<8192xf32, #tpu.memory_space<hbm>>) target_semaphore(%arg30 : memref<!tpu.dma_semaphore, #tpu.memory_space<semaphore_mem>>)
    %dma_wait3A_1433 = tpu.memref_slice %arg4[%add3A_1382] : memref<33554432xf32, #tpu.memory_space<hbm>> -> memref<8192xf32, #tpu.memory_space<hbm>>
    %dma_wait3A_1434 = tpu.memref_slice %arg4[%add3A_1382] : memref<33554432xf32, #tpu.memory_space<hbm>> -> memref<8192xf32, #tpu.memory_space<hbm>>
    tpu.wait_dma2 semaphore(%arg27 : memref<!tpu.dma_semaphore, #tpu.memory_space<semaphore_mem>>) src(%arg9 : memref<8192xf32, #tpu.memory_space<vmem>>) dst(%dma_wait3A_1434 : memref<8192xf32, #tpu.memory_space<hbm>>)
    %add3A_1435 = arith.constant 0 : i32
    %add3A_1436 = arith.addi %add3A_1435, %mul3A_4 : i32
    %add3A_1437 = arith.constant 188416 : i32
    %add3A_1438 = arith.addi %add3A_1436, %add3A_1437 : i32
    %dma_start3A_1439 = tpu.memref_slice %arg2[%add3A_1438] : memref<33554432xf32, #tpu.memory_space<hbm>> -> memref<8192xf32, #tpu.memory_space<hbm>>
    %dma_start3A_1440 = tpu.memref_slice %arg2[%add3A_1438] : memref<33554432xf32, #tpu.memory_space<hbm>> -> memref<8192xf32, #tpu.memory_space<hbm>>
    tpu.enqueue_dma source(%dma_start3A_1440 : memref<8192xf32, #tpu.memory_space<hbm>>) target(%arg9 : memref<8192xf32, #tpu.memory_space<vmem>>) target_semaphore(%arg19 : memref<!tpu.dma_semaphore, #tpu.memory_space<semaphore_mem>>)
    %dma_wait3A_1441 = tpu.memref_slice %arg2[%add3A_1374] : memref<33554432xf32, #tpu.memory_space<hbm>> -> memref<8192xf32, #tpu.memory_space<hbm>>
    %dma_wait3A_1442 = tpu.memref_slice %arg2[%add3A_1374] : memref<33554432xf32, #tpu.memory_space<hbm>> -> memref<8192xf32, #tpu.memory_space<hbm>>
    tpu.wait_dma2 semaphore(%arg15 : memref<!tpu.dma_semaphore, #tpu.memory_space<semaphore_mem>>) src(%dma_wait3A_1442 : memref<8192xf32, #tpu.memory_space<hbm>>) dst(%arg5 : memref<8192xf32, #tpu.memory_space<vmem>>)
    %add3A_1443 = arith.constant 0 : i32
    %add3A_1444 = arith.addi %add3A_1443, %mul3A_4 : i32
    %add3A_1445 = arith.constant 180224 : i32
    %add3A_1446 = arith.addi %add3A_1444, %add3A_1445 : i32
    %dma_start3A_1447 = tpu.memref_slice %arg4[%add3A_1446] : memref<33554432xf32, #tpu.memory_space<hbm>> -> memref<8192xf32, #tpu.memory_space<hbm>>
    %dma_start3A_1448 = tpu.memref_slice %arg4[%add3A_1446] : memref<33554432xf32, #tpu.memory_space<hbm>> -> memref<8192xf32, #tpu.memory_space<hbm>>
    tpu.enqueue_dma source(%arg5 : memref<8192xf32, #tpu.memory_space<vmem>>) target(%dma_start3A_1448 : memref<8192xf32, #tpu.memory_space<hbm>>) target_semaphore(%arg23 : memref<!tpu.dma_semaphore, #tpu.memory_space<semaphore_mem>>)
    %dma_wait3A_1449 = tpu.memref_slice %arg4[%add3A_1398] : memref<33554432xf32, #tpu.memory_space<hbm>> -> memref<8192xf32, #tpu.memory_space<hbm>>
    %dma_wait3A_1450 = tpu.memref_slice %arg4[%add3A_1398] : memref<33554432xf32, #tpu.memory_space<hbm>> -> memref<8192xf32, #tpu.memory_space<hbm>>
    tpu.wait_dma2 semaphore(%arg28 : memref<!tpu.dma_semaphore, #tpu.memory_space<semaphore_mem>>) src(%arg10 : memref<8192xf32, #tpu.memory_space<vmem>>) dst(%dma_wait3A_1450 : memref<8192xf32, #tpu.memory_space<hbm>>)
    %add3A_1451 = arith.constant 8388608 : i32
    %add3A_1452 = arith.addi %add3A_1451, %mul3A_4 : i32
    %add3A_1453 = arith.constant 188416 : i32
    %add3A_1454 = arith.addi %add3A_1452, %add3A_1453 : i32
    %dma_start3A_1455 = tpu.memref_slice %arg2[%add3A_1454] : memref<33554432xf32, #tpu.memory_space<hbm>> -> memref<8192xf32, #tpu.memory_space<hbm>>
    %dma_start3A_1456 = tpu.memref_slice %arg2[%add3A_1454] : memref<33554432xf32, #tpu.memory_space<hbm>> -> memref<8192xf32, #tpu.memory_space<hbm>>
    tpu.enqueue_dma source(%dma_start3A_1456 : memref<8192xf32, #tpu.memory_space<hbm>>) target(%arg10 : memref<8192xf32, #tpu.memory_space<vmem>>) target_semaphore(%arg20 : memref<!tpu.dma_semaphore, #tpu.memory_space<semaphore_mem>>)
    %dma_wait3A_1457 = tpu.memref_slice %arg2[%add3A_1390] : memref<33554432xf32, #tpu.memory_space<hbm>> -> memref<8192xf32, #tpu.memory_space<hbm>>
    %dma_wait3A_1458 = tpu.memref_slice %arg2[%add3A_1390] : memref<33554432xf32, #tpu.memory_space<hbm>> -> memref<8192xf32, #tpu.memory_space<hbm>>
    tpu.wait_dma2 semaphore(%arg16 : memref<!tpu.dma_semaphore, #tpu.memory_space<semaphore_mem>>) src(%dma_wait3A_1458 : memref<8192xf32, #tpu.memory_space<hbm>>) dst(%arg6 : memref<8192xf32, #tpu.memory_space<vmem>>)
    %add3A_1459 = arith.constant 8388608 : i32
    %add3A_1460 = arith.addi %add3A_1459, %mul3A_4 : i32
    %add3A_1461 = arith.constant 180224 : i32
    %add3A_1462 = arith.addi %add3A_1460, %add3A_1461 : i32
    %dma_start3A_1463 = tpu.memref_slice %arg4[%add3A_1462] : memref<33554432xf32, #tpu.memory_space<hbm>> -> memref<8192xf32, #tpu.memory_space<hbm>>
    %dma_start3A_1464 = tpu.memref_slice %arg4[%add3A_1462] : memref<33554432xf32, #tpu.memory_space<hbm>> -> memref<8192xf32, #tpu.memory_space<hbm>>
    tpu.enqueue_dma source(%arg6 : memref<8192xf32, #tpu.memory_space<vmem>>) target(%dma_start3A_1464 : memref<8192xf32, #tpu.memory_space<hbm>>) target_semaphore(%arg24 : memref<!tpu.dma_semaphore, #tpu.memory_space<semaphore_mem>>)
    %dma_wait3A_1465 = tpu.memref_slice %arg4[%add3A_1414] : memref<33554432xf32, #tpu.memory_space<hbm>> -> memref<8192xf32, #tpu.memory_space<hbm>>
    %dma_wait3A_1466 = tpu.memref_slice %arg4[%add3A_1414] : memref<33554432xf32, #tpu.memory_space<hbm>> -> memref<8192xf32, #tpu.memory_space<hbm>>
    tpu.wait_dma2 semaphore(%arg29 : memref<!tpu.dma_semaphore, #tpu.memory_space<semaphore_mem>>) src(%arg11 : memref<8192xf32, #tpu.memory_space<vmem>>) dst(%dma_wait3A_1466 : memref<8192xf32, #tpu.memory_space<hbm>>)
    %add3A_1467 = arith.constant 16777216 : i32
    %add3A_1468 = arith.addi %add3A_1467, %mul3A_4 : i32
    %add3A_1469 = arith.constant 188416 : i32
    %add3A_1470 = arith.addi %add3A_1468, %add3A_1469 : i32
    %dma_start3A_1471 = tpu.memref_slice %arg2[%add3A_1470] : memref<33554432xf32, #tpu.memory_space<hbm>> -> memref<8192xf32, #tpu.memory_space<hbm>>
    %dma_start3A_1472 = tpu.memref_slice %arg2[%add3A_1470] : memref<33554432xf32, #tpu.memory_space<hbm>> -> memref<8192xf32, #tpu.memory_space<hbm>>
    tpu.enqueue_dma source(%dma_start3A_1472 : memref<8192xf32, #tpu.memory_space<hbm>>) target(%arg11 : memref<8192xf32, #tpu.memory_space<vmem>>) target_semaphore(%arg21 : memref<!tpu.dma_semaphore, #tpu.memory_space<semaphore_mem>>)
    %dma_wait3A_1473 = tpu.memref_slice %arg2[%add3A_1406] : memref<33554432xf32, #tpu.memory_space<hbm>> -> memref<8192xf32, #tpu.memory_space<hbm>>
    %dma_wait3A_1474 = tpu.memref_slice %arg2[%add3A_1406] : memref<33554432xf32, #tpu.memory_space<hbm>> -> memref<8192xf32, #tpu.memory_space<hbm>>
    tpu.wait_dma2 semaphore(%arg17 : memref<!tpu.dma_semaphore, #tpu.memory_space<semaphore_mem>>) src(%dma_wait3A_1474 : memref<8192xf32, #tpu.memory_space<hbm>>) dst(%arg7 : memref<8192xf32, #tpu.memory_space<vmem>>)
    %add3A_1475 = arith.constant 16777216 : i32
    %add3A_1476 = arith.addi %add3A_1475, %mul3A_4 : i32
    %add3A_1477 = arith.constant 180224 : i32
    %add3A_1478 = arith.addi %add3A_1476, %add3A_1477 : i32
    %dma_start3A_1479 = tpu.memref_slice %arg4[%add3A_1478] : memref<33554432xf32, #tpu.memory_space<hbm>> -> memref<8192xf32, #tpu.memory_space<hbm>>
    %dma_start3A_1480 = tpu.memref_slice %arg4[%add3A_1478] : memref<33554432xf32, #tpu.memory_space<hbm>> -> memref<8192xf32, #tpu.memory_space<hbm>>
    tpu.enqueue_dma source(%arg7 : memref<8192xf32, #tpu.memory_space<vmem>>) target(%dma_start3A_1480 : memref<8192xf32, #tpu.memory_space<hbm>>) target_semaphore(%arg25 : memref<!tpu.dma_semaphore, #tpu.memory_space<semaphore_mem>>)
    %dma_wait3A_1481 = tpu.memref_slice %arg4[%add3A_1430] : memref<33554432xf32, #tpu.memory_space<hbm>> -> memref<8192xf32, #tpu.memory_space<hbm>>
    %dma_wait3A_1482 = tpu.memref_slice %arg4[%add3A_1430] : memref<33554432xf32, #tpu.memory_space<hbm>> -> memref<8192xf32, #tpu.memory_space<hbm>>
    tpu.wait_dma2 semaphore(%arg30 : memref<!tpu.dma_semaphore, #tpu.memory_space<semaphore_mem>>) src(%arg12 : memref<8192xf32, #tpu.memory_space<vmem>>) dst(%dma_wait3A_1482 : memref<8192xf32, #tpu.memory_space<hbm>>)
    %add3A_1483 = arith.constant 25165824 : i32
    %add3A_1484 = arith.addi %add3A_1483, %mul3A_4 : i32
    %add3A_1485 = arith.constant 188416 : i32
    %add3A_1486 = arith.addi %add3A_1484, %add3A_1485 : i32
    %dma_start3A_1487 = tpu.memref_slice %arg2[%add3A_1486] : memref<33554432xf32, #tpu.memory_space<hbm>> -> memref<8192xf32, #tpu.memory_space<hbm>>
    %dma_start3A_1488 = tpu.memref_slice %arg2[%add3A_1486] : memref<33554432xf32, #tpu.memory_space<hbm>> -> memref<8192xf32, #tpu.memory_space<hbm>>
    tpu.enqueue_dma source(%dma_start3A_1488 : memref<8192xf32, #tpu.memory_space<hbm>>) target(%arg12 : memref<8192xf32, #tpu.memory_space<vmem>>) target_semaphore(%arg22 : memref<!tpu.dma_semaphore, #tpu.memory_space<semaphore_mem>>)
    %dma_wait3A_1489 = tpu.memref_slice %arg2[%add3A_1422] : memref<33554432xf32, #tpu.memory_space<hbm>> -> memref<8192xf32, #tpu.memory_space<hbm>>
    %dma_wait3A_1490 = tpu.memref_slice %arg2[%add3A_1422] : memref<33554432xf32, #tpu.memory_space<hbm>> -> memref<8192xf32, #tpu.memory_space<hbm>>
    tpu.wait_dma2 semaphore(%arg18 : memref<!tpu.dma_semaphore, #tpu.memory_space<semaphore_mem>>) src(%dma_wait3A_1490 : memref<8192xf32, #tpu.memory_space<hbm>>) dst(%arg8 : memref<8192xf32, #tpu.memory_space<vmem>>)
    %add3A_1491 = arith.constant 25165824 : i32
    %add3A_1492 = arith.addi %add3A_1491, %mul3A_4 : i32
    %add3A_1493 = arith.constant 180224 : i32
    %add3A_1494 = arith.addi %add3A_1492, %add3A_1493 : i32
    %dma_start3A_1495 = tpu.memref_slice %arg4[%add3A_1494] : memref<33554432xf32, #tpu.memory_space<hbm>> -> memref<8192xf32, #tpu.memory_space<hbm>>
    %dma_start3A_1496 = tpu.memref_slice %arg4[%add3A_1494] : memref<33554432xf32, #tpu.memory_space<hbm>> -> memref<8192xf32, #tpu.memory_space<hbm>>
    tpu.enqueue_dma source(%arg8 : memref<8192xf32, #tpu.memory_space<vmem>>) target(%dma_start3A_1496 : memref<8192xf32, #tpu.memory_space<hbm>>) target_semaphore(%arg26 : memref<!tpu.dma_semaphore, #tpu.memory_space<semaphore_mem>>)
    %dma_wait3A_1497 = tpu.memref_slice %arg4[%add3A_1446] : memref<33554432xf32, #tpu.memory_space<hbm>> -> memref<8192xf32, #tpu.memory_space<hbm>>
    %dma_wait3A_1498 = tpu.memref_slice %arg4[%add3A_1446] : memref<33554432xf32, #tpu.memory_space<hbm>> -> memref<8192xf32, #tpu.memory_space<hbm>>
    tpu.wait_dma2 semaphore(%arg23 : memref<!tpu.dma_semaphore, #tpu.memory_space<semaphore_mem>>) src(%arg5 : memref<8192xf32, #tpu.memory_space<vmem>>) dst(%dma_wait3A_1498 : memref<8192xf32, #tpu.memory_space<hbm>>)
    %add3A_1499 = arith.constant 0 : i32
    %add3A_1500 = arith.addi %add3A_1499, %mul3A_4 : i32
    %add3A_1501 = arith.constant 196608 : i32
    %add3A_1502 = arith.addi %add3A_1500, %add3A_1501 : i32
    %dma_start3A_1503 = tpu.memref_slice %arg2[%add3A_1502] : memref<33554432xf32, #tpu.memory_space<hbm>> -> memref<8192xf32, #tpu.memory_space<hbm>>
    %dma_start3A_1504 = tpu.memref_slice %arg2[%add3A_1502] : memref<33554432xf32, #tpu.memory_space<hbm>> -> memref<8192xf32, #tpu.memory_space<hbm>>
    tpu.enqueue_dma source(%dma_start3A_1504 : memref<8192xf32, #tpu.memory_space<hbm>>) target(%arg5 : memref<8192xf32, #tpu.memory_space<vmem>>) target_semaphore(%arg15 : memref<!tpu.dma_semaphore, #tpu.memory_space<semaphore_mem>>)
    %dma_wait3A_1505 = tpu.memref_slice %arg2[%add3A_1438] : memref<33554432xf32, #tpu.memory_space<hbm>> -> memref<8192xf32, #tpu.memory_space<hbm>>
    %dma_wait3A_1506 = tpu.memref_slice %arg2[%add3A_1438] : memref<33554432xf32, #tpu.memory_space<hbm>> -> memref<8192xf32, #tpu.memory_space<hbm>>
    tpu.wait_dma2 semaphore(%arg19 : memref<!tpu.dma_semaphore, #tpu.memory_space<semaphore_mem>>) src(%dma_wait3A_1506 : memref<8192xf32, #tpu.memory_space<hbm>>) dst(%arg9 : memref<8192xf32, #tpu.memory_space<vmem>>)
    %add3A_1507 = arith.constant 0 : i32
    %add3A_1508 = arith.addi %add3A_1507, %mul3A_4 : i32
    %add3A_1509 = arith.constant 188416 : i32
    %add3A_1510 = arith.addi %add3A_1508, %add3A_1509 : i32
    %dma_start3A_1511 = tpu.memref_slice %arg4[%add3A_1510] : memref<33554432xf32, #tpu.memory_space<hbm>> -> memref<8192xf32, #tpu.memory_space<hbm>>
    %dma_start3A_1512 = tpu.memref_slice %arg4[%add3A_1510] : memref<33554432xf32, #tpu.memory_space<hbm>> -> memref<8192xf32, #tpu.memory_space<hbm>>
    tpu.enqueue_dma source(%arg9 : memref<8192xf32, #tpu.memory_space<vmem>>) target(%dma_start3A_1512 : memref<8192xf32, #tpu.memory_space<hbm>>) target_semaphore(%arg27 : memref<!tpu.dma_semaphore, #tpu.memory_space<semaphore_mem>>)
    %dma_wait3A_1513 = tpu.memref_slice %arg4[%add3A_1462] : memref<33554432xf32, #tpu.memory_space<hbm>> -> memref<8192xf32, #tpu.memory_space<hbm>>
    %dma_wait3A_1514 = tpu.memref_slice %arg4[%add3A_1462] : memref<33554432xf32, #tpu.memory_space<hbm>> -> memref<8192xf32, #tpu.memory_space<hbm>>
    tpu.wait_dma2 semaphore(%arg24 : memref<!tpu.dma_semaphore, #tpu.memory_space<semaphore_mem>>) src(%arg6 : memref<8192xf32, #tpu.memory_space<vmem>>) dst(%dma_wait3A_1514 : memref<8192xf32, #tpu.memory_space<hbm>>)
    %add3A_1515 = arith.constant 8388608 : i32
    %add3A_1516 = arith.addi %add3A_1515, %mul3A_4 : i32
    %add3A_1517 = arith.constant 196608 : i32
    %add3A_1518 = arith.addi %add3A_1516, %add3A_1517 : i32
    %dma_start3A_1519 = tpu.memref_slice %arg2[%add3A_1518] : memref<33554432xf32, #tpu.memory_space<hbm>> -> memref<8192xf32, #tpu.memory_space<hbm>>
    %dma_start3A_1520 = tpu.memref_slice %arg2[%add3A_1518] : memref<33554432xf32, #tpu.memory_space<hbm>> -> memref<8192xf32, #tpu.memory_space<hbm>>
    tpu.enqueue_dma source(%dma_start3A_1520 : memref<8192xf32, #tpu.memory_space<hbm>>) target(%arg6 : memref<8192xf32, #tpu.memory_space<vmem>>) target_semaphore(%arg16 : memref<!tpu.dma_semaphore, #tpu.memory_space<semaphore_mem>>)
    %dma_wait3A_1521 = tpu.memref_slice %arg2[%add3A_1454] : memref<33554432xf32, #tpu.memory_space<hbm>> -> memref<8192xf32, #tpu.memory_space<hbm>>
    %dma_wait3A_1522 = tpu.memref_slice %arg2[%add3A_1454] : memref<33554432xf32, #tpu.memory_space<hbm>> -> memref<8192xf32, #tpu.memory_space<hbm>>
    tpu.wait_dma2 semaphore(%arg20 : memref<!tpu.dma_semaphore, #tpu.memory_space<semaphore_mem>>) src(%dma_wait3A_1522 : memref<8192xf32, #tpu.memory_space<hbm>>) dst(%arg10 : memref<8192xf32, #tpu.memory_space<vmem>>)
    %add3A_1523 = arith.constant 8388608 : i32
    %add3A_1524 = arith.addi %add3A_1523, %mul3A_4 : i32
    %add3A_1525 = arith.constant 188416 : i32
    %add3A_1526 = arith.addi %add3A_1524, %add3A_1525 : i32
    %dma_start3A_1527 = tpu.memref_slice %arg4[%add3A_1526] : memref<33554432xf32, #tpu.memory_space<hbm>> -> memref<8192xf32, #tpu.memory_space<hbm>>
    %dma_start3A_1528 = tpu.memref_slice %arg4[%add3A_1526] : memref<33554432xf32, #tpu.memory_space<hbm>> -> memref<8192xf32, #tpu.memory_space<hbm>>
    tpu.enqueue_dma source(%arg10 : memref<8192xf32, #tpu.memory_space<vmem>>) target(%dma_start3A_1528 : memref<8192xf32, #tpu.memory_space<hbm>>) target_semaphore(%arg28 : memref<!tpu.dma_semaphore, #tpu.memory_space<semaphore_mem>>)
    %dma_wait3A_1529 = tpu.memref_slice %arg4[%add3A_1478] : memref<33554432xf32, #tpu.memory_space<hbm>> -> memref<8192xf32, #tpu.memory_space<hbm>>
    %dma_wait3A_1530 = tpu.memref_slice %arg4[%add3A_1478] : memref<33554432xf32, #tpu.memory_space<hbm>> -> memref<8192xf32, #tpu.memory_space<hbm>>
    tpu.wait_dma2 semaphore(%arg25 : memref<!tpu.dma_semaphore, #tpu.memory_space<semaphore_mem>>) src(%arg7 : memref<8192xf32, #tpu.memory_space<vmem>>) dst(%dma_wait3A_1530 : memref<8192xf32, #tpu.memory_space<hbm>>)
    %add3A_1531 = arith.constant 16777216 : i32
    %add3A_1532 = arith.addi %add3A_1531, %mul3A_4 : i32
    %add3A_1533 = arith.constant 196608 : i32
    %add3A_1534 = arith.addi %add3A_1532, %add3A_1533 : i32
    %dma_start3A_1535 = tpu.memref_slice %arg2[%add3A_1534] : memref<33554432xf32, #tpu.memory_space<hbm>> -> memref<8192xf32, #tpu.memory_space<hbm>>
    %dma_start3A_1536 = tpu.memref_slice %arg2[%add3A_1534] : memref<33554432xf32, #tpu.memory_space<hbm>> -> memref<8192xf32, #tpu.memory_space<hbm>>
    tpu.enqueue_dma source(%dma_start3A_1536 : memref<8192xf32, #tpu.memory_space<hbm>>) target(%arg7 : memref<8192xf32, #tpu.memory_space<vmem>>) target_semaphore(%arg17 : memref<!tpu.dma_semaphore, #tpu.memory_space<semaphore_mem>>)
    %dma_wait3A_1537 = tpu.memref_slice %arg2[%add3A_1470] : memref<33554432xf32, #tpu.memory_space<hbm>> -> memref<8192xf32, #tpu.memory_space<hbm>>
    %dma_wait3A_1538 = tpu.memref_slice %arg2[%add3A_1470] : memref<33554432xf32, #tpu.memory_space<hbm>> -> memref<8192xf32, #tpu.memory_space<hbm>>
    tpu.wait_dma2 semaphore(%arg21 : memref<!tpu.dma_semaphore, #tpu.memory_space<semaphore_mem>>) src(%dma_wait3A_1538 : memref<8192xf32, #tpu.memory_space<hbm>>) dst(%arg11 : memref<8192xf32, #tpu.memory_space<vmem>>)
    %add3A_1539 = arith.constant 16777216 : i32
    %add3A_1540 = arith.addi %add3A_1539, %mul3A_4 : i32
    %add3A_1541 = arith.constant 188416 : i32
    %add3A_1542 = arith.addi %add3A_1540, %add3A_1541 : i32
    %dma_start3A_1543 = tpu.memref_slice %arg4[%add3A_1542] : memref<33554432xf32, #tpu.memory_space<hbm>> -> memref<8192xf32, #tpu.memory_space<hbm>>
    %dma_start3A_1544 = tpu.memref_slice %arg4[%add3A_1542] : memref<33554432xf32, #tpu.memory_space<hbm>> -> memref<8192xf32, #tpu.memory_space<hbm>>
    tpu.enqueue_dma source(%arg11 : memref<8192xf32, #tpu.memory_space<vmem>>) target(%dma_start3A_1544 : memref<8192xf32, #tpu.memory_space<hbm>>) target_semaphore(%arg29 : memref<!tpu.dma_semaphore, #tpu.memory_space<semaphore_mem>>)
    %dma_wait3A_1545 = tpu.memref_slice %arg4[%add3A_1494] : memref<33554432xf32, #tpu.memory_space<hbm>> -> memref<8192xf32, #tpu.memory_space<hbm>>
    %dma_wait3A_1546 = tpu.memref_slice %arg4[%add3A_1494] : memref<33554432xf32, #tpu.memory_space<hbm>> -> memref<8192xf32, #tpu.memory_space<hbm>>
    tpu.wait_dma2 semaphore(%arg26 : memref<!tpu.dma_semaphore, #tpu.memory_space<semaphore_mem>>) src(%arg8 : memref<8192xf32, #tpu.memory_space<vmem>>) dst(%dma_wait3A_1546 : memref<8192xf32, #tpu.memory_space<hbm>>)
    %add3A_1547 = arith.constant 25165824 : i32
    %add3A_1548 = arith.addi %add3A_1547, %mul3A_4 : i32
    %add3A_1549 = arith.constant 196608 : i32
    %add3A_1550 = arith.addi %add3A_1548, %add3A_1549 : i32
    %dma_start3A_1551 = tpu.memref_slice %arg2[%add3A_1550] : memref<33554432xf32, #tpu.memory_space<hbm>> -> memref<8192xf32, #tpu.memory_space<hbm>>
    %dma_start3A_1552 = tpu.memref_slice %arg2[%add3A_1550] : memref<33554432xf32, #tpu.memory_space<hbm>> -> memref<8192xf32, #tpu.memory_space<hbm>>
    tpu.enqueue_dma source(%dma_start3A_1552 : memref<8192xf32, #tpu.memory_space<hbm>>) target(%arg8 : memref<8192xf32, #tpu.memory_space<vmem>>) target_semaphore(%arg18 : memref<!tpu.dma_semaphore, #tpu.memory_space<semaphore_mem>>)
    %dma_wait3A_1553 = tpu.memref_slice %arg2[%add3A_1486] : memref<33554432xf32, #tpu.memory_space<hbm>> -> memref<8192xf32, #tpu.memory_space<hbm>>
    %dma_wait3A_1554 = tpu.memref_slice %arg2[%add3A_1486] : memref<33554432xf32, #tpu.memory_space<hbm>> -> memref<8192xf32, #tpu.memory_space<hbm>>
    tpu.wait_dma2 semaphore(%arg22 : memref<!tpu.dma_semaphore, #tpu.memory_space<semaphore_mem>>) src(%dma_wait3A_1554 : memref<8192xf32, #tpu.memory_space<hbm>>) dst(%arg12 : memref<8192xf32, #tpu.memory_space<vmem>>)
    %add3A_1555 = arith.constant 25165824 : i32
    %add3A_1556 = arith.addi %add3A_1555, %mul3A_4 : i32
    %add3A_1557 = arith.constant 188416 : i32
    %add3A_1558 = arith.addi %add3A_1556, %add3A_1557 : i32
    %dma_start3A_1559 = tpu.memref_slice %arg4[%add3A_1558] : memref<33554432xf32, #tpu.memory_space<hbm>> -> memref<8192xf32, #tpu.memory_space<hbm>>
    %dma_start3A_1560 = tpu.memref_slice %arg4[%add3A_1558] : memref<33554432xf32, #tpu.memory_space<hbm>> -> memref<8192xf32, #tpu.memory_space<hbm>>
    tpu.enqueue_dma source(%arg12 : memref<8192xf32, #tpu.memory_space<vmem>>) target(%dma_start3A_1560 : memref<8192xf32, #tpu.memory_space<hbm>>) target_semaphore(%arg30 : memref<!tpu.dma_semaphore, #tpu.memory_space<semaphore_mem>>)
    %dma_wait3A_1561 = tpu.memref_slice %arg4[%add3A_1510] : memref<33554432xf32, #tpu.memory_space<hbm>> -> memref<8192xf32, #tpu.memory_space<hbm>>
    %dma_wait3A_1562 = tpu.memref_slice %arg4[%add3A_1510] : memref<33554432xf32, #tpu.memory_space<hbm>> -> memref<8192xf32, #tpu.memory_space<hbm>>
    tpu.wait_dma2 semaphore(%arg27 : memref<!tpu.dma_semaphore, #tpu.memory_space<semaphore_mem>>) src(%arg9 : memref<8192xf32, #tpu.memory_space<vmem>>) dst(%dma_wait3A_1562 : memref<8192xf32, #tpu.memory_space<hbm>>)
    %add3A_1563 = arith.constant 0 : i32
    %add3A_1564 = arith.addi %add3A_1563, %mul3A_4 : i32
    %add3A_1565 = arith.constant 204800 : i32
    %add3A_1566 = arith.addi %add3A_1564, %add3A_1565 : i32
    %dma_start3A_1567 = tpu.memref_slice %arg2[%add3A_1566] : memref<33554432xf32, #tpu.memory_space<hbm>> -> memref<8192xf32, #tpu.memory_space<hbm>>
    %dma_start3A_1568 = tpu.memref_slice %arg2[%add3A_1566] : memref<33554432xf32, #tpu.memory_space<hbm>> -> memref<8192xf32, #tpu.memory_space<hbm>>
    tpu.enqueue_dma source(%dma_start3A_1568 : memref<8192xf32, #tpu.memory_space<hbm>>) target(%arg9 : memref<8192xf32, #tpu.memory_space<vmem>>) target_semaphore(%arg19 : memref<!tpu.dma_semaphore, #tpu.memory_space<semaphore_mem>>)
    %dma_wait3A_1569 = tpu.memref_slice %arg2[%add3A_1502] : memref<33554432xf32, #tpu.memory_space<hbm>> -> memref<8192xf32, #tpu.memory_space<hbm>>
    %dma_wait3A_1570 = tpu.memref_slice %arg2[%add3A_1502] : memref<33554432xf32, #tpu.memory_space<hbm>> -> memref<8192xf32, #tpu.memory_space<hbm>>
    tpu.wait_dma2 semaphore(%arg15 : memref<!tpu.dma_semaphore, #tpu.memory_space<semaphore_mem>>) src(%dma_wait3A_1570 : memref<8192xf32, #tpu.memory_space<hbm>>) dst(%arg5 : memref<8192xf32, #tpu.memory_space<vmem>>)
    %add3A_1571 = arith.constant 0 : i32
    %add3A_1572 = arith.addi %add3A_1571, %mul3A_4 : i32
    %add3A_1573 = arith.constant 196608 : i32
    %add3A_1574 = arith.addi %add3A_1572, %add3A_1573 : i32
    %dma_start3A_1575 = tpu.memref_slice %arg4[%add3A_1574] : memref<33554432xf32, #tpu.memory_space<hbm>> -> memref<8192xf32, #tpu.memory_space<hbm>>
    %dma_start3A_1576 = tpu.memref_slice %arg4[%add3A_1574] : memref<33554432xf32, #tpu.memory_space<hbm>> -> memref<8192xf32, #tpu.memory_space<hbm>>
    tpu.enqueue_dma source(%arg5 : memref<8192xf32, #tpu.memory_space<vmem>>) target(%dma_start3A_1576 : memref<8192xf32, #tpu.memory_space<hbm>>) target_semaphore(%arg23 : memref<!tpu.dma_semaphore, #tpu.memory_space<semaphore_mem>>)
    %dma_wait3A_1577 = tpu.memref_slice %arg4[%add3A_1526] : memref<33554432xf32, #tpu.memory_space<hbm>> -> memref<8192xf32, #tpu.memory_space<hbm>>
    %dma_wait3A_1578 = tpu.memref_slice %arg4[%add3A_1526] : memref<33554432xf32, #tpu.memory_space<hbm>> -> memref<8192xf32, #tpu.memory_space<hbm>>
    tpu.wait_dma2 semaphore(%arg28 : memref<!tpu.dma_semaphore, #tpu.memory_space<semaphore_mem>>) src(%arg10 : memref<8192xf32, #tpu.memory_space<vmem>>) dst(%dma_wait3A_1578 : memref<8192xf32, #tpu.memory_space<hbm>>)
    %add3A_1579 = arith.constant 8388608 : i32
    %add3A_1580 = arith.addi %add3A_1579, %mul3A_4 : i32
    %add3A_1581 = arith.constant 204800 : i32
    %add3A_1582 = arith.addi %add3A_1580, %add3A_1581 : i32
    %dma_start3A_1583 = tpu.memref_slice %arg2[%add3A_1582] : memref<33554432xf32, #tpu.memory_space<hbm>> -> memref<8192xf32, #tpu.memory_space<hbm>>
    %dma_start3A_1584 = tpu.memref_slice %arg2[%add3A_1582] : memref<33554432xf32, #tpu.memory_space<hbm>> -> memref<8192xf32, #tpu.memory_space<hbm>>
    tpu.enqueue_dma source(%dma_start3A_1584 : memref<8192xf32, #tpu.memory_space<hbm>>) target(%arg10 : memref<8192xf32, #tpu.memory_space<vmem>>) target_semaphore(%arg20 : memref<!tpu.dma_semaphore, #tpu.memory_space<semaphore_mem>>)
    %dma_wait3A_1585 = tpu.memref_slice %arg2[%add3A_1518] : memref<33554432xf32, #tpu.memory_space<hbm>> -> memref<8192xf32, #tpu.memory_space<hbm>>
    %dma_wait3A_1586 = tpu.memref_slice %arg2[%add3A_1518] : memref<33554432xf32, #tpu.memory_space<hbm>> -> memref<8192xf32, #tpu.memory_space<hbm>>
    tpu.wait_dma2 semaphore(%arg16 : memref<!tpu.dma_semaphore, #tpu.memory_space<semaphore_mem>>) src(%dma_wait3A_1586 : memref<8192xf32, #tpu.memory_space<hbm>>) dst(%arg6 : memref<8192xf32, #tpu.memory_space<vmem>>)
    %add3A_1587 = arith.constant 8388608 : i32
    %add3A_1588 = arith.addi %add3A_1587, %mul3A_4 : i32
    %add3A_1589 = arith.constant 196608 : i32
    %add3A_1590 = arith.addi %add3A_1588, %add3A_1589 : i32
    %dma_start3A_1591 = tpu.memref_slice %arg4[%add3A_1590] : memref<33554432xf32, #tpu.memory_space<hbm>> -> memref<8192xf32, #tpu.memory_space<hbm>>
    %dma_start3A_1592 = tpu.memref_slice %arg4[%add3A_1590] : memref<33554432xf32, #tpu.memory_space<hbm>> -> memref<8192xf32, #tpu.memory_space<hbm>>
    tpu.enqueue_dma source(%arg6 : memref<8192xf32, #tpu.memory_space<vmem>>) target(%dma_start3A_1592 : memref<8192xf32, #tpu.memory_space<hbm>>) target_semaphore(%arg24 : memref<!tpu.dma_semaphore, #tpu.memory_space<semaphore_mem>>)
    %dma_wait3A_1593 = tpu.memref_slice %arg4[%add3A_1542] : memref<33554432xf32, #tpu.memory_space<hbm>> -> memref<8192xf32, #tpu.memory_space<hbm>>
    %dma_wait3A_1594 = tpu.memref_slice %arg4[%add3A_1542] : memref<33554432xf32, #tpu.memory_space<hbm>> -> memref<8192xf32, #tpu.memory_space<hbm>>
    tpu.wait_dma2 semaphore(%arg29 : memref<!tpu.dma_semaphore, #tpu.memory_space<semaphore_mem>>) src(%arg11 : memref<8192xf32, #tpu.memory_space<vmem>>) dst(%dma_wait3A_1594 : memref<8192xf32, #tpu.memory_space<hbm>>)
    %add3A_1595 = arith.constant 16777216 : i32
    %add3A_1596 = arith.addi %add3A_1595, %mul3A_4 : i32
    %add3A_1597 = arith.constant 204800 : i32
    %add3A_1598 = arith.addi %add3A_1596, %add3A_1597 : i32
    %dma_start3A_1599 = tpu.memref_slice %arg2[%add3A_1598] : memref<33554432xf32, #tpu.memory_space<hbm>> -> memref<8192xf32, #tpu.memory_space<hbm>>
    %dma_start3A_1600 = tpu.memref_slice %arg2[%add3A_1598] : memref<33554432xf32, #tpu.memory_space<hbm>> -> memref<8192xf32, #tpu.memory_space<hbm>>
    tpu.enqueue_dma source(%dma_start3A_1600 : memref<8192xf32, #tpu.memory_space<hbm>>) target(%arg11 : memref<8192xf32, #tpu.memory_space<vmem>>) target_semaphore(%arg21 : memref<!tpu.dma_semaphore, #tpu.memory_space<semaphore_mem>>)
    %dma_wait3A_1601 = tpu.memref_slice %arg2[%add3A_1534] : memref<33554432xf32, #tpu.memory_space<hbm>> -> memref<8192xf32, #tpu.memory_space<hbm>>
    %dma_wait3A_1602 = tpu.memref_slice %arg2[%add3A_1534] : memref<33554432xf32, #tpu.memory_space<hbm>> -> memref<8192xf32, #tpu.memory_space<hbm>>
    tpu.wait_dma2 semaphore(%arg17 : memref<!tpu.dma_semaphore, #tpu.memory_space<semaphore_mem>>) src(%dma_wait3A_1602 : memref<8192xf32, #tpu.memory_space<hbm>>) dst(%arg7 : memref<8192xf32, #tpu.memory_space<vmem>>)
    %add3A_1603 = arith.constant 16777216 : i32
    %add3A_1604 = arith.addi %add3A_1603, %mul3A_4 : i32
    %add3A_1605 = arith.constant 196608 : i32
    %add3A_1606 = arith.addi %add3A_1604, %add3A_1605 : i32
    %dma_start3A_1607 = tpu.memref_slice %arg4[%add3A_1606] : memref<33554432xf32, #tpu.memory_space<hbm>> -> memref<8192xf32, #tpu.memory_space<hbm>>
    %dma_start3A_1608 = tpu.memref_slice %arg4[%add3A_1606] : memref<33554432xf32, #tpu.memory_space<hbm>> -> memref<8192xf32, #tpu.memory_space<hbm>>
    tpu.enqueue_dma source(%arg7 : memref<8192xf32, #tpu.memory_space<vmem>>) target(%dma_start3A_1608 : memref<8192xf32, #tpu.memory_space<hbm>>) target_semaphore(%arg25 : memref<!tpu.dma_semaphore, #tpu.memory_space<semaphore_mem>>)
    %dma_wait3A_1609 = tpu.memref_slice %arg4[%add3A_1558] : memref<33554432xf32, #tpu.memory_space<hbm>> -> memref<8192xf32, #tpu.memory_space<hbm>>
    %dma_wait3A_1610 = tpu.memref_slice %arg4[%add3A_1558] : memref<33554432xf32, #tpu.memory_space<hbm>> -> memref<8192xf32, #tpu.memory_space<hbm>>
    tpu.wait_dma2 semaphore(%arg30 : memref<!tpu.dma_semaphore, #tpu.memory_space<semaphore_mem>>) src(%arg12 : memref<8192xf32, #tpu.memory_space<vmem>>) dst(%dma_wait3A_1610 : memref<8192xf32, #tpu.memory_space<hbm>>)
    %add3A_1611 = arith.constant 25165824 : i32
    %add3A_1612 = arith.addi %add3A_1611, %mul3A_4 : i32
    %add3A_1613 = arith.constant 204800 : i32
    %add3A_1614 = arith.addi %add3A_1612, %add3A_1613 : i32
    %dma_start3A_1615 = tpu.memref_slice %arg2[%add3A_1614] : memref<33554432xf32, #tpu.memory_space<hbm>> -> memref<8192xf32, #tpu.memory_space<hbm>>
    %dma_start3A_1616 = tpu.memref_slice %arg2[%add3A_1614] : memref<33554432xf32, #tpu.memory_space<hbm>> -> memref<8192xf32, #tpu.memory_space<hbm>>
    tpu.enqueue_dma source(%dma_start3A_1616 : memref<8192xf32, #tpu.memory_space<hbm>>) target(%arg12 : memref<8192xf32, #tpu.memory_space<vmem>>) target_semaphore(%arg22 : memref<!tpu.dma_semaphore, #tpu.memory_space<semaphore_mem>>)
    %dma_wait3A_1617 = tpu.memref_slice %arg2[%add3A_1550] : memref<33554432xf32, #tpu.memory_space<hbm>> -> memref<8192xf32, #tpu.memory_space<hbm>>
    %dma_wait3A_1618 = tpu.memref_slice %arg2[%add3A_1550] : memref<33554432xf32, #tpu.memory_space<hbm>> -> memref<8192xf32, #tpu.memory_space<hbm>>
    tpu.wait_dma2 semaphore(%arg18 : memref<!tpu.dma_semaphore, #tpu.memory_space<semaphore_mem>>) src(%dma_wait3A_1618 : memref<8192xf32, #tpu.memory_space<hbm>>) dst(%arg8 : memref<8192xf32, #tpu.memory_space<vmem>>)
    %add3A_1619 = arith.constant 25165824 : i32
    %add3A_1620 = arith.addi %add3A_1619, %mul3A_4 : i32
    %add3A_1621 = arith.constant 196608 : i32
    %add3A_1622 = arith.addi %add3A_1620, %add3A_1621 : i32
    %dma_start3A_1623 = tpu.memref_slice %arg4[%add3A_1622] : memref<33554432xf32, #tpu.memory_space<hbm>> -> memref<8192xf32, #tpu.memory_space<hbm>>
    %dma_start3A_1624 = tpu.memref_slice %arg4[%add3A_1622] : memref<33554432xf32, #tpu.memory_space<hbm>> -> memref<8192xf32, #tpu.memory_space<hbm>>
    tpu.enqueue_dma source(%arg8 : memref<8192xf32, #tpu.memory_space<vmem>>) target(%dma_start3A_1624 : memref<8192xf32, #tpu.memory_space<hbm>>) target_semaphore(%arg26 : memref<!tpu.dma_semaphore, #tpu.memory_space<semaphore_mem>>)
    %dma_wait3A_1625 = tpu.memref_slice %arg4[%add3A_1574] : memref<33554432xf32, #tpu.memory_space<hbm>> -> memref<8192xf32, #tpu.memory_space<hbm>>
    %dma_wait3A_1626 = tpu.memref_slice %arg4[%add3A_1574] : memref<33554432xf32, #tpu.memory_space<hbm>> -> memref<8192xf32, #tpu.memory_space<hbm>>
    tpu.wait_dma2 semaphore(%arg23 : memref<!tpu.dma_semaphore, #tpu.memory_space<semaphore_mem>>) src(%arg5 : memref<8192xf32, #tpu.memory_space<vmem>>) dst(%dma_wait3A_1626 : memref<8192xf32, #tpu.memory_space<hbm>>)
    %add3A_1627 = arith.constant 0 : i32
    %add3A_1628 = arith.addi %add3A_1627, %mul3A_4 : i32
    %add3A_1629 = arith.constant 212992 : i32
    %add3A_1630 = arith.addi %add3A_1628, %add3A_1629 : i32
    %dma_start3A_1631 = tpu.memref_slice %arg2[%add3A_1630] : memref<33554432xf32, #tpu.memory_space<hbm>> -> memref<8192xf32, #tpu.memory_space<hbm>>
    %dma_start3A_1632 = tpu.memref_slice %arg2[%add3A_1630] : memref<33554432xf32, #tpu.memory_space<hbm>> -> memref<8192xf32, #tpu.memory_space<hbm>>
    tpu.enqueue_dma source(%dma_start3A_1632 : memref<8192xf32, #tpu.memory_space<hbm>>) target(%arg5 : memref<8192xf32, #tpu.memory_space<vmem>>) target_semaphore(%arg15 : memref<!tpu.dma_semaphore, #tpu.memory_space<semaphore_mem>>)
    %dma_wait3A_1633 = tpu.memref_slice %arg2[%add3A_1566] : memref<33554432xf32, #tpu.memory_space<hbm>> -> memref<8192xf32, #tpu.memory_space<hbm>>
    %dma_wait3A_1634 = tpu.memref_slice %arg2[%add3A_1566] : memref<33554432xf32, #tpu.memory_space<hbm>> -> memref<8192xf32, #tpu.memory_space<hbm>>
    tpu.wait_dma2 semaphore(%arg19 : memref<!tpu.dma_semaphore, #tpu.memory_space<semaphore_mem>>) src(%dma_wait3A_1634 : memref<8192xf32, #tpu.memory_space<hbm>>) dst(%arg9 : memref<8192xf32, #tpu.memory_space<vmem>>)
    %add3A_1635 = arith.constant 0 : i32
    %add3A_1636 = arith.addi %add3A_1635, %mul3A_4 : i32
    %add3A_1637 = arith.constant 204800 : i32
    %add3A_1638 = arith.addi %add3A_1636, %add3A_1637 : i32
    %dma_start3A_1639 = tpu.memref_slice %arg4[%add3A_1638] : memref<33554432xf32, #tpu.memory_space<hbm>> -> memref<8192xf32, #tpu.memory_space<hbm>>
    %dma_start3A_1640 = tpu.memref_slice %arg4[%add3A_1638] : memref<33554432xf32, #tpu.memory_space<hbm>> -> memref<8192xf32, #tpu.memory_space<hbm>>
    tpu.enqueue_dma source(%arg9 : memref<8192xf32, #tpu.memory_space<vmem>>) target(%dma_start3A_1640 : memref<8192xf32, #tpu.memory_space<hbm>>) target_semaphore(%arg27 : memref<!tpu.dma_semaphore, #tpu.memory_space<semaphore_mem>>)
    %dma_wait3A_1641 = tpu.memref_slice %arg4[%add3A_1590] : memref<33554432xf32, #tpu.memory_space<hbm>> -> memref<8192xf32, #tpu.memory_space<hbm>>
    %dma_wait3A_1642 = tpu.memref_slice %arg4[%add3A_1590] : memref<33554432xf32, #tpu.memory_space<hbm>> -> memref<8192xf32, #tpu.memory_space<hbm>>
    tpu.wait_dma2 semaphore(%arg24 : memref<!tpu.dma_semaphore, #tpu.memory_space<semaphore_mem>>) src(%arg6 : memref<8192xf32, #tpu.memory_space<vmem>>) dst(%dma_wait3A_1642 : memref<8192xf32, #tpu.memory_space<hbm>>)
    %add3A_1643 = arith.constant 8388608 : i32
    %add3A_1644 = arith.addi %add3A_1643, %mul3A_4 : i32
    %add3A_1645 = arith.constant 212992 : i32
    %add3A_1646 = arith.addi %add3A_1644, %add3A_1645 : i32
    %dma_start3A_1647 = tpu.memref_slice %arg2[%add3A_1646] : memref<33554432xf32, #tpu.memory_space<hbm>> -> memref<8192xf32, #tpu.memory_space<hbm>>
    %dma_start3A_1648 = tpu.memref_slice %arg2[%add3A_1646] : memref<33554432xf32, #tpu.memory_space<hbm>> -> memref<8192xf32, #tpu.memory_space<hbm>>
    tpu.enqueue_dma source(%dma_start3A_1648 : memref<8192xf32, #tpu.memory_space<hbm>>) target(%arg6 : memref<8192xf32, #tpu.memory_space<vmem>>) target_semaphore(%arg16 : memref<!tpu.dma_semaphore, #tpu.memory_space<semaphore_mem>>)
    %dma_wait3A_1649 = tpu.memref_slice %arg2[%add3A_1582] : memref<33554432xf32, #tpu.memory_space<hbm>> -> memref<8192xf32, #tpu.memory_space<hbm>>
    %dma_wait3A_1650 = tpu.memref_slice %arg2[%add3A_1582] : memref<33554432xf32, #tpu.memory_space<hbm>> -> memref<8192xf32, #tpu.memory_space<hbm>>
    tpu.wait_dma2 semaphore(%arg20 : memref<!tpu.dma_semaphore, #tpu.memory_space<semaphore_mem>>) src(%dma_wait3A_1650 : memref<8192xf32, #tpu.memory_space<hbm>>) dst(%arg10 : memref<8192xf32, #tpu.memory_space<vmem>>)
    %add3A_1651 = arith.constant 8388608 : i32
    %add3A_1652 = arith.addi %add3A_1651, %mul3A_4 : i32
    %add3A_1653 = arith.constant 204800 : i32
    %add3A_1654 = arith.addi %add3A_1652, %add3A_1653 : i32
    %dma_start3A_1655 = tpu.memref_slice %arg4[%add3A_1654] : memref<33554432xf32, #tpu.memory_space<hbm>> -> memref<8192xf32, #tpu.memory_space<hbm>>
    %dma_start3A_1656 = tpu.memref_slice %arg4[%add3A_1654] : memref<33554432xf32, #tpu.memory_space<hbm>> -> memref<8192xf32, #tpu.memory_space<hbm>>
    tpu.enqueue_dma source(%arg10 : memref<8192xf32, #tpu.memory_space<vmem>>) target(%dma_start3A_1656 : memref<8192xf32, #tpu.memory_space<hbm>>) target_semaphore(%arg28 : memref<!tpu.dma_semaphore, #tpu.memory_space<semaphore_mem>>)
    %dma_wait3A_1657 = tpu.memref_slice %arg4[%add3A_1606] : memref<33554432xf32, #tpu.memory_space<hbm>> -> memref<8192xf32, #tpu.memory_space<hbm>>
    %dma_wait3A_1658 = tpu.memref_slice %arg4[%add3A_1606] : memref<33554432xf32, #tpu.memory_space<hbm>> -> memref<8192xf32, #tpu.memory_space<hbm>>
    tpu.wait_dma2 semaphore(%arg25 : memref<!tpu.dma_semaphore, #tpu.memory_space<semaphore_mem>>) src(%arg7 : memref<8192xf32, #tpu.memory_space<vmem>>) dst(%dma_wait3A_1658 : memref<8192xf32, #tpu.memory_space<hbm>>)
    %add3A_1659 = arith.constant 16777216 : i32
    %add3A_1660 = arith.addi %add3A_1659, %mul3A_4 : i32
    %add3A_1661 = arith.constant 212992 : i32
    %add3A_1662 = arith.addi %add3A_1660, %add3A_1661 : i32
    %dma_start3A_1663 = tpu.memref_slice %arg2[%add3A_1662] : memref<33554432xf32, #tpu.memory_space<hbm>> -> memref<8192xf32, #tpu.memory_space<hbm>>
    %dma_start3A_1664 = tpu.memref_slice %arg2[%add3A_1662] : memref<33554432xf32, #tpu.memory_space<hbm>> -> memref<8192xf32, #tpu.memory_space<hbm>>
    tpu.enqueue_dma source(%dma_start3A_1664 : memref<8192xf32, #tpu.memory_space<hbm>>) target(%arg7 : memref<8192xf32, #tpu.memory_space<vmem>>) target_semaphore(%arg17 : memref<!tpu.dma_semaphore, #tpu.memory_space<semaphore_mem>>)
    %dma_wait3A_1665 = tpu.memref_slice %arg2[%add3A_1598] : memref<33554432xf32, #tpu.memory_space<hbm>> -> memref<8192xf32, #tpu.memory_space<hbm>>
    %dma_wait3A_1666 = tpu.memref_slice %arg2[%add3A_1598] : memref<33554432xf32, #tpu.memory_space<hbm>> -> memref<8192xf32, #tpu.memory_space<hbm>>
    tpu.wait_dma2 semaphore(%arg21 : memref<!tpu.dma_semaphore, #tpu.memory_space<semaphore_mem>>) src(%dma_wait3A_1666 : memref<8192xf32, #tpu.memory_space<hbm>>) dst(%arg11 : memref<8192xf32, #tpu.memory_space<vmem>>)
    %add3A_1667 = arith.constant 16777216 : i32
    %add3A_1668 = arith.addi %add3A_1667, %mul3A_4 : i32
    %add3A_1669 = arith.constant 204800 : i32
    %add3A_1670 = arith.addi %add3A_1668, %add3A_1669 : i32
    %dma_start3A_1671 = tpu.memref_slice %arg4[%add3A_1670] : memref<33554432xf32, #tpu.memory_space<hbm>> -> memref<8192xf32, #tpu.memory_space<hbm>>
    %dma_start3A_1672 = tpu.memref_slice %arg4[%add3A_1670] : memref<33554432xf32, #tpu.memory_space<hbm>> -> memref<8192xf32, #tpu.memory_space<hbm>>
    tpu.enqueue_dma source(%arg11 : memref<8192xf32, #tpu.memory_space<vmem>>) target(%dma_start3A_1672 : memref<8192xf32, #tpu.memory_space<hbm>>) target_semaphore(%arg29 : memref<!tpu.dma_semaphore, #tpu.memory_space<semaphore_mem>>)
    %dma_wait3A_1673 = tpu.memref_slice %arg4[%add3A_1622] : memref<33554432xf32, #tpu.memory_space<hbm>> -> memref<8192xf32, #tpu.memory_space<hbm>>
    %dma_wait3A_1674 = tpu.memref_slice %arg4[%add3A_1622] : memref<33554432xf32, #tpu.memory_space<hbm>> -> memref<8192xf32, #tpu.memory_space<hbm>>
    tpu.wait_dma2 semaphore(%arg26 : memref<!tpu.dma_semaphore, #tpu.memory_space<semaphore_mem>>) src(%arg8 : memref<8192xf32, #tpu.memory_space<vmem>>) dst(%dma_wait3A_1674 : memref<8192xf32, #tpu.memory_space<hbm>>)
    %add3A_1675 = arith.constant 25165824 : i32
    %add3A_1676 = arith.addi %add3A_1675, %mul3A_4 : i32
    %add3A_1677 = arith.constant 212992 : i32
    %add3A_1678 = arith.addi %add3A_1676, %add3A_1677 : i32
    %dma_start3A_1679 = tpu.memref_slice %arg2[%add3A_1678] : memref<33554432xf32, #tpu.memory_space<hbm>> -> memref<8192xf32, #tpu.memory_space<hbm>>
    %dma_start3A_1680 = tpu.memref_slice %arg2[%add3A_1678] : memref<33554432xf32, #tpu.memory_space<hbm>> -> memref<8192xf32, #tpu.memory_space<hbm>>
    tpu.enqueue_dma source(%dma_start3A_1680 : memref<8192xf32, #tpu.memory_space<hbm>>) target(%arg8 : memref<8192xf32, #tpu.memory_space<vmem>>) target_semaphore(%arg18 : memref<!tpu.dma_semaphore, #tpu.memory_space<semaphore_mem>>)
    %dma_wait3A_1681 = tpu.memref_slice %arg2[%add3A_1614] : memref<33554432xf32, #tpu.memory_space<hbm>> -> memref<8192xf32, #tpu.memory_space<hbm>>
    %dma_wait3A_1682 = tpu.memref_slice %arg2[%add3A_1614] : memref<33554432xf32, #tpu.memory_space<hbm>> -> memref<8192xf32, #tpu.memory_space<hbm>>
    tpu.wait_dma2 semaphore(%arg22 : memref<!tpu.dma_semaphore, #tpu.memory_space<semaphore_mem>>) src(%dma_wait3A_1682 : memref<8192xf32, #tpu.memory_space<hbm>>) dst(%arg12 : memref<8192xf32, #tpu.memory_space<vmem>>)
    %add3A_1683 = arith.constant 25165824 : i32
    %add3A_1684 = arith.addi %add3A_1683, %mul3A_4 : i32
    %add3A_1685 = arith.constant 204800 : i32
    %add3A_1686 = arith.addi %add3A_1684, %add3A_1685 : i32
    %dma_start3A_1687 = tpu.memref_slice %arg4[%add3A_1686] : memref<33554432xf32, #tpu.memory_space<hbm>> -> memref<8192xf32, #tpu.memory_space<hbm>>
    %dma_start3A_1688 = tpu.memref_slice %arg4[%add3A_1686] : memref<33554432xf32, #tpu.memory_space<hbm>> -> memref<8192xf32, #tpu.memory_space<hbm>>
    tpu.enqueue_dma source(%arg12 : memref<8192xf32, #tpu.memory_space<vmem>>) target(%dma_start3A_1688 : memref<8192xf32, #tpu.memory_space<hbm>>) target_semaphore(%arg30 : memref<!tpu.dma_semaphore, #tpu.memory_space<semaphore_mem>>)
    %dma_wait3A_1689 = tpu.memref_slice %arg4[%add3A_1638] : memref<33554432xf32, #tpu.memory_space<hbm>> -> memref<8192xf32, #tpu.memory_space<hbm>>
    %dma_wait3A_1690 = tpu.memref_slice %arg4[%add3A_1638] : memref<33554432xf32, #tpu.memory_space<hbm>> -> memref<8192xf32, #tpu.memory_space<hbm>>
    tpu.wait_dma2 semaphore(%arg27 : memref<!tpu.dma_semaphore, #tpu.memory_space<semaphore_mem>>) src(%arg9 : memref<8192xf32, #tpu.memory_space<vmem>>) dst(%dma_wait3A_1690 : memref<8192xf32, #tpu.memory_space<hbm>>)
    %add3A_1691 = arith.constant 0 : i32
    %add3A_1692 = arith.addi %add3A_1691, %mul3A_4 : i32
    %add3A_1693 = arith.constant 221184 : i32
    %add3A_1694 = arith.addi %add3A_1692, %add3A_1693 : i32
    %dma_start3A_1695 = tpu.memref_slice %arg2[%add3A_1694] : memref<33554432xf32, #tpu.memory_space<hbm>> -> memref<8192xf32, #tpu.memory_space<hbm>>
    %dma_start3A_1696 = tpu.memref_slice %arg2[%add3A_1694] : memref<33554432xf32, #tpu.memory_space<hbm>> -> memref<8192xf32, #tpu.memory_space<hbm>>
    tpu.enqueue_dma source(%dma_start3A_1696 : memref<8192xf32, #tpu.memory_space<hbm>>) target(%arg9 : memref<8192xf32, #tpu.memory_space<vmem>>) target_semaphore(%arg19 : memref<!tpu.dma_semaphore, #tpu.memory_space<semaphore_mem>>)
    %dma_wait3A_1697 = tpu.memref_slice %arg2[%add3A_1630] : memref<33554432xf32, #tpu.memory_space<hbm>> -> memref<8192xf32, #tpu.memory_space<hbm>>
    %dma_wait3A_1698 = tpu.memref_slice %arg2[%add3A_1630] : memref<33554432xf32, #tpu.memory_space<hbm>> -> memref<8192xf32, #tpu.memory_space<hbm>>
    tpu.wait_dma2 semaphore(%arg15 : memref<!tpu.dma_semaphore, #tpu.memory_space<semaphore_mem>>) src(%dma_wait3A_1698 : memref<8192xf32, #tpu.memory_space<hbm>>) dst(%arg5 : memref<8192xf32, #tpu.memory_space<vmem>>)
    %add3A_1699 = arith.constant 0 : i32
    %add3A_1700 = arith.addi %add3A_1699, %mul3A_4 : i32
    %add3A_1701 = arith.constant 212992 : i32
    %add3A_1702 = arith.addi %add3A_1700, %add3A_1701 : i32
    %dma_start3A_1703 = tpu.memref_slice %arg4[%add3A_1702] : memref<33554432xf32, #tpu.memory_space<hbm>> -> memref<8192xf32, #tpu.memory_space<hbm>>
    %dma_start3A_1704 = tpu.memref_slice %arg4[%add3A_1702] : memref<33554432xf32, #tpu.memory_space<hbm>> -> memref<8192xf32, #tpu.memory_space<hbm>>
    tpu.enqueue_dma source(%arg5 : memref<8192xf32, #tpu.memory_space<vmem>>) target(%dma_start3A_1704 : memref<8192xf32, #tpu.memory_space<hbm>>) target_semaphore(%arg23 : memref<!tpu.dma_semaphore, #tpu.memory_space<semaphore_mem>>)
    %dma_wait3A_1705 = tpu.memref_slice %arg4[%add3A_1654] : memref<33554432xf32, #tpu.memory_space<hbm>> -> memref<8192xf32, #tpu.memory_space<hbm>>
    %dma_wait3A_1706 = tpu.memref_slice %arg4[%add3A_1654] : memref<33554432xf32, #tpu.memory_space<hbm>> -> memref<8192xf32, #tpu.memory_space<hbm>>
    tpu.wait_dma2 semaphore(%arg28 : memref<!tpu.dma_semaphore, #tpu.memory_space<semaphore_mem>>) src(%arg10 : memref<8192xf32, #tpu.memory_space<vmem>>) dst(%dma_wait3A_1706 : memref<8192xf32, #tpu.memory_space<hbm>>)
    %add3A_1707 = arith.constant 8388608 : i32
    %add3A_1708 = arith.addi %add3A_1707, %mul3A_4 : i32
    %add3A_1709 = arith.constant 221184 : i32
    %add3A_1710 = arith.addi %add3A_1708, %add3A_1709 : i32
    %dma_start3A_1711 = tpu.memref_slice %arg2[%add3A_1710] : memref<33554432xf32, #tpu.memory_space<hbm>> -> memref<8192xf32, #tpu.memory_space<hbm>>
    %dma_start3A_1712 = tpu.memref_slice %arg2[%add3A_1710] : memref<33554432xf32, #tpu.memory_space<hbm>> -> memref<8192xf32, #tpu.memory_space<hbm>>
    tpu.enqueue_dma source(%dma_start3A_1712 : memref<8192xf32, #tpu.memory_space<hbm>>) target(%arg10 : memref<8192xf32, #tpu.memory_space<vmem>>) target_semaphore(%arg20 : memref<!tpu.dma_semaphore, #tpu.memory_space<semaphore_mem>>)
    %dma_wait3A_1713 = tpu.memref_slice %arg2[%add3A_1646] : memref<33554432xf32, #tpu.memory_space<hbm>> -> memref<8192xf32, #tpu.memory_space<hbm>>
    %dma_wait3A_1714 = tpu.memref_slice %arg2[%add3A_1646] : memref<33554432xf32, #tpu.memory_space<hbm>> -> memref<8192xf32, #tpu.memory_space<hbm>>
    tpu.wait_dma2 semaphore(%arg16 : memref<!tpu.dma_semaphore, #tpu.memory_space<semaphore_mem>>) src(%dma_wait3A_1714 : memref<8192xf32, #tpu.memory_space<hbm>>) dst(%arg6 : memref<8192xf32, #tpu.memory_space<vmem>>)
    %add3A_1715 = arith.constant 8388608 : i32
    %add3A_1716 = arith.addi %add3A_1715, %mul3A_4 : i32
    %add3A_1717 = arith.constant 212992 : i32
    %add3A_1718 = arith.addi %add3A_1716, %add3A_1717 : i32
    %dma_start3A_1719 = tpu.memref_slice %arg4[%add3A_1718] : memref<33554432xf32, #tpu.memory_space<hbm>> -> memref<8192xf32, #tpu.memory_space<hbm>>
    %dma_start3A_1720 = tpu.memref_slice %arg4[%add3A_1718] : memref<33554432xf32, #tpu.memory_space<hbm>> -> memref<8192xf32, #tpu.memory_space<hbm>>
    tpu.enqueue_dma source(%arg6 : memref<8192xf32, #tpu.memory_space<vmem>>) target(%dma_start3A_1720 : memref<8192xf32, #tpu.memory_space<hbm>>) target_semaphore(%arg24 : memref<!tpu.dma_semaphore, #tpu.memory_space<semaphore_mem>>)
    %dma_wait3A_1721 = tpu.memref_slice %arg4[%add3A_1670] : memref<33554432xf32, #tpu.memory_space<hbm>> -> memref<8192xf32, #tpu.memory_space<hbm>>
    %dma_wait3A_1722 = tpu.memref_slice %arg4[%add3A_1670] : memref<33554432xf32, #tpu.memory_space<hbm>> -> memref<8192xf32, #tpu.memory_space<hbm>>
    tpu.wait_dma2 semaphore(%arg29 : memref<!tpu.dma_semaphore, #tpu.memory_space<semaphore_mem>>) src(%arg11 : memref<8192xf32, #tpu.memory_space<vmem>>) dst(%dma_wait3A_1722 : memref<8192xf32, #tpu.memory_space<hbm>>)
    %add3A_1723 = arith.constant 16777216 : i32
    %add3A_1724 = arith.addi %add3A_1723, %mul3A_4 : i32
    %add3A_1725 = arith.constant 221184 : i32
    %add3A_1726 = arith.addi %add3A_1724, %add3A_1725 : i32
    %dma_start3A_1727 = tpu.memref_slice %arg2[%add3A_1726] : memref<33554432xf32, #tpu.memory_space<hbm>> -> memref<8192xf32, #tpu.memory_space<hbm>>
    %dma_start3A_1728 = tpu.memref_slice %arg2[%add3A_1726] : memref<33554432xf32, #tpu.memory_space<hbm>> -> memref<8192xf32, #tpu.memory_space<hbm>>
    tpu.enqueue_dma source(%dma_start3A_1728 : memref<8192xf32, #tpu.memory_space<hbm>>) target(%arg11 : memref<8192xf32, #tpu.memory_space<vmem>>) target_semaphore(%arg21 : memref<!tpu.dma_semaphore, #tpu.memory_space<semaphore_mem>>)
    %dma_wait3A_1729 = tpu.memref_slice %arg2[%add3A_1662] : memref<33554432xf32, #tpu.memory_space<hbm>> -> memref<8192xf32, #tpu.memory_space<hbm>>
    %dma_wait3A_1730 = tpu.memref_slice %arg2[%add3A_1662] : memref<33554432xf32, #tpu.memory_space<hbm>> -> memref<8192xf32, #tpu.memory_space<hbm>>
    tpu.wait_dma2 semaphore(%arg17 : memref<!tpu.dma_semaphore, #tpu.memory_space<semaphore_mem>>) src(%dma_wait3A_1730 : memref<8192xf32, #tpu.memory_space<hbm>>) dst(%arg7 : memref<8192xf32, #tpu.memory_space<vmem>>)
    %add3A_1731 = arith.constant 16777216 : i32
    %add3A_1732 = arith.addi %add3A_1731, %mul3A_4 : i32
    %add3A_1733 = arith.constant 212992 : i32
    %add3A_1734 = arith.addi %add3A_1732, %add3A_1733 : i32
    %dma_start3A_1735 = tpu.memref_slice %arg4[%add3A_1734] : memref<33554432xf32, #tpu.memory_space<hbm>> -> memref<8192xf32, #tpu.memory_space<hbm>>
    %dma_start3A_1736 = tpu.memref_slice %arg4[%add3A_1734] : memref<33554432xf32, #tpu.memory_space<hbm>> -> memref<8192xf32, #tpu.memory_space<hbm>>
    tpu.enqueue_dma source(%arg7 : memref<8192xf32, #tpu.memory_space<vmem>>) target(%dma_start3A_1736 : memref<8192xf32, #tpu.memory_space<hbm>>) target_semaphore(%arg25 : memref<!tpu.dma_semaphore, #tpu.memory_space<semaphore_mem>>)
    %dma_wait3A_1737 = tpu.memref_slice %arg4[%add3A_1686] : memref<33554432xf32, #tpu.memory_space<hbm>> -> memref<8192xf32, #tpu.memory_space<hbm>>
    %dma_wait3A_1738 = tpu.memref_slice %arg4[%add3A_1686] : memref<33554432xf32, #tpu.memory_space<hbm>> -> memref<8192xf32, #tpu.memory_space<hbm>>
    tpu.wait_dma2 semaphore(%arg30 : memref<!tpu.dma_semaphore, #tpu.memory_space<semaphore_mem>>) src(%arg12 : memref<8192xf32, #tpu.memory_space<vmem>>) dst(%dma_wait3A_1738 : memref<8192xf32, #tpu.memory_space<hbm>>)
    %add3A_1739 = arith.constant 25165824 : i32
    %add3A_1740 = arith.addi %add3A_1739, %mul3A_4 : i32
    %add3A_1741 = arith.constant 221184 : i32
    %add3A_1742 = arith.addi %add3A_1740, %add3A_1741 : i32
    %dma_start3A_1743 = tpu.memref_slice %arg2[%add3A_1742] : memref<33554432xf32, #tpu.memory_space<hbm>> -> memref<8192xf32, #tpu.memory_space<hbm>>
    %dma_start3A_1744 = tpu.memref_slice %arg2[%add3A_1742] : memref<33554432xf32, #tpu.memory_space<hbm>> -> memref<8192xf32, #tpu.memory_space<hbm>>
    tpu.enqueue_dma source(%dma_start3A_1744 : memref<8192xf32, #tpu.memory_space<hbm>>) target(%arg12 : memref<8192xf32, #tpu.memory_space<vmem>>) target_semaphore(%arg22 : memref<!tpu.dma_semaphore, #tpu.memory_space<semaphore_mem>>)
    %dma_wait3A_1745 = tpu.memref_slice %arg2[%add3A_1678] : memref<33554432xf32, #tpu.memory_space<hbm>> -> memref<8192xf32, #tpu.memory_space<hbm>>
    %dma_wait3A_1746 = tpu.memref_slice %arg2[%add3A_1678] : memref<33554432xf32, #tpu.memory_space<hbm>> -> memref<8192xf32, #tpu.memory_space<hbm>>
    tpu.wait_dma2 semaphore(%arg18 : memref<!tpu.dma_semaphore, #tpu.memory_space<semaphore_mem>>) src(%dma_wait3A_1746 : memref<8192xf32, #tpu.memory_space<hbm>>) dst(%arg8 : memref<8192xf32, #tpu.memory_space<vmem>>)
    %add3A_1747 = arith.constant 25165824 : i32
    %add3A_1748 = arith.addi %add3A_1747, %mul3A_4 : i32
    %add3A_1749 = arith.constant 212992 : i32
    %add3A_1750 = arith.addi %add3A_1748, %add3A_1749 : i32
    %dma_start3A_1751 = tpu.memref_slice %arg4[%add3A_1750] : memref<33554432xf32, #tpu.memory_space<hbm>> -> memref<8192xf32, #tpu.memory_space<hbm>>
    %dma_start3A_1752 = tpu.memref_slice %arg4[%add3A_1750] : memref<33554432xf32, #tpu.memory_space<hbm>> -> memref<8192xf32, #tpu.memory_space<hbm>>
    tpu.enqueue_dma source(%arg8 : memref<8192xf32, #tpu.memory_space<vmem>>) target(%dma_start3A_1752 : memref<8192xf32, #tpu.memory_space<hbm>>) target_semaphore(%arg26 : memref<!tpu.dma_semaphore, #tpu.memory_space<semaphore_mem>>)
    %dma_wait3A_1753 = tpu.memref_slice %arg4[%add3A_1702] : memref<33554432xf32, #tpu.memory_space<hbm>> -> memref<8192xf32, #tpu.memory_space<hbm>>
    %dma_wait3A_1754 = tpu.memref_slice %arg4[%add3A_1702] : memref<33554432xf32, #tpu.memory_space<hbm>> -> memref<8192xf32, #tpu.memory_space<hbm>>
    tpu.wait_dma2 semaphore(%arg23 : memref<!tpu.dma_semaphore, #tpu.memory_space<semaphore_mem>>) src(%arg5 : memref<8192xf32, #tpu.memory_space<vmem>>) dst(%dma_wait3A_1754 : memref<8192xf32, #tpu.memory_space<hbm>>)
    %add3A_1755 = arith.constant 0 : i32
    %add3A_1756 = arith.addi %add3A_1755, %mul3A_4 : i32
    %add3A_1757 = arith.constant 229376 : i32
    %add3A_1758 = arith.addi %add3A_1756, %add3A_1757 : i32
    %dma_start3A_1759 = tpu.memref_slice %arg2[%add3A_1758] : memref<33554432xf32, #tpu.memory_space<hbm>> -> memref<8192xf32, #tpu.memory_space<hbm>>
    %dma_start3A_1760 = tpu.memref_slice %arg2[%add3A_1758] : memref<33554432xf32, #tpu.memory_space<hbm>> -> memref<8192xf32, #tpu.memory_space<hbm>>
    tpu.enqueue_dma source(%dma_start3A_1760 : memref<8192xf32, #tpu.memory_space<hbm>>) target(%arg5 : memref<8192xf32, #tpu.memory_space<vmem>>) target_semaphore(%arg15 : memref<!tpu.dma_semaphore, #tpu.memory_space<semaphore_mem>>)
    %dma_wait3A_1761 = tpu.memref_slice %arg2[%add3A_1694] : memref<33554432xf32, #tpu.memory_space<hbm>> -> memref<8192xf32, #tpu.memory_space<hbm>>
    %dma_wait3A_1762 = tpu.memref_slice %arg2[%add3A_1694] : memref<33554432xf32, #tpu.memory_space<hbm>> -> memref<8192xf32, #tpu.memory_space<hbm>>
    tpu.wait_dma2 semaphore(%arg19 : memref<!tpu.dma_semaphore, #tpu.memory_space<semaphore_mem>>) src(%dma_wait3A_1762 : memref<8192xf32, #tpu.memory_space<hbm>>) dst(%arg9 : memref<8192xf32, #tpu.memory_space<vmem>>)
    %add3A_1763 = arith.constant 0 : i32
    %add3A_1764 = arith.addi %add3A_1763, %mul3A_4 : i32
    %add3A_1765 = arith.constant 221184 : i32
    %add3A_1766 = arith.addi %add3A_1764, %add3A_1765 : i32
    %dma_start3A_1767 = tpu.memref_slice %arg4[%add3A_1766] : memref<33554432xf32, #tpu.memory_space<hbm>> -> memref<8192xf32, #tpu.memory_space<hbm>>
    %dma_start3A_1768 = tpu.memref_slice %arg4[%add3A_1766] : memref<33554432xf32, #tpu.memory_space<hbm>> -> memref<8192xf32, #tpu.memory_space<hbm>>
    tpu.enqueue_dma source(%arg9 : memref<8192xf32, #tpu.memory_space<vmem>>) target(%dma_start3A_1768 : memref<8192xf32, #tpu.memory_space<hbm>>) target_semaphore(%arg27 : memref<!tpu.dma_semaphore, #tpu.memory_space<semaphore_mem>>)
    %dma_wait3A_1769 = tpu.memref_slice %arg4[%add3A_1718] : memref<33554432xf32, #tpu.memory_space<hbm>> -> memref<8192xf32, #tpu.memory_space<hbm>>
    %dma_wait3A_1770 = tpu.memref_slice %arg4[%add3A_1718] : memref<33554432xf32, #tpu.memory_space<hbm>> -> memref<8192xf32, #tpu.memory_space<hbm>>
    tpu.wait_dma2 semaphore(%arg24 : memref<!tpu.dma_semaphore, #tpu.memory_space<semaphore_mem>>) src(%arg6 : memref<8192xf32, #tpu.memory_space<vmem>>) dst(%dma_wait3A_1770 : memref<8192xf32, #tpu.memory_space<hbm>>)
    %add3A_1771 = arith.constant 8388608 : i32
    %add3A_1772 = arith.addi %add3A_1771, %mul3A_4 : i32
    %add3A_1773 = arith.constant 229376 : i32
    %add3A_1774 = arith.addi %add3A_1772, %add3A_1773 : i32
    %dma_start3A_1775 = tpu.memref_slice %arg2[%add3A_1774] : memref<33554432xf32, #tpu.memory_space<hbm>> -> memref<8192xf32, #tpu.memory_space<hbm>>
    %dma_start3A_1776 = tpu.memref_slice %arg2[%add3A_1774] : memref<33554432xf32, #tpu.memory_space<hbm>> -> memref<8192xf32, #tpu.memory_space<hbm>>
    tpu.enqueue_dma source(%dma_start3A_1776 : memref<8192xf32, #tpu.memory_space<hbm>>) target(%arg6 : memref<8192xf32, #tpu.memory_space<vmem>>) target_semaphore(%arg16 : memref<!tpu.dma_semaphore, #tpu.memory_space<semaphore_mem>>)
    %dma_wait3A_1777 = tpu.memref_slice %arg2[%add3A_1710] : memref<33554432xf32, #tpu.memory_space<hbm>> -> memref<8192xf32, #tpu.memory_space<hbm>>
    %dma_wait3A_1778 = tpu.memref_slice %arg2[%add3A_1710] : memref<33554432xf32, #tpu.memory_space<hbm>> -> memref<8192xf32, #tpu.memory_space<hbm>>
    tpu.wait_dma2 semaphore(%arg20 : memref<!tpu.dma_semaphore, #tpu.memory_space<semaphore_mem>>) src(%dma_wait3A_1778 : memref<8192xf32, #tpu.memory_space<hbm>>) dst(%arg10 : memref<8192xf32, #tpu.memory_space<vmem>>)
    %add3A_1779 = arith.constant 8388608 : i32
    %add3A_1780 = arith.addi %add3A_1779, %mul3A_4 : i32
    %add3A_1781 = arith.constant 221184 : i32
    %add3A_1782 = arith.addi %add3A_1780, %add3A_1781 : i32
    %dma_start3A_1783 = tpu.memref_slice %arg4[%add3A_1782] : memref<33554432xf32, #tpu.memory_space<hbm>> -> memref<8192xf32, #tpu.memory_space<hbm>>
    %dma_start3A_1784 = tpu.memref_slice %arg4[%add3A_1782] : memref<33554432xf32, #tpu.memory_space<hbm>> -> memref<8192xf32, #tpu.memory_space<hbm>>
    tpu.enqueue_dma source(%arg10 : memref<8192xf32, #tpu.memory_space<vmem>>) target(%dma_start3A_1784 : memref<8192xf32, #tpu.memory_space<hbm>>) target_semaphore(%arg28 : memref<!tpu.dma_semaphore, #tpu.memory_space<semaphore_mem>>)
    %dma_wait3A_1785 = tpu.memref_slice %arg4[%add3A_1734] : memref<33554432xf32, #tpu.memory_space<hbm>> -> memref<8192xf32, #tpu.memory_space<hbm>>
    %dma_wait3A_1786 = tpu.memref_slice %arg4[%add3A_1734] : memref<33554432xf32, #tpu.memory_space<hbm>> -> memref<8192xf32, #tpu.memory_space<hbm>>
    tpu.wait_dma2 semaphore(%arg25 : memref<!tpu.dma_semaphore, #tpu.memory_space<semaphore_mem>>) src(%arg7 : memref<8192xf32, #tpu.memory_space<vmem>>) dst(%dma_wait3A_1786 : memref<8192xf32, #tpu.memory_space<hbm>>)
    %add3A_1787 = arith.constant 16777216 : i32
    %add3A_1788 = arith.addi %add3A_1787, %mul3A_4 : i32
    %add3A_1789 = arith.constant 229376 : i32
    %add3A_1790 = arith.addi %add3A_1788, %add3A_1789 : i32
    %dma_start3A_1791 = tpu.memref_slice %arg2[%add3A_1790] : memref<33554432xf32, #tpu.memory_space<hbm>> -> memref<8192xf32, #tpu.memory_space<hbm>>
    %dma_start3A_1792 = tpu.memref_slice %arg2[%add3A_1790] : memref<33554432xf32, #tpu.memory_space<hbm>> -> memref<8192xf32, #tpu.memory_space<hbm>>
    tpu.enqueue_dma source(%dma_start3A_1792 : memref<8192xf32, #tpu.memory_space<hbm>>) target(%arg7 : memref<8192xf32, #tpu.memory_space<vmem>>) target_semaphore(%arg17 : memref<!tpu.dma_semaphore, #tpu.memory_space<semaphore_mem>>)
    %dma_wait3A_1793 = tpu.memref_slice %arg2[%add3A_1726] : memref<33554432xf32, #tpu.memory_space<hbm>> -> memref<8192xf32, #tpu.memory_space<hbm>>
    %dma_wait3A_1794 = tpu.memref_slice %arg2[%add3A_1726] : memref<33554432xf32, #tpu.memory_space<hbm>> -> memref<8192xf32, #tpu.memory_space<hbm>>
    tpu.wait_dma2 semaphore(%arg21 : memref<!tpu.dma_semaphore, #tpu.memory_space<semaphore_mem>>) src(%dma_wait3A_1794 : memref<8192xf32, #tpu.memory_space<hbm>>) dst(%arg11 : memref<8192xf32, #tpu.memory_space<vmem>>)
    %add3A_1795 = arith.constant 16777216 : i32
    %add3A_1796 = arith.addi %add3A_1795, %mul3A_4 : i32
    %add3A_1797 = arith.constant 221184 : i32
    %add3A_1798 = arith.addi %add3A_1796, %add3A_1797 : i32
    %dma_start3A_1799 = tpu.memref_slice %arg4[%add3A_1798] : memref<33554432xf32, #tpu.memory_space<hbm>> -> memref<8192xf32, #tpu.memory_space<hbm>>
    %dma_start3A_1800 = tpu.memref_slice %arg4[%add3A_1798] : memref<33554432xf32, #tpu.memory_space<hbm>> -> memref<8192xf32, #tpu.memory_space<hbm>>
    tpu.enqueue_dma source(%arg11 : memref<8192xf32, #tpu.memory_space<vmem>>) target(%dma_start3A_1800 : memref<8192xf32, #tpu.memory_space<hbm>>) target_semaphore(%arg29 : memref<!tpu.dma_semaphore, #tpu.memory_space<semaphore_mem>>)
    %dma_wait3A_1801 = tpu.memref_slice %arg4[%add3A_1750] : memref<33554432xf32, #tpu.memory_space<hbm>> -> memref<8192xf32, #tpu.memory_space<hbm>>
    %dma_wait3A_1802 = tpu.memref_slice %arg4[%add3A_1750] : memref<33554432xf32, #tpu.memory_space<hbm>> -> memref<8192xf32, #tpu.memory_space<hbm>>
    tpu.wait_dma2 semaphore(%arg26 : memref<!tpu.dma_semaphore, #tpu.memory_space<semaphore_mem>>) src(%arg8 : memref<8192xf32, #tpu.memory_space<vmem>>) dst(%dma_wait3A_1802 : memref<8192xf32, #tpu.memory_space<hbm>>)
    %add3A_1803 = arith.constant 25165824 : i32
    %add3A_1804 = arith.addi %add3A_1803, %mul3A_4 : i32
    %add3A_1805 = arith.constant 229376 : i32
    %add3A_1806 = arith.addi %add3A_1804, %add3A_1805 : i32
    %dma_start3A_1807 = tpu.memref_slice %arg2[%add3A_1806] : memref<33554432xf32, #tpu.memory_space<hbm>> -> memref<8192xf32, #tpu.memory_space<hbm>>
    %dma_start3A_1808 = tpu.memref_slice %arg2[%add3A_1806] : memref<33554432xf32, #tpu.memory_space<hbm>> -> memref<8192xf32, #tpu.memory_space<hbm>>
    tpu.enqueue_dma source(%dma_start3A_1808 : memref<8192xf32, #tpu.memory_space<hbm>>) target(%arg8 : memref<8192xf32, #tpu.memory_space<vmem>>) target_semaphore(%arg18 : memref<!tpu.dma_semaphore, #tpu.memory_space<semaphore_mem>>)
    %dma_wait3A_1809 = tpu.memref_slice %arg2[%add3A_1742] : memref<33554432xf32, #tpu.memory_space<hbm>> -> memref<8192xf32, #tpu.memory_space<hbm>>
    %dma_wait3A_1810 = tpu.memref_slice %arg2[%add3A_1742] : memref<33554432xf32, #tpu.memory_space<hbm>> -> memref<8192xf32, #tpu.memory_space<hbm>>
    tpu.wait_dma2 semaphore(%arg22 : memref<!tpu.dma_semaphore, #tpu.memory_space<semaphore_mem>>) src(%dma_wait3A_1810 : memref<8192xf32, #tpu.memory_space<hbm>>) dst(%arg12 : memref<8192xf32, #tpu.memory_space<vmem>>)
    %add3A_1811 = arith.constant 25165824 : i32
    %add3A_1812 = arith.addi %add3A_1811, %mul3A_4 : i32
    %add3A_1813 = arith.constant 221184 : i32
    %add3A_1814 = arith.addi %add3A_1812, %add3A_1813 : i32
    %dma_start3A_1815 = tpu.memref_slice %arg4[%add3A_1814] : memref<33554432xf32, #tpu.memory_space<hbm>> -> memref<8192xf32, #tpu.memory_space<hbm>>
    %dma_start3A_1816 = tpu.memref_slice %arg4[%add3A_1814] : memref<33554432xf32, #tpu.memory_space<hbm>> -> memref<8192xf32, #tpu.memory_space<hbm>>
    tpu.enqueue_dma source(%arg12 : memref<8192xf32, #tpu.memory_space<vmem>>) target(%dma_start3A_1816 : memref<8192xf32, #tpu.memory_space<hbm>>) target_semaphore(%arg30 : memref<!tpu.dma_semaphore, #tpu.memory_space<semaphore_mem>>)
    %dma_wait3A_1817 = tpu.memref_slice %arg4[%add3A_1766] : memref<33554432xf32, #tpu.memory_space<hbm>> -> memref<8192xf32, #tpu.memory_space<hbm>>
    %dma_wait3A_1818 = tpu.memref_slice %arg4[%add3A_1766] : memref<33554432xf32, #tpu.memory_space<hbm>> -> memref<8192xf32, #tpu.memory_space<hbm>>
    tpu.wait_dma2 semaphore(%arg27 : memref<!tpu.dma_semaphore, #tpu.memory_space<semaphore_mem>>) src(%arg9 : memref<8192xf32, #tpu.memory_space<vmem>>) dst(%dma_wait3A_1818 : memref<8192xf32, #tpu.memory_space<hbm>>)
    %add3A_1819 = arith.constant 0 : i32
    %add3A_1820 = arith.addi %add3A_1819, %mul3A_4 : i32
    %add3A_1821 = arith.constant 237568 : i32
    %add3A_1822 = arith.addi %add3A_1820, %add3A_1821 : i32
    %dma_start3A_1823 = tpu.memref_slice %arg2[%add3A_1822] : memref<33554432xf32, #tpu.memory_space<hbm>> -> memref<8192xf32, #tpu.memory_space<hbm>>
    %dma_start3A_1824 = tpu.memref_slice %arg2[%add3A_1822] : memref<33554432xf32, #tpu.memory_space<hbm>> -> memref<8192xf32, #tpu.memory_space<hbm>>
    tpu.enqueue_dma source(%dma_start3A_1824 : memref<8192xf32, #tpu.memory_space<hbm>>) target(%arg9 : memref<8192xf32, #tpu.memory_space<vmem>>) target_semaphore(%arg19 : memref<!tpu.dma_semaphore, #tpu.memory_space<semaphore_mem>>)
    %dma_wait3A_1825 = tpu.memref_slice %arg2[%add3A_1758] : memref<33554432xf32, #tpu.memory_space<hbm>> -> memref<8192xf32, #tpu.memory_space<hbm>>
    %dma_wait3A_1826 = tpu.memref_slice %arg2[%add3A_1758] : memref<33554432xf32, #tpu.memory_space<hbm>> -> memref<8192xf32, #tpu.memory_space<hbm>>
    tpu.wait_dma2 semaphore(%arg15 : memref<!tpu.dma_semaphore, #tpu.memory_space<semaphore_mem>>) src(%dma_wait3A_1826 : memref<8192xf32, #tpu.memory_space<hbm>>) dst(%arg5 : memref<8192xf32, #tpu.memory_space<vmem>>)
    %add3A_1827 = arith.constant 0 : i32
    %add3A_1828 = arith.addi %add3A_1827, %mul3A_4 : i32
    %add3A_1829 = arith.constant 229376 : i32
    %add3A_1830 = arith.addi %add3A_1828, %add3A_1829 : i32
    %dma_start3A_1831 = tpu.memref_slice %arg4[%add3A_1830] : memref<33554432xf32, #tpu.memory_space<hbm>> -> memref<8192xf32, #tpu.memory_space<hbm>>
    %dma_start3A_1832 = tpu.memref_slice %arg4[%add3A_1830] : memref<33554432xf32, #tpu.memory_space<hbm>> -> memref<8192xf32, #tpu.memory_space<hbm>>
    tpu.enqueue_dma source(%arg5 : memref<8192xf32, #tpu.memory_space<vmem>>) target(%dma_start3A_1832 : memref<8192xf32, #tpu.memory_space<hbm>>) target_semaphore(%arg23 : memref<!tpu.dma_semaphore, #tpu.memory_space<semaphore_mem>>)
    %dma_wait3A_1833 = tpu.memref_slice %arg4[%add3A_1782] : memref<33554432xf32, #tpu.memory_space<hbm>> -> memref<8192xf32, #tpu.memory_space<hbm>>
    %dma_wait3A_1834 = tpu.memref_slice %arg4[%add3A_1782] : memref<33554432xf32, #tpu.memory_space<hbm>> -> memref<8192xf32, #tpu.memory_space<hbm>>
    tpu.wait_dma2 semaphore(%arg28 : memref<!tpu.dma_semaphore, #tpu.memory_space<semaphore_mem>>) src(%arg10 : memref<8192xf32, #tpu.memory_space<vmem>>) dst(%dma_wait3A_1834 : memref<8192xf32, #tpu.memory_space<hbm>>)
    %add3A_1835 = arith.constant 8388608 : i32
    %add3A_1836 = arith.addi %add3A_1835, %mul3A_4 : i32
    %add3A_1837 = arith.constant 237568 : i32
    %add3A_1838 = arith.addi %add3A_1836, %add3A_1837 : i32
    %dma_start3A_1839 = tpu.memref_slice %arg2[%add3A_1838] : memref<33554432xf32, #tpu.memory_space<hbm>> -> memref<8192xf32, #tpu.memory_space<hbm>>
    %dma_start3A_1840 = tpu.memref_slice %arg2[%add3A_1838] : memref<33554432xf32, #tpu.memory_space<hbm>> -> memref<8192xf32, #tpu.memory_space<hbm>>
    tpu.enqueue_dma source(%dma_start3A_1840 : memref<8192xf32, #tpu.memory_space<hbm>>) target(%arg10 : memref<8192xf32, #tpu.memory_space<vmem>>) target_semaphore(%arg20 : memref<!tpu.dma_semaphore, #tpu.memory_space<semaphore_mem>>)
    %dma_wait3A_1841 = tpu.memref_slice %arg2[%add3A_1774] : memref<33554432xf32, #tpu.memory_space<hbm>> -> memref<8192xf32, #tpu.memory_space<hbm>>
    %dma_wait3A_1842 = tpu.memref_slice %arg2[%add3A_1774] : memref<33554432xf32, #tpu.memory_space<hbm>> -> memref<8192xf32, #tpu.memory_space<hbm>>
    tpu.wait_dma2 semaphore(%arg16 : memref<!tpu.dma_semaphore, #tpu.memory_space<semaphore_mem>>) src(%dma_wait3A_1842 : memref<8192xf32, #tpu.memory_space<hbm>>) dst(%arg6 : memref<8192xf32, #tpu.memory_space<vmem>>)
    %add3A_1843 = arith.constant 8388608 : i32
    %add3A_1844 = arith.addi %add3A_1843, %mul3A_4 : i32
    %add3A_1845 = arith.constant 229376 : i32
    %add3A_1846 = arith.addi %add3A_1844, %add3A_1845 : i32
    %dma_start3A_1847 = tpu.memref_slice %arg4[%add3A_1846] : memref<33554432xf32, #tpu.memory_space<hbm>> -> memref<8192xf32, #tpu.memory_space<hbm>>
    %dma_start3A_1848 = tpu.memref_slice %arg4[%add3A_1846] : memref<33554432xf32, #tpu.memory_space<hbm>> -> memref<8192xf32, #tpu.memory_space<hbm>>
    tpu.enqueue_dma source(%arg6 : memref<8192xf32, #tpu.memory_space<vmem>>) target(%dma_start3A_1848 : memref<8192xf32, #tpu.memory_space<hbm>>) target_semaphore(%arg24 : memref<!tpu.dma_semaphore, #tpu.memory_space<semaphore_mem>>)
    %dma_wait3A_1849 = tpu.memref_slice %arg4[%add3A_1798] : memref<33554432xf32, #tpu.memory_space<hbm>> -> memref<8192xf32, #tpu.memory_space<hbm>>
    %dma_wait3A_1850 = tpu.memref_slice %arg4[%add3A_1798] : memref<33554432xf32, #tpu.memory_space<hbm>> -> memref<8192xf32, #tpu.memory_space<hbm>>
    tpu.wait_dma2 semaphore(%arg29 : memref<!tpu.dma_semaphore, #tpu.memory_space<semaphore_mem>>) src(%arg11 : memref<8192xf32, #tpu.memory_space<vmem>>) dst(%dma_wait3A_1850 : memref<8192xf32, #tpu.memory_space<hbm>>)
    %add3A_1851 = arith.constant 16777216 : i32
    %add3A_1852 = arith.addi %add3A_1851, %mul3A_4 : i32
    %add3A_1853 = arith.constant 237568 : i32
    %add3A_1854 = arith.addi %add3A_1852, %add3A_1853 : i32
    %dma_start3A_1855 = tpu.memref_slice %arg2[%add3A_1854] : memref<33554432xf32, #tpu.memory_space<hbm>> -> memref<8192xf32, #tpu.memory_space<hbm>>
    %dma_start3A_1856 = tpu.memref_slice %arg2[%add3A_1854] : memref<33554432xf32, #tpu.memory_space<hbm>> -> memref<8192xf32, #tpu.memory_space<hbm>>
    tpu.enqueue_dma source(%dma_start3A_1856 : memref<8192xf32, #tpu.memory_space<hbm>>) target(%arg11 : memref<8192xf32, #tpu.memory_space<vmem>>) target_semaphore(%arg21 : memref<!tpu.dma_semaphore, #tpu.memory_space<semaphore_mem>>)
    %dma_wait3A_1857 = tpu.memref_slice %arg2[%add3A_1790] : memref<33554432xf32, #tpu.memory_space<hbm>> -> memref<8192xf32, #tpu.memory_space<hbm>>
    %dma_wait3A_1858 = tpu.memref_slice %arg2[%add3A_1790] : memref<33554432xf32, #tpu.memory_space<hbm>> -> memref<8192xf32, #tpu.memory_space<hbm>>
    tpu.wait_dma2 semaphore(%arg17 : memref<!tpu.dma_semaphore, #tpu.memory_space<semaphore_mem>>) src(%dma_wait3A_1858 : memref<8192xf32, #tpu.memory_space<hbm>>) dst(%arg7 : memref<8192xf32, #tpu.memory_space<vmem>>)
    %add3A_1859 = arith.constant 16777216 : i32
    %add3A_1860 = arith.addi %add3A_1859, %mul3A_4 : i32
    %add3A_1861 = arith.constant 229376 : i32
    %add3A_1862 = arith.addi %add3A_1860, %add3A_1861 : i32
    %dma_start3A_1863 = tpu.memref_slice %arg4[%add3A_1862] : memref<33554432xf32, #tpu.memory_space<hbm>> -> memref<8192xf32, #tpu.memory_space<hbm>>
    %dma_start3A_1864 = tpu.memref_slice %arg4[%add3A_1862] : memref<33554432xf32, #tpu.memory_space<hbm>> -> memref<8192xf32, #tpu.memory_space<hbm>>
    tpu.enqueue_dma source(%arg7 : memref<8192xf32, #tpu.memory_space<vmem>>) target(%dma_start3A_1864 : memref<8192xf32, #tpu.memory_space<hbm>>) target_semaphore(%arg25 : memref<!tpu.dma_semaphore, #tpu.memory_space<semaphore_mem>>)
    %dma_wait3A_1865 = tpu.memref_slice %arg4[%add3A_1814] : memref<33554432xf32, #tpu.memory_space<hbm>> -> memref<8192xf32, #tpu.memory_space<hbm>>
    %dma_wait3A_1866 = tpu.memref_slice %arg4[%add3A_1814] : memref<33554432xf32, #tpu.memory_space<hbm>> -> memref<8192xf32, #tpu.memory_space<hbm>>
    tpu.wait_dma2 semaphore(%arg30 : memref<!tpu.dma_semaphore, #tpu.memory_space<semaphore_mem>>) src(%arg12 : memref<8192xf32, #tpu.memory_space<vmem>>) dst(%dma_wait3A_1866 : memref<8192xf32, #tpu.memory_space<hbm>>)
    %add3A_1867 = arith.constant 25165824 : i32
    %add3A_1868 = arith.addi %add3A_1867, %mul3A_4 : i32
    %add3A_1869 = arith.constant 237568 : i32
    %add3A_1870 = arith.addi %add3A_1868, %add3A_1869 : i32
    %dma_start3A_1871 = tpu.memref_slice %arg2[%add3A_1870] : memref<33554432xf32, #tpu.memory_space<hbm>> -> memref<8192xf32, #tpu.memory_space<hbm>>
    %dma_start3A_1872 = tpu.memref_slice %arg2[%add3A_1870] : memref<33554432xf32, #tpu.memory_space<hbm>> -> memref<8192xf32, #tpu.memory_space<hbm>>
    tpu.enqueue_dma source(%dma_start3A_1872 : memref<8192xf32, #tpu.memory_space<hbm>>) target(%arg12 : memref<8192xf32, #tpu.memory_space<vmem>>) target_semaphore(%arg22 : memref<!tpu.dma_semaphore, #tpu.memory_space<semaphore_mem>>)
    %dma_wait3A_1873 = tpu.memref_slice %arg2[%add3A_1806] : memref<33554432xf32, #tpu.memory_space<hbm>> -> memref<8192xf32, #tpu.memory_space<hbm>>
    %dma_wait3A_1874 = tpu.memref_slice %arg2[%add3A_1806] : memref<33554432xf32, #tpu.memory_space<hbm>> -> memref<8192xf32, #tpu.memory_space<hbm>>
    tpu.wait_dma2 semaphore(%arg18 : memref<!tpu.dma_semaphore, #tpu.memory_space<semaphore_mem>>) src(%dma_wait3A_1874 : memref<8192xf32, #tpu.memory_space<hbm>>) dst(%arg8 : memref<8192xf32, #tpu.memory_space<vmem>>)
    %add3A_1875 = arith.constant 25165824 : i32
    %add3A_1876 = arith.addi %add3A_1875, %mul3A_4 : i32
    %add3A_1877 = arith.constant 229376 : i32
    %add3A_1878 = arith.addi %add3A_1876, %add3A_1877 : i32
    %dma_start3A_1879 = tpu.memref_slice %arg4[%add3A_1878] : memref<33554432xf32, #tpu.memory_space<hbm>> -> memref<8192xf32, #tpu.memory_space<hbm>>
    %dma_start3A_1880 = tpu.memref_slice %arg4[%add3A_1878] : memref<33554432xf32, #tpu.memory_space<hbm>> -> memref<8192xf32, #tpu.memory_space<hbm>>
    tpu.enqueue_dma source(%arg8 : memref<8192xf32, #tpu.memory_space<vmem>>) target(%dma_start3A_1880 : memref<8192xf32, #tpu.memory_space<hbm>>) target_semaphore(%arg26 : memref<!tpu.dma_semaphore, #tpu.memory_space<semaphore_mem>>)
    %dma_wait3A_1881 = tpu.memref_slice %arg4[%add3A_1830] : memref<33554432xf32, #tpu.memory_space<hbm>> -> memref<8192xf32, #tpu.memory_space<hbm>>
    %dma_wait3A_1882 = tpu.memref_slice %arg4[%add3A_1830] : memref<33554432xf32, #tpu.memory_space<hbm>> -> memref<8192xf32, #tpu.memory_space<hbm>>
    tpu.wait_dma2 semaphore(%arg23 : memref<!tpu.dma_semaphore, #tpu.memory_space<semaphore_mem>>) src(%arg5 : memref<8192xf32, #tpu.memory_space<vmem>>) dst(%dma_wait3A_1882 : memref<8192xf32, #tpu.memory_space<hbm>>)
    %add3A_1883 = arith.constant 0 : i32
    %add3A_1884 = arith.addi %add3A_1883, %mul3A_4 : i32
    %add3A_1885 = arith.constant 245760 : i32
    %add3A_1886 = arith.addi %add3A_1884, %add3A_1885 : i32
    %dma_start3A_1887 = tpu.memref_slice %arg2[%add3A_1886] : memref<33554432xf32, #tpu.memory_space<hbm>> -> memref<8192xf32, #tpu.memory_space<hbm>>
    %dma_start3A_1888 = tpu.memref_slice %arg2[%add3A_1886] : memref<33554432xf32, #tpu.memory_space<hbm>> -> memref<8192xf32, #tpu.memory_space<hbm>>
    tpu.enqueue_dma source(%dma_start3A_1888 : memref<8192xf32, #tpu.memory_space<hbm>>) target(%arg5 : memref<8192xf32, #tpu.memory_space<vmem>>) target_semaphore(%arg15 : memref<!tpu.dma_semaphore, #tpu.memory_space<semaphore_mem>>)
    %dma_wait3A_1889 = tpu.memref_slice %arg2[%add3A_1822] : memref<33554432xf32, #tpu.memory_space<hbm>> -> memref<8192xf32, #tpu.memory_space<hbm>>
    %dma_wait3A_1890 = tpu.memref_slice %arg2[%add3A_1822] : memref<33554432xf32, #tpu.memory_space<hbm>> -> memref<8192xf32, #tpu.memory_space<hbm>>
    tpu.wait_dma2 semaphore(%arg19 : memref<!tpu.dma_semaphore, #tpu.memory_space<semaphore_mem>>) src(%dma_wait3A_1890 : memref<8192xf32, #tpu.memory_space<hbm>>) dst(%arg9 : memref<8192xf32, #tpu.memory_space<vmem>>)
    %add3A_1891 = arith.constant 0 : i32
    %add3A_1892 = arith.addi %add3A_1891, %mul3A_4 : i32
    %add3A_1893 = arith.constant 237568 : i32
    %add3A_1894 = arith.addi %add3A_1892, %add3A_1893 : i32
    %dma_start3A_1895 = tpu.memref_slice %arg4[%add3A_1894] : memref<33554432xf32, #tpu.memory_space<hbm>> -> memref<8192xf32, #tpu.memory_space<hbm>>
    %dma_start3A_1896 = tpu.memref_slice %arg4[%add3A_1894] : memref<33554432xf32, #tpu.memory_space<hbm>> -> memref<8192xf32, #tpu.memory_space<hbm>>
    tpu.enqueue_dma source(%arg9 : memref<8192xf32, #tpu.memory_space<vmem>>) target(%dma_start3A_1896 : memref<8192xf32, #tpu.memory_space<hbm>>) target_semaphore(%arg27 : memref<!tpu.dma_semaphore, #tpu.memory_space<semaphore_mem>>)
    %dma_wait3A_1897 = tpu.memref_slice %arg4[%add3A_1846] : memref<33554432xf32, #tpu.memory_space<hbm>> -> memref<8192xf32, #tpu.memory_space<hbm>>
    %dma_wait3A_1898 = tpu.memref_slice %arg4[%add3A_1846] : memref<33554432xf32, #tpu.memory_space<hbm>> -> memref<8192xf32, #tpu.memory_space<hbm>>
    tpu.wait_dma2 semaphore(%arg24 : memref<!tpu.dma_semaphore, #tpu.memory_space<semaphore_mem>>) src(%arg6 : memref<8192xf32, #tpu.memory_space<vmem>>) dst(%dma_wait3A_1898 : memref<8192xf32, #tpu.memory_space<hbm>>)
    %add3A_1899 = arith.constant 8388608 : i32
    %add3A_1900 = arith.addi %add3A_1899, %mul3A_4 : i32
    %add3A_1901 = arith.constant 245760 : i32
    %add3A_1902 = arith.addi %add3A_1900, %add3A_1901 : i32
    %dma_start3A_1903 = tpu.memref_slice %arg2[%add3A_1902] : memref<33554432xf32, #tpu.memory_space<hbm>> -> memref<8192xf32, #tpu.memory_space<hbm>>
    %dma_start3A_1904 = tpu.memref_slice %arg2[%add3A_1902] : memref<33554432xf32, #tpu.memory_space<hbm>> -> memref<8192xf32, #tpu.memory_space<hbm>>
    tpu.enqueue_dma source(%dma_start3A_1904 : memref<8192xf32, #tpu.memory_space<hbm>>) target(%arg6 : memref<8192xf32, #tpu.memory_space<vmem>>) target_semaphore(%arg16 : memref<!tpu.dma_semaphore, #tpu.memory_space<semaphore_mem>>)
    %dma_wait3A_1905 = tpu.memref_slice %arg2[%add3A_1838] : memref<33554432xf32, #tpu.memory_space<hbm>> -> memref<8192xf32, #tpu.memory_space<hbm>>
    %dma_wait3A_1906 = tpu.memref_slice %arg2[%add3A_1838] : memref<33554432xf32, #tpu.memory_space<hbm>> -> memref<8192xf32, #tpu.memory_space<hbm>>
    tpu.wait_dma2 semaphore(%arg20 : memref<!tpu.dma_semaphore, #tpu.memory_space<semaphore_mem>>) src(%dma_wait3A_1906 : memref<8192xf32, #tpu.memory_space<hbm>>) dst(%arg10 : memref<8192xf32, #tpu.memory_space<vmem>>)
    %add3A_1907 = arith.constant 8388608 : i32
    %add3A_1908 = arith.addi %add3A_1907, %mul3A_4 : i32
    %add3A_1909 = arith.constant 237568 : i32
    %add3A_1910 = arith.addi %add3A_1908, %add3A_1909 : i32
    %dma_start3A_1911 = tpu.memref_slice %arg4[%add3A_1910] : memref<33554432xf32, #tpu.memory_space<hbm>> -> memref<8192xf32, #tpu.memory_space<hbm>>
    %dma_start3A_1912 = tpu.memref_slice %arg4[%add3A_1910] : memref<33554432xf32, #tpu.memory_space<hbm>> -> memref<8192xf32, #tpu.memory_space<hbm>>
    tpu.enqueue_dma source(%arg10 : memref<8192xf32, #tpu.memory_space<vmem>>) target(%dma_start3A_1912 : memref<8192xf32, #tpu.memory_space<hbm>>) target_semaphore(%arg28 : memref<!tpu.dma_semaphore, #tpu.memory_space<semaphore_mem>>)
    %dma_wait3A_1913 = tpu.memref_slice %arg4[%add3A_1862] : memref<33554432xf32, #tpu.memory_space<hbm>> -> memref<8192xf32, #tpu.memory_space<hbm>>
    %dma_wait3A_1914 = tpu.memref_slice %arg4[%add3A_1862] : memref<33554432xf32, #tpu.memory_space<hbm>> -> memref<8192xf32, #tpu.memory_space<hbm>>
    tpu.wait_dma2 semaphore(%arg25 : memref<!tpu.dma_semaphore, #tpu.memory_space<semaphore_mem>>) src(%arg7 : memref<8192xf32, #tpu.memory_space<vmem>>) dst(%dma_wait3A_1914 : memref<8192xf32, #tpu.memory_space<hbm>>)
    %add3A_1915 = arith.constant 16777216 : i32
    %add3A_1916 = arith.addi %add3A_1915, %mul3A_4 : i32
    %add3A_1917 = arith.constant 245760 : i32
    %add3A_1918 = arith.addi %add3A_1916, %add3A_1917 : i32
    %dma_start3A_1919 = tpu.memref_slice %arg2[%add3A_1918] : memref<33554432xf32, #tpu.memory_space<hbm>> -> memref<8192xf32, #tpu.memory_space<hbm>>
    %dma_start3A_1920 = tpu.memref_slice %arg2[%add3A_1918] : memref<33554432xf32, #tpu.memory_space<hbm>> -> memref<8192xf32, #tpu.memory_space<hbm>>
    tpu.enqueue_dma source(%dma_start3A_1920 : memref<8192xf32, #tpu.memory_space<hbm>>) target(%arg7 : memref<8192xf32, #tpu.memory_space<vmem>>) target_semaphore(%arg17 : memref<!tpu.dma_semaphore, #tpu.memory_space<semaphore_mem>>)
    %dma_wait3A_1921 = tpu.memref_slice %arg2[%add3A_1854] : memref<33554432xf32, #tpu.memory_space<hbm>> -> memref<8192xf32, #tpu.memory_space<hbm>>
    %dma_wait3A_1922 = tpu.memref_slice %arg2[%add3A_1854] : memref<33554432xf32, #tpu.memory_space<hbm>> -> memref<8192xf32, #tpu.memory_space<hbm>>
    tpu.wait_dma2 semaphore(%arg21 : memref<!tpu.dma_semaphore, #tpu.memory_space<semaphore_mem>>) src(%dma_wait3A_1922 : memref<8192xf32, #tpu.memory_space<hbm>>) dst(%arg11 : memref<8192xf32, #tpu.memory_space<vmem>>)
    %add3A_1923 = arith.constant 16777216 : i32
    %add3A_1924 = arith.addi %add3A_1923, %mul3A_4 : i32
    %add3A_1925 = arith.constant 237568 : i32
    %add3A_1926 = arith.addi %add3A_1924, %add3A_1925 : i32
    %dma_start3A_1927 = tpu.memref_slice %arg4[%add3A_1926] : memref<33554432xf32, #tpu.memory_space<hbm>> -> memref<8192xf32, #tpu.memory_space<hbm>>
    %dma_start3A_1928 = tpu.memref_slice %arg4[%add3A_1926] : memref<33554432xf32, #tpu.memory_space<hbm>> -> memref<8192xf32, #tpu.memory_space<hbm>>
    tpu.enqueue_dma source(%arg11 : memref<8192xf32, #tpu.memory_space<vmem>>) target(%dma_start3A_1928 : memref<8192xf32, #tpu.memory_space<hbm>>) target_semaphore(%arg29 : memref<!tpu.dma_semaphore, #tpu.memory_space<semaphore_mem>>)
    %dma_wait3A_1929 = tpu.memref_slice %arg4[%add3A_1878] : memref<33554432xf32, #tpu.memory_space<hbm>> -> memref<8192xf32, #tpu.memory_space<hbm>>
    %dma_wait3A_1930 = tpu.memref_slice %arg4[%add3A_1878] : memref<33554432xf32, #tpu.memory_space<hbm>> -> memref<8192xf32, #tpu.memory_space<hbm>>
    tpu.wait_dma2 semaphore(%arg26 : memref<!tpu.dma_semaphore, #tpu.memory_space<semaphore_mem>>) src(%arg8 : memref<8192xf32, #tpu.memory_space<vmem>>) dst(%dma_wait3A_1930 : memref<8192xf32, #tpu.memory_space<hbm>>)
    %add3A_1931 = arith.constant 25165824 : i32
    %add3A_1932 = arith.addi %add3A_1931, %mul3A_4 : i32
    %add3A_1933 = arith.constant 245760 : i32
    %add3A_1934 = arith.addi %add3A_1932, %add3A_1933 : i32
    %dma_start3A_1935 = tpu.memref_slice %arg2[%add3A_1934] : memref<33554432xf32, #tpu.memory_space<hbm>> -> memref<8192xf32, #tpu.memory_space<hbm>>
    %dma_start3A_1936 = tpu.memref_slice %arg2[%add3A_1934] : memref<33554432xf32, #tpu.memory_space<hbm>> -> memref<8192xf32, #tpu.memory_space<hbm>>
    tpu.enqueue_dma source(%dma_start3A_1936 : memref<8192xf32, #tpu.memory_space<hbm>>) target(%arg8 : memref<8192xf32, #tpu.memory_space<vmem>>) target_semaphore(%arg18 : memref<!tpu.dma_semaphore, #tpu.memory_space<semaphore_mem>>)
    %dma_wait3A_1937 = tpu.memref_slice %arg2[%add3A_1870] : memref<33554432xf32, #tpu.memory_space<hbm>> -> memref<8192xf32, #tpu.memory_space<hbm>>
    %dma_wait3A_1938 = tpu.memref_slice %arg2[%add3A_1870] : memref<33554432xf32, #tpu.memory_space<hbm>> -> memref<8192xf32, #tpu.memory_space<hbm>>
    tpu.wait_dma2 semaphore(%arg22 : memref<!tpu.dma_semaphore, #tpu.memory_space<semaphore_mem>>) src(%dma_wait3A_1938 : memref<8192xf32, #tpu.memory_space<hbm>>) dst(%arg12 : memref<8192xf32, #tpu.memory_space<vmem>>)
    %add3A_1939 = arith.constant 25165824 : i32
    %add3A_1940 = arith.addi %add3A_1939, %mul3A_4 : i32
    %add3A_1941 = arith.constant 237568 : i32
    %add3A_1942 = arith.addi %add3A_1940, %add3A_1941 : i32
    %dma_start3A_1943 = tpu.memref_slice %arg4[%add3A_1942] : memref<33554432xf32, #tpu.memory_space<hbm>> -> memref<8192xf32, #tpu.memory_space<hbm>>
    %dma_start3A_1944 = tpu.memref_slice %arg4[%add3A_1942] : memref<33554432xf32, #tpu.memory_space<hbm>> -> memref<8192xf32, #tpu.memory_space<hbm>>
    tpu.enqueue_dma source(%arg12 : memref<8192xf32, #tpu.memory_space<vmem>>) target(%dma_start3A_1944 : memref<8192xf32, #tpu.memory_space<hbm>>) target_semaphore(%arg30 : memref<!tpu.dma_semaphore, #tpu.memory_space<semaphore_mem>>)
    %dma_wait3A_1945 = tpu.memref_slice %arg4[%add3A_1894] : memref<33554432xf32, #tpu.memory_space<hbm>> -> memref<8192xf32, #tpu.memory_space<hbm>>
    %dma_wait3A_1946 = tpu.memref_slice %arg4[%add3A_1894] : memref<33554432xf32, #tpu.memory_space<hbm>> -> memref<8192xf32, #tpu.memory_space<hbm>>
    tpu.wait_dma2 semaphore(%arg27 : memref<!tpu.dma_semaphore, #tpu.memory_space<semaphore_mem>>) src(%arg9 : memref<8192xf32, #tpu.memory_space<vmem>>) dst(%dma_wait3A_1946 : memref<8192xf32, #tpu.memory_space<hbm>>)
    %add3A_1947 = arith.constant 0 : i32
    %add3A_1948 = arith.addi %add3A_1947, %mul3A_4 : i32
    %add3A_1949 = arith.constant 253952 : i32
    %add3A_1950 = arith.addi %add3A_1948, %add3A_1949 : i32
    %dma_start3A_1951 = tpu.memref_slice %arg2[%add3A_1950] : memref<33554432xf32, #tpu.memory_space<hbm>> -> memref<8192xf32, #tpu.memory_space<hbm>>
    %dma_start3A_1952 = tpu.memref_slice %arg2[%add3A_1950] : memref<33554432xf32, #tpu.memory_space<hbm>> -> memref<8192xf32, #tpu.memory_space<hbm>>
    tpu.enqueue_dma source(%dma_start3A_1952 : memref<8192xf32, #tpu.memory_space<hbm>>) target(%arg9 : memref<8192xf32, #tpu.memory_space<vmem>>) target_semaphore(%arg19 : memref<!tpu.dma_semaphore, #tpu.memory_space<semaphore_mem>>)
    %dma_wait3A_1953 = tpu.memref_slice %arg2[%add3A_1886] : memref<33554432xf32, #tpu.memory_space<hbm>> -> memref<8192xf32, #tpu.memory_space<hbm>>
    %dma_wait3A_1954 = tpu.memref_slice %arg2[%add3A_1886] : memref<33554432xf32, #tpu.memory_space<hbm>> -> memref<8192xf32, #tpu.memory_space<hbm>>
    tpu.wait_dma2 semaphore(%arg15 : memref<!tpu.dma_semaphore, #tpu.memory_space<semaphore_mem>>) src(%dma_wait3A_1954 : memref<8192xf32, #tpu.memory_space<hbm>>) dst(%arg5 : memref<8192xf32, #tpu.memory_space<vmem>>)
    %add3A_1955 = arith.constant 0 : i32
    %add3A_1956 = arith.addi %add3A_1955, %mul3A_4 : i32
    %add3A_1957 = arith.constant 245760 : i32
    %add3A_1958 = arith.addi %add3A_1956, %add3A_1957 : i32
    %dma_start3A_1959 = tpu.memref_slice %arg4[%add3A_1958] : memref<33554432xf32, #tpu.memory_space<hbm>> -> memref<8192xf32, #tpu.memory_space<hbm>>
    %dma_start3A_1960 = tpu.memref_slice %arg4[%add3A_1958] : memref<33554432xf32, #tpu.memory_space<hbm>> -> memref<8192xf32, #tpu.memory_space<hbm>>
    tpu.enqueue_dma source(%arg5 : memref<8192xf32, #tpu.memory_space<vmem>>) target(%dma_start3A_1960 : memref<8192xf32, #tpu.memory_space<hbm>>) target_semaphore(%arg23 : memref<!tpu.dma_semaphore, #tpu.memory_space<semaphore_mem>>)
    %dma_wait3A_1961 = tpu.memref_slice %arg4[%add3A_1910] : memref<33554432xf32, #tpu.memory_space<hbm>> -> memref<8192xf32, #tpu.memory_space<hbm>>
    %dma_wait3A_1962 = tpu.memref_slice %arg4[%add3A_1910] : memref<33554432xf32, #tpu.memory_space<hbm>> -> memref<8192xf32, #tpu.memory_space<hbm>>
    tpu.wait_dma2 semaphore(%arg28 : memref<!tpu.dma_semaphore, #tpu.memory_space<semaphore_mem>>) src(%arg10 : memref<8192xf32, #tpu.memory_space<vmem>>) dst(%dma_wait3A_1962 : memref<8192xf32, #tpu.memory_space<hbm>>)
    %add3A_1963 = arith.constant 8388608 : i32
    %add3A_1964 = arith.addi %add3A_1963, %mul3A_4 : i32
    %add3A_1965 = arith.constant 253952 : i32
    %add3A_1966 = arith.addi %add3A_1964, %add3A_1965 : i32
    %dma_start3A_1967 = tpu.memref_slice %arg2[%add3A_1966] : memref<33554432xf32, #tpu.memory_space<hbm>> -> memref<8192xf32, #tpu.memory_space<hbm>>
    %dma_start3A_1968 = tpu.memref_slice %arg2[%add3A_1966] : memref<33554432xf32, #tpu.memory_space<hbm>> -> memref<8192xf32, #tpu.memory_space<hbm>>
    tpu.enqueue_dma source(%dma_start3A_1968 : memref<8192xf32, #tpu.memory_space<hbm>>) target(%arg10 : memref<8192xf32, #tpu.memory_space<vmem>>) target_semaphore(%arg20 : memref<!tpu.dma_semaphore, #tpu.memory_space<semaphore_mem>>)
    %dma_wait3A_1969 = tpu.memref_slice %arg2[%add3A_1902] : memref<33554432xf32, #tpu.memory_space<hbm>> -> memref<8192xf32, #tpu.memory_space<hbm>>
    %dma_wait3A_1970 = tpu.memref_slice %arg2[%add3A_1902] : memref<33554432xf32, #tpu.memory_space<hbm>> -> memref<8192xf32, #tpu.memory_space<hbm>>
    tpu.wait_dma2 semaphore(%arg16 : memref<!tpu.dma_semaphore, #tpu.memory_space<semaphore_mem>>) src(%dma_wait3A_1970 : memref<8192xf32, #tpu.memory_space<hbm>>) dst(%arg6 : memref<8192xf32, #tpu.memory_space<vmem>>)
    %add3A_1971 = arith.constant 8388608 : i32
    %add3A_1972 = arith.addi %add3A_1971, %mul3A_4 : i32
    %add3A_1973 = arith.constant 245760 : i32
    %add3A_1974 = arith.addi %add3A_1972, %add3A_1973 : i32
    %dma_start3A_1975 = tpu.memref_slice %arg4[%add3A_1974] : memref<33554432xf32, #tpu.memory_space<hbm>> -> memref<8192xf32, #tpu.memory_space<hbm>>
    %dma_start3A_1976 = tpu.memref_slice %arg4[%add3A_1974] : memref<33554432xf32, #tpu.memory_space<hbm>> -> memref<8192xf32, #tpu.memory_space<hbm>>
    tpu.enqueue_dma source(%arg6 : memref<8192xf32, #tpu.memory_space<vmem>>) target(%dma_start3A_1976 : memref<8192xf32, #tpu.memory_space<hbm>>) target_semaphore(%arg24 : memref<!tpu.dma_semaphore, #tpu.memory_space<semaphore_mem>>)
    %dma_wait3A_1977 = tpu.memref_slice %arg4[%add3A_1926] : memref<33554432xf32, #tpu.memory_space<hbm>> -> memref<8192xf32, #tpu.memory_space<hbm>>
    %dma_wait3A_1978 = tpu.memref_slice %arg4[%add3A_1926] : memref<33554432xf32, #tpu.memory_space<hbm>> -> memref<8192xf32, #tpu.memory_space<hbm>>
    tpu.wait_dma2 semaphore(%arg29 : memref<!tpu.dma_semaphore, #tpu.memory_space<semaphore_mem>>) src(%arg11 : memref<8192xf32, #tpu.memory_space<vmem>>) dst(%dma_wait3A_1978 : memref<8192xf32, #tpu.memory_space<hbm>>)
    %add3A_1979 = arith.constant 16777216 : i32
    %add3A_1980 = arith.addi %add3A_1979, %mul3A_4 : i32
    %add3A_1981 = arith.constant 253952 : i32
    %add3A_1982 = arith.addi %add3A_1980, %add3A_1981 : i32
    %dma_start3A_1983 = tpu.memref_slice %arg2[%add3A_1982] : memref<33554432xf32, #tpu.memory_space<hbm>> -> memref<8192xf32, #tpu.memory_space<hbm>>
    %dma_start3A_1984 = tpu.memref_slice %arg2[%add3A_1982] : memref<33554432xf32, #tpu.memory_space<hbm>> -> memref<8192xf32, #tpu.memory_space<hbm>>
    tpu.enqueue_dma source(%dma_start3A_1984 : memref<8192xf32, #tpu.memory_space<hbm>>) target(%arg11 : memref<8192xf32, #tpu.memory_space<vmem>>) target_semaphore(%arg21 : memref<!tpu.dma_semaphore, #tpu.memory_space<semaphore_mem>>)
    %dma_wait3A_1985 = tpu.memref_slice %arg2[%add3A_1918] : memref<33554432xf32, #tpu.memory_space<hbm>> -> memref<8192xf32, #tpu.memory_space<hbm>>
    %dma_wait3A_1986 = tpu.memref_slice %arg2[%add3A_1918] : memref<33554432xf32, #tpu.memory_space<hbm>> -> memref<8192xf32, #tpu.memory_space<hbm>>
    tpu.wait_dma2 semaphore(%arg17 : memref<!tpu.dma_semaphore, #tpu.memory_space<semaphore_mem>>) src(%dma_wait3A_1986 : memref<8192xf32, #tpu.memory_space<hbm>>) dst(%arg7 : memref<8192xf32, #tpu.memory_space<vmem>>)
    %add3A_1987 = arith.constant 16777216 : i32
    %add3A_1988 = arith.addi %add3A_1987, %mul3A_4 : i32
    %add3A_1989 = arith.constant 245760 : i32
    %add3A_1990 = arith.addi %add3A_1988, %add3A_1989 : i32
    %dma_start3A_1991 = tpu.memref_slice %arg4[%add3A_1990] : memref<33554432xf32, #tpu.memory_space<hbm>> -> memref<8192xf32, #tpu.memory_space<hbm>>
    %dma_start3A_1992 = tpu.memref_slice %arg4[%add3A_1990] : memref<33554432xf32, #tpu.memory_space<hbm>> -> memref<8192xf32, #tpu.memory_space<hbm>>
    tpu.enqueue_dma source(%arg7 : memref<8192xf32, #tpu.memory_space<vmem>>) target(%dma_start3A_1992 : memref<8192xf32, #tpu.memory_space<hbm>>) target_semaphore(%arg25 : memref<!tpu.dma_semaphore, #tpu.memory_space<semaphore_mem>>)
    %dma_wait3A_1993 = tpu.memref_slice %arg4[%add3A_1942] : memref<33554432xf32, #tpu.memory_space<hbm>> -> memref<8192xf32, #tpu.memory_space<hbm>>
    %dma_wait3A_1994 = tpu.memref_slice %arg4[%add3A_1942] : memref<33554432xf32, #tpu.memory_space<hbm>> -> memref<8192xf32, #tpu.memory_space<hbm>>
    tpu.wait_dma2 semaphore(%arg30 : memref<!tpu.dma_semaphore, #tpu.memory_space<semaphore_mem>>) src(%arg12 : memref<8192xf32, #tpu.memory_space<vmem>>) dst(%dma_wait3A_1994 : memref<8192xf32, #tpu.memory_space<hbm>>)
    %add3A_1995 = arith.constant 25165824 : i32
    %add3A_1996 = arith.addi %add3A_1995, %mul3A_4 : i32
    %add3A_1997 = arith.constant 253952 : i32
    %add3A_1998 = arith.addi %add3A_1996, %add3A_1997 : i32
    %dma_start3A_1999 = tpu.memref_slice %arg2[%add3A_1998] : memref<33554432xf32, #tpu.memory_space<hbm>> -> memref<8192xf32, #tpu.memory_space<hbm>>
    %dma_start3A_2000 = tpu.memref_slice %arg2[%add3A_1998] : memref<33554432xf32, #tpu.memory_space<hbm>> -> memref<8192xf32, #tpu.memory_space<hbm>>
    tpu.enqueue_dma source(%dma_start3A_2000 : memref<8192xf32, #tpu.memory_space<hbm>>) target(%arg12 : memref<8192xf32, #tpu.memory_space<vmem>>) target_semaphore(%arg22 : memref<!tpu.dma_semaphore, #tpu.memory_space<semaphore_mem>>)
    %dma_wait3A_2001 = tpu.memref_slice %arg2[%add3A_1934] : memref<33554432xf32, #tpu.memory_space<hbm>> -> memref<8192xf32, #tpu.memory_space<hbm>>
    %dma_wait3A_2002 = tpu.memref_slice %arg2[%add3A_1934] : memref<33554432xf32, #tpu.memory_space<hbm>> -> memref<8192xf32, #tpu.memory_space<hbm>>
    tpu.wait_dma2 semaphore(%arg18 : memref<!tpu.dma_semaphore, #tpu.memory_space<semaphore_mem>>) src(%dma_wait3A_2002 : memref<8192xf32, #tpu.memory_space<hbm>>) dst(%arg8 : memref<8192xf32, #tpu.memory_space<vmem>>)
    %add3A_2003 = arith.constant 25165824 : i32
    %add3A_2004 = arith.addi %add3A_2003, %mul3A_4 : i32
    %add3A_2005 = arith.constant 245760 : i32
    %add3A_2006 = arith.addi %add3A_2004, %add3A_2005 : i32
    %dma_start3A_2007 = tpu.memref_slice %arg4[%add3A_2006] : memref<33554432xf32, #tpu.memory_space<hbm>> -> memref<8192xf32, #tpu.memory_space<hbm>>
    %dma_start3A_2008 = tpu.memref_slice %arg4[%add3A_2006] : memref<33554432xf32, #tpu.memory_space<hbm>> -> memref<8192xf32, #tpu.memory_space<hbm>>
    tpu.enqueue_dma source(%arg8 : memref<8192xf32, #tpu.memory_space<vmem>>) target(%dma_start3A_2008 : memref<8192xf32, #tpu.memory_space<hbm>>) target_semaphore(%arg26 : memref<!tpu.dma_semaphore, #tpu.memory_space<semaphore_mem>>)
    %dma_wait3A_2009 = tpu.memref_slice %arg2[%add3A_1950] : memref<33554432xf32, #tpu.memory_space<hbm>> -> memref<8192xf32, #tpu.memory_space<hbm>>
    %dma_wait3A_2010 = tpu.memref_slice %arg2[%add3A_1950] : memref<33554432xf32, #tpu.memory_space<hbm>> -> memref<8192xf32, #tpu.memory_space<hbm>>
    tpu.wait_dma2 semaphore(%arg19 : memref<!tpu.dma_semaphore, #tpu.memory_space<semaphore_mem>>) src(%dma_wait3A_2010 : memref<8192xf32, #tpu.memory_space<hbm>>) dst(%arg9 : memref<8192xf32, #tpu.memory_space<vmem>>)
    %add3A_2011 = arith.constant 0 : i32
    %add3A_2012 = arith.addi %add3A_2011, %mul3A_4 : i32
    %add3A_2013 = arith.constant 253952 : i32
    %add3A_2014 = arith.addi %add3A_2012, %add3A_2013 : i32
    %dma_start3A_2015 = tpu.memref_slice %arg4[%add3A_2014] : memref<33554432xf32, #tpu.memory_space<hbm>> -> memref<8192xf32, #tpu.memory_space<hbm>>
    %dma_start3A_2016 = tpu.memref_slice %arg4[%add3A_2014] : memref<33554432xf32, #tpu.memory_space<hbm>> -> memref<8192xf32, #tpu.memory_space<hbm>>
    tpu.enqueue_dma source(%arg9 : memref<8192xf32, #tpu.memory_space<vmem>>) target(%dma_start3A_2016 : memref<8192xf32, #tpu.memory_space<hbm>>) target_semaphore(%arg27 : memref<!tpu.dma_semaphore, #tpu.memory_space<semaphore_mem>>)
    %dma_wait3A_2017 = tpu.memref_slice %arg2[%add3A_1966] : memref<33554432xf32, #tpu.memory_space<hbm>> -> memref<8192xf32, #tpu.memory_space<hbm>>
    %dma_wait3A_2018 = tpu.memref_slice %arg2[%add3A_1966] : memref<33554432xf32, #tpu.memory_space<hbm>> -> memref<8192xf32, #tpu.memory_space<hbm>>
    tpu.wait_dma2 semaphore(%arg20 : memref<!tpu.dma_semaphore, #tpu.memory_space<semaphore_mem>>) src(%dma_wait3A_2018 : memref<8192xf32, #tpu.memory_space<hbm>>) dst(%arg10 : memref<8192xf32, #tpu.memory_space<vmem>>)
    %add3A_2019 = arith.constant 8388608 : i32
    %add3A_2020 = arith.addi %add3A_2019, %mul3A_4 : i32
    %add3A_2021 = arith.constant 253952 : i32
    %add3A_2022 = arith.addi %add3A_2020, %add3A_2021 : i32
    %dma_start3A_2023 = tpu.memref_slice %arg4[%add3A_2022] : memref<33554432xf32, #tpu.memory_space<hbm>> -> memref<8192xf32, #tpu.memory_space<hbm>>
    %dma_start3A_2024 = tpu.memref_slice %arg4[%add3A_2022] : memref<33554432xf32, #tpu.memory_space<hbm>> -> memref<8192xf32, #tpu.memory_space<hbm>>
    tpu.enqueue_dma source(%arg10 : memref<8192xf32, #tpu.memory_space<vmem>>) target(%dma_start3A_2024 : memref<8192xf32, #tpu.memory_space<hbm>>) target_semaphore(%arg28 : memref<!tpu.dma_semaphore, #tpu.memory_space<semaphore_mem>>)
    %dma_wait3A_2025 = tpu.memref_slice %arg2[%add3A_1982] : memref<33554432xf32, #tpu.memory_space<hbm>> -> memref<8192xf32, #tpu.memory_space<hbm>>
    %dma_wait3A_2026 = tpu.memref_slice %arg2[%add3A_1982] : memref<33554432xf32, #tpu.memory_space<hbm>> -> memref<8192xf32, #tpu.memory_space<hbm>>
    tpu.wait_dma2 semaphore(%arg21 : memref<!tpu.dma_semaphore, #tpu.memory_space<semaphore_mem>>) src(%dma_wait3A_2026 : memref<8192xf32, #tpu.memory_space<hbm>>) dst(%arg11 : memref<8192xf32, #tpu.memory_space<vmem>>)
    %add3A_2027 = arith.constant 16777216 : i32
    %add3A_2028 = arith.addi %add3A_2027, %mul3A_4 : i32
    %add3A_2029 = arith.constant 253952 : i32
    %add3A_2030 = arith.addi %add3A_2028, %add3A_2029 : i32
    %dma_start3A_2031 = tpu.memref_slice %arg4[%add3A_2030] : memref<33554432xf32, #tpu.memory_space<hbm>> -> memref<8192xf32, #tpu.memory_space<hbm>>
    %dma_start3A_2032 = tpu.memref_slice %arg4[%add3A_2030] : memref<33554432xf32, #tpu.memory_space<hbm>> -> memref<8192xf32, #tpu.memory_space<hbm>>
    tpu.enqueue_dma source(%arg11 : memref<8192xf32, #tpu.memory_space<vmem>>) target(%dma_start3A_2032 : memref<8192xf32, #tpu.memory_space<hbm>>) target_semaphore(%arg29 : memref<!tpu.dma_semaphore, #tpu.memory_space<semaphore_mem>>)
    %dma_wait3A_2033 = tpu.memref_slice %arg2[%add3A_1998] : memref<33554432xf32, #tpu.memory_space<hbm>> -> memref<8192xf32, #tpu.memory_space<hbm>>
    %dma_wait3A_2034 = tpu.memref_slice %arg2[%add3A_1998] : memref<33554432xf32, #tpu.memory_space<hbm>> -> memref<8192xf32, #tpu.memory_space<hbm>>
    tpu.wait_dma2 semaphore(%arg22 : memref<!tpu.dma_semaphore, #tpu.memory_space<semaphore_mem>>) src(%dma_wait3A_2034 : memref<8192xf32, #tpu.memory_space<hbm>>) dst(%arg12 : memref<8192xf32, #tpu.memory_space<vmem>>)
    %add3A_2035 = arith.constant 25165824 : i32
    %add3A_2036 = arith.addi %add3A_2035, %mul3A_4 : i32
    %add3A_2037 = arith.constant 253952 : i32
    %add3A_2038 = arith.addi %add3A_2036, %add3A_2037 : i32
    %dma_start3A_2039 = tpu.memref_slice %arg4[%add3A_2038] : memref<33554432xf32, #tpu.memory_space<hbm>> -> memref<8192xf32, #tpu.memory_space<hbm>>
    %dma_start3A_2040 = tpu.memref_slice %arg4[%add3A_2038] : memref<33554432xf32, #tpu.memory_space<hbm>> -> memref<8192xf32, #tpu.memory_space<hbm>>
    tpu.enqueue_dma source(%arg12 : memref<8192xf32, #tpu.memory_space<vmem>>) target(%dma_start3A_2040 : memref<8192xf32, #tpu.memory_space<hbm>>) target_semaphore(%arg30 : memref<!tpu.dma_semaphore, #tpu.memory_space<semaphore_mem>>)
    %dma_wait3A_2041 = tpu.memref_slice %arg4[%add3A_1958] : memref<33554432xf32, #tpu.memory_space<hbm>> -> memref<8192xf32, #tpu.memory_space<hbm>>
    %dma_wait3A_2042 = tpu.memref_slice %arg4[%add3A_1958] : memref<33554432xf32, #tpu.memory_space<hbm>> -> memref<8192xf32, #tpu.memory_space<hbm>>
    tpu.wait_dma2 semaphore(%arg23 : memref<!tpu.dma_semaphore, #tpu.memory_space<semaphore_mem>>) src(%arg5 : memref<8192xf32, #tpu.memory_space<vmem>>) dst(%dma_wait3A_2042 : memref<8192xf32, #tpu.memory_space<hbm>>)
    %dma_wait3A_2043 = tpu.memref_slice %arg4[%add3A_1974] : memref<33554432xf32, #tpu.memory_space<hbm>> -> memref<8192xf32, #tpu.memory_space<hbm>>
    %dma_wait3A_2044 = tpu.memref_slice %arg4[%add3A_1974] : memref<33554432xf32, #tpu.memory_space<hbm>> -> memref<8192xf32, #tpu.memory_space<hbm>>
    tpu.wait_dma2 semaphore(%arg24 : memref<!tpu.dma_semaphore, #tpu.memory_space<semaphore_mem>>) src(%arg6 : memref<8192xf32, #tpu.memory_space<vmem>>) dst(%dma_wait3A_2044 : memref<8192xf32, #tpu.memory_space<hbm>>)
    %dma_wait3A_2045 = tpu.memref_slice %arg4[%add3A_1990] : memref<33554432xf32, #tpu.memory_space<hbm>> -> memref<8192xf32, #tpu.memory_space<hbm>>
    %dma_wait3A_2046 = tpu.memref_slice %arg4[%add3A_1990] : memref<33554432xf32, #tpu.memory_space<hbm>> -> memref<8192xf32, #tpu.memory_space<hbm>>
    tpu.wait_dma2 semaphore(%arg25 : memref<!tpu.dma_semaphore, #tpu.memory_space<semaphore_mem>>) src(%arg7 : memref<8192xf32, #tpu.memory_space<vmem>>) dst(%dma_wait3A_2046 : memref<8192xf32, #tpu.memory_space<hbm>>)
    %dma_wait3A_2047 = tpu.memref_slice %arg4[%add3A_2006] : memref<33554432xf32, #tpu.memory_space<hbm>> -> memref<8192xf32, #tpu.memory_space<hbm>>
    %dma_wait3A_2048 = tpu.memref_slice %arg4[%add3A_2006] : memref<33554432xf32, #tpu.memory_space<hbm>> -> memref<8192xf32, #tpu.memory_space<hbm>>
    tpu.wait_dma2 semaphore(%arg26 : memref<!tpu.dma_semaphore, #tpu.memory_space<semaphore_mem>>) src(%arg8 : memref<8192xf32, #tpu.memory_space<vmem>>) dst(%dma_wait3A_2048 : memref<8192xf32, #tpu.memory_space<hbm>>)
    %dma_wait3A_2049 = tpu.memref_slice %arg4[%add3A_2014] : memref<33554432xf32, #tpu.memory_space<hbm>> -> memref<8192xf32, #tpu.memory_space<hbm>>
    %dma_wait3A_2050 = tpu.memref_slice %arg4[%add3A_2014] : memref<33554432xf32, #tpu.memory_space<hbm>> -> memref<8192xf32, #tpu.memory_space<hbm>>
    tpu.wait_dma2 semaphore(%arg27 : memref<!tpu.dma_semaphore, #tpu.memory_space<semaphore_mem>>) src(%arg9 : memref<8192xf32, #tpu.memory_space<vmem>>) dst(%dma_wait3A_2050 : memref<8192xf32, #tpu.memory_space<hbm>>)
    %dma_wait3A_2051 = tpu.memref_slice %arg4[%add3A_2022] : memref<33554432xf32, #tpu.memory_space<hbm>> -> memref<8192xf32, #tpu.memory_space<hbm>>
    %dma_wait3A_2052 = tpu.memref_slice %arg4[%add3A_2022] : memref<33554432xf32, #tpu.memory_space<hbm>> -> memref<8192xf32, #tpu.memory_space<hbm>>
    tpu.wait_dma2 semaphore(%arg28 : memref<!tpu.dma_semaphore, #tpu.memory_space<semaphore_mem>>) src(%arg10 : memref<8192xf32, #tpu.memory_space<vmem>>) dst(%dma_wait3A_2052 : memref<8192xf32, #tpu.memory_space<hbm>>)
    %dma_wait3A_2053 = tpu.memref_slice %arg4[%add3A_2030] : memref<33554432xf32, #tpu.memory_space<hbm>> -> memref<8192xf32, #tpu.memory_space<hbm>>
    %dma_wait3A_2054 = tpu.memref_slice %arg4[%add3A_2030] : memref<33554432xf32, #tpu.memory_space<hbm>> -> memref<8192xf32, #tpu.memory_space<hbm>>
    tpu.wait_dma2 semaphore(%arg29 : memref<!tpu.dma_semaphore, #tpu.memory_space<semaphore_mem>>) src(%arg11 : memref<8192xf32, #tpu.memory_space<vmem>>) dst(%dma_wait3A_2054 : memref<8192xf32, #tpu.memory_space<hbm>>)
    %dma_wait3A_2055 = tpu.memref_slice %arg4[%add3A_2038] : memref<33554432xf32, #tpu.memory_space<hbm>> -> memref<8192xf32, #tpu.memory_space<hbm>>
    %dma_wait3A_2056 = tpu.memref_slice %arg4[%add3A_2038] : memref<33554432xf32, #tpu.memory_space<hbm>> -> memref<8192xf32, #tpu.memory_space<hbm>>
    tpu.wait_dma2 semaphore(%arg30 : memref<!tpu.dma_semaphore, #tpu.memory_space<semaphore_mem>>) src(%arg12 : memref<8192xf32, #tpu.memory_space<vmem>>) dst(%dma_wait3A_2056 : memref<8192xf32, #tpu.memory_space<hbm>>)
    return
  }
}

</mosaic_0001>

<sc_bundles>
// kernel: kernel.3.cloned.1.call-start
scs
__scs_entry_jumppad:
0x0: {  	(pc) =	sbr.rel $0x88, $3  }
0x1: {  	(tag) =	ssettag $0x0;
	lr =	simm.s32 $0x1  }
0x2: {  	[smem:$0x3F9F] =	sst lr;
	_ =	strace $0xD0000000  }
0x3: {  	_ = 	snop  }
0x4: {  	_ = 	snop  }
0x5: {  	_ = 	snop  }
0x6: {  	_ = 	snop  }
0x7: {  	_ = 	snop  }
__scs_overlays_trampoline_lowered:
0x8: {  	[smem:$0x3FAE] =	sst s0  }
0x9: {  	[smem:$0x3FAF] =	sst s1  }
0xa: {  	[smem:$0x3FB0] =	sst s2  }
0xb: {  	[smem:$0x3FB1] =	sst s3  }
0xc: {  	[smem:$0x3FB2] =	sst s4  }
0xd: {  	[smem:$0x3FB3] =	sst s5  }
0xe: {  	[smem:$0x3FB4] =	sst s6  }
0xf: {  	[smem:$0x3FB5] =	sst s7  }
0x10: {  	[smem:$0x3FB6] =	sst s8  }
0x11: {  	[smem:$0x3FB7] =	sst s9;
	s0 =	simm.s32 @!p0 $0x0  }
0x12: {  	s1 =	sld [smem:$0x3F9D];
	s0 =	simm.s32 @p0 $0x1  }
0x13: {  	[smem:$0x3FB8] =	sst s0;
	s0 =	simm.s32 @!p1 $0x0  }
0x14: {  	s2 =	sld [smem:$0x3F9C];
	s0 =	simm.s32 @p1 $0x1  }
0x15: {  	[smem:$0x3FB9] =	sst s0;
	s0 =	simm.s32 @!p2 $0x0  }
0x16: {  	s3 =	sld [smem:$0x3FDB];
	s0 =	simm.s32 @p2 $0x1  }
0x17: {  	s4 =	simm.s32 $0x1BF5;
	[smem:$0x3FBB] =	sst s0  }
0x18: {  	s0 =	sld [smem:$0x3F9E];
	_ =	swait.ge [sflag:s4], $0x0  }
0x19: {  	s7 =	sld [smem:$0x3F9F]  }
0x1a: {  	s8 =	sadd.s32 $0xFFFFE003, lr  }
0x1b: {  	s9 =	sadd.s32 $0xFFFFFEF7, lr;
	s5 =	simm.s32 $0xFFFFFFFF;
	p2 =	slt.u32 s8, $0xFFFFF086  }
0x1c: {  	p1 =	slt.u32 s9, $0xF7A;
	s5 =	simm.s32 @!p2 $0x0  }
0x1d: {  	s5 =	simm.s32 @p1 $0x1;
	p0 =	seq.s32 s7, s2  }
0x1e: {  	s7 =	smul.u32 @!p0 $0xF7A, s2;
	p2 =	seq.s32 @!p0 s5, $0x0  }
0x1f: {  	s9 =	smul.u32 $0xF7A, s1;
	s8 =	simm.s32 @!p0 $0x1BF5;
	p2 =	por !p2, p0  }
0x20: {  	[sflag:s8] =	ssyncset.s32 @!p0 $0xFFFFF086;
	s6 =	sadd.s32 @!p0 s3, s7;
	s7 =	simm.s32 @!p0 $0x108  }
0x21: {  	s3 =	sadd.s32 s3, s9;
	s6 =	sadd.s32 @!p0 $0x88, s6;
	s7 =	simm.s32 @p2 $0x1082  }
0x22: {  	[simem:s7], [sflag:s8] =	dma.local @!p0 [hbm:s6], $0xF7A  }
0x23: {  	s9 =	sor.u32 $0xD0000000, s2;
	s6 =	simm.s32 $0x108;
	_ =	swait.ge @!p0 [sflag:s8], $0x0  }
0x24: {  	s3 =	sadd.s32 $0x88, s3;
	s6 =	simm.s32 @!p1 $0x1082;
	[sflag:s4] =	ssyncset.s32 $0xFFFFF086  }
0x25: {  	[simem:s6], [sflag:s4] =	dma.local [hbm:s3], $0xF7A  }
0x26: {  	[smem:$0x3F9F] =	sst s1;
	(tag) =	ssettag s2;
	_ =	strace s9  }
0x27: {  	s1 =	sld [smem:$0x3FAF]  }
0x28: {  	s2 =	sld [smem:$0x3FB0]  }
0x29: {  	s4 =	sld [smem:$0x3FB2]  }
0x2a: {  	p0 =	seq.s32 s5, $0x0;
	s5 =	sld [smem:$0x3FB3]  }
0x2b: {  	s6 =	sld [smem:$0x3FB4]  }
0x2c: {  	s7 =	sld [smem:$0x3FB5]  }
0x2d: {  	s3 =	simm.s32 $0x108;
	s8 =	sld [smem:$0x3FB6]  }
0x2e: {  	s3 =	simm.s32 @!p0 $0x1082;
	s9 =	sld [smem:$0x3FB7]  }
0x2f: {  	lr =	sadd.s32 s0, s3;
	s0 =	sld [smem:$0x3FAE]  }
0x30: {  	s3 =	sld [smem:$0x3FB1]  }
0x31: {  	[smem:$0x3FBA] =	sst s10  }
0x32: {  	s10 =	sld [smem:$0x3FB8];
	_ =	sdelay $0x3  }
0x33: {  	p0 =	seq.s32 s10, $0x1;
	s10 =	sld [smem:$0x3FBA];
	_ =	sdelay $0x3  }
0x34: {  	[smem:$0x3FBA] =	sst s10  }
0x35: {  	s10 =	sld [smem:$0x3FB9];
	_ =	sdelay $0x3  }
0x36: {  	p1 =	seq.s32 s10, $0x1;
	s10 =	sld [smem:$0x3FBA];
	_ =	sdelay $0x3  }
0x37: {  	[smem:$0x3FBA] =	sst s10  }
0x38: {  	s10 =	sld [smem:$0x3FBB]  }
0x39: {  	_ = 	snop;
	(pc) =	sbr.ind lr, $3  }
0x3a: {  	_ = 	snop  }
0x3b: {  	_ = 	snop  }
0x3c: {  	p2 =	seq.s32 s10, $0x1;
	s10 =	sld [smem:$0x3FBA]  }
0x3d: {  	_ =	shalt  }
0x3e: {  	_ =	shalt  }
0x3f: {  	_ =	shalt  }
0x40: {  	_ =	shalt  }
0x41: {  	_ =	shalt  }
0x42: {  	_ =	shalt  }
0x43: {  	_ =	shalt  }
0x44: {  	_ =	shalt  }
0x45: {  	_ =	shalt  }
0x46: {  	_ =	shalt  }
0x47: {  	_ =	shalt  }
0x48: {  	_ =	shalt  }
0x49: {  	_ =	shalt  }
0x4a: {  	_ =	shalt  }
0x4b: {  	_ =	shalt  }
0x4c: {  	_ =	shalt  }
0x4d: {  	_ =	shalt  }
0x4e: {  	_ =	shalt  }
0x4f: {  	_ =	shalt  }
0x50: {  	_ =	shalt  }
0x51: {  	_ =	shalt  }
0x52: {  	_ =	shalt  }
0x53: {  	_ =	shalt  }
0x54: {  	_ =	shalt  }
0x55: {  	_ =	shalt  }
0x56: {  	_ =	shalt  }
0x57: {  	_ =	shalt  }
0x58: {  	_ =	shalt  }
0x59: {  	_ =	shalt  }
0x5a: {  	_ =	shalt  }
0x5b: {  	_ =	shalt  }
0x5c: {  	_ =	shalt  }
0x5d: {  	_ =	shalt  }
0x5e: {  	_ =	shalt  }
0x5f: {  	_ =	shalt  }
0x60: {  	_ =	shalt  }
0x61: {  	_ =	shalt  }
0x62: {  	_ =	shalt  }
0x63: {  	_ =	shalt  }
0x64: {  	_ =	shalt  }
0x65: {  	_ =	shalt  }
0x66: {  	_ =	shalt  }
0x67: {  	_ =	shalt  }
0x68: {  	_ =	shalt  }
0x69: {  	_ =	shalt  }
0x6a: {  	_ =	shalt  }
0x6b: {  	_ =	shalt  }
0x6c: {  	_ =	shalt  }
0x6d: {  	_ =	shalt  }
0x6e: {  	_ =	shalt  }
0x6f: {  	_ =	shalt  }
0x70: {  	_ =	shalt  }
0x71: {  	_ =	shalt  }
0x72: {  	_ =	shalt  }
0x73: {  	_ =	shalt  }
0x74: {  	_ =	shalt  }
0x75: {  	_ =	shalt  }
0x76: {  	_ =	shalt  }
0x77: {  	_ =	shalt  }
0x78: {  	_ =	shalt  }
0x79: {  	_ =	shalt  }
0x7a: {  	_ =	shalt  }
0x7b: {  	_ =	shalt  }
0x7c: {  	_ =	shalt  }
0x7d: {  	_ =	shalt  }
0x7e: {  	_ =	shalt  }
0x7f: {  	_ =	shalt  }
0x80: {  	_ =	shalt  }
0x81: {  	_ =	shalt  }
0x82: {  	_ =	shalt  }
0x83: {  	_ =	shalt  }
0x84: {  	_ =	shalt  }
0x85: {  	_ =	shalt  }
0x86: {  	_ =	shalt  }
0x87: {  	_ =	shalt  }
.Lfunc_end0:
.L_simem_size_0:
called_computation.2_lowered:
.L_overlay_start_0:
0x88: {  	s2 =	sld [smem:$0x3FD9]  }
0x89: {  	s3 =	sld [smem:$0x3FFE];
	_ =	sdelay $0x1  }
0x8a: {  	s1 =	srdreg.scid  }
0x8b: {  	s0 =	sand.u32 $0x1, s1  }
0x8c: {  	s17 =	sshll.u32 s0, $0xA;
	s2 =	sadd.s32 s3, s2  }
0x8d: {  	s2 =	sadd.s32 s2, s17  }
0x8e: {  	[smem:$0x3FC6] =	sst s2  }
0x8f: {  	_ = 	snop  }
0x90: {  	s2 =	sld [smem:$0x3FD0];
	(tm) =	ssettm $0x1  }
0x91: {  	s18 =	sld [smem:$0x3FFB];
	_ =	sdelay $0x3  }
0x92: {  	_ =	strace s18  }
0x93: {  	s3 =	sld [smem:$0x3FFC];
	_ =	sdelay $0x3  }
0x94: {  	_ =	strace s3  }
0x95: {  	s3 =	sld [smem:$0x3FFD];
	_ =	sdelay $0x3  }
0x96: {  	_ =	strace s3  }
0x97: {  	_ =	strace $0x8FFFFFFF  }
0x98: {  	s19 =	sld [smem:$0x3FDB];
	_ =	sdelay $0x1  }
0x99: {  	s4 =	simm.s32 $_scs_section_size  }
0x9a: {  	s5 =	simm.s32 $_size__tile_overlayer_lowered;
	s6 =	simm.s32 $_tile_overlayer_lowered  }
0x9b: {  	s22 =	simm.s32 $0x1BFF;
	s21 =	sshll.u32 s6, $0x1;
	s3 =	sadd.s32 s4, s19  }
0x9c: {  	s7 =	simm.s32 $0x0;
	s20 =	sshll.u32 s5, $0x1;
	s5 =	sadd.s32 s21, s3  }
0x9d: {  	[timem:s7], [sflag:s22] =	dma.local [hbm:s5], s20  }
0x9e: {  	_ =	swait.ge [sflag:s22], s20  }
0x9f: {  	s4 =	ssub.s32 $0x0, s20;
	[sflag:s22] =	ssyncset.done $0x0  }
0xa0: {  	[sflag:s22] =	ssyncadd.s32 s4;
	_ =	sdelay $0x1  }
0xa1: {  	s23 =	simm.s32 $0x1B8B  }
0xa2: {  	_ =	swait.ge [sflag:s23], $0x1  }
0xa3: {  	[sflag:s23] =	ssyncset.done $0x0  }
0xa4: {  	s25 =	simm.s32 $0x1B8E;
	s24 =	sld [smem:$0x3FFE];
	[sflag:s23] =	ssyncadd.s32 $0xFFFFFFFF  }
0xa5: {  	s26 =	simm.s32 $execute0_lowered;
	[smem:$0x3FD2] =	sst s25  }
0xa6: {  	s5 =	sshll.u32 s26, $0x1;
	_ =	strace $0x8000004C;
	[dreg:$0x1] =	wrdreg $0xFFFFFFFF  }
0xa7: {  	s28 =	simm.s32 $_size_execute0_lowered;
	s3 =	sadd.s32 s3, s5;
	[dreg:$0x0] =	wrdreg $0x0  }
0xa8: {  	s5 =	sshll.u32 s28, $0x1;
	[dreg:$0x2] =	wrdreg s3  }
0xa9: {  	[dreg:$0x3] =	wrdreg s5  }
0xaa: {  	[dreg:$0x4] =	wrdreg $0xC0  }
0xab: {  	_ =	task [dreg:s7], $0x5FFFF  }
0xac: {  	[dreg:$0x1] =	wrdreg $0xFFFFFFFF  }
0xad: {  	[dreg:$0x0] =	wrdreg $0x60  }
0xae: {  	[dreg:$0x2] =	wrdreg s2  }
0xaf: {  	[dreg:$0x3] =	wrdreg s24  }
0xb0: {  	[dreg:$0x4] =	wrdreg $0x9  }
0xb1: {  	_ =	task.clear_ibuf [dreg:s7], $0x5FFFF;
	_ =	strace $0x9000004C  }
0xb2: {  	s29 =	simm.s32 $0x9;
	_ =	strace $0x8000004E  }
0xb3: {  	_ =	swait.ge [sflag:s29], $0x1  }
0xb4: {  	[sflag:s29] =	ssyncadd.s32 $0xFFFFFFFF  }
0xb5: {  	_ =	strace $0x9000004E  }
0xb6: {  	_ =	sfence  }
0xb7: {  	s30 =	sld [smem:$0x0];
	_ =	sdelay $0x2  }
0xb8: {  	s31 =	sshll.u32 s1, $0xD;
	s1 =	sshrl.u32 s1, $0x2  }
0xb9: {  	s3 =	sand.u32 $0x4000, s31;
	s1 =	sadd.s32 s1, s30  }
0xba: {  	s0 =	sor.u32 s3, s0;
	s1 =	sshll.u32 s1, $0x11  }
0xbb: {  	s0 =	sor.u32 s1, s0  }
0xbc: {  	s0 =	sadd.s32 $0x8F2B, s0  }
0xbd: {  	[sflag:s0] =	ssyncadd.remote.s32 $0x1  }
0xbe: {  	_ =	sfence.sel $0xFFFF  }
0xbf: {  	[dreg:$0x0] =	wrdreg $0xFFFFFFFF;
	(pc) =	sbr.abs _section_cstart, $3  }
0xc0: {  	[dreg:$0x1] =	wrdreg $0xFFFFFFFF  }
0xc1: {  	_ =	task.clear_ibuf [dreg:s7], $0x2FFFF;
	_ =	strace $0x9FFFFFFF  }
0xc2: {  	(tm) =	ssettm $0x7FFFFFFF  }
0xc3: {  	_ =	shalt  }
tec
execute0_lowered:
.L_overlay_start_1:
0x0: {  	(tag) =	ssettag $0x1  }
0x1: {  	s2 =	srdreg.scid;
	s1 =	rddreg [dreg:$0x0]  }
0x2: {  	s0 =	stileid.u32;
	s5 =	rddreg [dreg:$0x1];
	s3 =	sand.u32 $0x1, s2  }
0x3: {  	s4 =	sshll.u32 s0, $0x10;
	s2 =	simm.s32 $0x0;
	s6 =	sshll.u32 s3, $0xF  }
0x4: {  	[smem:$0x7FF] =	sst s2;
	s4 =	sor.u32 s6, s4  }
0x5: {  	_ =	strace $0x8000004D;
	s6 =	sadd.s32 s4, s5;
	s13 =	sadd.s32 s1, s4  }
0x6: {  	s7 =	sor.u32 $0x100000, s4;
	s6 =	sadd.s32 $0xC00, s6;
	[dreg:$0x4] =	wrdreg s13  }
0x7: {  	s8 =	sor.u32 $0x200000, s4;
	s14 =	sadd.s32 s1, s7;
	[dreg:$0x3] =	wrdreg s6  }
0x8: {  	s9 =	sor.u32 $0x300000, s4;
	s15 =	sadd.s32 s1, s8;
	[dreg:$0x5] =	wrdreg s14  }
0x9: {  	s10 =	sor.u32 $0x400, s4;
	s16 =	sadd.s32 s1, s9;
	[dreg:$0x6] =	wrdreg s15  }
0xa: {  	s5 =	sadd.s32 $0x100C00, s5;
	s17 =	sadd.s32 s1, s10;
	[dreg:$0x7] =	wrdreg s16  }
0xb: {  	s11 =	sor.u32 $0x100400, s4;
	s18 =	sadd.s32 s5, s4;
	[dreg:$0x8] =	wrdreg s17  }
0xc: {  	s19 =	sadd.s32 s1, s11;
	[dreg:$0x9] =	wrdreg s18  }
0xd: {  	s21 =	sor.u32 $0x200400, s4;
	s20 =	sadd.s32 s5, s7;
	[dreg:$0xa] =	wrdreg s19  }
0xe: {  	s22 =	sadd.s32 s1, s21;
	[dreg:$0xb] =	wrdreg s20  }
0xf: {  	s24 =	sor.u32 $0x300400, s4;
	s23 =	sadd.s32 s5, s8;
	[dreg:$0xc] =	wrdreg s22  }
0x10: {  	s25 =	sadd.s32 s1, s24;
	[dreg:$0xd] =	wrdreg s23  }
0x11: {  	s0 =	sor.u32 $0x800, s4;
	s26 =	sadd.s32 s5, s9;
	[dreg:$0xe] =	wrdreg s25  }
0x12: {  	s12 =	sadd.s32 s1, s0;
	[dreg:$0xf] =	wrdreg s26  }
0x13: {  	s13 =	sadd.s32 s5, s10;
	[dreg:$0x10] =	wrdreg s12  }
0x14: {  	[dreg:$0x11] =	wrdreg s13;
	s16 =	sadd.s32 s5, s11  }
0x15: {  	s19 =	sadd.s32 s5, s21;
	[dreg:$0x13] =	wrdreg s16  }
0x16: {  	s22 =	sadd.s32 s5, s24;
	[dreg:$0x15] =	wrdreg s19  }
0x17: {  	s14 =	sor.u32 $0x100800, s4;
	s25 =	sadd.s32 s5, s0;
	[dreg:$0x17] =	wrdreg s22  }
0x18: {  	s17 =	sor.u32 $0x200800, s4;
	s15 =	sadd.s32 s1, s14;
	[dreg:$0x19] =	wrdreg s25  }
0x19: {  	s20 =	sor.u32 $0x300800, s4;
	s18 =	sadd.s32 s1, s17;
	[dreg:$0x12] =	wrdreg s15  }
0x1a: {  	s23 =	sor.u32 $0xC00, s4;
	s21 =	sadd.s32 s1, s20;
	[dreg:$0x14] =	wrdreg s18  }
0x1b: {  	s26 =	sor.u32 $0x100C00, s4;
	s24 =	sadd.s32 s1, s23;
	[dreg:$0x16] =	wrdreg s21  }
0x1c: {  	s0 =	sadd.s32 s1, s26;
	[dreg:$0x18] =	wrdreg s24  }
0x1d: {  	s12 =	sor.u32 $0x200C00, s4;
	s10 =	sadd.s32 s5, s14;
	[dreg:$0x1a] =	wrdreg s0  }
0x1e: {  	s13 =	sadd.s32 s1, s12;
	[dreg:$0x1b] =	wrdreg s10  }
0x1f: {  	s14 =	sadd.s32 s5, s17;
	[dreg:$0x1c] =	wrdreg s13  }
0x20: {  	s17 =	sadd.s32 s5, s20;
	[dreg:$0x1d] =	wrdreg s14  }
0x21: {  	s20 =	sadd.s32 s5, s23;
	[dreg:$0x1f] =	wrdreg s17  }
0x22: {  	s23 =	sadd.s32 s5, s26;
	[smem:$0x71D] =	sst s20  }
0x23: {  	s26 =	sadd.s32 s5, s12;
	s15 =	sor.u32 $0x300C00, s4;
	[smem:$0x71F] =	sst s23  }
0x24: {  	s18 =	sor.u32 $0x1000, s4;
	[smem:$0x721] =	sst s26;
	s16 =	sadd.s32 s1, s15  }
0x25: {  	s21 =	sor.u32 $0x101000, s4;
	s19 =	sadd.s32 s1, s18;
	[dreg:$0x1e] =	wrdreg s16  }
0x26: {  	s24 =	sor.u32 $0x201000, s4;
	s22 =	sadd.s32 s1, s21;
	[smem:$0x71C] =	sst s19  }
0x27: {  	s0 =	sor.u32 $0x301000, s4;
	s25 =	sadd.s32 s1, s24;
	[smem:$0x71E] =	sst s22  }
0x28: {  	s12 =	sadd.s32 s1, s0;
	[smem:$0x720] =	sst s25  }
0x29: {  	s14 =	sor.u32 $0x1400, s4;
	s13 =	sadd.s32 s5, s15;
	[smem:$0x722] =	sst s12  }
0x2a: {  	s15 =	sadd.s32 s1, s14;
	[smem:$0x723] =	sst s13  }
0x2b: {  	s17 =	sor.u32 $0x101400, s4;
	s11 =	sadd.s32 s5, s14;
	[smem:$0x724] =	sst s15  }
0x2c: {  	s14 =	sadd.s32 s5, s17;
	[smem:$0x72D] =	sst s11  }
0x2d: {  	s16 =	sadd.s32 s5, s18;
	[smem:$0x72F] =	sst s14  }
0x2e: {  	s18 =	sadd.s32 s1, s17;
	[smem:$0x725] =	sst s16  }
0x2f: {  	s20 =	sor.u32 $0x201400, s4;
	s19 =	sadd.s32 s5, s21;
	[smem:$0x726] =	sst s18  }
0x30: {  	s21 =	sadd.s32 s1, s20;
	[smem:$0x727] =	sst s19  }
0x31: {  	s23 =	sor.u32 $0x301400, s4;
	s22 =	sadd.s32 s5, s24;
	[smem:$0x728] =	sst s21  }
0x32: {  	s24 =	sadd.s32 s1, s23;
	[smem:$0x729] =	sst s22  }
0x33: {  	s26 =	sor.u32 $0x1800, s4;
	s25 =	sadd.s32 s5, s0;
	[smem:$0x72A] =	sst s24  }
0x34: {  	s0 =	sadd.s32 s1, s26;
	[smem:$0x72B] =	sst s25  }
0x35: {  	s17 =	sadd.s32 s5, s20;
	[smem:$0x72C] =	sst s0  }
0x36: {  	s20 =	sadd.s32 s5, s23;
	[smem:$0x731] =	sst s17  }
0x37: {  	s12 =	sor.u32 $0x101800, s4;
	s23 =	sadd.s32 s5, s26;
	[smem:$0x733] =	sst s20  }
0x38: {  	s15 =	sor.u32 $0x201800, s4;
	s13 =	sadd.s32 s1, s12;
	[smem:$0x735] =	sst s23  }
0x39: {  	s16 =	sadd.s32 s1, s15;
	[smem:$0x72E] =	sst s13  }
0x3a: {  	s14 =	sor.u32 $0x301C00, s4;
	s26 =	sadd.s32 s5, s12;
	[smem:$0x730] =	sst s16  }
0x3b: {  	s18 =	sor.u32 $0x301800, s4;
	s7 =	sadd.s32 s5, s14;
	[smem:$0x737] =	sst s26  }
0x3c: {  	s21 =	sor.u32 $0x1C00, s4;
	s19 =	sadd.s32 s1, s18;
	[smem:$0x743] =	sst s7  }
0x3d: {  	s24 =	sor.u32 $0x101C00, s4;
	s22 =	sadd.s32 s1, s21;
	[smem:$0x732] =	sst s19  }
0x3e: {  	s0 =	sor.u32 $0x201C00, s4;
	s25 =	sadd.s32 s1, s24;
	[smem:$0x734] =	sst s22  }
0x3f: {  	s12 =	sadd.s32 s1, s0;
	[smem:$0x736] =	sst s25  }
0x40: {  	s13 =	sadd.s32 s5, s15;
	[smem:$0x738] =	sst s12  }
0x41: {  	s15 =	sadd.s32 s1, s14;
	[smem:$0x739] =	sst s13  }
0x42: {  	s17 =	sor.u32 $0x2000, s4;
	s16 =	sadd.s32 s5, s18;
	[smem:$0x73A] =	sst s15  }
0x43: {  	s18 =	sadd.s32 s1, s17;
	[smem:$0x73B] =	sst s16  }
0x44: {  	s20 =	sor.u32 $0x102000, s4;
	s14 =	sadd.s32 s5, s17;
	[smem:$0x73C] =	sst s18  }
0x45: {  	s17 =	sadd.s32 s5, s20;
	[smem:$0x745] =	sst s14  }
0x46: {  	s19 =	sadd.s32 s5, s21;
	[smem:$0x747] =	sst s17  }
0x47: {  	s21 =	sadd.s32 s1, s20;
	[smem:$0x73D] =	sst s19  }
0x48: {  	s23 =	sor.u32 $0x202000, s4;
	s22 =	sadd.s32 s5, s24;
	[smem:$0x73E] =	sst s21  }
0x49: {  	s24 =	sadd.s32 s1, s23;
	[smem:$0x73F] =	sst s22  }
0x4a: {  	s26 =	sor.u32 $0x302000, s4;
	s25 =	sadd.s32 s5, s0;
	[smem:$0x740] =	sst s24  }
0x4b: {  	s0 =	sadd.s32 s1, s26;
	[smem:$0x741] =	sst s25  }
0x4c: {  	s20 =	sadd.s32 s5, s23;
	[smem:$0x742] =	sst s0  }
0x4d: {  	s12 =	sor.u32 $0x2400, s4;
	s23 =	sadd.s32 s5, s26;
	[smem:$0x749] =	sst s20  }
0x4e: {  	s15 =	sor.u32 $0x102400, s4;
	s13 =	sadd.s32 s1, s12;
	[smem:$0x74B] =	sst s23  }
0x4f: {  	s18 =	sor.u32 $0x202400, s4;
	s16 =	sadd.s32 s1, s15;
	[smem:$0x744] =	sst s13  }
0x50: {  	s19 =	sadd.s32 s1, s18;
	[smem:$0x746] =	sst s16  }
0x51: {  	s14 =	sor.u32 $0x202800, s4;
	s26 =	sadd.s32 s5, s12;
	[smem:$0x748] =	sst s19  }
0x52: {  	s21 =	sor.u32 $0x302400, s4;
	s8 =	sadd.s32 s5, s14;
	[smem:$0x74D] =	sst s26  }
0x53: {  	s24 =	sor.u32 $0x2800, s4;
	s22 =	sadd.s32 s1, s21;
	[smem:$0x759] =	sst s8  }
0x54: {  	s0 =	sor.u32 $0x102800, s4;
	s25 =	sadd.s32 s1, s24;
	[smem:$0x74A] =	sst s22  }
0x55: {  	s12 =	sadd.s32 s1, s0;
	[smem:$0x74C] =	sst s25  }
0x56: {  	s13 =	sadd.s32 s5, s15;
	[smem:$0x74E] =	sst s12  }
0x57: {  	s15 =	sadd.s32 s1, s14;
	[smem:$0x74F] =	sst s13  }
0x58: {  	s17 =	sor.u32 $0x302800, s4;
	s16 =	sadd.s32 s5, s18;
	[smem:$0x750] =	sst s15  }
0x59: {  	s18 =	sadd.s32 s1, s17;
	[smem:$0x751] =	sst s16  }
0x5a: {  	s20 =	sor.u32 $0x2C00, s4;
	s19 =	sadd.s32 s5, s21;
	[smem:$0x752] =	sst s18  }
0x5b: {  	s21 =	sadd.s32 s1, s20;
	[smem:$0x753] =	sst s19  }
0x5c: {  	s14 =	sadd.s32 s5, s17;
	[smem:$0x754] =	sst s21  }
0x5d: {  	s23 =	sor.u32 $0x102C00, s4;
	s17 =	sadd.s32 s5, s20;
	[smem:$0x75B] =	sst s14  }
0x5e: {  	s20 =	sadd.s32 s5, s23;
	[smem:$0x75D] =	sst s17  }
0x5f: {  	s22 =	sadd.s32 s5, s24;
	[smem:$0x75F] =	sst s20  }
0x60: {  	s24 =	sadd.s32 s1, s23;
	[smem:$0x755] =	sst s22  }
0x61: {  	s26 =	sor.u32 $0x202C00, s4;
	s25 =	sadd.s32 s5, s0;
	[smem:$0x756] =	sst s24  }
0x62: {  	s0 =	sadd.s32 s1, s26;
	[smem:$0x757] =	sst s25  }
0x63: {  	s12 =	sor.u32 $0x302C00, s4;
	s23 =	sadd.s32 s5, s26;
	[smem:$0x758] =	sst s0  }
0x64: {  	s15 =	sor.u32 $0x3000, s4;
	s13 =	sadd.s32 s1, s12;
	[smem:$0x761] =	sst s23  }
0x65: {  	s18 =	sor.u32 $0x103000, s4;
	s16 =	sadd.s32 s1, s15;
	[smem:$0x75A] =	sst s13  }
0x66: {  	s21 =	sor.u32 $0x203000, s4;
	s19 =	sadd.s32 s1, s18;
	[smem:$0x75C] =	sst s16  }
0x67: {  	s22 =	sadd.s32 s1, s21;
	[smem:$0x75E] =	sst s19  }
0x68: {  	s14 =	sor.u32 $0x103400, s4;
	s26 =	sadd.s32 s5, s12;
	[smem:$0x760] =	sst s22  }
0x69: {  	s24 =	sor.u32 $0x303000, s4;
	s9 =	sadd.s32 s5, s14;
	[smem:$0x763] =	sst s26  }
0x6a: {  	s0 =	sor.u32 $0x3400, s4;
	s25 =	sadd.s32 s1, s24;
	[smem:$0x76F] =	sst s9  }
0x6b: {  	s12 =	sadd.s32 s1, s0;
	[smem:$0x762] =	sst s25  }
0x6c: {  	s13 =	sadd.s32 s5, s15;
	[smem:$0x764] =	sst s12  }
0x6d: {  	s15 =	sadd.s32 s1, s14;
	[smem:$0x765] =	sst s13  }
0x6e: {  	s17 =	sor.u32 $0x203400, s4;
	s16 =	sadd.s32 s5, s18;
	[smem:$0x766] =	sst s15  }
0x6f: {  	s18 =	sadd.s32 s1, s17;
	[smem:$0x767] =	sst s16  }
0x70: {  	s20 =	sor.u32 $0x303400, s4;
	s19 =	sadd.s32 s5, s21;
	[smem:$0x768] =	sst s18  }
0x71: {  	s21 =	sadd.s32 s1, s20;
	[smem:$0x769] =	sst s19  }
0x72: {  	s23 =	sor.u32 $0x3800, s4;
	s22 =	sadd.s32 s5, s24;
	[smem:$0x76A] =	sst s21  }
0x73: {  	s24 =	sadd.s32 s1, s23;
	[smem:$0x76B] =	sst s22  }
0x74: {  	s14 =	sadd.s32 s5, s17;
	[smem:$0x76C] =	sst s24  }
0x75: {  	s17 =	sadd.s32 s5, s20;
	[smem:$0x771] =	sst s14  }
0x76: {  	s20 =	sadd.s32 s5, s23;
	[smem:$0x773] =	sst s17  }
0x77: {  	s26 =	sor.u32 $0x103800, s4;
	s25 =	sadd.s32 s5, s0;
	[smem:$0x775] =	sst s20  }
0x78: {  	s0 =	sadd.s32 s1, s26;
	[smem:$0x76D] =	sst s25  }
0x79: {  	s12 =	sor.u32 $0x203800, s4;
	s23 =	sadd.s32 s5, s26;
	[smem:$0x76E] =	sst s0  }
0x7a: {  	s15 =	sor.u32 $0x303800, s4;
	s13 =	sadd.s32 s1, s12;
	[smem:$0x777] =	sst s23  }
0x7b: {  	s18 =	sor.u32 $0x3C00, s4;
	s16 =	sadd.s32 s1, s15;
	[smem:$0x770] =	sst s13  }
0x7c: {  	s21 =	sor.u32 $0x103C00, s4;
	s19 =	sadd.s32 s1, s18;
	[smem:$0x772] =	sst s16  }
0x7d: {  	s24 =	sor.u32 $0x203C00, s4;
	s22 =	sadd.s32 s1, s21;
	[smem:$0x774] =	sst s19  }
0x7e: {  	s25 =	sadd.s32 s1, s24;
	[smem:$0x776] =	sst s22  }
0x7f: {  	s14 =	sor.u32 $0x4000, s4;
	s26 =	sadd.s32 s5, s12;
	[smem:$0x778] =	sst s25  }
0x80: {  	s0 =	sor.u32 $0x303C00, s4;
	s10 =	sadd.s32 s5, s14;
	[smem:$0x779] =	sst s26  }
0x81: {  	s12 =	sadd.s32 s1, s0;
	[smem:$0x785] =	sst s10  }
0x82: {  	s13 =	sadd.s32 s5, s15;
	[smem:$0x77A] =	sst s12  }
0x83: {  	s15 =	sadd.s32 s1, s14;
	[smem:$0x77B] =	sst s13  }
0x84: {  	s17 =	sor.u32 $0x104000, s4;
	s16 =	sadd.s32 s5, s18;
	[smem:$0x77C] =	sst s15  }
0x85: {  	s18 =	sadd.s32 s1, s17;
	[smem:$0x77D] =	sst s16  }
0x86: {  	s20 =	sor.u32 $0x204000, s4;
	s19 =	sadd.s32 s5, s21;
	[smem:$0x77E] =	sst s18  }
0x87: {  	s21 =	sadd.s32 s1, s20;
	[smem:$0x77F] =	sst s19  }
0x88: {  	s23 =	sor.u32 $0x304000, s4;
	s22 =	sadd.s32 s5, s24;
	[smem:$0x780] =	sst s21  }
0x89: {  	s24 =	sadd.s32 s1, s23;
	[smem:$0x781] =	sst s22  }
0x8a: {  	s25 =	sadd.s32 s5, s0;
	[smem:$0x782] =	sst s24  }
0x8b: {  	s14 =	sadd.s32 s5, s17;
	[smem:$0x783] =	sst s25  }
0x8c: {  	s17 =	sadd.s32 s5, s20;
	[smem:$0x787] =	sst s14  }
0x8d: {  	s26 =	sor.u32 $0x4400, s4;
	s20 =	sadd.s32 s5, s23;
	[smem:$0x789] =	sst s17  }
0x8e: {  	s0 =	sadd.s32 s1, s26;
	[smem:$0x78B] =	sst s20  }
0x8f: {  	s12 =	sor.u32 $0x104400, s4;
	s23 =	sadd.s32 s5, s26;
	[smem:$0x784] =	sst s0  }
0x90: {  	s15 =	sor.u32 $0x204400, s4;
	s13 =	sadd.s32 s1, s12;
	[smem:$0x78D] =	sst s23  }
0x91: {  	s18 =	sor.u32 $0x304400, s4;
	s16 =	sadd.s32 s1, s15;
	[smem:$0x786] =	sst s13  }
0x92: {  	s21 =	sor.u32 $0x4800, s4;
	s19 =	sadd.s32 s1, s18;
	[smem:$0x788] =	sst s16  }
0x93: {  	s24 =	sor.u32 $0x104800, s4;
	s22 =	sadd.s32 s1, s21;
	[smem:$0x78A] =	sst s19  }
0x94: {  	s25 =	sadd.s32 s1, s24;
	[smem:$0x78C] =	sst s22  }
0x95: {  	s14 =	sor.u32 $0x304800, s4;
	s26 =	sadd.s32 s5, s12;
	[smem:$0x78E] =	sst s25  }
0x96: {  	s0 =	sor.u32 $0x204800, s4;
	s11 =	sadd.s32 s5, s14;
	[smem:$0x78F] =	sst s26  }
0x97: {  	s12 =	sadd.s32 s1, s0;
	[smem:$0x79B] =	sst s11  }
0x98: {  	s13 =	sadd.s32 s5, s15;
	[smem:$0x790] =	sst s12  }
0x99: {  	s15 =	sadd.s32 s1, s14;
	[smem:$0x791] =	sst s13  }
0x9a: {  	s17 =	sor.u32 $0x4C00, s4;
	s16 =	sadd.s32 s5, s18;
	[smem:$0x792] =	sst s15  }
0x9b: {  	s18 =	sadd.s32 s1, s17;
	[smem:$0x793] =	sst s16  }
0x9c: {  	s20 =	sor.u32 $0x104C00, s4;
	s19 =	sadd.s32 s5, s21;
	[smem:$0x794] =	sst s18  }
0x9d: {  	s21 =	sadd.s32 s1, s20;
	[smem:$0x795] =	sst s19  }
0x9e: {  	s23 =	sor.u32 $0x204C00, s4;
	s22 =	sadd.s32 s5, s24;
	[smem:$0x796] =	sst s21  }
0x9f: {  	s24 =	sadd.s32 s1, s23;
	[smem:$0x797] =	sst s22  }
0xa0: {  	s25 =	sadd.s32 s5, s0;
	[smem:$0x798] =	sst s24  }
0xa1: {  	s14 =	sadd.s32 s5, s17;
	[smem:$0x799] =	sst s25  }
0xa2: {  	s17 =	sadd.s32 s5, s20;
	[smem:$0x79D] =	sst s14  }
0xa3: {  	s26 =	sor.u32 $0x304C00, s4;
	s20 =	sadd.s32 s5, s23;
	[smem:$0x79F] =	sst s17  }
0xa4: {  	s0 =	sadd.s32 s1, s26;
	[smem:$0x7A1] =	sst s20  }
0xa5: {  	s12 =	sor.u32 $0x5000, s4;
	s23 =	sadd.s32 s5, s26;
	[smem:$0x79A] =	sst s0  }
0xa6: {  	s15 =	sor.u32 $0x105000, s4;
	s13 =	sadd.s32 s1, s12;
	[smem:$0x7A3] =	sst s23  }
0xa7: {  	s18 =	sor.u32 $0x205000, s4;
	s16 =	sadd.s32 s1, s15;
	[smem:$0x79C] =	sst s13  }
0xa8: {  	s21 =	sor.u32 $0x305000, s4;
	s19 =	sadd.s32 s1, s18;
	[smem:$0x79E] =	sst s16  }
0xa9: {  	s24 =	sor.u32 $0x5400, s4;
	s22 =	sadd.s32 s1, s21;
	[smem:$0x7A0] =	sst s19  }
0xaa: {  	s25 =	sadd.s32 s1, s24;
	[smem:$0x7A2] =	sst s22  }
0xab: {  	s14 =	sor.u32 $0x205400, s4;
	s26 =	sadd.s32 s5, s12;
	[smem:$0x7A4] =	sst s25  }
0xac: {  	s0 =	sor.u32 $0x105400, s4;
	s7 =	sadd.s32 s5, s14;
	[smem:$0x7A5] =	sst s26  }
0xad: {  	s12 =	sadd.s32 s1, s0;
	[smem:$0x7B1] =	sst s7  }
0xae: {  	s13 =	sadd.s32 s5, s15;
	[smem:$0x7A6] =	sst s12  }
0xaf: {  	s15 =	sadd.s32 s1, s14;
	[smem:$0x7A7] =	sst s13  }
0xb0: {  	s17 =	sor.u32 $0x305400, s4;
	s16 =	sadd.s32 s5, s18;
	[smem:$0x7A8] =	sst s15  }
0xb1: {  	s18 =	sadd.s32 s1, s17;
	[smem:$0x7A9] =	sst s16  }
0xb2: {  	s20 =	sor.u32 $0x5800, s4;
	s19 =	sadd.s32 s5, s21;
	[smem:$0x7AA] =	sst s18  }
0xb3: {  	s21 =	sadd.s32 s1, s20;
	[smem:$0x7AB] =	sst s19  }
0xb4: {  	s23 =	sor.u32 $0x105800, s4;
	s22 =	sadd.s32 s5, s24;
	[smem:$0x7AC] =	sst s21  }
0xb5: {  	s24 =	sadd.s32 s1, s23;
	[smem:$0x7AD] =	sst s22  }
0xb6: {  	s25 =	sadd.s32 s5, s0;
	[smem:$0x7AE] =	sst s24  }
0xb7: {  	s14 =	sadd.s32 s5, s17;
	[smem:$0x7AF] =	sst s25  }
0xb8: {  	s17 =	sadd.s32 s5, s20;
	[smem:$0x7B3] =	sst s14  }
0xb9: {  	s26 =	sor.u32 $0x205800, s4;
	s20 =	sadd.s32 s5, s23;
	[smem:$0x7B5] =	sst s17  }
0xba: {  	s0 =	sadd.s32 s1, s26;
	[smem:$0x7B7] =	sst s20  }
0xbb: {  	s12 =	sor.u32 $0x305800, s4;
	s23 =	sadd.s32 s5, s26;
	[smem:$0x7B0] =	sst s0  }
0xbc: {  	s15 =	sor.u32 $0x5C00, s4;
	s13 =	sadd.s32 s1, s12;
	[smem:$0x7B9] =	sst s23  }
0xbd: {  	s18 =	sor.u32 $0x105C00, s4;
	s16 =	sadd.s32 s1, s15;
	[smem:$0x7B2] =	sst s13  }
0xbe: {  	s21 =	sor.u32 $0x205C00, s4;
	s19 =	sadd.s32 s1, s18;
	[smem:$0x7B4] =	sst s16  }
0xbf: {  	s24 =	sor.u32 $0x305C00, s4;
	s22 =	sadd.s32 s1, s21;
	[smem:$0x7B6] =	sst s19  }
0xc0: {  	s25 =	sadd.s32 s1, s24;
	[smem:$0x7B8] =	sst s22  }
0xc1: {  	s14 =	sor.u32 $0x106000, s4;
	s26 =	sadd.s32 s5, s12;
	[smem:$0x7BA] =	sst s25  }
0xc2: {  	s0 =	sor.u32 $0x6000, s4;
	s8 =	sadd.s32 s5, s14;
	[smem:$0x7BB] =	sst s26  }
0xc3: {  	s12 =	sadd.s32 s1, s0;
	[smem:$0x7C7] =	sst s8  }
0xc4: {  	s13 =	sadd.s32 s5, s15;
	[smem:$0x7BC] =	sst s12  }
0xc5: {  	s15 =	sadd.s32 s1, s14;
	[smem:$0x7BD] =	sst s13  }
0xc6: {  	s17 =	sor.u32 $0x206000, s4;
	s16 =	sadd.s32 s5, s18;
	[smem:$0x7BE] =	sst s15  }
0xc7: {  	s18 =	sadd.s32 s1, s17;
	[smem:$0x7BF] =	sst s16  }
0xc8: {  	s20 =	sor.u32 $0x306000, s4;
	s19 =	sadd.s32 s5, s21;
	[smem:$0x7C0] =	sst s18  }
0xc9: {  	s21 =	sadd.s32 s1, s20;
	[smem:$0x7C1] =	sst s19  }
0xca: {  	s23 =	sor.u32 $0x6400, s4;
	s22 =	sadd.s32 s5, s24;
	[smem:$0x7C2] =	sst s21  }
0xcb: {  	s24 =	sadd.s32 s1, s23;
	[smem:$0x7C3] =	sst s22  }
0xcc: {  	s25 =	sadd.s32 s5, s0;
	[smem:$0x7C4] =	sst s24  }
0xcd: {  	s14 =	sadd.s32 s5, s17;
	[smem:$0x7C5] =	sst s25  }
0xce: {  	s17 =	sadd.s32 s5, s20;
	[smem:$0x7C9] =	sst s14  }
0xcf: {  	s26 =	sor.u32 $0x106400, s4;
	s20 =	sadd.s32 s5, s23;
	[smem:$0x7CB] =	sst s17  }
0xd0: {  	s0 =	sadd.s32 s1, s26;
	[smem:$0x7CD] =	sst s20  }
0xd1: {  	s12 =	sor.u32 $0x206400, s4;
	s23 =	sadd.s32 s5, s26;
	[smem:$0x7C6] =	sst s0  }
0xd2: {  	s15 =	sor.u32 $0x306400, s4;
	s13 =	sadd.s32 s1, s12;
	[smem:$0x7CF] =	sst s23  }
0xd3: {  	s18 =	sor.u32 $0x6800, s4;
	s16 =	sadd.s32 s1, s15;
	[smem:$0x7C8] =	sst s13  }
0xd4: {  	s21 =	sor.u32 $0x106800, s4;
	s19 =	sadd.s32 s1, s18;
	[smem:$0x7CA] =	sst s16  }
0xd5: {  	s24 =	sor.u32 $0x206800, s4;
	s22 =	sadd.s32 s1, s21;
	[smem:$0x7CC] =	sst s19  }
0xd6: {  	s25 =	sadd.s32 s1, s24;
	[smem:$0x7CE] =	sst s22  }
0xd7: {  	s14 =	sor.u32 $0x6C00, s4;
	s26 =	sadd.s32 s5, s12;
	[smem:$0x7D0] =	sst s25  }
0xd8: {  	s0 =	sor.u32 $0x306800, s4;
	s9 =	sadd.s32 s5, s14;
	[smem:$0x7D1] =	sst s26  }
0xd9: {  	s12 =	sadd.s32 s1, s0;
	[smem:$0x7DD] =	sst s9  }
0xda: {  	s13 =	sadd.s32 s5, s15;
	[smem:$0x7D2] =	sst s12  }
0xdb: {  	s15 =	sadd.s32 s1, s14;
	[smem:$0x7D3] =	sst s13  }
0xdc: {  	s17 =	sor.u32 $0x106C00, s4;
	s16 =	sadd.s32 s5, s18;
	[smem:$0x7D4] =	sst s15  }
0xdd: {  	s18 =	sadd.s32 s1, s17;
	[smem:$0x7D5] =	sst s16  }
0xde: {  	s20 =	sor.u32 $0x206C00, s4;
	s19 =	sadd.s32 s5, s21;
	[smem:$0x7D6] =	sst s18  }
0xdf: {  	s21 =	sadd.s32 s1, s20;
	[smem:$0x7D7] =	sst s19  }
0xe0: {  	s23 =	sor.u32 $0x306C00, s4;
	s22 =	sadd.s32 s5, s24;
	[smem:$0x7D8] =	sst s21  }
0xe1: {  	s24 =	sadd.s32 s1, s23;
	[smem:$0x7D9] =	sst s22  }
0xe2: {  	s25 =	sadd.s32 s5, s0;
	[smem:$0x7DA] =	sst s24  }
0xe3: {  	s28 =	simm.s32 $0x8;
	s14 =	sadd.s32 s5, s17;
	[smem:$0x7DB] =	sst s25  }
0xe4: {  	s29 =	simm.s32 $0xD;
	s17 =	sadd.s32 s5, s20;
	[smem:$0x7DF] =	sst s14  }
0xe5: {  	s26 =	sor.u32 $0x7000, s4;
	s20 =	sadd.s32 s5, s23;
	[smem:$0x7E1] =	sst s17  }
0xe6: {  	s30 =	simm.s32 $0xE;
	s0 =	sadd.s32 s1, s26;
	[smem:$0x7E3] =	sst s20  }
0xe7: {  	s12 =	sor.u32 $0x107000, s4;
	s23 =	sadd.s32 s5, s26;
	[smem:$0x7DC] =	sst s0  }
0xe8: {  	s15 =	sor.u32 $0x207000, s4;
	s13 =	sadd.s32 s1, s12;
	[smem:$0x7E5] =	sst s23  }
0xe9: {  	s18 =	sor.u32 $0x307000, s4;
	s16 =	sadd.s32 s1, s15;
	[smem:$0x7DE] =	sst s13  }
0xea: {  	s21 =	sor.u32 $0x7400, s4;
	s19 =	sadd.s32 s1, s18;
	[smem:$0x7E0] =	sst s16  }
0xeb: {  	s24 =	sor.u32 $0x107400, s4;
	s22 =	sadd.s32 s1, s21;
	[smem:$0x7E2] =	sst s19  }
0xec: {  	s31 =	simm.s32 $0xF;
	s25 =	sadd.s32 s1, s24;
	[smem:$0x7E4] =	sst s22  }
0xed: {  	s14 =	sor.u32 $0x307400, s4;
	s26 =	sadd.s32 s5, s12;
	[smem:$0x7E6] =	sst s25  }
0xee: {  	s0 =	sor.u32 $0x207400, s4;
	s10 =	sadd.s32 s5, s14;
	[smem:$0x7E7] =	sst s26  }
0xef: {  	s3 =	ssub.s32 $0x2, s3;
	s12 =	sadd.s32 s1, s0;
	[smem:$0x7F3] =	sst s10  }
0xf0: {  	s11 =	simm.s32 $0x8000;
	s13 =	sadd.s32 s5, s15;
	[smem:$0x7E8] =	sst s12  }
0xf1: {  	s8 =	simm.s32 $0x2000;
	s15 =	sadd.s32 s1, s14;
	[smem:$0x7E9] =	sst s13  }
0xf2: {  	s17 =	sor.u32 $0x7800, s4;
	s16 =	sadd.s32 s5, s18;
	[smem:$0x7EA] =	sst s15  }
0xf3: {  	s9 =	simm.s32 $0x4000;
	s18 =	sadd.s32 s1, s17;
	[smem:$0x7EB] =	sst s16  }
0xf4: {  	s20 =	sor.u32 $0x107800, s4;
	s19 =	sadd.s32 s5, s21;
	[smem:$0x7EC] =	sst s18  }
0xf5: {  	s23 =	sor.u32 $0x207800, s4;
	s21 =	sadd.s32 s1, s20;
	[smem:$0x7ED] =	sst s19  }
0xf6: {  	s22 =	sadd.s32 s5, s24;
	s24 =	sadd.s32 s1, s23;
	[smem:$0x7EE] =	sst s21  }
0xf7: {  	s25 =	sadd.s32 s5, s0;
	s26 =	sor.u32 $0x307800, s4;
	[smem:$0x7EF] =	sst s22  }
0xf8: {  	s14 =	sadd.s32 s5, s17;
	s17 =	sadd.s32 s5, s20;
	[smem:$0x7F0] =	sst s24  }
0xf9: {  	s20 =	sadd.s32 s5, s23;
	s10 =	simm.s32 $0x6000;
	[smem:$0x7F1] =	sst s25  }
0xfa: {  	s0 =	sadd.s32 s1, s26;
	s15 =	sor.u32 $0x107C00, s4;
	[smem:$0x7F5] =	sst s14  }
0xfb: {  	s12 =	sor.u32 $0x7C00, s4;
	s18 =	sor.u32 $0x207C00, s4;
	[smem:$0x7F7] =	sst s17  }
0xfc: {  	s21 =	sor.u32 $0x307C00, s4;
	[smem:$0x7F9] =	sst s20;
	s22 =	sshrl.u32 s3, $0x1  }
0xfd: {  	s23 =	sadd.s32 s5, s26;
	s14 =	simm.s32 $0xA000;
	s17 =	simm.s32 $0x3  }
0xfe: {  	s20 =	simm.s32 $0x9;
	[smem:$0x7F2] =	sst s0;
	s13 =	sadd.s32 s1, s12  }
0xff: {  	s16 =	sadd.s32 s1, s15;
	s19 =	sadd.s32 s1, s18;
	s1 =	sadd.s32 s1, s21  }
0x100: {  	s24 =	ssub.s32 s3, s22;
	[smem:$0x7FB] =	sst s23;
	s25 =	sadd.s32 s5, s12  }
0x101: {  	s26 =	sadd.s32 s5, s15;
	s4 =	sadd.s32 s5, s18;
	[smem:$0x7F4] =	sst s13  }
0x102: {  	s5 =	sadd.s32 s5, s21;
	s12 =	simm.s32 $0x11;
	[smem:$0x7F6] =	sst s16  }
0x103: {  	s15 =	simm.s32 $0x2;
	s18 =	simm.s32 $0xE000;
	[smem:$0x7F8] =	sst s19  }
0x104: {  	s21 =	simm.s32 $0x5;
	s22 =	simm.s32 $0xA;
	[smem:$0x7FA] =	sst s1  }
0x105: {  	s23 =	simm.s32 $0x6;
	s3 =	simm.s32 $0x10000;
	[smem:$0x7FC] =	sst s25  }
0x106: {  	[smem:$0x7FD] =	sst s26;
	s6 =	smax.u32 s24, $0x1;
	s13 =	simm.s32 $0x1  }
0x107: {  	s16 =	simm.s32 $0xC000;
	s19 =	simm.s32 $0x4;
	s24 =	simm.s32 $0xB  }
0x108: {  	s25 =	simm.s32 $0x7;
	s26 =	simm.s32 $0xC;
	s1 =	simm.s32 $0x10  }
.LBB2_1:
0x109: {  	s0 =	rddreg [dreg:$0x3]  }
0x10a: {  	[tilespmem:s3], [sflag:$0x11] =	stream.linear.gather [hbm4b:s0+s2], $0x2000, $0x38;
	[tilespmem:$0x12000] =	vst v63  }
0x10b: {  	s7 =	rddreg [dreg:$0x4]  }
0x10c: {  	[tilespmem:s2], [sflag:$0x1] =	stream.linear.gather [hbm4b:s7+s2], $0x2000, $0x38;
	[tilespmem:$0x12000] =	vst v63  }
0x10d: {  	s0 =	rddreg [dreg:$0x5]  }
0x10e: {  	[tilespmem:s8], [sflag:$0x2] =	stream.linear.gather [hbm4b:s0+s2], $0x2000, $0x38;
	[tilespmem:$0x12000] =	vst v63  }
0x10f: {  	s7 =	rddreg [dreg:$0x6]  }
0x110: {  	[tilespmem:s9], [sflag:$0x3] =	stream.linear.gather [hbm4b:s7+s2], $0x2000, $0x38;
	[tilespmem:$0x12000] =	vst v63  }
0x111: {  	s0 =	rddreg [dreg:$0x7]  }
0x112: {  	[tilespmem:s10], [sflag:$0x4] =	stream.linear.gather [hbm4b:s0+s2], $0x2000, $0x38;
	[tilespmem:$0x12000] =	vst v63  }
0x113: {  	s7 =	rddreg [dreg:$0x8]  }
0x114: {  	[tilespmem:s11], [sflag:$0x5] =	stream.linear.gather [hbm4b:s7+s2], $0x2000, $0x38;
	[tilespmem:$0x12000] =	vst v63  }
0x115: {  	_ =	swait.ge [sflag:s12], $0x2000  }
0x116: {  	[sflag:s12] =	ssyncset.done $0x0  }
0x117: {  	[sflag:s12] =	ssyncadd.s32 $0xFFFFE000  }
0x118: {  	_ =	swait.ge [sflag:s13], $0x2000  }
0x119: {  	[sflag:s13] =	ssyncset.done $0x0  }
0x11a: {  	s0 =	rddreg [dreg:$0x9];
	[sflag:s13] =	ssyncadd.s32 $0xFFFFE000  }
0x11b: {  	[hbm4b:s0+s2] =	stream.linear.scatter [tilespmem:s2], [sflag:$0x9], $0x2000, $0x38;
	[tilespmem:$0x12000] =	vst v63  }
0x11c: {  	s7 =	rddreg [dreg:$0xa]  }
0x11d: {  	[tilespmem:s14], [sflag:$0x6] =	stream.linear.gather [hbm4b:s7+s2], $0x2000, $0x38;
	[tilespmem:$0x12000] =	vst v63  }
0x11e: {  	_ =	swait.ge [sflag:s15], $0x2000  }
0x11f: {  	[sflag:s15] =	ssyncset.done $0x0  }
0x120: {  	s0 =	rddreg [dreg:$0xb];
	[sflag:s15] =	ssyncadd.s32 $0xFFFFE000  }
0x121: {  	[hbm4b:s0+s2] =	stream.linear.scatter [tilespmem:s8], [sflag:$0xA], $0x2000, $0x38;
	[tilespmem:$0x12000] =	vst v63  }
0x122: {  	s7 =	rddreg [dreg:$0xc]  }
0x123: {  	[tilespmem:s16], [sflag:$0x7] =	stream.linear.gather [hbm4b:s7+s2], $0x2000, $0x38;
	[tilespmem:$0x12000] =	vst v63  }
0x124: {  	_ =	swait.ge [sflag:s17], $0x2000  }
0x125: {  	s0 =	rddreg [dreg:$0xd];
	[sflag:s17] =	ssyncset.done $0x0  }
0x126: {  	[sflag:s17] =	ssyncadd.s32 $0xFFFFE000  }
0x127: {  	[hbm4b:s0+s2] =	stream.linear.scatter [tilespmem:s9], [sflag:$0xB], $0x2000, $0x38;
	[tilespmem:$0x12000] =	vst v63  }
0x128: {  	s7 =	rddreg [dreg:$0xe]  }
0x129: {  	[tilespmem:s18], [sflag:$0x8] =	stream.linear.gather [hbm4b:s7+s2], $0x2000, $0x38;
	[tilespmem:$0x12000] =	vst v63  }
0x12a: {  	_ =	swait.ge [sflag:s19], $0x2000  }
0x12b: {  	[sflag:s19] =	ssyncset.done $0x0  }
0x12c: {  	s7 =	rddreg [dreg:$0xf];
	[sflag:s19] =	ssyncadd.s32 $0xFFFFE000  }
0x12d: {  	[hbm4b:s7+s2] =	stream.linear.scatter [tilespmem:s10], [sflag:$0xC], $0x2000, $0x38;
	[tilespmem:$0x12000] =	vst v63  }
0x12e: {  	_ =	swait.ge [sflag:s20], $0x2000  }
0x12f: {  	[sflag:s20] =	ssyncset.done $0x0  }
0x130: {  	s7 =	rddreg [dreg:$0x10];
	[sflag:s20] =	ssyncadd.s32 $0xFFFFE000  }
0x131: {  	[tilespmem:s2], [sflag:$0x1] =	stream.linear.gather [hbm4b:s7+s2], $0x2000, $0x38;
	[tilespmem:$0x12000] =	vst v63  }
0x132: {  	_ =	swait.ge [sflag:s21], $0x2000  }
0x133: {  	[sflag:s21] =	ssyncset.done $0x0  }
0x134: {  	s7 =	rddreg [dreg:$0x11];
	[sflag:s21] =	ssyncadd.s32 $0xFFFFE000  }
0x135: {  	[hbm4b:s7+s2] =	stream.linear.scatter [tilespmem:s11], [sflag:$0xD], $0x2000, $0x38;
	[tilespmem:$0x12000] =	vst v63  }
0x136: {  	_ =	swait.ge [sflag:s22], $0x2000  }
0x137: {  	[sflag:s22] =	ssyncset.done $0x0  }
0x138: {  	s7 =	rddreg [dreg:$0x12];
	[sflag:s22] =	ssyncadd.s32 $0xFFFFE000  }
0x139: {  	[tilespmem:s8], [sflag:$0x2] =	stream.linear.gather [hbm4b:s7+s2], $0x2000, $0x38;
	[tilespmem:$0x12000] =	vst v63  }
0x13a: {  	_ =	swait.ge [sflag:s23], $0x2000  }
0x13b: {  	[sflag:s23] =	ssyncset.done $0x0  }
0x13c: {  	s7 =	rddreg [dreg:$0x13];
	[sflag:s23] =	ssyncadd.s32 $0xFFFFE000  }
0x13d: {  	[hbm4b:s7+s2] =	stream.linear.scatter [tilespmem:s14], [sflag:$0xE], $0x2000, $0x38;
	[tilespmem:$0x12000] =	vst v63  }
0x13e: {  	_ =	swait.ge [sflag:s24], $0x2000  }
0x13f: {  	[sflag:s24] =	ssyncset.done $0x0  }
0x140: {  	s7 =	rddreg [dreg:$0x14];
	[sflag:s24] =	ssyncadd.s32 $0xFFFFE000  }
0x141: {  	[tilespmem:s9], [sflag:$0x3] =	stream.linear.gather [hbm4b:s7+s2], $0x2000, $0x38;
	[tilespmem:$0x12000] =	vst v63  }
0x142: {  	_ =	swait.ge [sflag:s25], $0x2000  }
0x143: {  	[sflag:s25] =	ssyncset.done $0x0  }
0x144: {  	s7 =	rddreg [dreg:$0x15];
	[sflag:s25] =	ssyncadd.s32 $0xFFFFE000  }
0x145: {  	[hbm4b:s7+s2] =	stream.linear.scatter [tilespmem:s16], [sflag:$0xF], $0x2000, $0x38;
	[tilespmem:$0x12000] =	vst v63  }
0x146: {  	_ =	swait.ge [sflag:s26], $0x2000  }
0x147: {  	[sflag:s26] =	ssyncset.done $0x0  }
0x148: {  	s7 =	rddreg [dreg:$0x16];
	[sflag:s26] =	ssyncadd.s32 $0xFFFFE000  }
0x149: {  	[tilespmem:s10], [sflag:$0x4] =	stream.linear.gather [hbm4b:s7+s2], $0x2000, $0x38;
	[tilespmem:$0x12000] =	vst v63  }
0x14a: {  	_ =	swait.ge [sflag:s28], $0x2000  }
0x14b: {  	[sflag:s28] =	ssyncset.done $0x0  }
0x14c: {  	s7 =	rddreg [dreg:$0x17];
	[sflag:s28] =	ssyncadd.s32 $0xFFFFE000  }
0x14d: {  	[hbm4b:s7+s2] =	stream.linear.scatter [tilespmem:s18], [sflag:$0x10], $0x2000, $0x38;
	[tilespmem:$0x12000] =	vst v63  }
0x14e: {  	_ =	swait.ge [sflag:s29], $0x2000  }
0x14f: {  	[sflag:s29] =	ssyncset.done $0x0  }
0x150: {  	s7 =	rddreg [dreg:$0x18];
	[sflag:s29] =	ssyncadd.s32 $0xFFFFE000  }
0x151: {  	[tilespmem:s11], [sflag:$0x5] =	stream.linear.gather [hbm4b:s7+s2], $0x2000, $0x38;
	[tilespmem:$0x12000] =	vst v63  }
0x152: {  	_ =	swait.ge [sflag:s13], $0x2000  }
0x153: {  	[sflag:s13] =	ssyncset.done $0x0  }
0x154: {  	s7 =	rddreg [dreg:$0x19];
	[sflag:s13] =	ssyncadd.s32 $0xFFFFE000  }
0x155: {  	[hbm4b:s7+s2] =	stream.linear.scatter [tilespmem:s2], [sflag:$0x9], $0x2000, $0x38;
	[tilespmem:$0x12000] =	vst v63  }
0x156: {  	_ =	swait.ge [sflag:s30], $0x2000  }
0x157: {  	[sflag:s30] =	ssyncset.done $0x0  }
0x158: {  	s7 =	rddreg [dreg:$0x1a];
	[sflag:s30] =	ssyncadd.s32 $0xFFFFE000  }
0x159: {  	[tilespmem:s14], [sflag:$0x6] =	stream.linear.gather [hbm4b:s7+s2], $0x2000, $0x38;
	[tilespmem:$0x12000] =	vst v63  }
0x15a: {  	_ =	swait.ge [sflag:s15], $0x2000  }
0x15b: {  	[sflag:s15] =	ssyncset.done $0x0  }
0x15c: {  	s7 =	rddreg [dreg:$0x1b];
	[sflag:s15] =	ssyncadd.s32 $0xFFFFE000  }
0x15d: {  	[hbm4b:s7+s2] =	stream.linear.scatter [tilespmem:s8], [sflag:$0xA], $0x2000, $0x38;
	[tilespmem:$0x12000] =	vst v63  }
0x15e: {  	_ =	swait.ge [sflag:s31], $0x2000  }
0x15f: {  	[sflag:s31] =	ssyncset.done $0x0  }
0x160: {  	s7 =	rddreg [dreg:$0x1c];
	[sflag:s31] =	ssyncadd.s32 $0xFFFFE000  }
0x161: {  	[tilespmem:s16], [sflag:$0x7] =	stream.linear.gather [hbm4b:s7+s2], $0x2000, $0x38;
	[tilespmem:$0x12000] =	vst v63  }
0x162: {  	_ =	swait.ge [sflag:s17], $0x2000  }
0x163: {  	[sflag:s17] =	ssyncset.done $0x0  }
0x164: {  	s7 =	rddreg [dreg:$0x1d];
	[sflag:s17] =	ssyncadd.s32 $0xFFFFE000  }
0x165: {  	[hbm4b:s7+s2] =	stream.linear.scatter [tilespmem:s9], [sflag:$0xB], $0x2000, $0x38;
	[tilespmem:$0x12000] =	vst v63  }
0x166: {  	_ =	swait.ge [sflag:s1], $0x2000  }
0x167: {  	[sflag:s1] =	ssyncset.done $0x0  }
0x168: {  	s7 =	rddreg [dreg:$0x1e];
	[sflag:s1] =	ssyncadd.s32 $0xFFFFE000  }
0x169: {  	[tilespmem:s18], [sflag:$0x8] =	stream.linear.gather [hbm4b:s7+s2], $0x2000, $0x38;
	[tilespmem:$0x12000] =	vst v63  }
0x16a: {  	_ =	swait.ge [sflag:s19], $0x2000  }
0x16b: {  	[sflag:s19] =	ssyncset.done $0x0  }
0x16c: {  	s7 =	rddreg [dreg:$0x1f];
	[sflag:s19] =	ssyncadd.s32 $0xFFFFE000  }
0x16d: {  	[hbm4b:s7+s2] =	stream.linear.scatter [tilespmem:s10], [sflag:$0xC], $0x2000, $0x38;
	[tilespmem:$0x12000] =	vst v63  }
0x16e: {  	_ =	swait.ge [sflag:s20], $0x2000  }
0x16f: {  	s7 =	sld [smem:$0x71C]  }
0x170: {  	[sflag:s20] =	ssyncset.done $0x0  }
0x171: {  	[sflag:s20] =	ssyncadd.s32 $0xFFFFE000  }
0x172: {  	[tilespmem:s2], [sflag:$0x1] =	stream.linear.gather [hbm4b:s7+s2], $0x2000, $0x38;
	[tilespmem:$0x12000] =	vst v63  }
0x173: {  	_ =	swait.ge [sflag:s21], $0x2000  }
0x174: {  	s7 =	sld [smem:$0x71D]  }
0x175: {  	[sflag:s21] =	ssyncset.done $0x0  }
0x176: {  	[sflag:s21] =	ssyncadd.s32 $0xFFFFE000  }
0x177: {  	[hbm4b:s7+s2] =	stream.linear.scatter [tilespmem:s11], [sflag:$0xD], $0x2000, $0x38;
	[tilespmem:$0x12000] =	vst v63  }
0x178: {  	_ =	swait.ge [sflag:s22], $0x2000  }
0x179: {  	s7 =	sld [smem:$0x71E]  }
0x17a: {  	[sflag:s22] =	ssyncset.done $0x0  }
0x17b: {  	[sflag:s22] =	ssyncadd.s32 $0xFFFFE000  }
0x17c: {  	[tilespmem:s8], [sflag:$0x2] =	stream.linear.gather [hbm4b:s7+s2], $0x2000, $0x38;
	[tilespmem:$0x12000] =	vst v63  }
0x17d: {  	_ =	swait.ge [sflag:s23], $0x2000  }
0x17e: {  	s7 =	sld [smem:$0x71F]  }
0x17f: {  	[sflag:s23] =	ssyncset.done $0x0  }
0x180: {  	[sflag:s23] =	ssyncadd.s32 $0xFFFFE000  }
0x181: {  	[hbm4b:s7+s2] =	stream.linear.scatter [tilespmem:s14], [sflag:$0xE], $0x2000, $0x38;
	[tilespmem:$0x12000] =	vst v63  }
0x182: {  	_ =	swait.ge [sflag:s24], $0x2000  }
0x183: {  	s7 =	sld [smem:$0x720]  }
0x184: {  	[sflag:s24] =	ssyncset.done $0x0  }
0x185: {  	[sflag:s24] =	ssyncadd.s32 $0xFFFFE000  }
0x186: {  	[tilespmem:s9], [sflag:$0x3] =	stream.linear.gather [hbm4b:s7+s2], $0x2000, $0x38;
	[tilespmem:$0x12000] =	vst v63  }
0x187: {  	_ =	swait.ge [sflag:s25], $0x2000  }
0x188: {  	s7 =	sld [smem:$0x721]  }
0x189: {  	[sflag:s25] =	ssyncset.done $0x0  }
0x18a: {  	[sflag:s25] =	ssyncadd.s32 $0xFFFFE000  }
0x18b: {  	[hbm4b:s7+s2] =	stream.linear.scatter [tilespmem:s16], [sflag:$0xF], $0x2000, $0x38;
	[tilespmem:$0x12000] =	vst v63  }
0x18c: {  	_ =	swait.ge [sflag:s26], $0x2000  }
0x18d: {  	s7 =	sld [smem:$0x722]  }
0x18e: {  	[sflag:s26] =	ssyncset.done $0x0  }
0x18f: {  	[sflag:s26] =	ssyncadd.s32 $0xFFFFE000  }
0x190: {  	[tilespmem:s10], [sflag:$0x4] =	stream.linear.gather [hbm4b:s7+s2], $0x2000, $0x38;
	[tilespmem:$0x12000] =	vst v63  }
0x191: {  	_ =	swait.ge [sflag:s28], $0x2000  }
0x192: {  	s7 =	sld [smem:$0x723]  }
0x193: {  	[sflag:s28] =	ssyncset.done $0x0  }
0x194: {  	[sflag:s28] =	ssyncadd.s32 $0xFFFFE000  }
0x195: {  	[hbm4b:s7+s2] =	stream.linear.scatter [tilespmem:s18], [sflag:$0x10], $0x2000, $0x38;
	[tilespmem:$0x12000] =	vst v63  }
0x196: {  	_ =	swait.ge [sflag:s29], $0x2000  }
0x197: {  	s7 =	sld [smem:$0x724]  }
0x198: {  	[sflag:s29] =	ssyncset.done $0x0  }
0x199: {  	[sflag:s29] =	ssyncadd.s32 $0xFFFFE000  }
0x19a: {  	[tilespmem:s11], [sflag:$0x5] =	stream.linear.gather [hbm4b:s7+s2], $0x2000, $0x38;
	[tilespmem:$0x12000] =	vst v63  }
0x19b: {  	_ =	swait.ge [sflag:s13], $0x2000  }
0x19c: {  	s7 =	sld [smem:$0x725]  }
0x19d: {  	[sflag:s13] =	ssyncset.done $0x0  }
0x19e: {  	[sflag:s13] =	ssyncadd.s32 $0xFFFFE000  }
0x19f: {  	[hbm4b:s7+s2] =	stream.linear.scatter [tilespmem:s2], [sflag:$0x9], $0x2000, $0x38;
	[tilespmem:$0x12000] =	vst v63  }
0x1a0: {  	_ =	swait.ge [sflag:s30], $0x2000  }
0x1a1: {  	s7 =	sld [smem:$0x726]  }
0x1a2: {  	[sflag:s30] =	ssyncset.done $0x0  }
0x1a3: {  	[sflag:s30] =	ssyncadd.s32 $0xFFFFE000  }
0x1a4: {  	[tilespmem:s14], [sflag:$0x6] =	stream.linear.gather [hbm4b:s7+s2], $0x2000, $0x38;
	[tilespmem:$0x12000] =	vst v63  }
0x1a5: {  	_ =	swait.ge [sflag:s15], $0x2000  }
0x1a6: {  	s7 =	sld [smem:$0x727]  }
0x1a7: {  	[sflag:s15] =	ssyncset.done $0x0  }
0x1a8: {  	[sflag:s15] =	ssyncadd.s32 $0xFFFFE000  }
0x1a9: {  	[hbm4b:s7+s2] =	stream.linear.scatter [tilespmem:s8], [sflag:$0xA], $0x2000, $0x38;
	[tilespmem:$0x12000] =	vst v63  }
0x1aa: {  	_ =	swait.ge [sflag:s31], $0x2000  }
0x1ab: {  	s7 =	sld [smem:$0x728]  }
0x1ac: {  	[sflag:s31] =	ssyncset.done $0x0  }
0x1ad: {  	[sflag:s31] =	ssyncadd.s32 $0xFFFFE000  }
0x1ae: {  	[tilespmem:s16], [sflag:$0x7] =	stream.linear.gather [hbm4b:s7+s2], $0x2000, $0x38;
	[tilespmem:$0x12000] =	vst v63  }
0x1af: {  	_ =	swait.ge [sflag:s17], $0x2000  }
0x1b0: {  	s7 =	sld [smem:$0x729]  }
0x1b1: {  	[sflag:s17] =	ssyncset.done $0x0  }
0x1b2: {  	[sflag:s17] =	ssyncadd.s32 $0xFFFFE000  }
0x1b3: {  	[hbm4b:s7+s2] =	stream.linear.scatter [tilespmem:s9], [sflag:$0xB], $0x2000, $0x38;
	[tilespmem:$0x12000] =	vst v63  }
0x1b4: {  	_ =	swait.ge [sflag:s1], $0x2000  }
0x1b5: {  	s7 =	sld [smem:$0x72A]  }
0x1b6: {  	[sflag:s1] =	ssyncset.done $0x0  }
0x1b7: {  	[sflag:s1] =	ssyncadd.s32 $0xFFFFE000  }
0x1b8: {  	[tilespmem:s18], [sflag:$0x8] =	stream.linear.gather [hbm4b:s7+s2], $0x2000, $0x38;
	[tilespmem:$0x12000] =	vst v63  }
0x1b9: {  	_ =	swait.ge [sflag:s19], $0x2000  }
0x1ba: {  	s7 =	sld [smem:$0x72B]  }
0x1bb: {  	[sflag:s19] =	ssyncset.done $0x0  }
0x1bc: {  	[sflag:s19] =	ssyncadd.s32 $0xFFFFE000  }
0x1bd: {  	[hbm4b:s7+s2] =	stream.linear.scatter [tilespmem:s10], [sflag:$0xC], $0x2000, $0x38;
	[tilespmem:$0x12000] =	vst v63  }
0x1be: {  	_ =	swait.ge [sflag:s20], $0x2000  }
0x1bf: {  	s7 =	sld [smem:$0x72C]  }
0x1c0: {  	[sflag:s20] =	ssyncset.done $0x0  }
0x1c1: {  	[sflag:s20] =	ssyncadd.s32 $0xFFFFE000  }
0x1c2: {  	[tilespmem:s2], [sflag:$0x1] =	stream.linear.gather [hbm4b:s7+s2], $0x2000, $0x38;
	[tilespmem:$0x12000] =	vst v63  }
0x1c3: {  	_ =	swait.ge [sflag:s21], $0x2000  }
0x1c4: {  	s7 =	sld [smem:$0x72D]  }
0x1c5: {  	[sflag:s21] =	ssyncset.done $0x0  }
0x1c6: {  	[sflag:s21] =	ssyncadd.s32 $0xFFFFE000  }
0x1c7: {  	[hbm4b:s7+s2] =	stream.linear.scatter [tilespmem:s11], [sflag:$0xD], $0x2000, $0x38;
	[tilespmem:$0x12000] =	vst v63  }
0x1c8: {  	_ =	swait.ge [sflag:s22], $0x2000  }
0x1c9: {  	s7 =	sld [smem:$0x72E]  }
0x1ca: {  	[sflag:s22] =	ssyncset.done $0x0  }
0x1cb: {  	[sflag:s22] =	ssyncadd.s32 $0xFFFFE000  }
0x1cc: {  	[tilespmem:s8], [sflag:$0x2] =	stream.linear.gather [hbm4b:s7+s2], $0x2000, $0x38;
	[tilespmem:$0x12000] =	vst v63  }
0x1cd: {  	_ =	swait.ge [sflag:s23], $0x2000  }
0x1ce: {  	s7 =	sld [smem:$0x72F]  }
0x1cf: {  	[sflag:s23] =	ssyncset.done $0x0  }
0x1d0: {  	[sflag:s23] =	ssyncadd.s32 $0xFFFFE000  }
0x1d1: {  	[hbm4b:s7+s2] =	stream.linear.scatter [tilespmem:s14], [sflag:$0xE], $0x2000, $0x38;
	[tilespmem:$0x12000] =	vst v63  }
0x1d2: {  	_ =	swait.ge [sflag:s24], $0x2000  }
0x1d3: {  	s7 =	sld [smem:$0x730]  }
0x1d4: {  	[sflag:s24] =	ssyncset.done $0x0  }
0x1d5: {  	[sflag:s24] =	ssyncadd.s32 $0xFFFFE000  }
0x1d6: {  	[tilespmem:s9], [sflag:$0x3] =	stream.linear.gather [hbm4b:s7+s2], $0x2000, $0x38;
	[tilespmem:$0x12000] =	vst v63  }
0x1d7: {  	_ =	swait.ge [sflag:s25], $0x2000  }
0x1d8: {  	s7 =	sld [smem:$0x731]  }
0x1d9: {  	[sflag:s25] =	ssyncset.done $0x0  }
0x1da: {  	[sflag:s25] =	ssyncadd.s32 $0xFFFFE000  }
0x1db: {  	[hbm4b:s7+s2] =	stream.linear.scatter [tilespmem:s16], [sflag:$0xF], $0x2000, $0x38;
	[tilespmem:$0x12000] =	vst v63  }
0x1dc: {  	_ =	swait.ge [sflag:s26], $0x2000  }
0x1dd: {  	s7 =	sld [smem:$0x732]  }
0x1de: {  	[sflag:s26] =	ssyncset.done $0x0  }
0x1df: {  	[sflag:s26] =	ssyncadd.s32 $0xFFFFE000  }
0x1e0: {  	[tilespmem:s10], [sflag:$0x4] =	stream.linear.gather [hbm4b:s7+s2], $0x2000, $0x38;
	[tilespmem:$0x12000] =	vst v63  }
0x1e1: {  	_ =	swait.ge [sflag:s28], $0x2000  }
0x1e2: {  	s7 =	sld [smem:$0x733]  }
0x1e3: {  	[sflag:s28] =	ssyncset.done $0x0  }
0x1e4: {  	[sflag:s28] =	ssyncadd.s32 $0xFFFFE000  }
0x1e5: {  	[hbm4b:s7+s2] =	stream.linear.scatter [tilespmem:s18], [sflag:$0x10], $0x2000, $0x38;
	[tilespmem:$0x12000] =	vst v63  }
0x1e6: {  	_ =	swait.ge [sflag:s29], $0x2000  }
0x1e7: {  	s7 =	sld [smem:$0x734]  }
0x1e8: {  	[sflag:s29] =	ssyncset.done $0x0  }
0x1e9: {  	[sflag:s29] =	ssyncadd.s32 $0xFFFFE000  }
0x1ea: {  	[tilespmem:s11], [sflag:$0x5] =	stream.linear.gather [hbm4b:s7+s2], $0x2000, $0x38;
	[tilespmem:$0x12000] =	vst v63  }
0x1eb: {  	_ =	swait.ge [sflag:s13], $0x2000  }
0x1ec: {  	s7 =	sld [smem:$0x735]  }
0x1ed: {  	[sflag:s13] =	ssyncset.done $0x0  }
0x1ee: {  	[sflag:s13] =	ssyncadd.s32 $0xFFFFE000  }
0x1ef: {  	[hbm4b:s7+s2] =	stream.linear.scatter [tilespmem:s2], [sflag:$0x9], $0x2000, $0x38;
	[tilespmem:$0x12000] =	vst v63  }
0x1f0: {  	_ =	swait.ge [sflag:s30], $0x2000  }
0x1f1: {  	s7 =	sld [smem:$0x736]  }
0x1f2: {  	[sflag:s30] =	ssyncset.done $0x0  }
0x1f3: {  	[sflag:s30] =	ssyncadd.s32 $0xFFFFE000  }
0x1f4: {  	[tilespmem:s14], [sflag:$0x6] =	stream.linear.gather [hbm4b:s7+s2], $0x2000, $0x38;
	[tilespmem:$0x12000] =	vst v63  }
0x1f5: {  	_ =	swait.ge [sflag:s15], $0x2000  }
0x1f6: {  	s7 =	sld [smem:$0x737]  }
0x1f7: {  	[sflag:s15] =	ssyncset.done $0x0  }
0x1f8: {  	[sflag:s15] =	ssyncadd.s32 $0xFFFFE000  }
0x1f9: {  	[hbm4b:s7+s2] =	stream.linear.scatter [tilespmem:s8], [sflag:$0xA], $0x2000, $0x38;
	[tilespmem:$0x12000] =	vst v63  }
0x1fa: {  	_ =	swait.ge [sflag:s31], $0x2000  }
0x1fb: {  	s7 =	sld [smem:$0x738]  }
0x1fc: {  	[sflag:s31] =	ssyncset.done $0x0  }
0x1fd: {  	[sflag:s31] =	ssyncadd.s32 $0xFFFFE000  }
0x1fe: {  	[tilespmem:s16], [sflag:$0x7] =	stream.linear.gather [hbm4b:s7+s2], $0x2000, $0x38;
	[tilespmem:$0x12000] =	vst v63  }
0x1ff: {  	_ =	swait.ge [sflag:s17], $0x2000  }
0x200: {  	s7 =	sld [smem:$0x739]  }
0x201: {  	[sflag:s17] =	ssyncset.done $0x0  }
0x202: {  	[sflag:s17] =	ssyncadd.s32 $0xFFFFE000  }
0x203: {  	[hbm4b:s7+s2] =	stream.linear.scatter [tilespmem:s9], [sflag:$0xB], $0x2000, $0x38;
	[tilespmem:$0x12000] =	vst v63  }
0x204: {  	_ =	swait.ge [sflag:s1], $0x2000  }
0x205: {  	s7 =	sld [smem:$0x73A]  }
0x206: {  	[sflag:s1] =	ssyncset.done $0x0  }
0x207: {  	[sflag:s1] =	ssyncadd.s32 $0xFFFFE000  }
0x208: {  	[tilespmem:s18], [sflag:$0x8] =	stream.linear.gather [hbm4b:s7+s2], $0x2000, $0x38;
	[tilespmem:$0x12000] =	vst v63  }
0x209: {  	_ =	swait.ge [sflag:s19], $0x2000  }
0x20a: {  	s7 =	sld [smem:$0x73B]  }
0x20b: {  	[sflag:s19] =	ssyncset.done $0x0  }
0x20c: {  	[sflag:s19] =	ssyncadd.s32 $0xFFFFE000  }
0x20d: {  	[hbm4b:s7+s2] =	stream.linear.scatter [tilespmem:s10], [sflag:$0xC], $0x2000, $0x38;
	[tilespmem:$0x12000] =	vst v63  }
0x20e: {  	_ =	swait.ge [sflag:s20], $0x2000  }
0x20f: {  	s7 =	sld [smem:$0x73C]  }
0x210: {  	[sflag:s20] =	ssyncset.done $0x0  }
0x211: {  	[sflag:s20] =	ssyncadd.s32 $0xFFFFE000  }
0x212: {  	[tilespmem:s2], [sflag:$0x1] =	stream.linear.gather [hbm4b:s7+s2], $0x2000, $0x38;
	[tilespmem:$0x12000] =	vst v63  }
0x213: {  	_ =	swait.ge [sflag:s21], $0x2000  }
0x214: {  	s7 =	sld [smem:$0x73D]  }
0x215: {  	[sflag:s21] =	ssyncset.done $0x0  }
0x216: {  	[sflag:s21] =	ssyncadd.s32 $0xFFFFE000  }
0x217: {  	[hbm4b:s7+s2] =	stream.linear.scatter [tilespmem:s11], [sflag:$0xD], $0x2000, $0x38;
	[tilespmem:$0x12000] =	vst v63  }
0x218: {  	_ =	swait.ge [sflag:s22], $0x2000  }
0x219: {  	s7 =	sld [smem:$0x73E]  }
0x21a: {  	[sflag:s22] =	ssyncset.done $0x0  }
0x21b: {  	[sflag:s22] =	ssyncadd.s32 $0xFFFFE000  }
0x21c: {  	[tilespmem:s8], [sflag:$0x2] =	stream.linear.gather [hbm4b:s7+s2], $0x2000, $0x38;
	[tilespmem:$0x12000] =	vst v63  }
0x21d: {  	_ =	swait.ge [sflag:s23], $0x2000  }
0x21e: {  	s7 =	sld [smem:$0x73F]  }
0x21f: {  	[sflag:s23] =	ssyncset.done $0x0  }
0x220: {  	[sflag:s23] =	ssyncadd.s32 $0xFFFFE000  }
0x221: {  	[hbm4b:s7+s2] =	stream.linear.scatter [tilespmem:s14], [sflag:$0xE], $0x2000, $0x38;
	[tilespmem:$0x12000] =	vst v63  }
0x222: {  	_ =	swait.ge [sflag:s24], $0x2000  }
0x223: {  	s7 =	sld [smem:$0x740]  }
0x224: {  	[sflag:s24] =	ssyncset.done $0x0  }
0x225: {  	[sflag:s24] =	ssyncadd.s32 $0xFFFFE000  }
0x226: {  	[tilespmem:s9], [sflag:$0x3] =	stream.linear.gather [hbm4b:s7+s2], $0x2000, $0x38;
	[tilespmem:$0x12000] =	vst v63  }
0x227: {  	_ =	swait.ge [sflag:s25], $0x2000  }
0x228: {  	s7 =	sld [smem:$0x741]  }
0x229: {  	[sflag:s25] =	ssyncset.done $0x0  }
0x22a: {  	[sflag:s25] =	ssyncadd.s32 $0xFFFFE000  }
0x22b: {  	[hbm4b:s7+s2] =	stream.linear.scatter [tilespmem:s16], [sflag:$0xF], $0x2000, $0x38;
	[tilespmem:$0x12000] =	vst v63  }
0x22c: {  	_ =	swait.ge [sflag:s26], $0x2000  }
0x22d: {  	s7 =	sld [smem:$0x742]  }
0x22e: {  	[sflag:s26] =	ssyncset.done $0x0  }
0x22f: {  	[sflag:s26] =	ssyncadd.s32 $0xFFFFE000  }
0x230: {  	[tilespmem:s10], [sflag:$0x4] =	stream.linear.gather [hbm4b:s7+s2], $0x2000, $0x38;
	[tilespmem:$0x12000] =	vst v63  }
0x231: {  	_ =	swait.ge [sflag:s28], $0x2000  }
0x232: {  	s7 =	sld [smem:$0x743]  }
0x233: {  	[sflag:s28] =	ssyncset.done $0x0  }
0x234: {  	[sflag:s28] =	ssyncadd.s32 $0xFFFFE000  }
0x235: {  	[hbm4b:s7+s2] =	stream.linear.scatter [tilespmem:s18], [sflag:$0x10], $0x2000, $0x38;
	[tilespmem:$0x12000] =	vst v63  }
0x236: {  	_ =	swait.ge [sflag:s29], $0x2000  }
0x237: {  	s7 =	sld [smem:$0x744]  }
0x238: {  	[sflag:s29] =	ssyncset.done $0x0  }
0x239: {  	[sflag:s29] =	ssyncadd.s32 $0xFFFFE000  }
0x23a: {  	[tilespmem:s11], [sflag:$0x5] =	stream.linear.gather [hbm4b:s7+s2], $0x2000, $0x38;
	[tilespmem:$0x12000] =	vst v63  }
0x23b: {  	_ =	swait.ge [sflag:s13], $0x2000  }
0x23c: {  	s7 =	sld [smem:$0x745]  }
0x23d: {  	[sflag:s13] =	ssyncset.done $0x0  }
0x23e: {  	[sflag:s13] =	ssyncadd.s32 $0xFFFFE000  }
0x23f: {  	[hbm4b:s7+s2] =	stream.linear.scatter [tilespmem:s2], [sflag:$0x9], $0x2000, $0x38;
	[tilespmem:$0x12000] =	vst v63  }
0x240: {  	_ =	swait.ge [sflag:s30], $0x2000  }
0x241: {  	s7 =	sld [smem:$0x746]  }
0x242: {  	[sflag:s30] =	ssyncset.done $0x0  }
0x243: {  	[sflag:s30] =	ssyncadd.s32 $0xFFFFE000  }
0x244: {  	[tilespmem:s14], [sflag:$0x6] =	stream.linear.gather [hbm4b:s7+s2], $0x2000, $0x38;
	[tilespmem:$0x12000] =	vst v63  }
0x245: {  	_ =	swait.ge [sflag:s15], $0x2000  }
0x246: {  	s7 =	sld [smem:$0x747]  }
0x247: {  	[sflag:s15] =	ssyncset.done $0x0  }
0x248: {  	[sflag:s15] =	ssyncadd.s32 $0xFFFFE000  }
0x249: {  	[hbm4b:s7+s2] =	stream.linear.scatter [tilespmem:s8], [sflag:$0xA], $0x2000, $0x38;
	[tilespmem:$0x12000] =	vst v63  }
0x24a: {  	_ =	swait.ge [sflag:s31], $0x2000  }
0x24b: {  	s7 =	sld [smem:$0x748]  }
0x24c: {  	[sflag:s31] =	ssyncset.done $0x0  }
0x24d: {  	[sflag:s31] =	ssyncadd.s32 $0xFFFFE000  }
0x24e: {  	[tilespmem:s16], [sflag:$0x7] =	stream.linear.gather [hbm4b:s7+s2], $0x2000, $0x38;
	[tilespmem:$0x12000] =	vst v63  }
0x24f: {  	_ =	swait.ge [sflag:s17], $0x2000  }
0x250: {  	s7 =	sld [smem:$0x749]  }
0x251: {  	[sflag:s17] =	ssyncset.done $0x0  }
0x252: {  	[sflag:s17] =	ssyncadd.s32 $0xFFFFE000  }
0x253: {  	[hbm4b:s7+s2] =	stream.linear.scatter [tilespmem:s9], [sflag:$0xB], $0x2000, $0x38;
	[tilespmem:$0x12000] =	vst v63  }
0x254: {  	_ =	swait.ge [sflag:s1], $0x2000  }
0x255: {  	s7 =	sld [smem:$0x74A]  }
0x256: {  	[sflag:s1] =	ssyncset.done $0x0  }
0x257: {  	[sflag:s1] =	ssyncadd.s32 $0xFFFFE000  }
0x258: {  	[tilespmem:s18], [sflag:$0x8] =	stream.linear.gather [hbm4b:s7+s2], $0x2000, $0x38;
	[tilespmem:$0x12000] =	vst v63  }
0x259: {  	_ =	swait.ge [sflag:s19], $0x2000  }
0x25a: {  	s7 =	sld [smem:$0x74B]  }
0x25b: {  	[sflag:s19] =	ssyncset.done $0x0  }
0x25c: {  	[sflag:s19] =	ssyncadd.s32 $0xFFFFE000  }
0x25d: {  	[hbm4b:s7+s2] =	stream.linear.scatter [tilespmem:s10], [sflag:$0xC], $0x2000, $0x38;
	[tilespmem:$0x12000] =	vst v63  }
0x25e: {  	_ =	swait.ge [sflag:s20], $0x2000  }
0x25f: {  	s7 =	sld [smem:$0x74C]  }
0x260: {  	[sflag:s20] =	ssyncset.done $0x0  }
0x261: {  	[sflag:s20] =	ssyncadd.s32 $0xFFFFE000  }
0x262: {  	[tilespmem:s2], [sflag:$0x1] =	stream.linear.gather [hbm4b:s7+s2], $0x2000, $0x38;
	[tilespmem:$0x12000] =	vst v63  }
0x263: {  	_ =	swait.ge [sflag:s21], $0x2000  }
0x264: {  	s7 =	sld [smem:$0x74D]  }
0x265: {  	[sflag:s21] =	ssyncset.done $0x0  }
0x266: {  	[sflag:s21] =	ssyncadd.s32 $0xFFFFE000  }
0x267: {  	[hbm4b:s7+s2] =	stream.linear.scatter [tilespmem:s11], [sflag:$0xD], $0x2000, $0x38;
	[tilespmem:$0x12000] =	vst v63  }
0x268: {  	_ =	swait.ge [sflag:s22], $0x2000  }
0x269: {  	s7 =	sld [smem:$0x74E]  }
0x26a: {  	[sflag:s22] =	ssyncset.done $0x0  }
0x26b: {  	[sflag:s22] =	ssyncadd.s32 $0xFFFFE000  }
0x26c: {  	[tilespmem:s8], [sflag:$0x2] =	stream.linear.gather [hbm4b:s7+s2], $0x2000, $0x38;
	[tilespmem:$0x12000] =	vst v63  }
0x26d: {  	_ =	swait.ge [sflag:s23], $0x2000  }
0x26e: {  	s7 =	sld [smem:$0x74F]  }
0x26f: {  	[sflag:s23] =	ssyncset.done $0x0  }
0x270: {  	[sflag:s23] =	ssyncadd.s32 $0xFFFFE000  }
0x271: {  	[hbm4b:s7+s2] =	stream.linear.scatter [tilespmem:s14], [sflag:$0xE], $0x2000, $0x38;
	[tilespmem:$0x12000] =	vst v63  }
0x272: {  	_ =	swait.ge [sflag:s24], $0x2000  }
0x273: {  	s7 =	sld [smem:$0x750]  }
0x274: {  	[sflag:s24] =	ssyncset.done $0x0  }
0x275: {  	[sflag:s24] =	ssyncadd.s32 $0xFFFFE000  }
0x276: {  	[tilespmem:s9], [sflag:$0x3] =	stream.linear.gather [hbm4b:s7+s2], $0x2000, $0x38;
	[tilespmem:$0x12000] =	vst v63  }
0x277: {  	_ =	swait.ge [sflag:s25], $0x2000  }
0x278: {  	s7 =	sld [smem:$0x751]  }
0x279: {  	[sflag:s25] =	ssyncset.done $0x0  }
0x27a: {  	[sflag:s25] =	ssyncadd.s32 $0xFFFFE000  }
0x27b: {  	[hbm4b:s7+s2] =	stream.linear.scatter [tilespmem:s16], [sflag:$0xF], $0x2000, $0x38;
	[tilespmem:$0x12000] =	vst v63  }
0x27c: {  	_ =	swait.ge [sflag:s26], $0x2000  }
0x27d: {  	s7 =	sld [smem:$0x752]  }
0x27e: {  	[sflag:s26] =	ssyncset.done $0x0  }
0x27f: {  	[sflag:s26] =	ssyncadd.s32 $0xFFFFE000  }
0x280: {  	[tilespmem:s10], [sflag:$0x4] =	stream.linear.gather [hbm4b:s7+s2], $0x2000, $0x38;
	[tilespmem:$0x12000] =	vst v63  }
0x281: {  	_ =	swait.ge [sflag:s28], $0x2000  }
0x282: {  	s7 =	sld [smem:$0x753]  }
0x283: {  	[sflag:s28] =	ssyncset.done $0x0  }
0x284: {  	[sflag:s28] =	ssyncadd.s32 $0xFFFFE000  }
0x285: {  	[hbm4b:s7+s2] =	stream.linear.scatter [tilespmem:s18], [sflag:$0x10], $0x2000, $0x38;
	[tilespmem:$0x12000] =	vst v63  }
0x286: {  	_ =	swait.ge [sflag:s29], $0x2000  }
0x287: {  	s7 =	sld [smem:$0x754]  }
0x288: {  	[sflag:s29] =	ssyncset.done $0x0  }
0x289: {  	[sflag:s29] =	ssyncadd.s32 $0xFFFFE000  }
0x28a: {  	[tilespmem:s11], [sflag:$0x5] =	stream.linear.gather [hbm4b:s7+s2], $0x2000, $0x38;
	[tilespmem:$0x12000] =	vst v63  }
0x28b: {  	_ =	swait.ge [sflag:s13], $0x2000  }
0x28c: {  	s7 =	sld [smem:$0x755]  }
0x28d: {  	[sflag:s13] =	ssyncset.done $0x0  }
0x28e: {  	[sflag:s13] =	ssyncadd.s32 $0xFFFFE000  }
0x28f: {  	[hbm4b:s7+s2] =	stream.linear.scatter [tilespmem:s2], [sflag:$0x9], $0x2000, $0x38;
	[tilespmem:$0x12000] =	vst v63  }
0x290: {  	_ =	swait.ge [sflag:s30], $0x2000  }
0x291: {  	s7 =	sld [smem:$0x756]  }
0x292: {  	[sflag:s30] =	ssyncset.done $0x0  }
0x293: {  	[sflag:s30] =	ssyncadd.s32 $0xFFFFE000  }
0x294: {  	[tilespmem:s14], [sflag:$0x6] =	stream.linear.gather [hbm4b:s7+s2], $0x2000, $0x38;
	[tilespmem:$0x12000] =	vst v63  }
0x295: {  	_ =	swait.ge [sflag:s15], $0x2000  }
0x296: {  	s7 =	sld [smem:$0x757]  }
0x297: {  	[sflag:s15] =	ssyncset.done $0x0  }
0x298: {  	[sflag:s15] =	ssyncadd.s32 $0xFFFFE000  }
0x299: {  	[hbm4b:s7+s2] =	stream.linear.scatter [tilespmem:s8], [sflag:$0xA], $0x2000, $0x38;
	[tilespmem:$0x12000] =	vst v63  }
0x29a: {  	_ =	swait.ge [sflag:s31], $0x2000  }
0x29b: {  	s7 =	sld [smem:$0x758]  }
0x29c: {  	[sflag:s31] =	ssyncset.done $0x0  }
0x29d: {  	[sflag:s31] =	ssyncadd.s32 $0xFFFFE000  }
0x29e: {  	[tilespmem:s16], [sflag:$0x7] =	stream.linear.gather [hbm4b:s7+s2], $0x2000, $0x38;
	[tilespmem:$0x12000] =	vst v63  }
0x29f: {  	_ =	swait.ge [sflag:s17], $0x2000  }
0x2a0: {  	s7 =	sld [smem:$0x759]  }
0x2a1: {  	[sflag:s17] =	ssyncset.done $0x0  }
0x2a2: {  	[sflag:s17] =	ssyncadd.s32 $0xFFFFE000  }
0x2a3: {  	[hbm4b:s7+s2] =	stream.linear.scatter [tilespmem:s9], [sflag:$0xB], $0x2000, $0x38;
	[tilespmem:$0x12000] =	vst v63  }
0x2a4: {  	_ =	swait.ge [sflag:s1], $0x2000  }
0x2a5: {  	s7 =	sld [smem:$0x75A]  }
0x2a6: {  	[sflag:s1] =	ssyncset.done $0x0  }
0x2a7: {  	[sflag:s1] =	ssyncadd.s32 $0xFFFFE000  }
0x2a8: {  	[tilespmem:s18], [sflag:$0x8] =	stream.linear.gather [hbm4b:s7+s2], $0x2000, $0x38;
	[tilespmem:$0x12000] =	vst v63  }
0x2a9: {  	_ =	swait.ge [sflag:s19], $0x2000  }
0x2aa: {  	s7 =	sld [smem:$0x75B]  }
0x2ab: {  	[sflag:s19] =	ssyncset.done $0x0  }
0x2ac: {  	[sflag:s19] =	ssyncadd.s32 $0xFFFFE000  }
0x2ad: {  	[hbm4b:s7+s2] =	stream.linear.scatter [tilespmem:s10], [sflag:$0xC], $0x2000, $0x38;
	[tilespmem:$0x12000] =	vst v63  }
0x2ae: {  	_ =	swait.ge [sflag:s20], $0x2000  }
0x2af: {  	s7 =	sld [smem:$0x75C]  }
0x2b0: {  	[sflag:s20] =	ssyncset.done $0x0  }
0x2b1: {  	[sflag:s20] =	ssyncadd.s32 $0xFFFFE000  }
0x2b2: {  	[tilespmem:s2], [sflag:$0x1] =	stream.linear.gather [hbm4b:s7+s2], $0x2000, $0x38;
	[tilespmem:$0x12000] =	vst v63  }
0x2b3: {  	_ =	swait.ge [sflag:s21], $0x2000  }
0x2b4: {  	s7 =	sld [smem:$0x75D]  }
0x2b5: {  	[sflag:s21] =	ssyncset.done $0x0  }
0x2b6: {  	[sflag:s21] =	ssyncadd.s32 $0xFFFFE000  }
0x2b7: {  	[hbm4b:s7+s2] =	stream.linear.scatter [tilespmem:s11], [sflag:$0xD], $0x2000, $0x38;
	[tilespmem:$0x12000] =	vst v63  }
0x2b8: {  	_ =	swait.ge [sflag:s22], $0x2000  }
0x2b9: {  	s7 =	sld [smem:$0x75E]  }
0x2ba: {  	[sflag:s22] =	ssyncset.done $0x0  }
0x2bb: {  	[sflag:s22] =	ssyncadd.s32 $0xFFFFE000  }
0x2bc: {  	[tilespmem:s8], [sflag:$0x2] =	stream.linear.gather [hbm4b:s7+s2], $0x2000, $0x38;
	[tilespmem:$0x12000] =	vst v63  }
0x2bd: {  	_ =	swait.ge [sflag:s23], $0x2000  }
0x2be: {  	s7 =	sld [smem:$0x75F]  }
0x2bf: {  	[sflag:s23] =	ssyncset.done $0x0  }
0x2c0: {  	[sflag:s23] =	ssyncadd.s32 $0xFFFFE000  }
0x2c1: {  	[hbm4b:s7+s2] =	stream.linear.scatter [tilespmem:s14], [sflag:$0xE], $0x2000, $0x38;
	[tilespmem:$0x12000] =	vst v63  }
0x2c2: {  	_ =	swait.ge [sflag:s24], $0x2000  }
0x2c3: {  	s7 =	sld [smem:$0x760]  }
0x2c4: {  	[sflag:s24] =	ssyncset.done $0x0  }
0x2c5: {  	[sflag:s24] =	ssyncadd.s32 $0xFFFFE000  }
0x2c6: {  	[tilespmem:s9], [sflag:$0x3] =	stream.linear.gather [hbm4b:s7+s2], $0x2000, $0x38;
	[tilespmem:$0x12000] =	vst v63  }
0x2c7: {  	_ =	swait.ge [sflag:s25], $0x2000  }
0x2c8: {  	s7 =	sld [smem:$0x761]  }
0x2c9: {  	[sflag:s25] =	ssyncset.done $0x0  }
0x2ca: {  	[sflag:s25] =	ssyncadd.s32 $0xFFFFE000  }
0x2cb: {  	[hbm4b:s7+s2] =	stream.linear.scatter [tilespmem:s16], [sflag:$0xF], $0x2000, $0x38;
	[tilespmem:$0x12000] =	vst v63  }
0x2cc: {  	_ =	swait.ge [sflag:s26], $0x2000  }
0x2cd: {  	s7 =	sld [smem:$0x762]  }
0x2ce: {  	[sflag:s26] =	ssyncset.done $0x0  }
0x2cf: {  	[sflag:s26] =	ssyncadd.s32 $0xFFFFE000  }
0x2d0: {  	[tilespmem:s10], [sflag:$0x4] =	stream.linear.gather [hbm4b:s7+s2], $0x2000, $0x38;
	[tilespmem:$0x12000] =	vst v63  }
0x2d1: {  	_ =	swait.ge [sflag:s28], $0x2000  }
0x2d2: {  	s7 =	sld [smem:$0x763]  }
0x2d3: {  	[sflag:s28] =	ssyncset.done $0x0  }
0x2d4: {  	[sflag:s28] =	ssyncadd.s32 $0xFFFFE000  }
0x2d5: {  	[hbm4b:s7+s2] =	stream.linear.scatter [tilespmem:s18], [sflag:$0x10], $0x2000, $0x38;
	[tilespmem:$0x12000] =	vst v63  }
0x2d6: {  	_ =	swait.ge [sflag:s29], $0x2000  }
0x2d7: {  	s7 =	sld [smem:$0x764]  }
0x2d8: {  	[sflag:s29] =	ssyncset.done $0x0  }
0x2d9: {  	[sflag:s29] =	ssyncadd.s32 $0xFFFFE000  }
0x2da: {  	[tilespmem:s11], [sflag:$0x5] =	stream.linear.gather [hbm4b:s7+s2], $0x2000, $0x38;
	[tilespmem:$0x12000] =	vst v63  }
0x2db: {  	_ =	swait.ge [sflag:s13], $0x2000  }
0x2dc: {  	s7 =	sld [smem:$0x765]  }
0x2dd: {  	[sflag:s13] =	ssyncset.done $0x0  }
0x2de: {  	[sflag:s13] =	ssyncadd.s32 $0xFFFFE000  }
0x2df: {  	[hbm4b:s7+s2] =	stream.linear.scatter [tilespmem:s2], [sflag:$0x9], $0x2000, $0x38;
	[tilespmem:$0x12000] =	vst v63  }
0x2e0: {  	_ =	swait.ge [sflag:s30], $0x2000  }
0x2e1: {  	s7 =	sld [smem:$0x766]  }
0x2e2: {  	[sflag:s30] =	ssyncset.done $0x0  }
0x2e3: {  	[sflag:s30] =	ssyncadd.s32 $0xFFFFE000  }
0x2e4: {  	[tilespmem:s14], [sflag:$0x6] =	stream.linear.gather [hbm4b:s7+s2], $0x2000, $0x38;
	[tilespmem:$0x12000] =	vst v63  }
0x2e5: {  	_ =	swait.ge [sflag:s15], $0x2000  }
0x2e6: {  	s7 =	sld [smem:$0x767]  }
0x2e7: {  	[sflag:s15] =	ssyncset.done $0x0  }
0x2e8: {  	[sflag:s15] =	ssyncadd.s32 $0xFFFFE000  }
0x2e9: {  	[hbm4b:s7+s2] =	stream.linear.scatter [tilespmem:s8], [sflag:$0xA], $0x2000, $0x38;
	[tilespmem:$0x12000] =	vst v63  }
0x2ea: {  	_ =	swait.ge [sflag:s31], $0x2000  }
0x2eb: {  	s7 =	sld [smem:$0x768]  }
0x2ec: {  	[sflag:s31] =	ssyncset.done $0x0  }
0x2ed: {  	[sflag:s31] =	ssyncadd.s32 $0xFFFFE000  }
0x2ee: {  	[tilespmem:s16], [sflag:$0x7] =	stream.linear.gather [hbm4b:s7+s2], $0x2000, $0x38;
	[tilespmem:$0x12000] =	vst v63  }
0x2ef: {  	_ =	swait.ge [sflag:s17], $0x2000  }
0x2f0: {  	s7 =	sld [smem:$0x769]  }
0x2f1: {  	[sflag:s17] =	ssyncset.done $0x0  }
0x2f2: {  	[sflag:s17] =	ssyncadd.s32 $0xFFFFE000  }
0x2f3: {  	[hbm4b:s7+s2] =	stream.linear.scatter [tilespmem:s9], [sflag:$0xB], $0x2000, $0x38;
	[tilespmem:$0x12000] =	vst v63  }
0x2f4: {  	_ =	swait.ge [sflag:s1], $0x2000  }
0x2f5: {  	s7 =	sld [smem:$0x76A]  }
0x2f6: {  	[sflag:s1] =	ssyncset.done $0x0  }
0x2f7: {  	[sflag:s1] =	ssyncadd.s32 $0xFFFFE000  }
0x2f8: {  	[tilespmem:s18], [sflag:$0x8] =	stream.linear.gather [hbm4b:s7+s2], $0x2000, $0x38;
	[tilespmem:$0x12000] =	vst v63  }
0x2f9: {  	_ =	swait.ge [sflag:s19], $0x2000  }
0x2fa: {  	s7 =	sld [smem:$0x76B]  }
0x2fb: {  	[sflag:s19] =	ssyncset.done $0x0  }
0x2fc: {  	[sflag:s19] =	ssyncadd.s32 $0xFFFFE000  }
0x2fd: {  	[hbm4b:s7+s2] =	stream.linear.scatter [tilespmem:s10], [sflag:$0xC], $0x2000, $0x38;
	[tilespmem:$0x12000] =	vst v63  }
0x2fe: {  	_ =	swait.ge [sflag:s20], $0x2000  }
0x2ff: {  	s7 =	sld [smem:$0x76C]  }
0x300: {  	[sflag:s20] =	ssyncset.done $0x0  }
0x301: {  	[sflag:s20] =	ssyncadd.s32 $0xFFFFE000  }
0x302: {  	[tilespmem:s2], [sflag:$0x1] =	stream.linear.gather [hbm4b:s7+s2], $0x2000, $0x38;
	[tilespmem:$0x12000] =	vst v63  }
0x303: {  	_ =	swait.ge [sflag:s21], $0x2000  }
0x304: {  	s7 =	sld [smem:$0x76D]  }
0x305: {  	[sflag:s21] =	ssyncset.done $0x0  }
0x306: {  	[sflag:s21] =	ssyncadd.s32 $0xFFFFE000  }
0x307: {  	[hbm4b:s7+s2] =	stream.linear.scatter [tilespmem:s11], [sflag:$0xD], $0x2000, $0x38;
	[tilespmem:$0x12000] =	vst v63  }
0x308: {  	_ =	swait.ge [sflag:s22], $0x2000  }
0x309: {  	s7 =	sld [smem:$0x76E]  }
0x30a: {  	[sflag:s22] =	ssyncset.done $0x0  }
0x30b: {  	[sflag:s22] =	ssyncadd.s32 $0xFFFFE000  }
0x30c: {  	[tilespmem:s8], [sflag:$0x2] =	stream.linear.gather [hbm4b:s7+s2], $0x2000, $0x38;
	[tilespmem:$0x12000] =	vst v63  }
0x30d: {  	_ =	swait.ge [sflag:s23], $0x2000  }
0x30e: {  	s7 =	sld [smem:$0x76F]  }
0x30f: {  	[sflag:s23] =	ssyncset.done $0x0  }
0x310: {  	[sflag:s23] =	ssyncadd.s32 $0xFFFFE000  }
0x311: {  	[hbm4b:s7+s2] =	stream.linear.scatter [tilespmem:s14], [sflag:$0xE], $0x2000, $0x38;
	[tilespmem:$0x12000] =	vst v63  }
0x312: {  	_ =	swait.ge [sflag:s24], $0x2000  }
0x313: {  	s7 =	sld [smem:$0x770]  }
0x314: {  	[sflag:s24] =	ssyncset.done $0x0  }
0x315: {  	[sflag:s24] =	ssyncadd.s32 $0xFFFFE000  }
0x316: {  	[tilespmem:s9], [sflag:$0x3] =	stream.linear.gather [hbm4b:s7+s2], $0x2000, $0x38;
	[tilespmem:$0x12000] =	vst v63  }
0x317: {  	_ =	swait.ge [sflag:s25], $0x2000  }
0x318: {  	s7 =	sld [smem:$0x771]  }
0x319: {  	[sflag:s25] =	ssyncset.done $0x0  }
0x31a: {  	[sflag:s25] =	ssyncadd.s32 $0xFFFFE000  }
0x31b: {  	[hbm4b:s7+s2] =	stream.linear.scatter [tilespmem:s16], [sflag:$0xF], $0x2000, $0x38;
	[tilespmem:$0x12000] =	vst v63  }
0x31c: {  	_ =	swait.ge [sflag:s26], $0x2000  }
0x31d: {  	s7 =	sld [smem:$0x772]  }
0x31e: {  	[sflag:s26] =	ssyncset.done $0x0  }
0x31f: {  	[sflag:s26] =	ssyncadd.s32 $0xFFFFE000  }
0x320: {  	[tilespmem:s10], [sflag:$0x4] =	stream.linear.gather [hbm4b:s7+s2], $0x2000, $0x38;
	[tilespmem:$0x12000] =	vst v63  }
0x321: {  	_ =	swait.ge [sflag:s28], $0x2000  }
0x322: {  	s7 =	sld [smem:$0x773]  }
0x323: {  	[sflag:s28] =	ssyncset.done $0x0  }
0x324: {  	[sflag:s28] =	ssyncadd.s32 $0xFFFFE000  }
0x325: {  	[hbm4b:s7+s2] =	stream.linear.scatter [tilespmem:s18], [sflag:$0x10], $0x2000, $0x38;
	[tilespmem:$0x12000] =	vst v63  }
0x326: {  	_ =	swait.ge [sflag:s29], $0x2000  }
0x327: {  	s7 =	sld [smem:$0x774]  }
0x328: {  	[sflag:s29] =	ssyncset.done $0x0  }
0x329: {  	[sflag:s29] =	ssyncadd.s32 $0xFFFFE000  }
0x32a: {  	[tilespmem:s11], [sflag:$0x5] =	stream.linear.gather [hbm4b:s7+s2], $0x2000, $0x38;
	[tilespmem:$0x12000] =	vst v63  }
0x32b: {  	_ =	swait.ge [sflag:s13], $0x2000  }
0x32c: {  	s7 =	sld [smem:$0x775]  }
0x32d: {  	[sflag:s13] =	ssyncset.done $0x0  }
0x32e: {  	[sflag:s13] =	ssyncadd.s32 $0xFFFFE000  }
0x32f: {  	[hbm4b:s7+s2] =	stream.linear.scatter [tilespmem:s2], [sflag:$0x9], $0x2000, $0x38;
	[tilespmem:$0x12000] =	vst v63  }
0x330: {  	_ =	swait.ge [sflag:s30], $0x2000  }
0x331: {  	s7 =	sld [smem:$0x776]  }
0x332: {  	[sflag:s30] =	ssyncset.done $0x0  }
0x333: {  	[sflag:s30] =	ssyncadd.s32 $0xFFFFE000  }
0x334: {  	[tilespmem:s14], [sflag:$0x6] =	stream.linear.gather [hbm4b:s7+s2], $0x2000, $0x38;
	[tilespmem:$0x12000] =	vst v63  }
0x335: {  	_ =	swait.ge [sflag:s15], $0x2000  }
0x336: {  	s7 =	sld [smem:$0x777]  }
0x337: {  	[sflag:s15] =	ssyncset.done $0x0  }
0x338: {  	[sflag:s15] =	ssyncadd.s32 $0xFFFFE000  }
0x339: {  	[hbm4b:s7+s2] =	stream.linear.scatter [tilespmem:s8], [sflag:$0xA], $0x2000, $0x38;
	[tilespmem:$0x12000] =	vst v63  }
0x33a: {  	_ =	swait.ge [sflag:s31], $0x2000  }
0x33b: {  	s7 =	sld [smem:$0x778]  }
0x33c: {  	[sflag:s31] =	ssyncset.done $0x0  }
0x33d: {  	[sflag:s31] =	ssyncadd.s32 $0xFFFFE000  }
0x33e: {  	[tilespmem:s16], [sflag:$0x7] =	stream.linear.gather [hbm4b:s7+s2], $0x2000, $0x38;
	[tilespmem:$0x12000] =	vst v63  }
0x33f: {  	_ =	swait.ge [sflag:s17], $0x2000  }
0x340: {  	s7 =	sld [smem:$0x779]  }
0x341: {  	[sflag:s17] =	ssyncset.done $0x0  }
0x342: {  	[sflag:s17] =	ssyncadd.s32 $0xFFFFE000  }
0x343: {  	[hbm4b:s7+s2] =	stream.linear.scatter [tilespmem:s9], [sflag:$0xB], $0x2000, $0x38;
	[tilespmem:$0x12000] =	vst v63  }
0x344: {  	_ =	swait.ge [sflag:s1], $0x2000  }
0x345: {  	s7 =	sld [smem:$0x77A]  }
0x346: {  	[sflag:s1] =	ssyncset.done $0x0  }
0x347: {  	[sflag:s1] =	ssyncadd.s32 $0xFFFFE000  }
0x348: {  	[tilespmem:s18], [sflag:$0x8] =	stream.linear.gather [hbm4b:s7+s2], $0x2000, $0x38;
	[tilespmem:$0x12000] =	vst v63  }
0x349: {  	_ =	swait.ge [sflag:s19], $0x2000  }
0x34a: {  	s7 =	sld [smem:$0x77B]  }
0x34b: {  	[sflag:s19] =	ssyncset.done $0x0  }
0x34c: {  	[sflag:s19] =	ssyncadd.s32 $0xFFFFE000  }
0x34d: {  	[hbm4b:s7+s2] =	stream.linear.scatter [tilespmem:s10], [sflag:$0xC], $0x2000, $0x38;
	[tilespmem:$0x12000] =	vst v63  }
0x34e: {  	_ =	swait.ge [sflag:s20], $0x2000  }
0x34f: {  	s7 =	sld [smem:$0x77C]  }
0x350: {  	[sflag:s20] =	ssyncset.done $0x0  }
0x351: {  	[sflag:s20] =	ssyncadd.s32 $0xFFFFE000  }
0x352: {  	[tilespmem:s2], [sflag:$0x1] =	stream.linear.gather [hbm4b:s7+s2], $0x2000, $0x38;
	[tilespmem:$0x12000] =	vst v63  }
0x353: {  	_ =	swait.ge [sflag:s21], $0x2000  }
0x354: {  	s7 =	sld [smem:$0x77D]  }
0x355: {  	[sflag:s21] =	ssyncset.done $0x0  }
0x356: {  	[sflag:s21] =	ssyncadd.s32 $0xFFFFE000  }
0x357: {  	[hbm4b:s7+s2] =	stream.linear.scatter [tilespmem:s11], [sflag:$0xD], $0x2000, $0x38;
	[tilespmem:$0x12000] =	vst v63  }
0x358: {  	_ =	swait.ge [sflag:s22], $0x2000  }
0x359: {  	s7 =	sld [smem:$0x77E]  }
0x35a: {  	[sflag:s22] =	ssyncset.done $0x0  }
0x35b: {  	[sflag:s22] =	ssyncadd.s32 $0xFFFFE000  }
0x35c: {  	[tilespmem:s8], [sflag:$0x2] =	stream.linear.gather [hbm4b:s7+s2], $0x2000, $0x38;
	[tilespmem:$0x12000] =	vst v63  }
0x35d: {  	_ =	swait.ge [sflag:s23], $0x2000  }
0x35e: {  	s7 =	sld [smem:$0x77F]  }
0x35f: {  	[sflag:s23] =	ssyncset.done $0x0  }
0x360: {  	[sflag:s23] =	ssyncadd.s32 $0xFFFFE000  }
0x361: {  	[hbm4b:s7+s2] =	stream.linear.scatter [tilespmem:s14], [sflag:$0xE], $0x2000, $0x38;
	[tilespmem:$0x12000] =	vst v63  }
0x362: {  	_ =	swait.ge [sflag:s24], $0x2000  }
0x363: {  	s7 =	sld [smem:$0x780]  }
0x364: {  	[sflag:s24] =	ssyncset.done $0x0  }
0x365: {  	[sflag:s24] =	ssyncadd.s32 $0xFFFFE000  }
0x366: {  	[tilespmem:s9], [sflag:$0x3] =	stream.linear.gather [hbm4b:s7+s2], $0x2000, $0x38;
	[tilespmem:$0x12000] =	vst v63  }
0x367: {  	_ =	swait.ge [sflag:s25], $0x2000  }
0x368: {  	s7 =	sld [smem:$0x781]  }
0x369: {  	[sflag:s25] =	ssyncset.done $0x0  }
0x36a: {  	[sflag:s25] =	ssyncadd.s32 $0xFFFFE000  }
0x36b: {  	[hbm4b:s7+s2] =	stream.linear.scatter [tilespmem:s16], [sflag:$0xF], $0x2000, $0x38;
	[tilespmem:$0x12000] =	vst v63  }
0x36c: {  	_ =	swait.ge [sflag:s26], $0x2000  }
0x36d: {  	s7 =	sld [smem:$0x782]  }
0x36e: {  	[sflag:s26] =	ssyncset.done $0x0  }
0x36f: {  	[sflag:s26] =	ssyncadd.s32 $0xFFFFE000  }
0x370: {  	[tilespmem:s10], [sflag:$0x4] =	stream.linear.gather [hbm4b:s7+s2], $0x2000, $0x38;
	[tilespmem:$0x12000] =	vst v63  }
0x371: {  	_ =	swait.ge [sflag:s28], $0x2000  }
0x372: {  	s7 =	sld [smem:$0x783]  }
0x373: {  	[sflag:s28] =	ssyncset.done $0x0  }
0x374: {  	[sflag:s28] =	ssyncadd.s32 $0xFFFFE000  }
0x375: {  	[hbm4b:s7+s2] =	stream.linear.scatter [tilespmem:s18], [sflag:$0x10], $0x2000, $0x38;
	[tilespmem:$0x12000] =	vst v63  }
0x376: {  	_ =	swait.ge [sflag:s29], $0x2000  }
0x377: {  	s7 =	sld [smem:$0x784]  }
0x378: {  	[sflag:s29] =	ssyncset.done $0x0  }
0x379: {  	[sflag:s29] =	ssyncadd.s32 $0xFFFFE000  }
0x37a: {  	[tilespmem:s11], [sflag:$0x5] =	stream.linear.gather [hbm4b:s7+s2], $0x2000, $0x38;
	[tilespmem:$0x12000] =	vst v63  }
0x37b: {  	_ =	swait.ge [sflag:s13], $0x2000  }
0x37c: {  	s7 =	sld [smem:$0x785]  }
0x37d: {  	[sflag:s13] =	ssyncset.done $0x0  }
0x37e: {  	[sflag:s13] =	ssyncadd.s32 $0xFFFFE000  }
0x37f: {  	[hbm4b:s7+s2] =	stream.linear.scatter [tilespmem:s2], [sflag:$0x9], $0x2000, $0x38;
	[tilespmem:$0x12000] =	vst v63  }
0x380: {  	_ =	swait.ge [sflag:s30], $0x2000  }
0x381: {  	[sflag:s30] =	ssyncset.done $0x0  }
0x382: {  	[sflag:s30] =	ssyncadd.s32 $0xFFFFE000  }
0x383: {  	s7 =	sld [smem:$0x786];
	_ =	sdelay $0x2  }
0x384: {  	[tilespmem:s14], [sflag:$0x6] =	stream.linear.gather [hbm4b:s7+s2], $0x2000, $0x38;
	[tilespmem:$0x12000] =	vst v63  }
0x385: {  	_ =	swait.ge [sflag:s15], $0x2000  }
0x386: {  	s7 =	sld [smem:$0x787]  }
0x387: {  	[sflag:s15] =	ssyncset.done $0x0  }
0x388: {  	[sflag:s15] =	ssyncadd.s32 $0xFFFFE000  }
0x389: {  	[hbm4b:s7+s2] =	stream.linear.scatter [tilespmem:s8], [sflag:$0xA], $0x2000, $0x38;
	[tilespmem:$0x12000] =	vst v63  }
0x38a: {  	_ =	swait.ge [sflag:s31], $0x2000  }
0x38b: {  	s7 =	sld [smem:$0x788]  }
0x38c: {  	[sflag:s31] =	ssyncset.done $0x0  }
0x38d: {  	[sflag:s31] =	ssyncadd.s32 $0xFFFFE000  }
0x38e: {  	[tilespmem:s16], [sflag:$0x7] =	stream.linear.gather [hbm4b:s7+s2], $0x2000, $0x38;
	[tilespmem:$0x12000] =	vst v63  }
0x38f: {  	_ =	swait.ge [sflag:s17], $0x2000  }
0x390: {  	s7 =	sld [smem:$0x789]  }
0x391: {  	[sflag:s17] =	ssyncset.done $0x0  }
0x392: {  	[sflag:s17] =	ssyncadd.s32 $0xFFFFE000  }
0x393: {  	[hbm4b:s7+s2] =	stream.linear.scatter [tilespmem:s9], [sflag:$0xB], $0x2000, $0x38;
	[tilespmem:$0x12000] =	vst v63  }
0x394: {  	_ =	swait.ge [sflag:s1], $0x2000  }
0x395: {  	s7 =	sld [smem:$0x78A]  }
0x396: {  	[sflag:s1] =	ssyncset.done $0x0  }
0x397: {  	[sflag:s1] =	ssyncadd.s32 $0xFFFFE000  }
0x398: {  	[tilespmem:s18], [sflag:$0x8] =	stream.linear.gather [hbm4b:s7+s2], $0x2000, $0x38;
	[tilespmem:$0x12000] =	vst v63  }
0x399: {  	_ =	swait.ge [sflag:s19], $0x2000  }
0x39a: {  	s7 =	sld [smem:$0x78B]  }
0x39b: {  	[sflag:s19] =	ssyncset.done $0x0  }
0x39c: {  	[sflag:s19] =	ssyncadd.s32 $0xFFFFE000  }
0x39d: {  	[hbm4b:s7+s2] =	stream.linear.scatter [tilespmem:s10], [sflag:$0xC], $0x2000, $0x38;
	[tilespmem:$0x12000] =	vst v63  }
0x39e: {  	_ =	swait.ge [sflag:s20], $0x2000  }
0x39f: {  	s7 =	sld [smem:$0x78C]  }
0x3a0: {  	[sflag:s20] =	ssyncset.done $0x0  }
0x3a1: {  	[sflag:s20] =	ssyncadd.s32 $0xFFFFE000  }
0x3a2: {  	[tilespmem:s2], [sflag:$0x1] =	stream.linear.gather [hbm4b:s7+s2], $0x2000, $0x38;
	[tilespmem:$0x12000] =	vst v63  }
0x3a3: {  	_ =	swait.ge [sflag:s21], $0x2000  }
0x3a4: {  	s7 =	sld [smem:$0x78D]  }
0x3a5: {  	[sflag:s21] =	ssyncset.done $0x0  }
0x3a6: {  	[sflag:s21] =	ssyncadd.s32 $0xFFFFE000  }
0x3a7: {  	[hbm4b:s7+s2] =	stream.linear.scatter [tilespmem:s11], [sflag:$0xD], $0x2000, $0x38;
	[tilespmem:$0x12000] =	vst v63  }
0x3a8: {  	_ =	swait.ge [sflag:s22], $0x2000  }
0x3a9: {  	s7 =	sld [smem:$0x78E]  }
0x3aa: {  	[sflag:s22] =	ssyncset.done $0x0  }
0x3ab: {  	[sflag:s22] =	ssyncadd.s32 $0xFFFFE000  }
0x3ac: {  	[tilespmem:s8], [sflag:$0x2] =	stream.linear.gather [hbm4b:s7+s2], $0x2000, $0x38;
	[tilespmem:$0x12000] =	vst v63  }
0x3ad: {  	_ =	swait.ge [sflag:s23], $0x2000  }
0x3ae: {  	s7 =	sld [smem:$0x78F]  }
0x3af: {  	[sflag:s23] =	ssyncset.done $0x0  }
0x3b0: {  	[sflag:s23] =	ssyncadd.s32 $0xFFFFE000  }
0x3b1: {  	[hbm4b:s7+s2] =	stream.linear.scatter [tilespmem:s14], [sflag:$0xE], $0x2000, $0x38;
	[tilespmem:$0x12000] =	vst v63  }
0x3b2: {  	_ =	swait.ge [sflag:s24], $0x2000  }
0x3b3: {  	s7 =	sld [smem:$0x790]  }
0x3b4: {  	[sflag:s24] =	ssyncset.done $0x0  }
0x3b5: {  	[sflag:s24] =	ssyncadd.s32 $0xFFFFE000  }
0x3b6: {  	[tilespmem:s9], [sflag:$0x3] =	stream.linear.gather [hbm4b:s7+s2], $0x2000, $0x38;
	[tilespmem:$0x12000] =	vst v63  }
0x3b7: {  	_ =	swait.ge [sflag:s25], $0x2000  }
0x3b8: {  	s7 =	sld [smem:$0x791]  }
0x3b9: {  	[sflag:s25] =	ssyncset.done $0x0  }
0x3ba: {  	[sflag:s25] =	ssyncadd.s32 $0xFFFFE000  }
0x3bb: {  	[hbm4b:s7+s2] =	stream.linear.scatter [tilespmem:s16], [sflag:$0xF], $0x2000, $0x38;
	[tilespmem:$0x12000] =	vst v63  }
0x3bc: {  	_ =	swait.ge [sflag:s26], $0x2000  }
0x3bd: {  	s7 =	sld [smem:$0x792]  }
0x3be: {  	[sflag:s26] =	ssyncset.done $0x0  }
0x3bf: {  	[sflag:s26] =	ssyncadd.s32 $0xFFFFE000  }
0x3c0: {  	[tilespmem:s10], [sflag:$0x4] =	stream.linear.gather [hbm4b:s7+s2], $0x2000, $0x38;
	[tilespmem:$0x12000] =	vst v63  }
0x3c1: {  	_ =	swait.ge [sflag:s28], $0x2000  }
0x3c2: {  	s7 =	sld [smem:$0x793]  }
0x3c3: {  	[sflag:s28] =	ssyncset.done $0x0  }
0x3c4: {  	[sflag:s28] =	ssyncadd.s32 $0xFFFFE000  }
0x3c5: {  	[hbm4b:s7+s2] =	stream.linear.scatter [tilespmem:s18], [sflag:$0x10], $0x2000, $0x38;
	[tilespmem:$0x12000] =	vst v63  }
0x3c6: {  	_ =	swait.ge [sflag:s29], $0x2000  }
0x3c7: {  	s7 =	sld [smem:$0x794]  }
0x3c8: {  	[sflag:s29] =	ssyncset.done $0x0  }
0x3c9: {  	[sflag:s29] =	ssyncadd.s32 $0xFFFFE000  }
0x3ca: {  	[tilespmem:s11], [sflag:$0x5] =	stream.linear.gather [hbm4b:s7+s2], $0x2000, $0x38;
	[tilespmem:$0x12000] =	vst v63  }
0x3cb: {  	_ =	swait.ge [sflag:s13], $0x2000  }
0x3cc: {  	s7 =	sld [smem:$0x795]  }
0x3cd: {  	[sflag:s13] =	ssyncset.done $0x0  }
0x3ce: {  	[sflag:s13] =	ssyncadd.s32 $0xFFFFE000  }
0x3cf: {  	[hbm4b:s7+s2] =	stream.linear.scatter [tilespmem:s2], [sflag:$0x9], $0x2000, $0x38;
	[tilespmem:$0x12000] =	vst v63  }
0x3d0: {  	_ =	swait.ge [sflag:s30], $0x2000  }
0x3d1: {  	s7 =	sld [smem:$0x796]  }
0x3d2: {  	[sflag:s30] =	ssyncset.done $0x0  }
0x3d3: {  	[sflag:s30] =	ssyncadd.s32 $0xFFFFE000  }
0x3d4: {  	[tilespmem:s14], [sflag:$0x6] =	stream.linear.gather [hbm4b:s7+s2], $0x2000, $0x38;
	[tilespmem:$0x12000] =	vst v63  }
0x3d5: {  	_ =	swait.ge [sflag:s15], $0x2000  }
0x3d6: {  	s7 =	sld [smem:$0x797]  }
0x3d7: {  	[sflag:s15] =	ssyncset.done $0x0  }
0x3d8: {  	[sflag:s15] =	ssyncadd.s32 $0xFFFFE000  }
0x3d9: {  	[hbm4b:s7+s2] =	stream.linear.scatter [tilespmem:s8], [sflag:$0xA], $0x2000, $0x38;
	[tilespmem:$0x12000] =	vst v63  }
0x3da: {  	_ =	swait.ge [sflag:s31], $0x2000  }
0x3db: {  	s7 =	sld [smem:$0x798]  }
0x3dc: {  	[sflag:s31] =	ssyncset.done $0x0  }
0x3dd: {  	[sflag:s31] =	ssyncadd.s32 $0xFFFFE000  }
0x3de: {  	[tilespmem:s16], [sflag:$0x7] =	stream.linear.gather [hbm4b:s7+s2], $0x2000, $0x38;
	[tilespmem:$0x12000] =	vst v63  }
0x3df: {  	_ =	swait.ge [sflag:s17], $0x2000  }
0x3e0: {  	s7 =	sld [smem:$0x799]  }
0x3e1: {  	[sflag:s17] =	ssyncset.done $0x0  }
0x3e2: {  	[sflag:s17] =	ssyncadd.s32 $0xFFFFE000  }
0x3e3: {  	[hbm4b:s7+s2] =	stream.linear.scatter [tilespmem:s9], [sflag:$0xB], $0x2000, $0x38;
	[tilespmem:$0x12000] =	vst v63  }
0x3e4: {  	_ =	swait.ge [sflag:s1], $0x2000  }
0x3e5: {  	s7 =	sld [smem:$0x79A]  }
0x3e6: {  	[sflag:s1] =	ssyncset.done $0x0  }
0x3e7: {  	[sflag:s1] =	ssyncadd.s32 $0xFFFFE000  }
0x3e8: {  	[tilespmem:s18], [sflag:$0x8] =	stream.linear.gather [hbm4b:s7+s2], $0x2000, $0x38;
	[tilespmem:$0x12000] =	vst v63  }
0x3e9: {  	_ =	swait.ge [sflag:s19], $0x2000  }
0x3ea: {  	s7 =	sld [smem:$0x79B]  }
0x3eb: {  	[sflag:s19] =	ssyncset.done $0x0  }
0x3ec: {  	[sflag:s19] =	ssyncadd.s32 $0xFFFFE000  }
0x3ed: {  	[hbm4b:s7+s2] =	stream.linear.scatter [tilespmem:s10], [sflag:$0xC], $0x2000, $0x38;
	[tilespmem:$0x12000] =	vst v63  }
0x3ee: {  	_ =	swait.ge [sflag:s20], $0x2000  }
0x3ef: {  	s7 =	sld [smem:$0x79C]  }
0x3f0: {  	[sflag:s20] =	ssyncset.done $0x0  }
0x3f1: {  	[sflag:s20] =	ssyncadd.s32 $0xFFFFE000  }
0x3f2: {  	[tilespmem:s2], [sflag:$0x1] =	stream.linear.gather [hbm4b:s7+s2], $0x2000, $0x38;
	[tilespmem:$0x12000] =	vst v63  }
0x3f3: {  	_ =	swait.ge [sflag:s21], $0x2000  }
0x3f4: {  	s7 =	sld [smem:$0x79D]  }
0x3f5: {  	[sflag:s21] =	ssyncset.done $0x0  }
0x3f6: {  	[sflag:s21] =	ssyncadd.s32 $0xFFFFE000  }
0x3f7: {  	[hbm4b:s7+s2] =	stream.linear.scatter [tilespmem:s11], [sflag:$0xD], $0x2000, $0x38;
	[tilespmem:$0x12000] =	vst v63  }
0x3f8: {  	_ =	swait.ge [sflag:s22], $0x2000  }
0x3f9: {  	s7 =	sld [smem:$0x79E]  }
0x3fa: {  	[sflag:s22] =	ssyncset.done $0x0  }
0x3fb: {  	[sflag:s22] =	ssyncadd.s32 $0xFFFFE000  }
0x3fc: {  	[tilespmem:s8], [sflag:$0x2] =	stream.linear.gather [hbm4b:s7+s2], $0x2000, $0x38;
	[tilespmem:$0x12000] =	vst v63  }
0x3fd: {  	_ =	swait.ge [sflag:s23], $0x2000  }
0x3fe: {  	s7 =	sld [smem:$0x79F]  }
0x3ff: {  	[sflag:s23] =	ssyncset.done $0x0  }
0x400: {  	[sflag:s23] =	ssyncadd.s32 $0xFFFFE000  }
0x401: {  	[hbm4b:s7+s2] =	stream.linear.scatter [tilespmem:s14], [sflag:$0xE], $0x2000, $0x38;
	[tilespmem:$0x12000] =	vst v63  }
0x402: {  	_ =	swait.ge [sflag:s24], $0x2000  }
0x403: {  	s7 =	sld [smem:$0x7A0]  }
0x404: {  	[sflag:s24] =	ssyncset.done $0x0  }
0x405: {  	[sflag:s24] =	ssyncadd.s32 $0xFFFFE000  }
0x406: {  	[tilespmem:s9], [sflag:$0x3] =	stream.linear.gather [hbm4b:s7+s2], $0x2000, $0x38;
	[tilespmem:$0x12000] =	vst v63  }
0x407: {  	_ =	swait.ge [sflag:s25], $0x2000  }
0x408: {  	s7 =	sld [smem:$0x7A1]  }
0x409: {  	[sflag:s25] =	ssyncset.done $0x0  }
0x40a: {  	[sflag:s25] =	ssyncadd.s32 $0xFFFFE000  }
0x40b: {  	[hbm4b:s7+s2] =	stream.linear.scatter [tilespmem:s16], [sflag:$0xF], $0x2000, $0x38;
	[tilespmem:$0x12000] =	vst v63  }
0x40c: {  	_ =	swait.ge [sflag:s26], $0x2000  }
0x40d: {  	s7 =	sld [smem:$0x7A2]  }
0x40e: {  	[sflag:s26] =	ssyncset.done $0x0  }
0x40f: {  	[sflag:s26] =	ssyncadd.s32 $0xFFFFE000  }
0x410: {  	[tilespmem:s10], [sflag:$0x4] =	stream.linear.gather [hbm4b:s7+s2], $0x2000, $0x38;
	[tilespmem:$0x12000] =	vst v63  }
0x411: {  	_ =	swait.ge [sflag:s28], $0x2000  }
0x412: {  	s7 =	sld [smem:$0x7A3]  }
0x413: {  	[sflag:s28] =	ssyncset.done $0x0  }
0x414: {  	[sflag:s28] =	ssyncadd.s32 $0xFFFFE000  }
0x415: {  	[hbm4b:s7+s2] =	stream.linear.scatter [tilespmem:s18], [sflag:$0x10], $0x2000, $0x38;
	[tilespmem:$0x12000] =	vst v63  }
0x416: {  	_ =	swait.ge [sflag:s29], $0x2000  }
0x417: {  	s7 =	sld [smem:$0x7A4]  }
0x418: {  	[sflag:s29] =	ssyncset.done $0x0  }
0x419: {  	[sflag:s29] =	ssyncadd.s32 $0xFFFFE000  }
0x41a: {  	[tilespmem:s11], [sflag:$0x5] =	stream.linear.gather [hbm4b:s7+s2], $0x2000, $0x38;
	[tilespmem:$0x12000] =	vst v63  }
0x41b: {  	_ =	swait.ge [sflag:s13], $0x2000  }
0x41c: {  	s7 =	sld [smem:$0x7A5]  }
0x41d: {  	[sflag:s13] =	ssyncset.done $0x0  }
0x41e: {  	[sflag:s13] =	ssyncadd.s32 $0xFFFFE000  }
0x41f: {  	[hbm4b:s7+s2] =	stream.linear.scatter [tilespmem:s2], [sflag:$0x9], $0x2000, $0x38;
	[tilespmem:$0x12000] =	vst v63  }
0x420: {  	_ =	swait.ge [sflag:s30], $0x2000  }
0x421: {  	s7 =	sld [smem:$0x7A6]  }
0x422: {  	[sflag:s30] =	ssyncset.done $0x0  }
0x423: {  	[sflag:s30] =	ssyncadd.s32 $0xFFFFE000  }
0x424: {  	[tilespmem:s14], [sflag:$0x6] =	stream.linear.gather [hbm4b:s7+s2], $0x2000, $0x38;
	[tilespmem:$0x12000] =	vst v63  }
0x425: {  	_ =	swait.ge [sflag:s15], $0x2000  }
0x426: {  	s7 =	sld [smem:$0x7A7]  }
0x427: {  	[sflag:s15] =	ssyncset.done $0x0  }
0x428: {  	[sflag:s15] =	ssyncadd.s32 $0xFFFFE000  }
0x429: {  	[hbm4b:s7+s2] =	stream.linear.scatter [tilespmem:s8], [sflag:$0xA], $0x2000, $0x38;
	[tilespmem:$0x12000] =	vst v63  }
0x42a: {  	_ =	swait.ge [sflag:s31], $0x2000  }
0x42b: {  	s7 =	sld [smem:$0x7A8]  }
0x42c: {  	[sflag:s31] =	ssyncset.done $0x0  }
0x42d: {  	[sflag:s31] =	ssyncadd.s32 $0xFFFFE000  }
0x42e: {  	[tilespmem:s16], [sflag:$0x7] =	stream.linear.gather [hbm4b:s7+s2], $0x2000, $0x38;
	[tilespmem:$0x12000] =	vst v63  }
0x42f: {  	_ =	swait.ge [sflag:s17], $0x2000  }
0x430: {  	s7 =	sld [smem:$0x7A9]  }
0x431: {  	[sflag:s17] =	ssyncset.done $0x0  }
0x432: {  	[sflag:s17] =	ssyncadd.s32 $0xFFFFE000  }
0x433: {  	[hbm4b:s7+s2] =	stream.linear.scatter [tilespmem:s9], [sflag:$0xB], $0x2000, $0x38;
	[tilespmem:$0x12000] =	vst v63  }
0x434: {  	_ =	swait.ge [sflag:s1], $0x2000  }
0x435: {  	s7 =	sld [smem:$0x7AA]  }
0x436: {  	[sflag:s1] =	ssyncset.done $0x0  }
0x437: {  	[sflag:s1] =	ssyncadd.s32 $0xFFFFE000  }
0x438: {  	[tilespmem:s18], [sflag:$0x8] =	stream.linear.gather [hbm4b:s7+s2], $0x2000, $0x38;
	[tilespmem:$0x12000] =	vst v63  }
0x439: {  	_ =	swait.ge [sflag:s19], $0x2000  }
0x43a: {  	s7 =	sld [smem:$0x7AB]  }
0x43b: {  	[sflag:s19] =	ssyncset.done $0x0  }
0x43c: {  	[sflag:s19] =	ssyncadd.s32 $0xFFFFE000  }
0x43d: {  	[hbm4b:s7+s2] =	stream.linear.scatter [tilespmem:s10], [sflag:$0xC], $0x2000, $0x38;
	[tilespmem:$0x12000] =	vst v63  }
0x43e: {  	_ =	swait.ge [sflag:s20], $0x2000  }
0x43f: {  	s7 =	sld [smem:$0x7AC]  }
0x440: {  	[sflag:s20] =	ssyncset.done $0x0  }
0x441: {  	[sflag:s20] =	ssyncadd.s32 $0xFFFFE000  }
0x442: {  	[tilespmem:s2], [sflag:$0x1] =	stream.linear.gather [hbm4b:s7+s2], $0x2000, $0x38;
	[tilespmem:$0x12000] =	vst v63  }
0x443: {  	_ =	swait.ge [sflag:s21], $0x2000  }
0x444: {  	s7 =	sld [smem:$0x7AD]  }
0x445: {  	[sflag:s21] =	ssyncset.done $0x0  }
0x446: {  	[sflag:s21] =	ssyncadd.s32 $0xFFFFE000  }
0x447: {  	[hbm4b:s7+s2] =	stream.linear.scatter [tilespmem:s11], [sflag:$0xD], $0x2000, $0x38;
	[tilespmem:$0x12000] =	vst v63  }
0x448: {  	_ =	swait.ge [sflag:s22], $0x2000  }
0x449: {  	s7 =	sld [smem:$0x7AE]  }
0x44a: {  	[sflag:s22] =	ssyncset.done $0x0  }
0x44b: {  	[sflag:s22] =	ssyncadd.s32 $0xFFFFE000  }
0x44c: {  	[tilespmem:s8], [sflag:$0x2] =	stream.linear.gather [hbm4b:s7+s2], $0x2000, $0x38;
	[tilespmem:$0x12000] =	vst v63  }
0x44d: {  	_ =	swait.ge [sflag:s23], $0x2000  }
0x44e: {  	s7 =	sld [smem:$0x7AF]  }
0x44f: {  	[sflag:s23] =	ssyncset.done $0x0  }
0x450: {  	[sflag:s23] =	ssyncadd.s32 $0xFFFFE000  }
0x451: {  	[hbm4b:s7+s2] =	stream.linear.scatter [tilespmem:s14], [sflag:$0xE], $0x2000, $0x38;
	[tilespmem:$0x12000] =	vst v63  }
0x452: {  	_ =	swait.ge [sflag:s24], $0x2000  }
0x453: {  	s7 =	sld [smem:$0x7B0]  }
0x454: {  	[sflag:s24] =	ssyncset.done $0x0  }
0x455: {  	[sflag:s24] =	ssyncadd.s32 $0xFFFFE000  }
0x456: {  	[tilespmem:s9], [sflag:$0x3] =	stream.linear.gather [hbm4b:s7+s2], $0x2000, $0x38;
	[tilespmem:$0x12000] =	vst v63  }
0x457: {  	_ =	swait.ge [sflag:s25], $0x2000  }
0x458: {  	s7 =	sld [smem:$0x7B1]  }
0x459: {  	[sflag:s25] =	ssyncset.done $0x0  }
0x45a: {  	[sflag:s25] =	ssyncadd.s32 $0xFFFFE000  }
0x45b: {  	[hbm4b:s7+s2] =	stream.linear.scatter [tilespmem:s16], [sflag:$0xF], $0x2000, $0x38;
	[tilespmem:$0x12000] =	vst v63  }
0x45c: {  	_ =	swait.ge [sflag:s26], $0x2000  }
0x45d: {  	s7 =	sld [smem:$0x7B2]  }
0x45e: {  	[sflag:s26] =	ssyncset.done $0x0  }
0x45f: {  	[sflag:s26] =	ssyncadd.s32 $0xFFFFE000  }
0x460: {  	[tilespmem:s10], [sflag:$0x4] =	stream.linear.gather [hbm4b:s7+s2], $0x2000, $0x38;
	[tilespmem:$0x12000] =	vst v63  }
0x461: {  	_ =	swait.ge [sflag:s28], $0x2000  }
0x462: {  	s7 =	sld [smem:$0x7B3]  }
0x463: {  	[sflag:s28] =	ssyncset.done $0x0  }
0x464: {  	[sflag:s28] =	ssyncadd.s32 $0xFFFFE000  }
0x465: {  	[hbm4b:s7+s2] =	stream.linear.scatter [tilespmem:s18], [sflag:$0x10], $0x2000, $0x38;
	[tilespmem:$0x12000] =	vst v63  }
0x466: {  	_ =	swait.ge [sflag:s29], $0x2000  }
0x467: {  	s7 =	sld [smem:$0x7B4]  }
0x468: {  	[sflag:s29] =	ssyncset.done $0x0  }
0x469: {  	[sflag:s29] =	ssyncadd.s32 $0xFFFFE000  }
0x46a: {  	[tilespmem:s11], [sflag:$0x5] =	stream.linear.gather [hbm4b:s7+s2], $0x2000, $0x38;
	[tilespmem:$0x12000] =	vst v63  }
0x46b: {  	_ =	swait.ge [sflag:s13], $0x2000  }
0x46c: {  	s7 =	sld [smem:$0x7B5]  }
0x46d: {  	[sflag:s13] =	ssyncset.done $0x0  }
0x46e: {  	[sflag:s13] =	ssyncadd.s32 $0xFFFFE000  }
0x46f: {  	[hbm4b:s7+s2] =	stream.linear.scatter [tilespmem:s2], [sflag:$0x9], $0x2000, $0x38;
	[tilespmem:$0x12000] =	vst v63  }
0x470: {  	_ =	swait.ge [sflag:s30], $0x2000  }
0x471: {  	s7 =	sld [smem:$0x7B6]  }
0x472: {  	[sflag:s30] =	ssyncset.done $0x0  }
0x473: {  	[sflag:s30] =	ssyncadd.s32 $0xFFFFE000  }
0x474: {  	[tilespmem:s14], [sflag:$0x6] =	stream.linear.gather [hbm4b:s7+s2], $0x2000, $0x38;
	[tilespmem:$0x12000] =	vst v63  }
0x475: {  	_ =	swait.ge [sflag:s15], $0x2000  }
0x476: {  	s7 =	sld [smem:$0x7B7]  }
0x477: {  	[sflag:s15] =	ssyncset.done $0x0  }
0x478: {  	[sflag:s15] =	ssyncadd.s32 $0xFFFFE000  }
0x479: {  	[hbm4b:s7+s2] =	stream.linear.scatter [tilespmem:s8], [sflag:$0xA], $0x2000, $0x38;
	[tilespmem:$0x12000] =	vst v63  }
0x47a: {  	_ =	swait.ge [sflag:s31], $0x2000  }
0x47b: {  	s7 =	sld [smem:$0x7B8]  }
0x47c: {  	[sflag:s31] =	ssyncset.done $0x0  }
0x47d: {  	[sflag:s31] =	ssyncadd.s32 $0xFFFFE000  }
0x47e: {  	[tilespmem:s16], [sflag:$0x7] =	stream.linear.gather [hbm4b:s7+s2], $0x2000, $0x38;
	[tilespmem:$0x12000] =	vst v63  }
0x47f: {  	_ =	swait.ge [sflag:s17], $0x2000  }
0x480: {  	s7 =	sld [smem:$0x7B9]  }
0x481: {  	[sflag:s17] =	ssyncset.done $0x0  }
0x482: {  	[sflag:s17] =	ssyncadd.s32 $0xFFFFE000  }
0x483: {  	[hbm4b:s7+s2] =	stream.linear.scatter [tilespmem:s9], [sflag:$0xB], $0x2000, $0x38;
	[tilespmem:$0x12000] =	vst v63  }
0x484: {  	_ =	swait.ge [sflag:s1], $0x2000  }
0x485: {  	s7 =	sld [smem:$0x7BA]  }
0x486: {  	[sflag:s1] =	ssyncset.done $0x0  }
0x487: {  	[sflag:s1] =	ssyncadd.s32 $0xFFFFE000  }
0x488: {  	[tilespmem:s18], [sflag:$0x8] =	stream.linear.gather [hbm4b:s7+s2], $0x2000, $0x38;
	[tilespmem:$0x12000] =	vst v63  }
0x489: {  	_ =	swait.ge [sflag:s19], $0x2000  }
0x48a: {  	s7 =	sld [smem:$0x7BB]  }
0x48b: {  	[sflag:s19] =	ssyncset.done $0x0  }
0x48c: {  	[sflag:s19] =	ssyncadd.s32 $0xFFFFE000  }
0x48d: {  	[hbm4b:s7+s2] =	stream.linear.scatter [tilespmem:s10], [sflag:$0xC], $0x2000, $0x38;
	[tilespmem:$0x12000] =	vst v63  }
0x48e: {  	_ =	swait.ge [sflag:s20], $0x2000  }
0x48f: {  	s7 =	sld [smem:$0x7BC]  }
0x490: {  	[sflag:s20] =	ssyncset.done $0x0  }
0x491: {  	[sflag:s20] =	ssyncadd.s32 $0xFFFFE000  }
0x492: {  	[tilespmem:s2], [sflag:$0x1] =	stream.linear.gather [hbm4b:s7+s2], $0x2000, $0x38;
	[tilespmem:$0x12000] =	vst v63  }
0x493: {  	_ =	swait.ge [sflag:s21], $0x2000  }
0x494: {  	s7 =	sld [smem:$0x7BD]  }
0x495: {  	[sflag:s21] =	ssyncset.done $0x0  }
0x496: {  	[sflag:s21] =	ssyncadd.s32 $0xFFFFE000  }
0x497: {  	[hbm4b:s7+s2] =	stream.linear.scatter [tilespmem:s11], [sflag:$0xD], $0x2000, $0x38;
	[tilespmem:$0x12000] =	vst v63  }
0x498: {  	_ =	swait.ge [sflag:s22], $0x2000  }
0x499: {  	s7 =	sld [smem:$0x7BE]  }
0x49a: {  	[sflag:s22] =	ssyncset.done $0x0  }
0x49b: {  	[sflag:s22] =	ssyncadd.s32 $0xFFFFE000  }
0x49c: {  	[tilespmem:s8], [sflag:$0x2] =	stream.linear.gather [hbm4b:s7+s2], $0x2000, $0x38;
	[tilespmem:$0x12000] =	vst v63  }
0x49d: {  	_ =	swait.ge [sflag:s23], $0x2000  }
0x49e: {  	s7 =	sld [smem:$0x7BF]  }
0x49f: {  	[sflag:s23] =	ssyncset.done $0x0  }
0x4a0: {  	[sflag:s23] =	ssyncadd.s32 $0xFFFFE000  }
0x4a1: {  	[hbm4b:s7+s2] =	stream.linear.scatter [tilespmem:s14], [sflag:$0xE], $0x2000, $0x38;
	[tilespmem:$0x12000] =	vst v63  }
0x4a2: {  	_ =	swait.ge [sflag:s24], $0x2000  }
0x4a3: {  	s7 =	sld [smem:$0x7C0]  }
0x4a4: {  	[sflag:s24] =	ssyncset.done $0x0  }
0x4a5: {  	[sflag:s24] =	ssyncadd.s32 $0xFFFFE000  }
0x4a6: {  	[tilespmem:s9], [sflag:$0x3] =	stream.linear.gather [hbm4b:s7+s2], $0x2000, $0x38;
	[tilespmem:$0x12000] =	vst v63  }
0x4a7: {  	_ =	swait.ge [sflag:s25], $0x2000  }
0x4a8: {  	s7 =	sld [smem:$0x7C1]  }
0x4a9: {  	[sflag:s25] =	ssyncset.done $0x0  }
0x4aa: {  	[sflag:s25] =	ssyncadd.s32 $0xFFFFE000  }
0x4ab: {  	[hbm4b:s7+s2] =	stream.linear.scatter [tilespmem:s16], [sflag:$0xF], $0x2000, $0x38;
	[tilespmem:$0x12000] =	vst v63  }
0x4ac: {  	_ =	swait.ge [sflag:s26], $0x2000  }
0x4ad: {  	s7 =	sld [smem:$0x7C2]  }
0x4ae: {  	[sflag:s26] =	ssyncset.done $0x0  }
0x4af: {  	[sflag:s26] =	ssyncadd.s32 $0xFFFFE000  }
0x4b0: {  	[tilespmem:s10], [sflag:$0x4] =	stream.linear.gather [hbm4b:s7+s2], $0x2000, $0x38;
	[tilespmem:$0x12000] =	vst v63  }
0x4b1: {  	_ =	swait.ge [sflag:s28], $0x2000  }
0x4b2: {  	s7 =	sld [smem:$0x7C3]  }
0x4b3: {  	[sflag:s28] =	ssyncset.done $0x0  }
0x4b4: {  	[sflag:s28] =	ssyncadd.s32 $0xFFFFE000  }
0x4b5: {  	[hbm4b:s7+s2] =	stream.linear.scatter [tilespmem:s18], [sflag:$0x10], $0x2000, $0x38;
	[tilespmem:$0x12000] =	vst v63  }
0x4b6: {  	_ =	swait.ge [sflag:s29], $0x2000  }
0x4b7: {  	s7 =	sld [smem:$0x7C4]  }
0x4b8: {  	[sflag:s29] =	ssyncset.done $0x0  }
0x4b9: {  	[sflag:s29] =	ssyncadd.s32 $0xFFFFE000  }
0x4ba: {  	[tilespmem:s11], [sflag:$0x5] =	stream.linear.gather [hbm4b:s7+s2], $0x2000, $0x38;
	[tilespmem:$0x12000] =	vst v63  }
0x4bb: {  	_ =	swait.ge [sflag:s13], $0x2000  }
0x4bc: {  	s7 =	sld [smem:$0x7C5]  }
0x4bd: {  	[sflag:s13] =	ssyncset.done $0x0  }
0x4be: {  	[sflag:s13] =	ssyncadd.s32 $0xFFFFE000  }
0x4bf: {  	[hbm4b:s7+s2] =	stream.linear.scatter [tilespmem:s2], [sflag:$0x9], $0x2000, $0x38;
	[tilespmem:$0x12000] =	vst v63  }
0x4c0: {  	_ =	swait.ge [sflag:s30], $0x2000  }
0x4c1: {  	s7 =	sld [smem:$0x7C6]  }
0x4c2: {  	[sflag:s30] =	ssyncset.done $0x0  }
0x4c3: {  	[sflag:s30] =	ssyncadd.s32 $0xFFFFE000  }
0x4c4: {  	[tilespmem:s14], [sflag:$0x6] =	stream.linear.gather [hbm4b:s7+s2], $0x2000, $0x38;
	[tilespmem:$0x12000] =	vst v63  }
0x4c5: {  	_ =	swait.ge [sflag:s15], $0x2000  }
0x4c6: {  	s7 =	sld [smem:$0x7C7]  }
0x4c7: {  	[sflag:s15] =	ssyncset.done $0x0  }
0x4c8: {  	[sflag:s15] =	ssyncadd.s32 $0xFFFFE000  }
0x4c9: {  	[hbm4b:s7+s2] =	stream.linear.scatter [tilespmem:s8], [sflag:$0xA], $0x2000, $0x38;
	[tilespmem:$0x12000] =	vst v63  }
0x4ca: {  	_ =	swait.ge [sflag:s31], $0x2000  }
0x4cb: {  	s7 =	sld [smem:$0x7C8]  }
0x4cc: {  	[sflag:s31] =	ssyncset.done $0x0  }
0x4cd: {  	[sflag:s31] =	ssyncadd.s32 $0xFFFFE000  }
0x4ce: {  	[tilespmem:s16], [sflag:$0x7] =	stream.linear.gather [hbm4b:s7+s2], $0x2000, $0x38;
	[tilespmem:$0x12000] =	vst v63  }
0x4cf: {  	_ =	swait.ge [sflag:s17], $0x2000  }
0x4d0: {  	s7 =	sld [smem:$0x7C9]  }
0x4d1: {  	[sflag:s17] =	ssyncset.done $0x0  }
0x4d2: {  	[sflag:s17] =	ssyncadd.s32 $0xFFFFE000  }
0x4d3: {  	[hbm4b:s7+s2] =	stream.linear.scatter [tilespmem:s9], [sflag:$0xB], $0x2000, $0x38;
	[tilespmem:$0x12000] =	vst v63  }
0x4d4: {  	_ =	swait.ge [sflag:s1], $0x2000  }
0x4d5: {  	s7 =	sld [smem:$0x7CA]  }
0x4d6: {  	[sflag:s1] =	ssyncset.done $0x0  }
0x4d7: {  	[sflag:s1] =	ssyncadd.s32 $0xFFFFE000  }
0x4d8: {  	[tilespmem:s18], [sflag:$0x8] =	stream.linear.gather [hbm4b:s7+s2], $0x2000, $0x38;
	[tilespmem:$0x12000] =	vst v63  }
0x4d9: {  	_ =	swait.ge [sflag:s19], $0x2000  }
0x4da: {  	s7 =	sld [smem:$0x7CB]  }
0x4db: {  	[sflag:s19] =	ssyncset.done $0x0  }
0x4dc: {  	[sflag:s19] =	ssyncadd.s32 $0xFFFFE000  }
0x4dd: {  	[hbm4b:s7+s2] =	stream.linear.scatter [tilespmem:s10], [sflag:$0xC], $0x2000, $0x38;
	[tilespmem:$0x12000] =	vst v63  }
0x4de: {  	_ =	swait.ge [sflag:s20], $0x2000  }
0x4df: {  	s7 =	sld [smem:$0x7CC]  }
0x4e0: {  	[sflag:s20] =	ssyncset.done $0x0  }
0x4e1: {  	[sflag:s20] =	ssyncadd.s32 $0xFFFFE000  }
0x4e2: {  	[tilespmem:s2], [sflag:$0x1] =	stream.linear.gather [hbm4b:s7+s2], $0x2000, $0x38;
	[tilespmem:$0x12000] =	vst v63  }
0x4e3: {  	_ =	swait.ge [sflag:s21], $0x2000  }
0x4e4: {  	s7 =	sld [smem:$0x7CD]  }
0x4e5: {  	[sflag:s21] =	ssyncset.done $0x0  }
0x4e6: {  	[sflag:s21] =	ssyncadd.s32 $0xFFFFE000  }
0x4e7: {  	[hbm4b:s7+s2] =	stream.linear.scatter [tilespmem:s11], [sflag:$0xD], $0x2000, $0x38;
	[tilespmem:$0x12000] =	vst v63  }
0x4e8: {  	_ =	swait.ge [sflag:s22], $0x2000  }
0x4e9: {  	s7 =	sld [smem:$0x7CE]  }
0x4ea: {  	[sflag:s22] =	ssyncset.done $0x0  }
0x4eb: {  	[sflag:s22] =	ssyncadd.s32 $0xFFFFE000  }
0x4ec: {  	[tilespmem:s8], [sflag:$0x2] =	stream.linear.gather [hbm4b:s7+s2], $0x2000, $0x38;
	[tilespmem:$0x12000] =	vst v63  }
0x4ed: {  	_ =	swait.ge [sflag:s23], $0x2000  }
0x4ee: {  	s7 =	sld [smem:$0x7CF]  }
0x4ef: {  	[sflag:s23] =	ssyncset.done $0x0  }
0x4f0: {  	[sflag:s23] =	ssyncadd.s32 $0xFFFFE000  }
0x4f1: {  	[hbm4b:s7+s2] =	stream.linear.scatter [tilespmem:s14], [sflag:$0xE], $0x2000, $0x38;
	[tilespmem:$0x12000] =	vst v63  }
0x4f2: {  	_ =	swait.ge [sflag:s24], $0x2000  }
0x4f3: {  	s7 =	sld [smem:$0x7D0]  }
0x4f4: {  	[sflag:s24] =	ssyncset.done $0x0  }
0x4f5: {  	[sflag:s24] =	ssyncadd.s32 $0xFFFFE000  }
0x4f6: {  	[tilespmem:s9], [sflag:$0x3] =	stream.linear.gather [hbm4b:s7+s2], $0x2000, $0x38;
	[tilespmem:$0x12000] =	vst v63  }
0x4f7: {  	_ =	swait.ge [sflag:s25], $0x2000  }
0x4f8: {  	s7 =	sld [smem:$0x7D1]  }
0x4f9: {  	[sflag:s25] =	ssyncset.done $0x0  }
0x4fa: {  	[sflag:s25] =	ssyncadd.s32 $0xFFFFE000  }
0x4fb: {  	[hbm4b:s7+s2] =	stream.linear.scatter [tilespmem:s16], [sflag:$0xF], $0x2000, $0x38;
	[tilespmem:$0x12000] =	vst v63  }
0x4fc: {  	_ =	swait.ge [sflag:s26], $0x2000  }
0x4fd: {  	s7 =	sld [smem:$0x7D2]  }
0x4fe: {  	[sflag:s26] =	ssyncset.done $0x0  }
0x4ff: {  	[sflag:s26] =	ssyncadd.s32 $0xFFFFE000  }
0x500: {  	[tilespmem:s10], [sflag:$0x4] =	stream.linear.gather [hbm4b:s7+s2], $0x2000, $0x38;
	[tilespmem:$0x12000] =	vst v63  }
0x501: {  	_ =	swait.ge [sflag:s28], $0x2000  }
0x502: {  	s7 =	sld [smem:$0x7D3]  }
0x503: {  	[sflag:s28] =	ssyncset.done $0x0  }
0x504: {  	[sflag:s28] =	ssyncadd.s32 $0xFFFFE000  }
0x505: {  	[hbm4b:s7+s2] =	stream.linear.scatter [tilespmem:s18], [sflag:$0x10], $0x2000, $0x38;
	[tilespmem:$0x12000] =	vst v63  }
0x506: {  	_ =	swait.ge [sflag:s29], $0x2000  }
0x507: {  	s7 =	sld [smem:$0x7D4]  }
0x508: {  	[sflag:s29] =	ssyncset.done $0x0  }
0x509: {  	[sflag:s29] =	ssyncadd.s32 $0xFFFFE000  }
0x50a: {  	[tilespmem:s11], [sflag:$0x5] =	stream.linear.gather [hbm4b:s7+s2], $0x2000, $0x38;
	[tilespmem:$0x12000] =	vst v63  }
0x50b: {  	_ =	swait.ge [sflag:s13], $0x2000  }
0x50c: {  	s7 =	sld [smem:$0x7D5]  }
0x50d: {  	[sflag:s13] =	ssyncset.done $0x0  }
0x50e: {  	[sflag:s13] =	ssyncadd.s32 $0xFFFFE000  }
0x50f: {  	[hbm4b:s7+s2] =	stream.linear.scatter [tilespmem:s2], [sflag:$0x9], $0x2000, $0x38;
	[tilespmem:$0x12000] =	vst v63  }
0x510: {  	_ =	swait.ge [sflag:s30], $0x2000  }
0x511: {  	s7 =	sld [smem:$0x7D6]  }
0x512: {  	[sflag:s30] =	ssyncset.done $0x0  }
0x513: {  	[sflag:s30] =	ssyncadd.s32 $0xFFFFE000  }
0x514: {  	[tilespmem:s14], [sflag:$0x6] =	stream.linear.gather [hbm4b:s7+s2], $0x2000, $0x38;
	[tilespmem:$0x12000] =	vst v63  }
0x515: {  	_ =	swait.ge [sflag:s15], $0x2000  }
0x516: {  	s7 =	sld [smem:$0x7D7]  }
0x517: {  	[sflag:s15] =	ssyncset.done $0x0  }
0x518: {  	[sflag:s15] =	ssyncadd.s32 $0xFFFFE000  }
0x519: {  	[hbm4b:s7+s2] =	stream.linear.scatter [tilespmem:s8], [sflag:$0xA], $0x2000, $0x38;
	[tilespmem:$0x12000] =	vst v63  }
0x51a: {  	_ =	swait.ge [sflag:s31], $0x2000  }
0x51b: {  	s7 =	sld [smem:$0x7D8]  }
0x51c: {  	[sflag:s31] =	ssyncset.done $0x0  }
0x51d: {  	[sflag:s31] =	ssyncadd.s32 $0xFFFFE000  }
0x51e: {  	[tilespmem:s16], [sflag:$0x7] =	stream.linear.gather [hbm4b:s7+s2], $0x2000, $0x38;
	[tilespmem:$0x12000] =	vst v63  }
0x51f: {  	_ =	swait.ge [sflag:s17], $0x2000  }
0x520: {  	s7 =	sld [smem:$0x7D9]  }
0x521: {  	[sflag:s17] =	ssyncset.done $0x0  }
0x522: {  	[sflag:s17] =	ssyncadd.s32 $0xFFFFE000  }
0x523: {  	[hbm4b:s7+s2] =	stream.linear.scatter [tilespmem:s9], [sflag:$0xB], $0x2000, $0x38;
	[tilespmem:$0x12000] =	vst v63  }
0x524: {  	_ =	swait.ge [sflag:s1], $0x2000  }
0x525: {  	s7 =	sld [smem:$0x7DA]  }
0x526: {  	[sflag:s1] =	ssyncset.done $0x0  }
0x527: {  	[sflag:s1] =	ssyncadd.s32 $0xFFFFE000  }
0x528: {  	[tilespmem:s18], [sflag:$0x8] =	stream.linear.gather [hbm4b:s7+s2], $0x2000, $0x38;
	[tilespmem:$0x12000] =	vst v63  }
0x529: {  	_ =	swait.ge [sflag:s19], $0x2000  }
0x52a: {  	s7 =	sld [smem:$0x7DB]  }
0x52b: {  	[sflag:s19] =	ssyncset.done $0x0  }
0x52c: {  	[sflag:s19] =	ssyncadd.s32 $0xFFFFE000  }
0x52d: {  	[hbm4b:s7+s2] =	stream.linear.scatter [tilespmem:s10], [sflag:$0xC], $0x2000, $0x38;
	[tilespmem:$0x12000] =	vst v63  }
0x52e: {  	_ =	swait.ge [sflag:s20], $0x2000  }
0x52f: {  	s7 =	sld [smem:$0x7DC]  }
0x530: {  	[sflag:s20] =	ssyncset.done $0x0  }
0x531: {  	[sflag:s20] =	ssyncadd.s32 $0xFFFFE000  }
0x532: {  	[tilespmem:s2], [sflag:$0x1] =	stream.linear.gather [hbm4b:s7+s2], $0x2000, $0x38;
	[tilespmem:$0x12000] =	vst v63  }
0x533: {  	_ =	swait.ge [sflag:s21], $0x2000  }
0x534: {  	s7 =	sld [smem:$0x7DD]  }
0x535: {  	[sflag:s21] =	ssyncset.done $0x0  }
0x536: {  	[sflag:s21] =	ssyncadd.s32 $0xFFFFE000  }
0x537: {  	[hbm4b:s7+s2] =	stream.linear.scatter [tilespmem:s11], [sflag:$0xD], $0x2000, $0x38;
	[tilespmem:$0x12000] =	vst v63  }
0x538: {  	_ =	swait.ge [sflag:s22], $0x2000  }
0x539: {  	s7 =	sld [smem:$0x7DE]  }
0x53a: {  	[sflag:s22] =	ssyncset.done $0x0  }
0x53b: {  	[sflag:s22] =	ssyncadd.s32 $0xFFFFE000  }
0x53c: {  	[tilespmem:s8], [sflag:$0x2] =	stream.linear.gather [hbm4b:s7+s2], $0x2000, $0x38;
	[tilespmem:$0x12000] =	vst v63  }
0x53d: {  	_ =	swait.ge [sflag:s23], $0x2000  }
0x53e: {  	s7 =	sld [smem:$0x7DF]  }
0x53f: {  	[sflag:s23] =	ssyncset.done $0x0  }
0x540: {  	[sflag:s23] =	ssyncadd.s32 $0xFFFFE000  }
0x541: {  	[hbm4b:s7+s2] =	stream.linear.scatter [tilespmem:s14], [sflag:$0xE], $0x2000, $0x38;
	[tilespmem:$0x12000] =	vst v63  }
0x542: {  	_ =	swait.ge [sflag:s24], $0x2000  }
0x543: {  	s7 =	sld [smem:$0x7E0]  }
0x544: {  	[sflag:s24] =	ssyncset.done $0x0  }
0x545: {  	[sflag:s24] =	ssyncadd.s32 $0xFFFFE000  }
0x546: {  	[tilespmem:s9], [sflag:$0x3] =	stream.linear.gather [hbm4b:s7+s2], $0x2000, $0x38;
	[tilespmem:$0x12000] =	vst v63  }
0x547: {  	_ =	swait.ge [sflag:s25], $0x2000  }
0x548: {  	s7 =	sld [smem:$0x7E1]  }
0x549: {  	[sflag:s25] =	ssyncset.done $0x0  }
0x54a: {  	[sflag:s25] =	ssyncadd.s32 $0xFFFFE000  }
0x54b: {  	[hbm4b:s7+s2] =	stream.linear.scatter [tilespmem:s16], [sflag:$0xF], $0x2000, $0x38;
	[tilespmem:$0x12000] =	vst v63  }
0x54c: {  	_ =	swait.ge [sflag:s26], $0x2000  }
0x54d: {  	s7 =	sld [smem:$0x7E2]  }
0x54e: {  	[sflag:s26] =	ssyncset.done $0x0  }
0x54f: {  	[sflag:s26] =	ssyncadd.s32 $0xFFFFE000  }
0x550: {  	[tilespmem:s10], [sflag:$0x4] =	stream.linear.gather [hbm4b:s7+s2], $0x2000, $0x38;
	[tilespmem:$0x12000] =	vst v63  }
0x551: {  	_ =	swait.ge [sflag:s28], $0x2000  }
0x552: {  	s7 =	sld [smem:$0x7E3]  }
0x553: {  	[sflag:s28] =	ssyncset.done $0x0  }
0x554: {  	[sflag:s28] =	ssyncadd.s32 $0xFFFFE000  }
0x555: {  	[hbm4b:s7+s2] =	stream.linear.scatter [tilespmem:s18], [sflag:$0x10], $0x2000, $0x38;
	[tilespmem:$0x12000] =	vst v63  }
0x556: {  	_ =	swait.ge [sflag:s29], $0x2000  }
0x557: {  	s7 =	sld [smem:$0x7E4]  }
0x558: {  	[sflag:s29] =	ssyncset.done $0x0  }
0x559: {  	[sflag:s29] =	ssyncadd.s32 $0xFFFFE000  }
0x55a: {  	[tilespmem:s11], [sflag:$0x5] =	stream.linear.gather [hbm4b:s7+s2], $0x2000, $0x38;
	[tilespmem:$0x12000] =	vst v63  }
0x55b: {  	_ =	swait.ge [sflag:s13], $0x2000  }
0x55c: {  	s7 =	sld [smem:$0x7E5]  }
0x55d: {  	[sflag:s13] =	ssyncset.done $0x0  }
0x55e: {  	[sflag:s13] =	ssyncadd.s32 $0xFFFFE000  }
0x55f: {  	[hbm4b:s7+s2] =	stream.linear.scatter [tilespmem:s2], [sflag:$0x9], $0x2000, $0x38;
	[tilespmem:$0x12000] =	vst v63  }
0x560: {  	_ =	swait.ge [sflag:s30], $0x2000  }
0x561: {  	s7 =	sld [smem:$0x7E6]  }
0x562: {  	[sflag:s30] =	ssyncset.done $0x0  }
0x563: {  	[sflag:s30] =	ssyncadd.s32 $0xFFFFE000  }
0x564: {  	[tilespmem:s14], [sflag:$0x6] =	stream.linear.gather [hbm4b:s7+s2], $0x2000, $0x38;
	[tilespmem:$0x12000] =	vst v63  }
0x565: {  	_ =	swait.ge [sflag:s15], $0x2000  }
0x566: {  	s7 =	sld [smem:$0x7E7]  }
0x567: {  	[sflag:s15] =	ssyncset.done $0x0  }
0x568: {  	[sflag:s15] =	ssyncadd.s32 $0xFFFFE000  }
0x569: {  	[hbm4b:s7+s2] =	stream.linear.scatter [tilespmem:s8], [sflag:$0xA], $0x2000, $0x38;
	[tilespmem:$0x12000] =	vst v63  }
0x56a: {  	_ =	swait.ge [sflag:s31], $0x2000  }
0x56b: {  	s7 =	sld [smem:$0x7E8]  }
0x56c: {  	[sflag:s31] =	ssyncset.done $0x0  }
0x56d: {  	[sflag:s31] =	ssyncadd.s32 $0xFFFFE000  }
0x56e: {  	[tilespmem:s16], [sflag:$0x7] =	stream.linear.gather [hbm4b:s7+s2], $0x2000, $0x38;
	[tilespmem:$0x12000] =	vst v63  }
0x56f: {  	_ =	swait.ge [sflag:s17], $0x2000  }
0x570: {  	s7 =	sld [smem:$0x7E9]  }
0x571: {  	[sflag:s17] =	ssyncset.done $0x0  }
0x572: {  	[sflag:s17] =	ssyncadd.s32 $0xFFFFE000  }
0x573: {  	[hbm4b:s7+s2] =	stream.linear.scatter [tilespmem:s9], [sflag:$0xB], $0x2000, $0x38;
	[tilespmem:$0x12000] =	vst v63  }
0x574: {  	_ =	swait.ge [sflag:s1], $0x2000  }
0x575: {  	s7 =	sld [smem:$0x7EA]  }
0x576: {  	[sflag:s1] =	ssyncset.done $0x0  }
0x577: {  	[sflag:s1] =	ssyncadd.s32 $0xFFFFE000  }
0x578: {  	[tilespmem:s18], [sflag:$0x8] =	stream.linear.gather [hbm4b:s7+s2], $0x2000, $0x38;
	[tilespmem:$0x12000] =	vst v63  }
0x579: {  	_ =	swait.ge [sflag:s19], $0x2000  }
0x57a: {  	s7 =	sld [smem:$0x7EB]  }
0x57b: {  	[sflag:s19] =	ssyncset.done $0x0  }
0x57c: {  	[sflag:s19] =	ssyncadd.s32 $0xFFFFE000  }
0x57d: {  	[hbm4b:s7+s2] =	stream.linear.scatter [tilespmem:s10], [sflag:$0xC], $0x2000, $0x38;
	[tilespmem:$0x12000] =	vst v63  }
0x57e: {  	_ =	swait.ge [sflag:s20], $0x2000  }
0x57f: {  	s7 =	sld [smem:$0x7EC]  }
0x580: {  	[sflag:s20] =	ssyncset.done $0x0  }
0x581: {  	[sflag:s20] =	ssyncadd.s32 $0xFFFFE000  }
0x582: {  	[tilespmem:s2], [sflag:$0x1] =	stream.linear.gather [hbm4b:s7+s2], $0x2000, $0x38;
	[tilespmem:$0x12000] =	vst v63  }
0x583: {  	_ =	swait.ge [sflag:s21], $0x2000  }
0x584: {  	s7 =	sld [smem:$0x7ED]  }
0x585: {  	[sflag:s21] =	ssyncset.done $0x0  }
0x586: {  	[sflag:s21] =	ssyncadd.s32 $0xFFFFE000  }
0x587: {  	[hbm4b:s7+s2] =	stream.linear.scatter [tilespmem:s11], [sflag:$0xD], $0x2000, $0x38;
	[tilespmem:$0x12000] =	vst v63  }
0x588: {  	_ =	swait.ge [sflag:s22], $0x2000  }
0x589: {  	s7 =	sld [smem:$0x7EE]  }
0x58a: {  	[sflag:s22] =	ssyncset.done $0x0  }
0x58b: {  	[sflag:s22] =	ssyncadd.s32 $0xFFFFE000  }
0x58c: {  	[tilespmem:s8], [sflag:$0x2] =	stream.linear.gather [hbm4b:s7+s2], $0x2000, $0x38;
	[tilespmem:$0x12000] =	vst v63  }
0x58d: {  	_ =	swait.ge [sflag:s23], $0x2000  }
0x58e: {  	s7 =	sld [smem:$0x7EF]  }
0x58f: {  	[sflag:s23] =	ssyncset.done $0x0  }
0x590: {  	[sflag:s23] =	ssyncadd.s32 $0xFFFFE000  }
0x591: {  	[hbm4b:s7+s2] =	stream.linear.scatter [tilespmem:s14], [sflag:$0xE], $0x2000, $0x38;
	[tilespmem:$0x12000] =	vst v63  }
0x592: {  	_ =	swait.ge [sflag:s24], $0x2000  }
0x593: {  	s7 =	sld [smem:$0x7F0]  }
0x594: {  	[sflag:s24] =	ssyncset.done $0x0  }
0x595: {  	[sflag:s24] =	ssyncadd.s32 $0xFFFFE000  }
0x596: {  	[tilespmem:s9], [sflag:$0x3] =	stream.linear.gather [hbm4b:s7+s2], $0x2000, $0x38;
	[tilespmem:$0x12000] =	vst v63  }
0x597: {  	_ =	swait.ge [sflag:s25], $0x2000  }
0x598: {  	s7 =	sld [smem:$0x7F1]  }
0x599: {  	[sflag:s25] =	ssyncset.done $0x0  }
0x59a: {  	[sflag:s25] =	ssyncadd.s32 $0xFFFFE000  }
0x59b: {  	[hbm4b:s7+s2] =	stream.linear.scatter [tilespmem:s16], [sflag:$0xF], $0x2000, $0x38;
	[tilespmem:$0x12000] =	vst v63  }
0x59c: {  	_ =	swait.ge [sflag:s26], $0x2000  }
0x59d: {  	s7 =	sld [smem:$0x7F2]  }
0x59e: {  	[sflag:s26] =	ssyncset.done $0x0  }
0x59f: {  	[sflag:s26] =	ssyncadd.s32 $0xFFFFE000  }
0x5a0: {  	[tilespmem:s10], [sflag:$0x4] =	stream.linear.gather [hbm4b:s7+s2], $0x2000, $0x38;
	[tilespmem:$0x12000] =	vst v63  }
0x5a1: {  	_ =	swait.ge [sflag:s28], $0x2000  }
0x5a2: {  	s7 =	sld [smem:$0x7F3]  }
0x5a3: {  	[sflag:s28] =	ssyncset.done $0x0  }
0x5a4: {  	[sflag:s28] =	ssyncadd.s32 $0xFFFFE000  }
0x5a5: {  	[hbm4b:s7+s2] =	stream.linear.scatter [tilespmem:s18], [sflag:$0x10], $0x2000, $0x38;
	[tilespmem:$0x12000] =	vst v63  }
0x5a6: {  	_ =	swait.ge [sflag:s29], $0x2000  }
0x5a7: {  	s7 =	sld [smem:$0x7F4]  }
0x5a8: {  	[sflag:s29] =	ssyncset.done $0x0  }
0x5a9: {  	[sflag:s29] =	ssyncadd.s32 $0xFFFFE000  }
0x5aa: {  	[tilespmem:s11], [sflag:$0x5] =	stream.linear.gather [hbm4b:s7+s2], $0x2000, $0x38;
	[tilespmem:$0x12000] =	vst v63  }
0x5ab: {  	_ =	swait.ge [sflag:s13], $0x2000  }
0x5ac: {  	s7 =	sld [smem:$0x7F5]  }
0x5ad: {  	[sflag:s13] =	ssyncset.done $0x0  }
0x5ae: {  	[sflag:s13] =	ssyncadd.s32 $0xFFFFE000  }
0x5af: {  	[hbm4b:s7+s2] =	stream.linear.scatter [tilespmem:s2], [sflag:$0x9], $0x2000, $0x38;
	[tilespmem:$0x12000] =	vst v63  }
0x5b0: {  	_ =	swait.ge [sflag:s30], $0x2000  }
0x5b1: {  	s7 =	sld [smem:$0x7F6]  }
0x5b2: {  	[sflag:s30] =	ssyncset.done $0x0  }
0x5b3: {  	[sflag:s30] =	ssyncadd.s32 $0xFFFFE000  }
0x5b4: {  	[tilespmem:s14], [sflag:$0x6] =	stream.linear.gather [hbm4b:s7+s2], $0x2000, $0x38;
	[tilespmem:$0x12000] =	vst v63  }
0x5b5: {  	_ =	swait.ge [sflag:s15], $0x2000  }
0x5b6: {  	s7 =	sld [smem:$0x7F7]  }
0x5b7: {  	[sflag:s15] =	ssyncset.done $0x0  }
0x5b8: {  	[sflag:s15] =	ssyncadd.s32 $0xFFFFE000  }
0x5b9: {  	[hbm4b:s7+s2] =	stream.linear.scatter [tilespmem:s8], [sflag:$0xA], $0x2000, $0x38;
	[tilespmem:$0x12000] =	vst v63  }
0x5ba: {  	_ =	swait.ge [sflag:s31], $0x2000  }
0x5bb: {  	s7 =	sld [smem:$0x7F8]  }
0x5bc: {  	[sflag:s31] =	ssyncset.done $0x0  }
0x5bd: {  	[sflag:s31] =	ssyncadd.s32 $0xFFFFE000  }
0x5be: {  	[tilespmem:s16], [sflag:$0x7] =	stream.linear.gather [hbm4b:s7+s2], $0x2000, $0x38;
	[tilespmem:$0x12000] =	vst v63  }
0x5bf: {  	_ =	swait.ge [sflag:s17], $0x2000  }
0x5c0: {  	s7 =	sld [smem:$0x7F9]  }
0x5c1: {  	[sflag:s17] =	ssyncset.done $0x0  }
0x5c2: {  	[sflag:s17] =	ssyncadd.s32 $0xFFFFE000  }
0x5c3: {  	[hbm4b:s7+s2] =	stream.linear.scatter [tilespmem:s9], [sflag:$0xB], $0x2000, $0x38;
	[tilespmem:$0x12000] =	vst v63  }
0x5c4: {  	_ =	swait.ge [sflag:s1], $0x2000  }
0x5c5: {  	s7 =	sld [smem:$0x7FA]  }
0x5c6: {  	[sflag:s1] =	ssyncset.done $0x0  }
0x5c7: {  	[sflag:s1] =	ssyncadd.s32 $0xFFFFE000  }
0x5c8: {  	[tilespmem:s18], [sflag:$0x8] =	stream.linear.gather [hbm4b:s7+s2], $0x2000, $0x38;
	[tilespmem:$0x12000] =	vst v63  }
0x5c9: {  	_ =	swait.ge [sflag:s19], $0x2000  }
0x5ca: {  	s7 =	sld [smem:$0x7FB]  }
0x5cb: {  	[sflag:s19] =	ssyncset.done $0x0  }
0x5cc: {  	[sflag:s19] =	ssyncadd.s32 $0xFFFFE000  }
0x5cd: {  	[hbm4b:s7+s2] =	stream.linear.scatter [tilespmem:s10], [sflag:$0xC], $0x2000, $0x38;
	[tilespmem:$0x12000] =	vst v63  }
0x5ce: {  	_ =	swait.ge [sflag:s21], $0x2000  }
0x5cf: {  	s7 =	sld [smem:$0x7FC]  }
0x5d0: {  	[sflag:s21] =	ssyncset.done $0x0  }
0x5d1: {  	[sflag:s21] =	ssyncadd.s32 $0xFFFFE000  }
0x5d2: {  	[hbm4b:s7+s2] =	stream.linear.scatter [tilespmem:s11], [sflag:$0xD], $0x2000, $0x38;
	[tilespmem:$0x12000] =	vst v63  }
0x5d3: {  	_ =	swait.ge [sflag:s23], $0x2000  }
0x5d4: {  	s7 =	sld [smem:$0x7FD]  }
0x5d5: {  	[sflag:s23] =	ssyncset.done $0x0  }
0x5d6: {  	[sflag:s23] =	ssyncadd.s32 $0xFFFFE000  }
0x5d7: {  	[hbm4b:s7+s2] =	stream.linear.scatter [tilespmem:s14], [sflag:$0xE], $0x2000, $0x38;
	[tilespmem:$0x12000] =	vst v63  }
0x5d8: {  	_ =	swait.ge [sflag:s25], $0x2000  }
0x5d9: {  	[sflag:s25] =	ssyncset.done $0x0  }
0x5da: {  	[sflag:s25] =	ssyncadd.s32 $0xFFFFE000  }
0x5db: {  	[hbm4b:s4+s2] =	stream.linear.scatter [tilespmem:s16], [sflag:$0xF], $0x2000, $0x38;
	[tilespmem:$0x12000] =	vst v63  }
0x5dc: {  	_ =	swait.ge [sflag:s28], $0x2000  }
0x5dd: {  	[sflag:s28] =	ssyncset.done $0x0  }
0x5de: {  	[sflag:s28] =	ssyncadd.s32 $0xFFFFE000  }
0x5df: {  	[hbm4b:s5+s2] =	stream.linear.scatter [tilespmem:s18], [sflag:$0x10], $0x2000, $0x38;
	[tilespmem:$0x12000] =	vst v63  }
0x5e0: {  	_ =	swait.ge [sflag:s20], $0x2000  }
0x5e1: {  	[sflag:s20] =	ssyncset.done $0x0  }
0x5e2: {  	[sflag:s20] =	ssyncadd.s32 $0xFFFFE000  }
0x5e3: {  	_ =	swait.ge [sflag:s22], $0x2000  }
0x5e4: {  	[sflag:s22] =	ssyncset.done $0x0  }
0x5e5: {  	[sflag:s22] =	ssyncadd.s32 $0xFFFFE000  }
0x5e6: {  	_ =	swait.ge [sflag:s24], $0x2000  }
0x5e7: {  	[sflag:s24] =	ssyncset.done $0x0  }
0x5e8: {  	[sflag:s24] =	ssyncadd.s32 $0xFFFFE000  }
0x5e9: {  	_ =	swait.ge [sflag:s26], $0x2000  }
0x5ea: {  	[sflag:s26] =	ssyncset.done $0x0  }
0x5eb: {  	[sflag:s26] =	ssyncadd.s32 $0xFFFFE000  }
0x5ec: {  	_ =	swait.ge [sflag:s29], $0x2000  }
0x5ed: {  	[sflag:s29] =	ssyncset.done $0x0  }
0x5ee: {  	[sflag:s29] =	ssyncadd.s32 $0xFFFFE000  }
0x5ef: {  	_ =	swait.ge [sflag:s30], $0x2000  }
0x5f0: {  	[sflag:s30] =	ssyncset.done $0x0  }
0x5f1: {  	[sflag:s30] =	ssyncadd.s32 $0xFFFFE000  }
0x5f2: {  	p0 =	sne.s32 s6, $0x1;
	_ =	swait.ge [sflag:s31], $0x2000  }
.Ltmp0:
0x5f3: {  	[sflag:s31] =	ssyncset.done $0x0;
	(pc) =	sbr.rel @p0 .LBB2_1-.Ltmp0, $4  }
0x5f4: {  	[sflag:s31] =	ssyncadd.s32 $0xFFFFE000  }
0x5f5: {  	_ =	swait.ge [sflag:s1], $0x2000  }
0x5f6: {  	[sflag:s1] =	ssyncset.done $0x0  }
0x5f7: {  	s6 =	sadd.s32 $0xFFFFFFFF, s6;
	[sflag:s1] =	ssyncadd.s32 $0xFFFFE000  }
0x5f8: {  	_ =	sfence.sel $0x180000  }
0x5f9: {  	[bflag:$0x0] =	sbarrier.arrive $0xFFFF  }
0x5fa: {  	_ =	strace $0x9000004D  }
0x5fb: {  	s0 =	stileid.u32;
	[bflag:$0x2] =	sbarrier.arrive $0xFFFF  }
0x5fc: {  	p0 =	sne.s32 s0, $0x0;
	s0 =	rddreg [dreg:$0x2]  }
0x5fd: {  	s0 =	sadd.s32 @!p0 $0x100000, s0  }
0x5fe: {  	[sflag:s0] =	ssyncadd.tile.s32 @!p0 $0x1;
	_ =	shalt  }
.Lfunc_end2:
_tile_overlayer_lowered:
.L_overlay_start_2:
0x5ff: {  	(tag) =	ssettag $0x2  }
0x600: {  	s0 =	rddreg [dreg:$0x0];
	s2 =	stileid.u32  }
0x601: {  	s1 =	rddreg [dreg:$0x1];
	p0 =	sne.s32 s2, $0x0  }
0x602: {  	s3 =	rddreg [dreg:$0x2];
	[bflag:$0x3] =	sbarrier.arrive $0xFFFF;
	s2 =	simm.s32 @!p0 $0x1C12  }
0x603: {  	[timem:s3], [sflag:s2] =	dma.local @!p0 [hbm:s0], s1  }
0x604: {  	s0 =	simm.s32 @!p0 $0x12  }
0x605: {  	_ =	swait.ge @!p0 [sflag:s0], s1  }
0x606: {  	s1 =	ssub.s32 @!p0 $0x0, s1;
	[sflag:s0] =	ssyncset.done @!p0 $0x0  }
0x607: {  	[sflag:s0] =	ssyncadd.s32 @!p0 s1  }
0x608: {  	[bflag:$0x3] =	sbarrier.arrive $0xFFFF  }
0x609: {  	_ =	shalt  }

// kernel: sparse-core-data-format-call.1.cloned.1.call-start
scs
called_computation.1_lowered:
.L_overlay_start_0:
0x0: {  	s2 =	sld [smem:$0x3FD9]  }
0x1: {  	s3 =	sld [smem:$0x3FFE];
	_ =	sdelay $0x1  }
0x2: {  	s1 =	srdreg.scid  }
0x3: {  	s0 =	sand.u32 $0x1, s1  }
0x4: {  	s19 =	sshll.u32 s0, $0xA;
	s2 =	sadd.s32 s3, s2  }
0x5: {  	s2 =	sadd.s32 s2, s19  }
0x6: {  	[smem:$0x3FC6] =	sst s2  }
0x7: {  	_ = 	snop  }
0x8: {  	s20 =	sld [smem:$0x3FC9]  }
0x9: {  	s4 =	sld [smem:$0x3FD0];
	(tm) =	ssettm $0x1  }
0xa: {  	s21 =	sld [smem:$0x3FFB];
	_ =	sdelay $0x3  }
0xb: {  	_ =	strace s21  }
0xc: {  	s2 =	sld [smem:$0x3FFC];
	_ =	sdelay $0x3  }
0xd: {  	_ =	strace s2  }
0xe: {  	s2 =	sld [smem:$0x3FFD];
	_ =	sdelay $0x3  }
0xf: {  	_ =	strace s2  }
0x10: {  	_ =	strace $0x8FFFFFFF  }
0x11: {  	s22 =	sld [smem:$0x3FDB];
	_ =	sdelay $0x1  }
0x12: {  	s5 =	simm.s32 $_scs_section_size  }
0x13: {  	s6 =	simm.s32 $_size__tile_overlayer_lowered;
	s7 =	simm.s32 $_tile_overlayer_lowered  }
0x14: {  	s8 =	simm.s32 $0x1BFF;
	s23 =	sshll.u32 s7, $0x1;
	s5 =	sadd.s32 s5, s22  }
0x15: {  	s24 =	simm.s32 $0x0;
	s6 =	sshll.u32 s6, $0x1;
	s7 =	sadd.s32 s23, s5  }
0x16: {  	[timem:s24], [sflag:s8] =	dma.local [hbm:s7], s6  }
0x17: {  	_ =	swait.ge [sflag:s8], s6  }
0x18: {  	s6 =	ssub.s32 $0x0, s6;
	[sflag:s8] =	ssyncset.done $0x0  }
0x19: {  	[sflag:s8] =	ssyncadd.s32 s6;
	_ =	sdelay $0x1  }
0x1a: {  	s25 =	simm.s32 $0x1B8B  }
0x1b: {  	_ =	swait.ge [sflag:s25], $0x1  }
0x1c: {  	[sflag:s25] =	ssyncset.done $0x0  }
0x1d: {  	[sflag:s25] =	ssyncadd.s32 $0xFFFFFFFF  }
0x1e: {  	s6 =	sld [smem:$0x0]  }
0x1f: {  	s7 =	sand.u32 $0xFFFFFFFE, s1  }
0x20: {  	p0 =	sne.s32 s1, s7  }
0x21: {  	s7 =	sshll.u32 @p0 s7, $0xE  }
0x22: {  	s7 =	sadd.s32 @p0 $0x11B8D, s7;
	s8 =	sshll.u32 @p0 s6, $0x11  }
0x23: {  	s7 =	sor.u32 @p0 s8, s7  }
0x24: {  	[sflag:s7] =	ssyncadd.remote.s32 @p0 $0x1;
	_ =	sdelay $0x1  }
0x25: {  	s7 =	simm.s32 @p0 $0x1B8D  }
0x26: {  	_ =	swait.eq @p0 [sflag:s7], $0x1  }
0x27: {  	[sflag:s7] =	ssyncadd.s32 @p0 $0xFFFFFFFF  }
0x28: {  	s8 =	sshll.u32 @!p0 s1, $0xE  }
0x29: {  	s8 =	sor.u32 @!p0 $0x4000, s8;
	s7 =	simm.s32 @!p0 $0x1B8D  }
0x2a: {  	s6 =	sshll.u32 @!p0 s6, $0x11;
	s8 =	sadd.s32 @!p0 $0x11B8D, s8;
	_ =	swait.eq @!p0 [sflag:s7], $0x1  }
0x2b: {  	s6 =	sor.u32 @!p0 s6, s8;
	[sflag:s7] =	ssyncadd.s32 @!p0 $0xFFFFFFFF  }
0x2c: {  	s26 =	simm.s32 $0x1B8E;
	[sflag:s6] =	ssyncadd.remote.s32 @!p0 $0x1  }
0x2d: {  	s27 =	simm.s32 $execute0_lowered;
	[smem:$0x3FD2] =	sst s26  }
0x2e: {  	s6 =	sshll.u32 s27, $0x1;
	_ =	strace $0x80000049;
	[dreg:$0x1] =	wrdreg $0xFFFFFFFF  }
0x2f: {  	s28 =	simm.s32 $_size_execute0_lowered;
	s5 =	sadd.s32 s5, s6;
	[dreg:$0x0] =	wrdreg $0x0  }
0x30: {  	s6 =	sshll.u32 s28, $0x1;
	[dreg:$0x2] =	wrdreg s5  }
0x31: {  	[dreg:$0x3] =	wrdreg s6  }
0x32: {  	[dreg:$0x4] =	wrdreg $0xC0  }
0x33: {  	_ =	task [dreg:s24], $0x5FFFF  }
0x34: {  	[dreg:$0x1] =	wrdreg $0xFFFFFFFF  }
0x35: {  	[dreg:$0x0] =	wrdreg $0x60  }
0x36: {  	[dreg:$0x2] =	wrdreg s20  }
0x37: {  	[dreg:$0x3] =	wrdreg s4  }
0x38: {  	[dreg:$0x4] =	wrdreg $0xA  }
0x39: {  	_ =	task.clear_ibuf [dreg:s24], $0x5FFFF;
	_ =	strace $0x90000049  }
0x3a: {  	s29 =	simm.s32 $0xA;
	_ =	strace $0x8000004B  }
0x3b: {  	_ =	swait.ge [sflag:s29], $0x1  }
0x3c: {  	[sflag:s29] =	ssyncadd.s32 $0xFFFFFFFF  }
0x3d: {  	_ =	strace $0x9000004B  }
0x3e: {  	_ =	sfence  }
0x3f: {  	s30 =	sld [smem:$0x0];
	_ =	sdelay $0x2  }
0x40: {  	s31 =	sshll.u32 s1, $0xD;
	s1 =	sshrl.u32 s1, $0x2  }
0x41: {  	s4 =	sand.u32 $0x4000, s31;
	s1 =	sadd.s32 s1, s30  }
0x42: {  	s0 =	sor.u32 s4, s0;
	s1 =	sshll.u32 s1, $0x11  }
0x43: {  	s0 =	sor.u32 s1, s0  }
0x44: {  	s0 =	sadd.s32 $0x8F2B, s0  }
0x45: {  	[sflag:s0] =	ssyncadd.remote.s32 $0x1  }
0x46: {  	_ =	sfence.sel $0xFFFF  }
0x47: {  	[dreg:$0x0] =	wrdreg $0xFFFFFFFF;
	(pc) =	sbr.abs _section_cstart, $3  }
0x48: {  	[dreg:$0x1] =	wrdreg $0xFFFFFFFF  }
0x49: {  	_ =	task.clear_ibuf [dreg:s24], $0x2FFFF;
	_ =	strace $0x9FFFFFFF  }
0x4a: {  	(tm) =	ssettm $0x7FFFFFFF  }
0x4b: {  	_ =	shalt  }
tec
execute0_lowered:
.L_overlay_start_1:
0x0: {  	(tag) =	ssettag $0x1  }
0x1: {  	s0 =	srdreg.scid  }
0x2: {  	s1 =	sshll.u32 s0, $0x4  }
0x3: {  	s2 =	rddreg [dreg:$0x0];
	s0 =	stileid.u32;
	s1 =	sand.u32 $0x10, s1  }
0x4: {  	s4 =	rddreg [dreg:$0x1];
	s1 =	sor.u32 s0, s1  }
0x5: {  	s7 =	simm.s32 $0x1;
	s8 =	simm.s32 $0x2;
	s3 =	sshll.u32 s1, $0x1  }
0x6: {  	s9 =	simm.s32 $0x0;
	s12 =	simm.s32 $0x0;
	s6 =	ssub.s32 $0x1000, s3  }
.Ltmp0:
0x7: {  	s11 =	simm.s32 $0x0;
	s5 =	sand.u32 $0x3E, s6;
	(pc) =	sbr.rel .LBB1_1-.Ltmp0, $4  }
0x8: {  	s1 =	rddreg [dreg:$0x2];
	_ =	strace $0x8000004A;
	p0 =	sne.s32 s5, $0x0  }
0x9: {  	s6 =	sshrl.u32 s6, $0x6;
	s5 =	simm.s32 $0x1;
	s7 =	simm.s32 @!p0 $0x0  }
0xa: {  	s10 =	smov.u32 s3;
	[sflag:s5] =	ssyncpa.u1 $0x0;
	s6 =	sadd.s32 s7, s6  }
0xb: {  	[sflag:s8] =	ssyncpa.u1 $0x0;
	s8 =	simm.s32 $0x0;
	s7 =	sadd.s32 $0x1, s6  }
.LBB1_9:
0xc: {  	s14 =	sadd.s32 $0x40, s10  }
0xd: {  	p1 =	sgt.s32 s14, $0xFFF  }
0xe: {  	s14 =	smov.u32 @p1 s3;
	p1 =	sne.s32 s11, s7  }
.Ltmp1:
0xf: {  	p0 =	slt.u32 s11, $0x2;
	(pc) =	sbr.rel @!p1 .LBB1_10-.Ltmp1, $4  }
0x10: {  	s13 =	simm.s32 @!p0 $0x2  }
0x11: {  	s15 =	sadd.s32 $0x1, s11;
	_ =	swait.ge @!p0 [sflag:s13], $0x4000  }
0x12: {  	s12 =	smov.u32 s10;
	s9 =	sadd.s32 $0x4000, s9;
	[sflag:s13] =	ssyncset.done @!p0 $0x0  }
0x13: {  	s11 =	smov.u32 s15;
	s10 =	smov.u32 s14;
	[sflag:s13] =	ssyncadd.s32 @!p0 $0xFFFFC000  }
.LBB1_1:
0x14: {  	p0 =	sge.u32 s11, s6  }
0x15: {  	s13 =	sxor.u32 @!p0 $0xFFFFFFFF, s11  }
0x16: {  	s31 =	sadd.s32 $0xFFFFFFFF, s11;
	s14 =	sshll.u32 @!p0 s10, $0xA;
	s13 =	sshll.u32 @!p0 s13, $0xE  }
0x17: {  	s15 =	simm.s32 @!p0 $0x0;
	s14 =	sadd.s32 @!p0 s2, s14;
	s13 =	sand.u32 @!p0 $0x4000, s13  }
0x18: {  	[tilespmem:s13], [sflag:$0x1] =	stream.linear.gather @!p0 [hbm4b:s14+s15], $0x4000, $0x38;
	[tilespmem:$0x10000] =	vst v63  }
0x19: {  	p0 =	sge.u32 s31, s6  }
.Ltmp2:
0x1a: {  	_ = 	snop;
	(pc) =	sbr.rel @p0 .LBB1_9-.Ltmp2, $1  }
0x1b: {  	_ =	sdelay $0x3  }
0x1c: {  	s13 =	sshll.u32 s9, $0x2  }
0x1d: {  	_ =	swait.ge [sflag:s5], $0x4000;
	s14 =	sshll.u32 s11, $0xE;
	s16 =	simm.s32 $0x0  }
0x1e: {  	p1 =	por $0x1, $0x1;
	s13 =	sand.u32 $0x10000, s13;
	[sflag:s5] =	ssyncset.done $0x0  }
0x1f: {  	s14 =	sand.u32 $0x4000, s14;
	s15 =	sshrl.u32 s13, $0x2;
	[sflag:s5] =	ssyncadd.s32 $0xFFFFC000  }
0x20: {  	s13 =	sor.u32 $0x8000, s14;
	s14 =	sadd.s32 $0x8040, s15;
	s15 =	sadd.s32 $0x40, s15  }
.LBB1_3:
0x21: {  	s16 =	sshll.u32 s16, $0x2  }
0x22: {  	p0 =	por p1, p1;
	s17 =	sshra.s32 s16, $0x2  }
0x23: {  	s18 =	simm.s32 $0x0;
	s16 =	sadd.s32 s17, s14;
	s17 =	sadd.s32 s17, s15  }
.LBB1_4:
0x24: {  	v0 =	vmov s17;
	_ =	sdelay $0x3  }
0x25: {  	s20 =	simm.s32 $0x0  }
0x26: {  	v6 =	vld.idx.msk [tilespmem:v0+s20+$0x30 ss:$0x1], $0xffff  }
0x27: {  	v7 =	vld.idx.msk [tilespmem:v0+s20+$0xFFFFFFC0 ss:$0x1], $0xffff  }
0x28: {  	v5 =	vld.idx.msk [tilespmem:v0+s20+$0xFFFFFFD0 ss:$0x1], $0xffff  }
0x29: {  	v4 =	vld.idx.msk [tilespmem:v0+s20+$0xFFFFFFE0 ss:$0x1], $0xffff  }
0x2a: {  	v3 =	vld.idx.msk [tilespmem:v0+s20+$0xFFFFFFF0 ss:$0x1], $0xffff  }
0x2b: {  	v1 =	vld.idx.msk [tilespmem:v0+s20+$0x0 ss:$0x1], $0xffff  }
0x2c: {  	v2 =	vld.idx.msk [tilespmem:v0+s20+$0x10 ss:$0x1], $0xffff;
	[tilespmem:s16+$0x30] =	vst v6  }
0x2d: {  	s19 =	simm.s32 $0x80;
	s21 =	simm.s32 $0x400;
	[tilespmem:s16+$0xFFFFFFC0] =	vst v7;
	v6 =	vld.idx.msk [tilespmem:v0+s20+$0x20 ss:$0x1], $0xffff;
	s20 =	smov.u32 s16  }
.LBB1_5:
0x2e: {  	p1 =	sne.s32 s21, $0xE00;
	v7 =	vld.idx.msk [tilespmem:v0+s19+$0x30 ss:$0x1], $0xffff;
	[tilespmem:s20+$0xFFFFFFD0] =	vst v5  }
0x2f: {  	v8 =	vld.idx.msk [tilespmem:v0+s19+$0xFFFFFFC0 ss:$0x1], $0xffff;
	[tilespmem:s20+$0xFFFFFFE0] =	vst v4  }
0x30: {  	v5 =	vld.idx.msk [tilespmem:v0+s19+$0xFFFFFFD0 ss:$0x1], $0xffff;
	[tilespmem:s20+$0xFFFFFFF0] =	vst v3  }
.Ltmp3:
0x31: {  	v4 =	vld.idx.msk [tilespmem:v0+s19+$0xFFFFFFE0 ss:$0x1], $0xffff;
	[tilespmem:s20+$0x0] =	vst v1;
	(pc) =	sbr.rel @p1 .LBB1_5-.Ltmp3, $4  }
0x32: {  	v3 =	vld.idx.msk [tilespmem:v0+s19+$0xFFFFFFF0 ss:$0x1], $0xffff;
	[tilespmem:s20+$0x10] =	vst v2  }
0x33: {  	v1 =	vld.idx.msk [tilespmem:v0+s19+$0x0 ss:$0x1], $0xffff;
	[tilespmem:s20+$0x20] =	vst v6;
	s20 =	sadd.s32 $0x400, s20  }
0x34: {  	v2 =	vld.idx.msk [tilespmem:v0+s19+$0x10 ss:$0x1], $0xffff;
	[tilespmem:s20+$0x30] =	vst v7  }
0x35: {  	[tilespmem:s20+$0xFFFFFFC0] =	vst v8;
	v6 =	vld.idx.msk [tilespmem:v0+s19+$0x20 ss:$0x1], $0xffff;
	s19 =	sshra.s32 s21, $0x2;
	s21 =	sadd.s32 $0x200, s21  }
0x36: {  	_ =	sdelay $0x2  }
0x37: {  	[tilespmem:s20+$0xFFFFFFD0] =	vst v5  }
0x38: {  	v56 =	vld.idx.msk [tilespmem:v0+s19+$0x30 ss:$0x1], $0xffff;
	[tilespmem:s20+$0xFFFFFFE0] =	vst v4  }
0x39: {  	v57 =	vld.idx.msk [tilespmem:v0+s19+$0xFFFFFFC0 ss:$0x1], $0xffff;
	[tilespmem:s20+$0xFFFFFFF0] =	vst v3  }
0x3a: {  	v58 =	vld.idx.msk [tilespmem:v0+s19+$0xFFFFFFD0 ss:$0x1], $0xffff;
	[tilespmem:s20+$0x0] =	vst v1  }
0x3b: {  	v59 =	vld.idx.msk [tilespmem:v0+s19+$0xFFFFFFE0 ss:$0x1], $0xffff;
	[tilespmem:s20+$0x10] =	vst v2  }
0x3c: {  	v60 =	vld.idx.msk [tilespmem:v0+s19+$0xFFFFFFF0 ss:$0x1], $0xffff;
	s31 =	sadd.s32 $0x400, s20;
	[tilespmem:s20+$0x20] =	vst v6  }
0x3d: {  	v61 =	vld.idx.msk [tilespmem:v0+s19+$0x0 ss:$0x1], $0xffff;
	[tilespmem:s31+$0x30] =	vst v56  }
0x3e: {  	v62 =	vld.idx.msk [tilespmem:v0+s19+$0x10 ss:$0x1], $0xffff;
	s18 =	sadd.s32 $0x1, s18;
	[tilespmem:s31+$0xFFFFFFC0] =	vst v57  }
0x3f: {  	v63 =	vld.idx.msk [tilespmem:v0+s19+$0x20 ss:$0x1], $0xffff;
	p1 =	sne.s32 s18, $0x8;
	[tilespmem:s31+$0xFFFFFFD0] =	vst v58  }
.Ltmp4:
0x40: {  	[tilespmem:s31+$0xFFFFFFE0] =	vst v59;
	(pc) =	sbr.rel @p1 .LBB1_4-.Ltmp4, $4  }
0x41: {  	[tilespmem:s31+$0xFFFFFFF0] =	vst v60  }
0x42: {  	[tilespmem:s31+$0x0] =	vst v61  }
0x43: {  	[tilespmem:s31+$0x10] =	vst v62  }
0x44: {  	s16 =	sadd.s32 $0x80, s16;
	s17 =	sadd.s32 $0x400, s17;
	[tilespmem:s31+$0x20] =	vst v63  }
.Ltmp5:
0x45: {  	(pc) =	sbr.rel @p0 .LBB1_3-.Ltmp5, $2  }
0x46: {  	_ =	sdelay $0x2  }
0x47: {  	s16 =	simm.s32 $0x2000;
	p1 =	por $0x0, $0x0  }
.Ltmp6:
0x48: {  	(pc) =	sbr.rel .LBB1_9-.Ltmp6, $4  }
0x49: {  	_ = 	snop  }
0x4a: {  	s12 =	sshll.u32 s12, $0xA  }
0x4b: {  	s12 =	sadd.s32 s4, s12  }
0x4c: {  	[hbm4b:s12+s8] =	stream.linear.scatter [tilespmem:s13], [sflag:$0x2], $0x4000, $0x38;
	[tilespmem:$0x10000] =	vst v63  }
.LBB1_10:
0x4d: {  	_ =	sfence.sel $0x180000  }
0x4e: {  	s2 =	simm.s32 $0x1;
	[bflag:$0x0] =	sbarrier.arrive $0xFFFF  }
0x4f: {  	s31 =	simm.s32 $0x2;
	[sflag:s2] =	ssyncpa.u1 $0x1  }
0x50: {  	[sflag:s31] =	ssyncpa.u1 $0x1  }
0x51: {  	p0 =	sne.s32 s0, $0x0;
	_ =	strace $0x9000004A  }
0x52: {  	s0 =	sadd.s32 @!p0 $0x100000, s1;
	[bflag:$0x2] =	sbarrier.arrive $0xFFFF  }
0x53: {  	[sflag:s0] =	ssyncadd.tile.s32 @!p0 $0x1;
	_ =	shalt  }
.Lfunc_end1:
_tile_overlayer_lowered:
.L_overlay_start_2:
0x54: {  	(tag) =	ssettag $0x2  }
0x55: {  	s0 =	rddreg [dreg:$0x0];
	s2 =	stileid.u32  }
0x56: {  	s1 =	rddreg [dreg:$0x1];
	p0 =	sne.s32 s2, $0x0  }
0x57: {  	s3 =	rddreg [dreg:$0x2];
	[bflag:$0x3] =	sbarrier.arrive $0xFFFF;
	s2 =	simm.s32 @!p0 $0x1C01  }
0x58: {  	[timem:s3], [sflag:s2] =	dma.local @!p0 [hbm:s0], s1  }
0x59: {  	s0 =	simm.s32 @!p0 $0x1  }
0x5a: {  	_ =	swait.ge @!p0 [sflag:s0], s1  }
0x5b: {  	s1 =	ssub.s32 @!p0 $0x0, s1;
	[sflag:s0] =	ssyncset.done @!p0 $0x0  }
0x5c: {  	[sflag:s0] =	ssyncadd.s32 @!p0 s1  }
0x5d: {  	[bflag:$0x3] =	sbarrier.arrive $0xFFFF  }
0x5e: {  	_ =	shalt  }

// kernel: sparse-core-data-format-call.cloned.1.call-start
scs
called_computation_lowered:
.L_overlay_start_0:
0x0: {  	s2 =	sld [smem:$0x3FD9]  }
0x1: {  	s3 =	sld [smem:$0x3FFE];
	_ =	sdelay $0x1  }
0x2: {  	s1 =	srdreg.scid  }
0x3: {  	s0 =	sand.u32 $0x1, s1  }
0x4: {  	s18 =	sshll.u32 s0, $0xA;
	s2 =	sadd.s32 s3, s2  }
0x5: {  	s2 =	sadd.s32 s2, s18  }
0x6: {  	[smem:$0x3FC6] =	sst s2  }
0x7: {  	_ = 	snop  }
0x8: {  	s2 =	sld [smem:$0x3FC8];
	(tm) =	ssettm $0x1  }
0x9: {  	s19 =	sld [smem:$0x3FFB];
	_ =	sdelay $0x3  }
0xa: {  	_ =	strace s19  }
0xb: {  	s3 =	sld [smem:$0x3FFC];
	_ =	sdelay $0x3  }
0xc: {  	_ =	strace s3  }
0xd: {  	s3 =	sld [smem:$0x3FFD];
	_ =	sdelay $0x3  }
0xe: {  	_ =	strace s3  }
0xf: {  	_ =	strace $0x8FFFFFFF  }
0x10: {  	s20 =	sld [smem:$0x3FDB];
	_ =	sdelay $0x1  }
0x11: {  	s4 =	simm.s32 $_scs_section_size  }
0x12: {  	s5 =	simm.s32 $_size__tile_overlayer_lowered;
	s6 =	simm.s32 $_tile_overlayer_lowered  }
0x13: {  	s23 =	simm.s32 $0x1BFF;
	s22 =	sshll.u32 s6, $0x1;
	s3 =	sadd.s32 s4, s20  }
0x14: {  	s7 =	simm.s32 $0x0;
	s21 =	sshll.u32 s5, $0x1;
	s5 =	sadd.s32 s22, s3  }
0x15: {  	[timem:s7], [sflag:s23] =	dma.local [hbm:s5], s21  }
0x16: {  	_ =	swait.ge [sflag:s23], s21  }
0x17: {  	s4 =	ssub.s32 $0x0, s21;
	[sflag:s23] =	ssyncset.done $0x0  }
0x18: {  	[sflag:s23] =	ssyncadd.s32 s4;
	_ =	sdelay $0x1  }
0x19: {  	s24 =	simm.s32 $0x1B8B  }
0x1a: {  	_ =	swait.ge [sflag:s24], $0x1  }
0x1b: {  	[sflag:s24] =	ssyncset.done $0x0  }
0x1c: {  	s26 =	simm.s32 $0x1B8E;
	s25 =	sld [smem:$0x3FFE];
	[sflag:s24] =	ssyncadd.s32 $0xFFFFFFFF  }
0x1d: {  	s27 =	simm.s32 $execute0_lowered;
	[smem:$0x3FD2] =	sst s26  }
0x1e: {  	s5 =	sshll.u32 s27, $0x1;
	_ =	strace $0x80000046;
	[dreg:$0x1] =	wrdreg $0xFFFFFFFF  }
0x1f: {  	s28 =	simm.s32 $_size_execute0_lowered;
	s3 =	sadd.s32 s3, s5;
	[dreg:$0x0] =	wrdreg $0x0  }
0x20: {  	s5 =	sshll.u32 s28, $0x1;
	[dreg:$0x2] =	wrdreg s3  }
0x21: {  	[dreg:$0x3] =	wrdreg s5  }
0x22: {  	[dreg:$0x4] =	wrdreg $0xC0  }
0x23: {  	_ =	task [dreg:s7], $0x5FFFF  }
0x24: {  	[dreg:$0x1] =	wrdreg $0xFFFFFFFF  }
0x25: {  	[dreg:$0x0] =	wrdreg $0x60  }
0x26: {  	[dreg:$0x2] =	wrdreg s2  }
0x27: {  	[dreg:$0x3] =	wrdreg s25  }
0x28: {  	[dreg:$0x4] =	wrdreg $0x9  }
0x29: {  	_ =	task.clear_ibuf [dreg:s7], $0x5FFFF;
	_ =	strace $0x90000046  }
0x2a: {  	s29 =	simm.s32 $0x9;
	_ =	strace $0x80000048  }
0x2b: {  	_ =	swait.ge [sflag:s29], $0x1  }
0x2c: {  	[sflag:s29] =	ssyncadd.s32 $0xFFFFFFFF  }
0x2d: {  	_ =	strace $0x90000048  }
0x2e: {  	_ =	sfence  }
0x2f: {  	s30 =	sld [smem:$0x0];
	_ =	sdelay $0x2  }
0x30: {  	s31 =	sshll.u32 s1, $0xD;
	s1 =	sshrl.u32 s1, $0x2  }
0x31: {  	s3 =	sand.u32 $0x4000, s31;
	s1 =	sadd.s32 s1, s30  }
0x32: {  	s0 =	sor.u32 s3, s0;
	s1 =	sshll.u32 s1, $0x11  }
0x33: {  	s0 =	sor.u32 s1, s0  }
0x34: {  	s0 =	sadd.s32 $0x8F2B, s0  }
0x35: {  	[sflag:s0] =	ssyncadd.remote.s32 $0x1  }
0x36: {  	_ =	sfence.sel $0xFFFF  }
0x37: {  	[dreg:$0x0] =	wrdreg $0xFFFFFFFF;
	(pc) =	sbr.abs _section_cstart, $3  }
0x38: {  	[dreg:$0x1] =	wrdreg $0xFFFFFFFF  }
0x39: {  	_ =	task.clear_ibuf [dreg:s7], $0x2FFFF;
	_ =	strace $0x9FFFFFFF  }
0x3a: {  	(tm) =	ssettm $0x7FFFFFFF  }
0x3b: {  	_ =	shalt  }
tec
execute0_lowered:
.L_overlay_start_1:
0x0: {  	(tag) =	ssettag $0x1  }
0x1: {  	s0 =	srdreg.scid  }
0x2: {  	s1 =	sshll.u32 s0, $0x4  }
0x3: {  	s2 =	rddreg [dreg:$0x0];
	s0 =	stileid.u32;
	s1 =	sand.u32 $0x10, s1  }
0x4: {  	s4 =	rddreg [dreg:$0x1];
	s7 =	simm.s32 $0x1;
	s1 =	sor.u32 s0, s1  }
0x5: {  	s8 =	simm.s32 $0x2;
	s9 =	simm.s32 $0x0;
	s3 =	sshll.u32 s1, $0x1  }
0x6: {  	s12 =	simm.s32 $0x0;
	s11 =	simm.s32 $0x0;
	s6 =	ssub.s32 $0x400, s3  }
.Ltmp0:
0x7: {  	s4 =	sadd.s32 $0xC00, s4;
	s5 =	sand.u32 $0x3E, s6;
	(pc) =	sbr.rel .LBB1_1-.Ltmp0, $4  }
0x8: {  	s1 =	rddreg [dreg:$0x2];
	_ =	strace $0x80000047;
	p0 =	sne.s32 s5, $0x0  }
0x9: {  	s6 =	sshrl.u32 s6, $0x6;
	s5 =	simm.s32 $0x1;
	s7 =	simm.s32 @!p0 $0x0  }
0xa: {  	s10 =	smov.u32 s3;
	[sflag:s5] =	ssyncpa.u1 $0x0;
	s6 =	sadd.s32 s7, s6  }
0xb: {  	[sflag:s8] =	ssyncpa.u1 $0x0;
	s8 =	simm.s32 $0x0;
	s7 =	sadd.s32 $0x1, s6  }
.LBB1_9:
0xc: {  	s14 =	sadd.s32 $0x40, s10  }
0xd: {  	p1 =	sgt.s32 s14, $0x3FF  }
0xe: {  	s14 =	smov.u32 @p1 s3;
	p1 =	sne.s32 s11, s7  }
.Ltmp1:
0xf: {  	p0 =	slt.u32 s11, $0x2;
	(pc) =	sbr.rel @!p1 .LBB1_10-.Ltmp1, $4  }
0x10: {  	s13 =	simm.s32 @!p0 $0x2  }
0x11: {  	s15 =	sadd.s32 $0x1, s11;
	_ =	swait.ge @!p0 [sflag:s13], $0x4000  }
0x12: {  	s12 =	smov.u32 s10;
	s9 =	sadd.s32 $0x4000, s9;
	[sflag:s13] =	ssyncset.done @!p0 $0x0  }
0x13: {  	s11 =	smov.u32 s15;
	s10 =	smov.u32 s14;
	[sflag:s13] =	ssyncadd.s32 @!p0 $0xFFFFC000  }
.LBB1_1:
0x14: {  	p0 =	sge.u32 s11, s6  }
0x15: {  	s13 =	sxor.u32 @!p0 $0xFFFFFFFF, s11  }
0x16: {  	s31 =	sadd.s32 $0xFFFFFFFF, s11;
	s14 =	sshll.u32 @!p0 s10, $0xA;
	s13 =	sshll.u32 @!p0 s13, $0xE  }
0x17: {  	s15 =	simm.s32 @!p0 $0x0;
	s14 =	sadd.s32 @!p0 s2, s14;
	s13 =	sand.u32 @!p0 $0x4000, s13  }
0x18: {  	[tilespmem:s13], [sflag:$0x1] =	stream.linear.gather @!p0 [hbm4b:s14+s15], $0x4000, $0x38;
	[tilespmem:$0x10000] =	vst v63  }
0x19: {  	p0 =	sge.u32 s31, s6  }
.Ltmp2:
0x1a: {  	_ = 	snop;
	(pc) =	sbr.rel @p0 .LBB1_9-.Ltmp2, $1  }
0x1b: {  	_ =	sdelay $0x3  }
0x1c: {  	s13 =	sshll.u32 s9, $0x2  }
0x1d: {  	_ =	swait.ge [sflag:s5], $0x4000;
	s14 =	sshll.u32 s11, $0xE;
	s16 =	simm.s32 $0x0  }
0x1e: {  	p1 =	por $0x1, $0x1;
	s13 =	sand.u32 $0x10000, s13;
	[sflag:s5] =	ssyncset.done $0x0  }
0x1f: {  	s14 =	sand.u32 $0x4000, s14;
	s15 =	sshrl.u32 s13, $0x2;
	[sflag:s5] =	ssyncadd.s32 $0xFFFFC000  }
0x20: {  	s13 =	sor.u32 $0x8000, s14;
	s14 =	sadd.s32 $0x8040, s15;
	s15 =	sadd.s32 $0x40, s15  }
.LBB1_3:
0x21: {  	s16 =	sshll.u32 s16, $0x2  }
0x22: {  	p0 =	por p1, p1;
	s17 =	sshra.s32 s16, $0x2  }
0x23: {  	s18 =	simm.s32 $0x0;
	s16 =	sadd.s32 s17, s14;
	s17 =	sadd.s32 s17, s15  }
.LBB1_4:
0x24: {  	v0 =	vmov s17;
	_ =	sdelay $0x3  }
0x25: {  	s20 =	simm.s32 $0x0  }
0x26: {  	v6 =	vld.idx.msk [tilespmem:v0+s20+$0x30 ss:$0x1], $0xffff  }
0x27: {  	v7 =	vld.idx.msk [tilespmem:v0+s20+$0xFFFFFFC0 ss:$0x1], $0xffff  }
0x28: {  	v5 =	vld.idx.msk [tilespmem:v0+s20+$0xFFFFFFD0 ss:$0x1], $0xffff  }
0x29: {  	v4 =	vld.idx.msk [tilespmem:v0+s20+$0xFFFFFFE0 ss:$0x1], $0xffff  }
0x2a: {  	v3 =	vld.idx.msk [tilespmem:v0+s20+$0xFFFFFFF0 ss:$0x1], $0xffff  }
0x2b: {  	v1 =	vld.idx.msk [tilespmem:v0+s20+$0x0 ss:$0x1], $0xffff  }
0x2c: {  	v2 =	vld.idx.msk [tilespmem:v0+s20+$0x10 ss:$0x1], $0xffff;
	[tilespmem:s16+$0x30] =	vst v6  }
0x2d: {  	s19 =	simm.s32 $0x80;
	s21 =	simm.s32 $0x400;
	[tilespmem:s16+$0xFFFFFFC0] =	vst v7;
	v6 =	vld.idx.msk [tilespmem:v0+s20+$0x20 ss:$0x1], $0xffff;
	s20 =	smov.u32 s16  }
.LBB1_5:
0x2e: {  	p1 =	sne.s32 s21, $0xE00;
	v7 =	vld.idx.msk [tilespmem:v0+s19+$0x30 ss:$0x1], $0xffff;
	[tilespmem:s20+$0xFFFFFFD0] =	vst v5  }
0x2f: {  	v8 =	vld.idx.msk [tilespmem:v0+s19+$0xFFFFFFC0 ss:$0x1], $0xffff;
	[tilespmem:s20+$0xFFFFFFE0] =	vst v4  }
0x30: {  	v5 =	vld.idx.msk [tilespmem:v0+s19+$0xFFFFFFD0 ss:$0x1], $0xffff;
	[tilespmem:s20+$0xFFFFFFF0] =	vst v3  }
.Ltmp3:
0x31: {  	v4 =	vld.idx.msk [tilespmem:v0+s19+$0xFFFFFFE0 ss:$0x1], $0xffff;
	[tilespmem:s20+$0x0] =	vst v1;
	(pc) =	sbr.rel @p1 .LBB1_5-.Ltmp3, $4  }
0x32: {  	v3 =	vld.idx.msk [tilespmem:v0+s19+$0xFFFFFFF0 ss:$0x1], $0xffff;
	[tilespmem:s20+$0x10] =	vst v2  }
0x33: {  	v1 =	vld.idx.msk [tilespmem:v0+s19+$0x0 ss:$0x1], $0xffff;
	[tilespmem:s20+$0x20] =	vst v6;
	s20 =	sadd.s32 $0x400, s20  }
0x34: {  	v2 =	vld.idx.msk [tilespmem:v0+s19+$0x10 ss:$0x1], $0xffff;
	[tilespmem:s20+$0x30] =	vst v7  }
0x35: {  	[tilespmem:s20+$0xFFFFFFC0] =	vst v8;
	v6 =	vld.idx.msk [tilespmem:v0+s19+$0x20 ss:$0x1], $0xffff;
	s19 =	sshra.s32 s21, $0x2;
	s21 =	sadd.s32 $0x200, s21  }
0x36: {  	_ =	sdelay $0x2  }
0x37: {  	[tilespmem:s20+$0xFFFFFFD0] =	vst v5  }
0x38: {  	v56 =	vld.idx.msk [tilespmem:v0+s19+$0x30 ss:$0x1], $0xffff;
	[tilespmem:s20+$0xFFFFFFE0] =	vst v4  }
0x39: {  	v57 =	vld.idx.msk [tilespmem:v0+s19+$0xFFFFFFC0 ss:$0x1], $0xffff;
	[tilespmem:s20+$0xFFFFFFF0] =	vst v3  }
0x3a: {  	v58 =	vld.idx.msk [tilespmem:v0+s19+$0xFFFFFFD0 ss:$0x1], $0xffff;
	[tilespmem:s20+$0x0] =	vst v1  }
0x3b: {  	v59 =	vld.idx.msk [tilespmem:v0+s19+$0xFFFFFFE0 ss:$0x1], $0xffff;
	[tilespmem:s20+$0x10] =	vst v2  }
0x3c: {  	v60 =	vld.idx.msk [tilespmem:v0+s19+$0xFFFFFFF0 ss:$0x1], $0xffff;
	s31 =	sadd.s32 $0x400, s20;
	[tilespmem:s20+$0x20] =	vst v6  }
0x3d: {  	v61 =	vld.idx.msk [tilespmem:v0+s19+$0x0 ss:$0x1], $0xffff;
	[tilespmem:s31+$0x30] =	vst v56  }
0x3e: {  	v62 =	vld.idx.msk [tilespmem:v0+s19+$0x10 ss:$0x1], $0xffff;
	s18 =	sadd.s32 $0x1, s18;
	[tilespmem:s31+$0xFFFFFFC0] =	vst v57  }
0x3f: {  	v63 =	vld.idx.msk [tilespmem:v0+s19+$0x20 ss:$0x1], $0xffff;
	p1 =	sne.s32 s18, $0x8;
	[tilespmem:s31+$0xFFFFFFD0] =	vst v58  }
.Ltmp4:
0x40: {  	[tilespmem:s31+$0xFFFFFFE0] =	vst v59;
	(pc) =	sbr.rel @p1 .LBB1_4-.Ltmp4, $4  }
0x41: {  	[tilespmem:s31+$0xFFFFFFF0] =	vst v60  }
0x42: {  	[tilespmem:s31+$0x0] =	vst v61  }
0x43: {  	[tilespmem:s31+$0x10] =	vst v62  }
0x44: {  	s16 =	sadd.s32 $0x80, s16;
	s17 =	sadd.s32 $0x400, s17;
	[tilespmem:s31+$0x20] =	vst v63  }
.Ltmp5:
0x45: {  	(pc) =	sbr.rel @p0 .LBB1_3-.Ltmp5, $2  }
0x46: {  	_ =	sdelay $0x2  }
0x47: {  	s16 =	simm.s32 $0x2000;
	p1 =	por $0x0, $0x0  }
.Ltmp6:
0x48: {  	(pc) =	sbr.rel .LBB1_9-.Ltmp6, $4  }
0x49: {  	_ = 	snop  }
0x4a: {  	s12 =	sshll.u32 s12, $0xA  }
0x4b: {  	s12 =	sadd.s32 s4, s12  }
0x4c: {  	[hbm4b:s12+s8] =	stream.linear.scatter [tilespmem:s13], [sflag:$0x2], $0x4000, $0x38;
	[tilespmem:$0x10000] =	vst v63  }
.LBB1_10:
0x4d: {  	_ =	sfence.sel $0x180000  }
0x4e: {  	s2 =	simm.s32 $0x1;
	[bflag:$0x0] =	sbarrier.arrive $0xFFFF  }
0x4f: {  	s31 =	simm.s32 $0x2;
	[sflag:s2] =	ssyncpa.u1 $0x1  }
0x50: {  	[sflag:s31] =	ssyncpa.u1 $0x1  }
0x51: {  	p0 =	sne.s32 s0, $0x0;
	_ =	strace $0x90000047  }
0x52: {  	s0 =	sadd.s32 @!p0 $0x100000, s1;
	[bflag:$0x2] =	sbarrier.arrive $0xFFFF  }
0x53: {  	[sflag:s0] =	ssyncadd.tile.s32 @!p0 $0x1;
	_ =	shalt  }
.Lfunc_end1:
_tile_overlayer_lowered:
.L_overlay_start_2:
0x54: {  	(tag) =	ssettag $0x2  }
0x55: {  	s0 =	rddreg [dreg:$0x0];
	s2 =	stileid.u32  }
0x56: {  	s1 =	rddreg [dreg:$0x1];
	p0 =	sne.s32 s2, $0x0  }
0x57: {  	s3 =	rddreg [dreg:$0x2];
	[bflag:$0x3] =	sbarrier.arrive $0xFFFF;
	s2 =	simm.s32 @!p0 $0x1C01  }
0x58: {  	[timem:s3], [sflag:s2] =	dma.local @!p0 [hbm:s0], s1  }
0x59: {  	s0 =	simm.s32 @!p0 $0x1  }
0x5a: {  	_ =	swait.ge @!p0 [sflag:s0], s1  }
0x5b: {  	s1 =	ssub.s32 @!p0 $0x0, s1;
	[sflag:s0] =	ssyncset.done @!p0 $0x0  }
0x5c: {  	[sflag:s0] =	ssyncadd.s32 @!p0 s1  }
0x5d: {  	[bflag:$0x3] =	sbarrier.arrive $0xFFFF  }
0x5e: {  	_ =	shalt  }

</sc_bundles>
